<compile_context>
chip_gen: v7x
topology: tpu7x:2x2x1
jax: 0.10.2.dev20260603
libtpu: 0.0.44.dev20260713+nightly
codegen_flags: <defaults>
</compile_context>

<pallas_src>
import dataclasses
import functools

import jax
import jax.numpy as jnp
from jax import lax
from jax.experimental import pallas as pl
from jax.experimental.pallas import tpu as pltpu
from jax.experimental.pallas import tpu_sc as plsc

N = 10000
E = 320000
H = 128
L = 2

NC = 2
NS = 16
NW = NC * NS
C = 120
NB = 3
RB = 6
EPW = -(-E // NW)
NCH = NB * (-(-EPW // (NB * C)))
EPWP = NCH * C
NP = 10112
ROWS_PER_SUB = NP // NS

_BLK = 1000


def _matmul_body(h_ref, w_ref, o_ref):
    o_ref[...] = jnp.dot(h_ref[...], w_ref[...],
                         preferred_element_type=jnp.float32)


def _tc_matmul(h, w):
    return pl.pallas_call(
        _matmul_body,
        grid=(N // _BLK,),
        in_specs=[
            pl.BlockSpec((_BLK, H), lambda i: (i, 0)),
            pl.BlockSpec((H, H), lambda i: (0, 0)),
        ],
        out_specs=pl.BlockSpec((_BLK, H), lambda i: (i, 0)),
        out_shape=jax.ShapeDtypeStruct((N, H), jnp.float32),
    )(h, w)


def _gru_body(a0_ref, a1_ref, h_ref, wih_ref, whh_ref, bih_ref, bhh_ref,
              o_ref):
    a = a0_ref[0] + a1_ref[0]
    h = h_ref[...]
    gi = jnp.dot(a, wih_ref[...], preferred_element_type=jnp.float32) + bih_ref[...]
    gh = jnp.dot(h, whh_ref[...], preferred_element_type=jnp.float32) + bhh_ref[...]
    r = jax.nn.sigmoid(gi[:, :H] + gh[:, :H])
    z = jax.nn.sigmoid(gi[:, H:2 * H] + gh[:, H:2 * H])
    n = jnp.tanh(gi[:, 2 * H:] + r * gh[:, 2 * H:])
    o_ref[...] = (1.0 - z) * n + z * h


def _tc_gru(agg2, h, w_ih_t, w_hh_t, b_ih, b_hh):
    return pl.pallas_call(
        _gru_body,
        grid=(N // _BLK,),
        in_specs=[
            pl.BlockSpec((1, _BLK, H), lambda i: (0, i, 0)),
            pl.BlockSpec((1, _BLK, H), lambda i: (1, i, 0)),
            pl.BlockSpec((_BLK, H), lambda i: (i, 0)),
            pl.BlockSpec((H, 3 * H), lambda i: (0, 0)),
            pl.BlockSpec((H, 3 * H), lambda i: (0, 0)),
            pl.BlockSpec((1, 3 * H), lambda i: (0, 0)),
            pl.BlockSpec((1, 3 * H), lambda i: (0, 0)),
        ],
        out_specs=pl.BlockSpec((_BLK, H), lambda i: (i, 0)),
        out_shape=jax.ShapeDtypeStruct((N, H), jnp.float32),
    )(agg2, agg2, h, w_ih_t, w_hh_t, b_ih, b_hh)


@functools.cache
def _sc_agg_kernel():
    mesh = plsc.VectorSubcoreMesh(core_axis_name="c", subcore_axis_name="s")
    cp = pltpu.CompilerParams()
    if "needs_layout_passes" in pltpu.CompilerParams.__dataclass_fields__:
        cp = dataclasses.replace(cp, needs_layout_passes=False)
    return pl.kernel(
        _sc_agg_body,
        compiler_params=cp,
        out_type=jax.ShapeDtypeStruct((NC, NP, H), jnp.float32),
        mesh=mesh,
        scratch_types=[
            pltpu.VMEM((RB, 3, C), jnp.int32),
            pltpu.VMEM((C, H), jnp.float32),
            pltpu.VMEM((C, H), jnp.float32),
            pltpu.VMEM((C, H), jnp.float32),
            pltpu.SemaphoreType.DMA,
            pltpu.SemaphoreType.DMA,
            pltpu.SemaphoreType.DMA,
            pltpu.SemaphoreType.DMA,
            pltpu.SemaphoreType.DMA,
            pltpu.SemaphoreType.DMA,
            pltpu.SemaphoreType.DMA,
            pltpu.SemaphoreType.DMA,
            pltpu.SemaphoreType.DMA,
            pltpu.VMEM_SHARED((NP, H), jnp.float32),
        ],
    )


def _scale_rows(rows_v, attr_ref):
    @plsc.parallel_loop(0, C, unroll=8)
    def _(e):
        splat_i = plsc.load_gather(attr_ref, [jnp.full((16,), e, jnp.int32)])
        splat = plsc.bitcast(splat_i, jnp.float32)
        for k in range(H // 16):
            sl = pl.ds(k * 16, 16)
            rows_v[e, sl] = rows_v[e, sl] * splat


def _sc_agg_body(m_hbm, meta_hbm, zero_hbm, out_hbm,
                 meta_v, rows0, rows1, rows2,
                 semg0, semg1, semg2, sems0, sems1, sems2,
                 semm0, semm1, semm2, agg_sh):
    c = lax.axis_index("c")
    s = lax.axis_index("s")
    w = c * NS + s
    rows = (rows0, rows1, rows2)
    semg = (semg0, semg1, semg2)
    sems = (sems0, sems1, sems2)
    semm = (semm0, semm1, semm2)

    pltpu.sync_copy(meta_hbm.at[w, 0], meta_v.at[0])
    pltpu.sync_copy(meta_hbm.at[w, 1], meta_v.at[1])
    pltpu.async_copy(meta_hbm.at[w, 2], meta_v.at[2], semm[2])
    pltpu.async_copy(meta_hbm.at[w, 3], meta_v.at[3], semm[0])
    pltpu.sync_copy(zero_hbm, agg_sh.at[pl.ds(s * ROWS_PER_SUB, ROWS_PER_SUB)])
    plsc.subcore_barrier()
    pltpu.async_copy(m_hbm.at[meta_v.at[0, 0]], rows[0], semg[0])
    pltpu.async_copy(m_hbm.at[meta_v.at[1, 0]], rows[1], semg[1])

    @pl.loop(0, NCH, step=NB)
    def _(j):
        def _chunk(jj, u):
            slot = lax.rem(jj, RB)
            pltpu.make_async_copy(m_hbm.at[meta_v.at[slot, 0]], rows[u],
                                  semg[u]).wait()
            _scale_rows(rows[u], meta_v.at[slot, 2])
            pltpu.async_copy(rows[u], agg_sh.at[meta_v.at[slot, 1]],
                             sems[u], add=True)

            @pl.when(jj + 2 < NCH)
            def _():
                nslot = lax.rem(jj + 2, RB)
                nu = (u + 2) % NB
                pltpu.make_async_copy(meta_hbm.at[w, jj + 2],
                                      meta_v.at[nslot],
                                      semm[(u + 2) % 3]).wait()

                @pl.when(jj >= 1)
                def _():
                    pltpu.make_async_copy(
                        rows[nu], agg_sh.at[meta_v.at[lax.rem(jj + 5, RB), 1]],
                        sems[nu]).wait()

                pltpu.async_copy(m_hbm.at[meta_v.at[nslot, 0]], rows[nu],
                                 semg[nu])

            @pl.when(jj + 4 < NCH)
            def _():
                pltpu.async_copy(meta_hbm.at[w, jj + 4],
                                 meta_v.at[lax.rem(jj + 4, RB)],
                                 semm[(u + 1) % 3])

        _chunk(j, 0)
        _chunk(j + 1, 1)
        _chunk(j + 2, 2)

    for jj in (NCH - 3, NCH - 2, NCH - 1):
        pltpu.make_async_copy(rows[jj % NB],
                              agg_sh.at[meta_v.at[jj % RB, 1]],
                              sems[jj % NB]).wait()

    plsc.subcore_barrier()
    pltpu.sync_copy(agg_sh.at[pl.ds(s * ROWS_PER_SUB, ROWS_PER_SUB)],
                    out_hbm.at[c, pl.ds(s * ROWS_PER_SUB, ROWS_PER_SUB)])


def _prep_edges(edge_index, edge_attr):
    src = edge_index[0].reshape(NW, EPW)
    dst = edge_index[1].reshape(NW, EPW)
    attr = lax.bitcast_convert_type(edge_attr, jnp.int32).reshape(NW, EPW)
    pad = EPWP - EPW
    src = jnp.pad(src, ((0, 0), (0, pad))).reshape(NW, NCH, C)
    dst = jnp.pad(dst, ((0, 0), (0, pad))).reshape(NW, NCH, C)
    attr = jnp.pad(attr, ((0, 0), (0, pad))).reshape(NW, NCH, C)
    return jnp.stack([src, dst, attr], axis=2)


def kernel(x, edge_index, edge_attr, weight, w_ih, w_hh, b_ih, b_hh):
    meta = _prep_edges(edge_index, edge_attr)
    zero = jnp.zeros((ROWS_PER_SUB, H), jnp.float32)
    w_ih_t = w_ih.T
    w_hh_t = w_hh.T
    b_ih2 = b_ih.reshape(1, 3 * H)
    b_hh2 = b_hh.reshape(1, 3 * H)
    h = x
    for i in range(L):
        m = _tc_matmul(h, weight[i])
        agg2 = _sc_agg_kernel()(m, meta, zero)
        h = _tc_gru(agg2, h, w_ih_t, w_hh_t, b_ih2, b_hh2)
    return h

# --- scband reference (transcript-rebuilt; emitter-appended) ---
"""Pipeline reference for scband-custom-gated-graph-conv-77129022701746 (READ-ONLY COPY).

The authoritative reference and input builder live on the scoring server;
editing this copy changes nothing except your own understanding.
"""

import jax, jax.numpy as jnp
import numpy as np

N = 10000
E = 320000
H = 128
L = 2


def setup_inputs(seed: int = 0) -> dict:
    key = jax.random.key(seed)
    ks = jax.random.split(key, 8)
    x = jax.random.normal(ks[0], (N, H), dtype=jnp.float32)
    edge_index = jax.random.randint(ks[1], (2, E), 0, N, dtype=jnp.int32)
    edge_attr = jax.random.uniform(ks[2], (E,), dtype=jnp.float32)
    # GatedGraphConv params: per-layer message weight [L, H, H]
    weight = jax.random.normal(ks[3], (L, H, H), dtype=jnp.float32) * (1.0 / np.sqrt(H))
    # GRUCell params (PyTorch layout: chunks r, z, n)
    w_ih = jax.random.normal(ks[4], (3 * H, H), dtype=jnp.float32) * (1.0 / np.sqrt(H))
    w_hh = jax.random.normal(ks[5], (3 * H, H), dtype=jnp.float32) * (1.0 / np.sqrt(H))
    b_ih = jax.random.normal(ks[6], (3 * H,), dtype=jnp.float32) * 0.01
    b_hh = jax.random.normal(ks[7], (3 * H,), dtype=jnp.float32) * 0.01
    return {"x": x, "edge_index": edge_index, "edge_attr": edge_attr,
            "weight": weight, "w_ih": w_ih, "w_hh": w_hh, "b_ih": b_ih, "b_hh": b_hh}


def _gru_cell(m, h, w_ih, w_hh, b_ih, b_hh):
    gi = m @ w_ih.T + b_ih
    gh = h @ w_hh.T + b_hh
    i_r, i_z, i_n = jnp.split(gi, 3, axis=-1)
    h_r, h_z, h_n = jnp.split(gh, 3, axis=-1)
    r = jax.nn.sigmoid(i_r + h_r)
    z = jax.nn.sigmoid(i_z + h_z)
    n = jnp.tanh(i_n + r * h_n)
    return (1.0 - z) * n + z * h


def reference(x, edge_index, edge_attr, weight, w_ih, w_hh, b_ih, b_hh):
    # Faithful translation of torch_geometric GatedGraphConv (x already has H channels,
    # so no zero-padding needed). edge_attr is used as scalar edge_weight.
    src = edge_index[0]
    dst = edge_index[1]
    h = x
    for i in range(L):
        m = h @ weight[i]
        msg = m[src] * edge_attr[:, None]          # gather + edge weighting
        agg = jax.ops.segment_sum(msg, dst, num_segments=N)  # scatter-add aggregation
        h = _gru_cell(agg, h, w_ih, w_hh, b_ih, b_hh)
    return h

if __name__ == "__main__":
    import jax
    _d = setup_inputs()
    print(jax.jit(kernel)(*tuple(_d.values())))

</pallas_src>

<mosaic_0001>
#map = affine_map<(d0, d1) -> (0, 0)>
#map1 = affine_map<(d0, d1) -> (0, 0, 0, 0)>
#map2 = affine_map<(d0, d1) -> (0, 0, 0)>
module attributes {stable_mosaic.version = 14 : i64} {
  func.func @_sc_agg_body(%arg0: i32, %arg1: i32, %arg2: memref<10000x128xf32, #tpu.memory_space<hbm>>, %arg3: memref<32x84x3x120xi32, #tpu.memory_space<hbm>>, %arg4: memref<632x128xf32, #tpu.memory_space<hbm>>, %arg5: memref<2x10112x128xf32, #tpu.memory_space<hbm>>, %arg6: memref<6x3x120xi32, #tpu.memory_space<vmem>>, %arg7: memref<120x128xf32, #tpu.memory_space<vmem>>, %arg8: memref<120x128xf32, #tpu.memory_space<vmem>>, %arg9: memref<120x128xf32, #tpu.memory_space<vmem>>, %arg10: memref<!tpu.dma_semaphore, #tpu.memory_space<semaphore_mem>>, %arg11: memref<!tpu.dma_semaphore, #tpu.memory_space<semaphore_mem>>, %arg12: memref<!tpu.dma_semaphore, #tpu.memory_space<semaphore_mem>>, %arg13: memref<!tpu.dma_semaphore, #tpu.memory_space<semaphore_mem>>, %arg14: memref<!tpu.dma_semaphore, #tpu.memory_space<semaphore_mem>>, %arg15: memref<!tpu.dma_semaphore, #tpu.memory_space<semaphore_mem>>, %arg16: memref<!tpu.dma_semaphore, #tpu.memory_space<semaphore_mem>>, %arg17: memref<!tpu.dma_semaphore, #tpu.memory_space<semaphore_mem>>, %arg18: memref<!tpu.dma_semaphore, #tpu.memory_space<semaphore_mem>>, %arg19: memref<10112x128xf32, #tpu.memory_space<vmem_shared>>) attributes {dimension_semantics = [#tpu.dimension_semantics<core_parallel>, #tpu.dimension_semantics<subcore_parallel>], iteration_bounds = array<i64: 2, 16>, scalar_prefetch = 0 : i64, scratch_operands = 14 : i64, tpu.core_type = #tpu.core_type<sc_vector_subcore>, window_params = [{transform_indices = #map}, {transform_indices = #map1}, {transform_indices = #map}, {transform_indices = #map2}]} {
    %mul3A = arith.constant 16 : i32
    %mul3A_0 = arith.muli %arg0, %mul3A : i32
    %add3A = arith.addi %mul3A_0, %arg1 : i32
    %run_scoped3A = arith.constant 0 : i32
    %run_scoped3A_1 = arith.constant 0 : i32
    "tpu.region"() ({
      %run_scoped3A_89 = tpu.sem_alloc : memref<!tpu.dma_semaphore, #tpu.memory_space<semaphore_mem>>
      %dma_start3A_90 = arith.constant 0 : i32
      %dma_start3A_91 = arith.constant 0 : i32
      %dma_start3A_92 = tpu.memref_slice %arg6[%run_scoped3A_1, %dma_start3A_90, %dma_start3A_91] : memref<6x3x120xi32, #tpu.memory_space<vmem>> -> memref<1x3x120xi32, #tpu.memory_space<vmem>>
      %dma_start3A_93 = tpu.memref_squeeze %dma_start3A_92 : memref<1x3x120xi32, #tpu.memory_space<vmem>> -> memref<3x120xi32, #tpu.memory_space<vmem>>
      %dma_start3A_94 = arith.constant 0 : i32
      %dma_start3A_95 = arith.constant 0 : i32
      %dma_start3A_96 = tpu.memref_slice %arg3[%add3A, %run_scoped3A, %dma_start3A_94, %dma_start3A_95] : memref<32x84x3x120xi32, #tpu.memory_space<hbm>> -> memref<1x1x3x120xi32, #tpu.memory_space<hbm>>
      %dma_start3A_97 = tpu.memref_squeeze %dma_start3A_96 : memref<1x1x3x120xi32, #tpu.memory_space<hbm>> -> memref<3x120xi32, #tpu.memory_space<hbm>>
      %dma_start3A_98 = arith.constant 0 : i32
      %dma_start3A_99 = arith.constant 0 : i32
      %dma_start3A_100 = tpu.memref_slice %arg6[%run_scoped3A_1, %dma_start3A_98, %dma_start3A_99] : memref<6x3x120xi32, #tpu.memory_space<vmem>> -> memref<1x3x120xi32, #tpu.memory_space<vmem>>
      %dma_start3A_101 = tpu.memref_squeeze %dma_start3A_100 : memref<1x3x120xi32, #tpu.memory_space<vmem>> -> memref<3x120xi32, #tpu.memory_space<vmem>>
      %dma_start3A_102 = arith.constant 0 : i32
      %dma_start3A_103 = arith.constant 0 : i32
      %dma_start3A_104 = tpu.memref_slice %arg3[%add3A, %run_scoped3A, %dma_start3A_102, %dma_start3A_103] : memref<32x84x3x120xi32, #tpu.memory_space<hbm>> -> memref<1x1x3x120xi32, #tpu.memory_space<hbm>>
      %dma_start3A_105 = tpu.memref_squeeze %dma_start3A_104 : memref<1x1x3x120xi32, #tpu.memory_space<hbm>> -> memref<3x120xi32, #tpu.memory_space<hbm>>
      tpu.enqueue_dma source(%dma_start3A_105 : memref<3x120xi32, #tpu.memory_space<hbm>>) target(%dma_start3A_101 : memref<3x120xi32, #tpu.memory_space<vmem>>) target_semaphore(%run_scoped3A_89 : memref<!tpu.dma_semaphore, #tpu.memory_space<semaphore_mem>>)
      %dma_wait3A_106 = arith.constant 0 : i32
      %dma_wait3A_107 = arith.constant 0 : i32
      %dma_wait3A_108 = tpu.memref_slice %arg6[%run_scoped3A_1, %dma_wait3A_106, %dma_wait3A_107] : memref<6x3x120xi32, #tpu.memory_space<vmem>> -> memref<1x3x120xi32, #tpu.memory_space<vmem>>
      %dma_wait3A_109 = tpu.memref_squeeze %dma_wait3A_108 : memref<1x3x120xi32, #tpu.memory_space<vmem>> -> memref<3x120xi32, #tpu.memory_space<vmem>>
      %dma_wait3A_110 = arith.constant 0 : i32
      %dma_wait3A_111 = arith.constant 0 : i32
      %dma_wait3A_112 = tpu.memref_slice %arg3[%add3A, %run_scoped3A, %dma_wait3A_110, %dma_wait3A_111] : memref<32x84x3x120xi32, #tpu.memory_space<hbm>> -> memref<1x1x3x120xi32, #tpu.memory_space<hbm>>
      %dma_wait3A_113 = tpu.memref_squeeze %dma_wait3A_112 : memref<1x1x3x120xi32, #tpu.memory_space<hbm>> -> memref<3x120xi32, #tpu.memory_space<hbm>>
      %dma_wait3A_114 = arith.constant 0 : i32
      %dma_wait3A_115 = arith.constant 0 : i32
      %dma_wait3A_116 = tpu.memref_slice %arg6[%run_scoped3A_1, %dma_wait3A_114, %dma_wait3A_115] : memref<6x3x120xi32, #tpu.memory_space<vmem>> -> memref<1x3x120xi32, #tpu.memory_space<vmem>>
      %dma_wait3A_117 = tpu.memref_squeeze %dma_wait3A_116 : memref<1x3x120xi32, #tpu.memory_space<vmem>> -> memref<3x120xi32, #tpu.memory_space<vmem>>
      %dma_wait3A_118 = arith.constant 0 : i32
      %dma_wait3A_119 = arith.constant 0 : i32
      %dma_wait3A_120 = tpu.memref_slice %arg3[%add3A, %run_scoped3A, %dma_wait3A_118, %dma_wait3A_119] : memref<32x84x3x120xi32, #tpu.memory_space<hbm>> -> memref<1x1x3x120xi32, #tpu.memory_space<hbm>>
      %dma_wait3A_121 = tpu.memref_squeeze %dma_wait3A_120 : memref<1x1x3x120xi32, #tpu.memory_space<hbm>> -> memref<3x120xi32, #tpu.memory_space<hbm>>
      tpu.wait_dma2 semaphore(%run_scoped3A_89 : memref<!tpu.dma_semaphore, #tpu.memory_space<semaphore_mem>>) src(%dma_wait3A_121 : memref<3x120xi32, #tpu.memory_space<hbm>>) dst(%dma_wait3A_117 : memref<3x120xi32, #tpu.memory_space<vmem>>)
      tpu.yield
    }) : () -> ()
    %run_scoped3A_2 = arith.constant 1 : i32
    %run_scoped3A_3 = arith.constant 1 : i32
    "tpu.region"() ({
      %run_scoped3A_89 = tpu.sem_alloc : memref<!tpu.dma_semaphore, #tpu.memory_space<semaphore_mem>>
      %dma_start3A_90 = arith.constant 0 : i32
      %dma_start3A_91 = arith.constant 0 : i32
      %dma_start3A_92 = tpu.memref_slice %arg6[%run_scoped3A_3, %dma_start3A_90, %dma_start3A_91] : memref<6x3x120xi32, #tpu.memory_space<vmem>> -> memref<1x3x120xi32, #tpu.memory_space<vmem>>
      %dma_start3A_93 = tpu.memref_squeeze %dma_start3A_92 : memref<1x3x120xi32, #tpu.memory_space<vmem>> -> memref<3x120xi32, #tpu.memory_space<vmem>>
      %dma_start3A_94 = arith.constant 0 : i32
      %dma_start3A_95 = arith.constant 0 : i32
      %dma_start3A_96 = tpu.memref_slice %arg3[%add3A, %run_scoped3A_2, %dma_start3A_94, %dma_start3A_95] : memref<32x84x3x120xi32, #tpu.memory_space<hbm>> -> memref<1x1x3x120xi32, #tpu.memory_space<hbm>>
      %dma_start3A_97 = tpu.memref_squeeze %dma_start3A_96 : memref<1x1x3x120xi32, #tpu.memory_space<hbm>> -> memref<3x120xi32, #tpu.memory_space<hbm>>
      %dma_start3A_98 = arith.constant 0 : i32
      %dma_start3A_99 = arith.constant 0 : i32
      %dma_start3A_100 = tpu.memref_slice %arg6[%run_scoped3A_3, %dma_start3A_98, %dma_start3A_99] : memref<6x3x120xi32, #tpu.memory_space<vmem>> -> memref<1x3x120xi32, #tpu.memory_space<vmem>>
      %dma_start3A_101 = tpu.memref_squeeze %dma_start3A_100 : memref<1x3x120xi32, #tpu.memory_space<vmem>> -> memref<3x120xi32, #tpu.memory_space<vmem>>
      %dma_start3A_102 = arith.constant 0 : i32
      %dma_start3A_103 = arith.constant 0 : i32
      %dma_start3A_104 = tpu.memref_slice %arg3[%add3A, %run_scoped3A_2, %dma_start3A_102, %dma_start3A_103] : memref<32x84x3x120xi32, #tpu.memory_space<hbm>> -> memref<1x1x3x120xi32, #tpu.memory_space<hbm>>
      %dma_start3A_105 = tpu.memref_squeeze %dma_start3A_104 : memref<1x1x3x120xi32, #tpu.memory_space<hbm>> -> memref<3x120xi32, #tpu.memory_space<hbm>>
      tpu.enqueue_dma source(%dma_start3A_105 : memref<3x120xi32, #tpu.memory_space<hbm>>) target(%dma_start3A_101 : memref<3x120xi32, #tpu.memory_space<vmem>>) target_semaphore(%run_scoped3A_89 : memref<!tpu.dma_semaphore, #tpu.memory_space<semaphore_mem>>)
      %dma_wait3A_106 = arith.constant 0 : i32
      %dma_wait3A_107 = arith.constant 0 : i32
      %dma_wait3A_108 = tpu.memref_slice %arg6[%run_scoped3A_3, %dma_wait3A_106, %dma_wait3A_107] : memref<6x3x120xi32, #tpu.memory_space<vmem>> -> memref<1x3x120xi32, #tpu.memory_space<vmem>>
      %dma_wait3A_109 = tpu.memref_squeeze %dma_wait3A_108 : memref<1x3x120xi32, #tpu.memory_space<vmem>> -> memref<3x120xi32, #tpu.memory_space<vmem>>
      %dma_wait3A_110 = arith.constant 0 : i32
      %dma_wait3A_111 = arith.constant 0 : i32
      %dma_wait3A_112 = tpu.memref_slice %arg3[%add3A, %run_scoped3A_2, %dma_wait3A_110, %dma_wait3A_111] : memref<32x84x3x120xi32, #tpu.memory_space<hbm>> -> memref<1x1x3x120xi32, #tpu.memory_space<hbm>>
      %dma_wait3A_113 = tpu.memref_squeeze %dma_wait3A_112 : memref<1x1x3x120xi32, #tpu.memory_space<hbm>> -> memref<3x120xi32, #tpu.memory_space<hbm>>
      %dma_wait3A_114 = arith.constant 0 : i32
      %dma_wait3A_115 = arith.constant 0 : i32
      %dma_wait3A_116 = tpu.memref_slice %arg6[%run_scoped3A_3, %dma_wait3A_114, %dma_wait3A_115] : memref<6x3x120xi32, #tpu.memory_space<vmem>> -> memref<1x3x120xi32, #tpu.memory_space<vmem>>
      %dma_wait3A_117 = tpu.memref_squeeze %dma_wait3A_116 : memref<1x3x120xi32, #tpu.memory_space<vmem>> -> memref<3x120xi32, #tpu.memory_space<vmem>>
      %dma_wait3A_118 = arith.constant 0 : i32
      %dma_wait3A_119 = arith.constant 0 : i32
      %dma_wait3A_120 = tpu.memref_slice %arg3[%add3A, %run_scoped3A_2, %dma_wait3A_118, %dma_wait3A_119] : memref<32x84x3x120xi32, #tpu.memory_space<hbm>> -> memref<1x1x3x120xi32, #tpu.memory_space<hbm>>
      %dma_wait3A_121 = tpu.memref_squeeze %dma_wait3A_120 : memref<1x1x3x120xi32, #tpu.memory_space<hbm>> -> memref<3x120xi32, #tpu.memory_space<hbm>>
      tpu.wait_dma2 semaphore(%run_scoped3A_89 : memref<!tpu.dma_semaphore, #tpu.memory_space<semaphore_mem>>) src(%dma_wait3A_121 : memref<3x120xi32, #tpu.memory_space<hbm>>) dst(%dma_wait3A_117 : memref<3x120xi32, #tpu.memory_space<vmem>>)
      tpu.yield
    }) : () -> ()
    %dma_start3A = arith.constant 2 : i32
    %dma_start3A_4 = arith.constant 2 : i32
    %dma_start3A_5 = arith.constant 0 : i32
    %dma_start3A_6 = arith.constant 0 : i32
    %dma_start3A_7 = tpu.memref_slice %arg6[%dma_start3A_4, %dma_start3A_5, %dma_start3A_6] : memref<6x3x120xi32, #tpu.memory_space<vmem>> -> memref<1x3x120xi32, #tpu.memory_space<vmem>>
    %dma_start3A_8 = tpu.memref_squeeze %dma_start3A_7 : memref<1x3x120xi32, #tpu.memory_space<vmem>> -> memref<3x120xi32, #tpu.memory_space<vmem>>
    %dma_start3A_9 = arith.constant 0 : i32
    %dma_start3A_10 = arith.constant 0 : i32
    %dma_start3A_11 = tpu.memref_slice %arg3[%add3A, %dma_start3A, %dma_start3A_9, %dma_start3A_10] : memref<32x84x3x120xi32, #tpu.memory_space<hbm>> -> memref<1x1x3x120xi32, #tpu.memory_space<hbm>>
    %dma_start3A_12 = tpu.memref_squeeze %dma_start3A_11 : memref<1x1x3x120xi32, #tpu.memory_space<hbm>> -> memref<3x120xi32, #tpu.memory_space<hbm>>
    %dma_start3A_13 = arith.constant 0 : i32
    %dma_start3A_14 = arith.constant 0 : i32
    %dma_start3A_15 = tpu.memref_slice %arg6[%dma_start3A_4, %dma_start3A_13, %dma_start3A_14] : memref<6x3x120xi32, #tpu.memory_space<vmem>> -> memref<1x3x120xi32, #tpu.memory_space<vmem>>
    %dma_start3A_16 = tpu.memref_squeeze %dma_start3A_15 : memref<1x3x120xi32, #tpu.memory_space<vmem>> -> memref<3x120xi32, #tpu.memory_space<vmem>>
    %dma_start3A_17 = arith.constant 0 : i32
    %dma_start3A_18 = arith.constant 0 : i32
    %dma_start3A_19 = tpu.memref_slice %arg3[%add3A, %dma_start3A, %dma_start3A_17, %dma_start3A_18] : memref<32x84x3x120xi32, #tpu.memory_space<hbm>> -> memref<1x1x3x120xi32, #tpu.memory_space<hbm>>
    %dma_start3A_20 = tpu.memref_squeeze %dma_start3A_19 : memref<1x1x3x120xi32, #tpu.memory_space<hbm>> -> memref<3x120xi32, #tpu.memory_space<hbm>>
    tpu.enqueue_dma source(%dma_start3A_20 : memref<3x120xi32, #tpu.memory_space<hbm>>) target(%dma_start3A_16 : memref<3x120xi32, #tpu.memory_space<vmem>>) target_semaphore(%arg18 : memref<!tpu.dma_semaphore, #tpu.memory_space<semaphore_mem>>)
    %dma_start3A_21 = arith.constant 3 : i32
    %dma_start3A_22 = arith.constant 3 : i32
    %dma_start3A_23 = arith.constant 0 : i32
    %dma_start3A_24 = arith.constant 0 : i32
    %dma_start3A_25 = tpu.memref_slice %arg6[%dma_start3A_22, %dma_start3A_23, %dma_start3A_24] : memref<6x3x120xi32, #tpu.memory_space<vmem>> -> memref<1x3x120xi32, #tpu.memory_space<vmem>>
    %dma_start3A_26 = tpu.memref_squeeze %dma_start3A_25 : memref<1x3x120xi32, #tpu.memory_space<vmem>> -> memref<3x120xi32, #tpu.memory_space<vmem>>
    %dma_start3A_27 = arith.constant 0 : i32
    %dma_start3A_28 = arith.constant 0 : i32
    %dma_start3A_29 = tpu.memref_slice %arg3[%add3A, %dma_start3A_21, %dma_start3A_27, %dma_start3A_28] : memref<32x84x3x120xi32, #tpu.memory_space<hbm>> -> memref<1x1x3x120xi32, #tpu.memory_space<hbm>>
    %dma_start3A_30 = tpu.memref_squeeze %dma_start3A_29 : memref<1x1x3x120xi32, #tpu.memory_space<hbm>> -> memref<3x120xi32, #tpu.memory_space<hbm>>
    %dma_start3A_31 = arith.constant 0 : i32
    %dma_start3A_32 = arith.constant 0 : i32
    %dma_start3A_33 = tpu.memref_slice %arg6[%dma_start3A_22, %dma_start3A_31, %dma_start3A_32] : memref<6x3x120xi32, #tpu.memory_space<vmem>> -> memref<1x3x120xi32, #tpu.memory_space<vmem>>
    %dma_start3A_34 = tpu.memref_squeeze %dma_start3A_33 : memref<1x3x120xi32, #tpu.memory_space<vmem>> -> memref<3x120xi32, #tpu.memory_space<vmem>>
    %dma_start3A_35 = arith.constant 0 : i32
    %dma_start3A_36 = arith.constant 0 : i32
    %dma_start3A_37 = tpu.memref_slice %arg3[%add3A, %dma_start3A_21, %dma_start3A_35, %dma_start3A_36] : memref<32x84x3x120xi32, #tpu.memory_space<hbm>> -> memref<1x1x3x120xi32, #tpu.memory_space<hbm>>
    %dma_start3A_38 = tpu.memref_squeeze %dma_start3A_37 : memref<1x1x3x120xi32, #tpu.memory_space<hbm>> -> memref<3x120xi32, #tpu.memory_space<hbm>>
    tpu.enqueue_dma source(%dma_start3A_38 : memref<3x120xi32, #tpu.memory_space<hbm>>) target(%dma_start3A_34 : memref<3x120xi32, #tpu.memory_space<vmem>>) target_semaphore(%arg16 : memref<!tpu.dma_semaphore, #tpu.memory_space<semaphore_mem>>)
    %mul3A_39 = arith.constant 632 : i32
    %mul3A_40 = arith.muli %arg1, %mul3A_39 : i32
    "tpu.region"() ({
      %run_scoped3A_89 = tpu.sem_alloc : memref<!tpu.dma_semaphore, #tpu.memory_space<semaphore_mem>>
      %dma_start3A_90 = arith.constant 0 : i32
      %dma_start3A_91 = tpu.memref_slice %arg19[%mul3A_40, %dma_start3A_90] : memref<10112x128xf32, #tpu.memory_space<vmem_shared>> -> memref<632x128xf32, #tpu.memory_space<vmem_shared>>
      tpu.enqueue_dma source(%arg4 : memref<632x128xf32, #tpu.memory_space<hbm>>) target(%dma_start3A_91 : memref<632x128xf32, #tpu.memory_space<vmem_shared>>) target_semaphore(%run_scoped3A_89 : memref<!tpu.dma_semaphore, #tpu.memory_space<semaphore_mem>>)
      %dma_wait3A_92 = arith.constant 0 : i32
      %dma_wait3A_93 = tpu.memref_slice %arg19[%mul3A_40, %dma_wait3A_92] : memref<10112x128xf32, #tpu.memory_space<vmem_shared>> -> memref<632x128xf32, #tpu.memory_space<vmem_shared>>
      tpu.wait_dma2 semaphore(%run_scoped3A_89 : memref<!tpu.dma_semaphore, #tpu.memory_space<semaphore_mem>>) src(%arg4 : memref<632x128xf32, #tpu.memory_space<hbm>>) dst(%dma_wait3A_93 : memref<632x128xf32, #tpu.memory_space<vmem_shared>>)
      tpu.yield
    }) : () -> ()
    %barrier3A = arith.constant 0 : index
    tpu.barrier barrier_id(%barrier3A)
    %dma_start3A_41 = arith.constant 0 : i32
    %dma_start3A_42 = arith.constant 0 : i32
    %dma_start3A_43 = arith.constant 0 : i32
    %dma_start3A_44 = tpu.memref_slice %arg6[%dma_start3A_41, %dma_start3A_42, %dma_start3A_43] : memref<6x3x120xi32, #tpu.memory_space<vmem>> -> memref<1x1x120xi32, #tpu.memory_space<vmem>>
    %dma_start3A_45 = tpu.memref_squeeze %dma_start3A_44 : memref<1x1x120xi32, #tpu.memory_space<vmem>> -> memref<120xi32, #tpu.memory_space<vmem>>
    %dma_start3A_46 = arith.constant 0 : i32
    %dma_start3A_47 = arith.constant 0 : i32
    %dma_start3A_48 = tpu.memref_slice %arg2[%dma_start3A_46, %dma_start3A_47] : memref<10000x128xf32, #tpu.memory_space<hbm>> -> memref<10000x128xf32, #tpu.memory_space<hbm>>
    tpu.enqueue_indirect_dma source(%dma_start3A_48 : memref<10000x128xf32, #tpu.memory_space<hbm>>) target(%arg7 : memref<120x128xf32, #tpu.memory_space<vmem>>) offsets(%dma_start3A_45 : memref<120xi32, #tpu.memory_space<vmem>>) semaphore(%arg10 : memref<!tpu.dma_semaphore, #tpu.memory_space<semaphore_mem>>)
    %dma_start3A_49 = arith.constant 1 : i32
    %dma_start3A_50 = arith.constant 0 : i32
    %dma_start3A_51 = arith.constant 0 : i32
    %dma_start3A_52 = tpu.memref_slice %arg6[%dma_start3A_49, %dma_start3A_50, %dma_start3A_51] : memref<6x3x120xi32, #tpu.memory_space<vmem>> -> memref<1x1x120xi32, #tpu.memory_space<vmem>>
    %dma_start3A_53 = tpu.memref_squeeze %dma_start3A_52 : memref<1x1x120xi32, #tpu.memory_space<vmem>> -> memref<120xi32, #tpu.memory_space<vmem>>
    %dma_start3A_54 = arith.constant 0 : i32
    %dma_start3A_55 = arith.constant 0 : i32
    %dma_start3A_56 = tpu.memref_slice %arg2[%dma_start3A_54, %dma_start3A_55] : memref<10000x128xf32, #tpu.memory_space<hbm>> -> memref<10000x128xf32, #tpu.memory_space<hbm>>
    tpu.enqueue_indirect_dma source(%dma_start3A_56 : memref<10000x128xf32, #tpu.memory_space<hbm>>) target(%arg8 : memref<120x128xf32, #tpu.memory_space<vmem>>) offsets(%dma_start3A_53 : memref<120xi32, #tpu.memory_space<vmem>>) semaphore(%arg11 : memref<!tpu.dma_semaphore, #tpu.memory_space<semaphore_mem>>)
    %scan3A = arith.constant 0 : i32
    %scan3A_57 = arith.constant 28 : i32
    %scan3A_58 = arith.addi %scan3A, %scan3A_57 : i32
    %scan3A_59 = arith.constant 1 : i32
    scf.for %scan3A_89 = %scan3A to %scan3A_58 step %scan3A_59  : i32 {
      %mul3A_90 = arith.constant 3 : i32
      %mul3A_91 = arith.muli %scan3A_89, %mul3A_90 : i32
      %add3A_92 = arith.constant 0 : i32
      %add3A_93 = arith.addi %add3A_92, %mul3A_91 : i32
      %rem3A = arith.constant 6 : i32
      %rem3A_94 = arith.remsi %add3A_93, %rem3A : i32
      %dma_wait3A_95 = arith.constant 0 : i32
      %dma_wait3A_96 = arith.constant 0 : i32
      %dma_wait3A_97 = tpu.memref_slice %arg6[%rem3A_94, %dma_wait3A_95, %dma_wait3A_96] : memref<6x3x120xi32, #tpu.memory_space<vmem>> -> memref<1x1x120xi32, #tpu.memory_space<vmem>>
      %dma_wait3A_98 = tpu.memref_squeeze %dma_wait3A_97 : memref<1x1x120xi32, #tpu.memory_space<vmem>> -> memref<120xi32, #tpu.memory_space<vmem>>
      %dma_wait3A_99 = arith.constant 0 : i32
      %dma_wait3A_100 = arith.constant 0 : i32
      %dma_wait3A_101 = tpu.memref_slice %arg2[%dma_wait3A_99, %dma_wait3A_100] : memref<10000x128xf32, #tpu.memory_space<hbm>> -> memref<10000x128xf32, #tpu.memory_space<hbm>>
      tpu.wait_indirect_dma semaphore(%arg10 : memref<!tpu.dma_semaphore, #tpu.memory_space<semaphore_mem>>) src(%dma_wait3A_101 : memref<10000x128xf32, #tpu.memory_space<hbm>>) dst(%arg7 : memref<120x128xf32, #tpu.memory_space<vmem>>)
      %parallel_loop3A = arith.constant 0 : i32
      %parallel_loop3A_102 = arith.constant 120 : i32
      %parallel_loop3A_103 = arith.constant 1 : i32
      %parallel_loop3A_104 = arith.constant 2 : i32
      scf.for %parallel_loop3A_195 = %parallel_loop3A to %parallel_loop3A_102 step %parallel_loop3A_103  : i32 {
        %parallel_loop3A_196 = vector.broadcast %parallel_loop3A_195 : i32 to vector<16xi32>
        %parallel_loop3A_197 = arith.constant 0 : i32
        %parallel_loop3A_198 = tpu.memref_slice %arg6[%rem3A_94, %parallel_loop3A_104, %parallel_loop3A_197] : memref<6x3x120xi32, #tpu.memory_space<vmem>> -> memref<1x1x120xi32, #tpu.memory_space<vmem>>
        %parallel_loop3A_199 = tpu.memref_squeeze %parallel_loop3A_198 : memref<1x1x120xi32, #tpu.memory_space<vmem>> -> memref<120xi32, #tpu.memory_space<vmem>>
        %parallel_loop3A_200 = tpu.vector_load_idx %parallel_loop3A_199[%parallel_loop3A_196] : memref<120xi32, #tpu.memory_space<vmem>>[vector<16xi32>], vector<16xi32>,
        %parallel_loop3A_201 = vector.bitcast %parallel_loop3A_200 : vector<16xi32> to vector<16xf32>
        %parallel_loop3A_202 = arith.index_cast %parallel_loop3A_195 : i32 to index
        %parallel_loop3A_203 = arith.constant 0 : index
        %parallel_loop3A_204 = tpu.vector_load %arg7[%parallel_loop3A_202, %parallel_loop3A_203] {strides = array<i32>} : memref<120x128xf32, #tpu.memory_space<vmem>>, vector<16xf32>,
        %parallel_loop3A_205 = arith.mulf %parallel_loop3A_204, %parallel_loop3A_201 : vector<16xf32>
        %parallel_loop3A_206 = arith.index_cast %parallel_loop3A_195 : i32 to index
        %parallel_loop3A_207 = arith.constant 0 : index
        %parallel_loop3A_208 = tpu.vector_load %arg7[%parallel_loop3A_206, %parallel_loop3A_207] {strides = array<i32>} : memref<120x128xf32, #tpu.memory_space<vmem>>, vector<16xf32>,
        tpu.vector_store %arg7[%parallel_loop3A_206, %parallel_loop3A_207], %parallel_loop3A_205 {strides = array<i32>} : memref<120x128xf32, #tpu.memory_space<vmem>>, vector<16xf32>,
        %parallel_loop3A_209 = arith.index_cast %parallel_loop3A_195 : i32 to index
        %parallel_loop3A_210 = arith.constant 16 : index
        %parallel_loop3A_211 = tpu.vector_load %arg7[%parallel_loop3A_209, %parallel_loop3A_210] {strides = array<i32>} : memref<120x128xf32, #tpu.memory_space<vmem>>, vector<16xf32>,
        %parallel_loop3A_212 = arith.mulf %parallel_loop3A_211, %parallel_loop3A_201 : vector<16xf32>
        %parallel_loop3A_213 = arith.index_cast %parallel_loop3A_195 : i32 to index
        %parallel_loop3A_214 = arith.constant 16 : index
        %parallel_loop3A_215 = tpu.vector_load %arg7[%parallel_loop3A_213, %parallel_loop3A_214] {strides = array<i32>} : memref<120x128xf32, #tpu.memory_space<vmem>>, vector<16xf32>,
        tpu.vector_store %arg7[%parallel_loop3A_213, %parallel_loop3A_214], %parallel_loop3A_212 {strides = array<i32>} : memref<120x128xf32, #tpu.memory_space<vmem>>, vector<16xf32>,
        %parallel_loop3A_216 = arith.index_cast %parallel_loop3A_195 : i32 to index
        %parallel_loop3A_217 = arith.constant 32 : index
        %parallel_loop3A_218 = tpu.vector_load %arg7[%parallel_loop3A_216, %parallel_loop3A_217] {strides = array<i32>} : memref<120x128xf32, #tpu.memory_space<vmem>>, vector<16xf32>,
        %parallel_loop3A_219 = arith.mulf %parallel_loop3A_218, %parallel_loop3A_201 : vector<16xf32>
        %parallel_loop3A_220 = arith.index_cast %parallel_loop3A_195 : i32 to index
        %parallel_loop3A_221 = arith.constant 32 : index
        %parallel_loop3A_222 = tpu.vector_load %arg7[%parallel_loop3A_220, %parallel_loop3A_221] {strides = array<i32>} : memref<120x128xf32, #tpu.memory_space<vmem>>, vector<16xf32>,
        tpu.vector_store %arg7[%parallel_loop3A_220, %parallel_loop3A_221], %parallel_loop3A_219 {strides = array<i32>} : memref<120x128xf32, #tpu.memory_space<vmem>>, vector<16xf32>,
        %parallel_loop3A_223 = arith.index_cast %parallel_loop3A_195 : i32 to index
        %parallel_loop3A_224 = arith.constant 48 : index
        %parallel_loop3A_225 = tpu.vector_load %arg7[%parallel_loop3A_223, %parallel_loop3A_224] {strides = array<i32>} : memref<120x128xf32, #tpu.memory_space<vmem>>, vector<16xf32>,
        %parallel_loop3A_226 = arith.mulf %parallel_loop3A_225, %parallel_loop3A_201 : vector<16xf32>
        %parallel_loop3A_227 = arith.index_cast %parallel_loop3A_195 : i32 to index
        %parallel_loop3A_228 = arith.constant 48 : index
        %parallel_loop3A_229 = tpu.vector_load %arg7[%parallel_loop3A_227, %parallel_loop3A_228] {strides = array<i32>} : memref<120x128xf32, #tpu.memory_space<vmem>>, vector<16xf32>,
        tpu.vector_store %arg7[%parallel_loop3A_227, %parallel_loop3A_228], %parallel_loop3A_226 {strides = array<i32>} : memref<120x128xf32, #tpu.memory_space<vmem>>, vector<16xf32>,
        %parallel_loop3A_230 = arith.index_cast %parallel_loop3A_195 : i32 to index
        %parallel_loop3A_231 = arith.constant 64 : index
        %parallel_loop3A_232 = tpu.vector_load %arg7[%parallel_loop3A_230, %parallel_loop3A_231] {strides = array<i32>} : memref<120x128xf32, #tpu.memory_space<vmem>>, vector<16xf32>,
        %parallel_loop3A_233 = arith.mulf %parallel_loop3A_232, %parallel_loop3A_201 : vector<16xf32>
        %parallel_loop3A_234 = arith.index_cast %parallel_loop3A_195 : i32 to index
        %parallel_loop3A_235 = arith.constant 64 : index
        %parallel_loop3A_236 = tpu.vector_load %arg7[%parallel_loop3A_234, %parallel_loop3A_235] {strides = array<i32>} : memref<120x128xf32, #tpu.memory_space<vmem>>, vector<16xf32>,
        tpu.vector_store %arg7[%parallel_loop3A_234, %parallel_loop3A_235], %parallel_loop3A_233 {strides = array<i32>} : memref<120x128xf32, #tpu.memory_space<vmem>>, vector<16xf32>,
        %parallel_loop3A_237 = arith.index_cast %parallel_loop3A_195 : i32 to index
        %parallel_loop3A_238 = arith.constant 80 : index
        %parallel_loop3A_239 = tpu.vector_load %arg7[%parallel_loop3A_237, %parallel_loop3A_238] {strides = array<i32>} : memref<120x128xf32, #tpu.memory_space<vmem>>, vector<16xf32>,
        %parallel_loop3A_240 = arith.mulf %parallel_loop3A_239, %parallel_loop3A_201 : vector<16xf32>
        %parallel_loop3A_241 = arith.index_cast %parallel_loop3A_195 : i32 to index
        %parallel_loop3A_242 = arith.constant 80 : index
        %parallel_loop3A_243 = tpu.vector_load %arg7[%parallel_loop3A_241, %parallel_loop3A_242] {strides = array<i32>} : memref<120x128xf32, #tpu.memory_space<vmem>>, vector<16xf32>,
        tpu.vector_store %arg7[%parallel_loop3A_241, %parallel_loop3A_242], %parallel_loop3A_240 {strides = array<i32>} : memref<120x128xf32, #tpu.memory_space<vmem>>, vector<16xf32>,
        %parallel_loop3A_244 = arith.index_cast %parallel_loop3A_195 : i32 to index
        %parallel_loop3A_245 = arith.constant 96 : index
        %parallel_loop3A_246 = tpu.vector_load %arg7[%parallel_loop3A_244, %parallel_loop3A_245] {strides = array<i32>} : memref<120x128xf32, #tpu.memory_space<vmem>>, vector<16xf32>,
        %parallel_loop3A_247 = arith.mulf %parallel_loop3A_246, %parallel_loop3A_201 : vector<16xf32>
        %parallel_loop3A_248 = arith.index_cast %parallel_loop3A_195 : i32 to index
        %parallel_loop3A_249 = arith.constant 96 : index
        %parallel_loop3A_250 = tpu.vector_load %arg7[%parallel_loop3A_248, %parallel_loop3A_249] {strides = array<i32>} : memref<120x128xf32, #tpu.memory_space<vmem>>, vector<16xf32>,
        tpu.vector_store %arg7[%parallel_loop3A_248, %parallel_loop3A_249], %parallel_loop3A_247 {strides = array<i32>} : memref<120x128xf32, #tpu.memory_space<vmem>>, vector<16xf32>,
        %parallel_loop3A_251 = arith.index_cast %parallel_loop3A_195 : i32 to index
        %parallel_loop3A_252 = arith.constant 112 : index
        %parallel_loop3A_253 = tpu.vector_load %arg7[%parallel_loop3A_251, %parallel_loop3A_252] {strides = array<i32>} : memref<120x128xf32, #tpu.memory_space<vmem>>, vector<16xf32>,
        %parallel_loop3A_254 = arith.mulf %parallel_loop3A_253, %parallel_loop3A_201 : vector<16xf32>
        %parallel_loop3A_255 = arith.index_cast %parallel_loop3A_195 : i32 to index
        %parallel_loop3A_256 = arith.constant 112 : index
        %parallel_loop3A_257 = tpu.vector_load %arg7[%parallel_loop3A_255, %parallel_loop3A_256] {strides = array<i32>} : memref<120x128xf32, #tpu.memory_space<vmem>>, vector<16xf32>,
        tpu.vector_store %arg7[%parallel_loop3A_255, %parallel_loop3A_256], %parallel_loop3A_254 {strides = array<i32>} : memref<120x128xf32, #tpu.memory_space<vmem>>, vector<16xf32>,
      } {sc.loop_unroll_factor = 8 : i64, sc.parallel_access}
      %dma_start3A_105 = arith.constant 1 : i32
      %dma_start3A_106 = arith.constant 0 : i32
      %dma_start3A_107 = tpu.memref_slice %arg6[%rem3A_94, %dma_start3A_105, %dma_start3A_106] : memref<6x3x120xi32, #tpu.memory_space<vmem>> -> memref<1x1x120xi32, #tpu.memory_space<vmem>>
      %dma_start3A_108 = tpu.memref_squeeze %dma_start3A_107 : memref<1x1x120xi32, #tpu.memory_space<vmem>> -> memref<120xi32, #tpu.memory_space<vmem>>
      %dma_start3A_109 = arith.constant 0 : i32
      %dma_start3A_110 = arith.constant 0 : i32
      %dma_start3A_111 = tpu.memref_slice %arg19[%dma_start3A_109, %dma_start3A_110] : memref<10112x128xf32, #tpu.memory_space<vmem_shared>> -> memref<10112x128xf32, #tpu.memory_space<vmem_shared>>
      tpu.enqueue_indirect_dma source(%arg7 : memref<120x128xf32, #tpu.memory_space<vmem>>) target(%dma_start3A_111 : memref<10112x128xf32, #tpu.memory_space<vmem_shared>>) offsets(%dma_start3A_108 : memref<120xi32, #tpu.memory_space<vmem>>) semaphore(%arg13 : memref<!tpu.dma_semaphore, #tpu.memory_space<semaphore_mem>>) {add = true}
      %add3A_112 = arith.constant 2 : i32
      %add3A_113 = arith.addi %add3A_93, %add3A_112 : i32
      %lt3A = arith.constant 84 : i32
      %lt3A_114 = arith.cmpi slt, %add3A_113, %lt3A : i32
      %convert_element_type3A = arith.extui %lt3A_114 : i1 to i32
      %cond3A = arith.constant 0 : i32
      %cond3A_115 = arith.cmpi ne, %convert_element_type3A, %cond3A : i32
      scf.if %cond3A_115 {
        %add3A_195 = arith.constant 2 : i32
        %add3A_196 = arith.addi %add3A_93, %add3A_195 : i32
        %rem3A_197 = arith.constant 6 : i32
        %rem3A_198 = arith.remsi %add3A_196, %rem3A_197 : i32
        %add3A_199 = arith.constant 2 : i32
        %add3A_200 = arith.addi %add3A_93, %add3A_199 : i32
        %dma_wait3A_201 = arith.constant 0 : i32
        %dma_wait3A_202 = arith.constant 0 : i32
        %dma_wait3A_203 = tpu.memref_slice %arg6[%rem3A_198, %dma_wait3A_201, %dma_wait3A_202] : memref<6x3x120xi32, #tpu.memory_space<vmem>> -> memref<1x3x120xi32, #tpu.memory_space<vmem>>
        %dma_wait3A_204 = tpu.memref_squeeze %dma_wait3A_203 : memref<1x3x120xi32, #tpu.memory_space<vmem>> -> memref<3x120xi32, #tpu.memory_space<vmem>>
        %dma_wait3A_205 = arith.constant 0 : i32
        %dma_wait3A_206 = arith.constant 0 : i32
        %dma_wait3A_207 = tpu.memref_slice %arg3[%add3A, %add3A_200, %dma_wait3A_205, %dma_wait3A_206] : memref<32x84x3x120xi32, #tpu.memory_space<hbm>> -> memref<1x1x3x120xi32, #tpu.memory_space<hbm>>
        %dma_wait3A_208 = tpu.memref_squeeze %dma_wait3A_207 : memref<1x1x3x120xi32, #tpu.memory_space<hbm>> -> memref<3x120xi32, #tpu.memory_space<hbm>>
        %dma_wait3A_209 = arith.constant 0 : i32
        %dma_wait3A_210 = arith.constant 0 : i32
        %dma_wait3A_211 = tpu.memref_slice %arg6[%rem3A_198, %dma_wait3A_209, %dma_wait3A_210] : memref<6x3x120xi32, #tpu.memory_space<vmem>> -> memref<1x3x120xi32, #tpu.memory_space<vmem>>
        %dma_wait3A_212 = tpu.memref_squeeze %dma_wait3A_211 : memref<1x3x120xi32, #tpu.memory_space<vmem>> -> memref<3x120xi32, #tpu.memory_space<vmem>>
        %dma_wait3A_213 = arith.constant 0 : i32
        %dma_wait3A_214 = arith.constant 0 : i32
        %dma_wait3A_215 = tpu.memref_slice %arg3[%add3A, %add3A_200, %dma_wait3A_213, %dma_wait3A_214] : memref<32x84x3x120xi32, #tpu.memory_space<hbm>> -> memref<1x1x3x120xi32, #tpu.memory_space<hbm>>
        %dma_wait3A_216 = tpu.memref_squeeze %dma_wait3A_215 : memref<1x1x3x120xi32, #tpu.memory_space<hbm>> -> memref<3x120xi32, #tpu.memory_space<hbm>>
        tpu.wait_dma2 semaphore(%arg18 : memref<!tpu.dma_semaphore, #tpu.memory_space<semaphore_mem>>) src(%dma_wait3A_216 : memref<3x120xi32, #tpu.memory_space<hbm>>) dst(%dma_wait3A_212 : memref<3x120xi32, #tpu.memory_space<vmem>>)
        %ge3A = arith.constant 1 : i32
        %ge3A_217 = arith.cmpi sge, %add3A_93, %ge3A : i32
        %convert_element_type3A_218 = arith.extui %ge3A_217 : i1 to i32
        %cond3A_219 = arith.constant 0 : i32
        %cond3A_220 = arith.cmpi ne, %convert_element_type3A_218, %cond3A_219 : i32
        scf.if %cond3A_220 {
          %add3A_228 = arith.constant 5 : i32
          %add3A_229 = arith.addi %add3A_93, %add3A_228 : i32
          %rem3A_230 = arith.constant 6 : i32
          %rem3A_231 = arith.remsi %add3A_229, %rem3A_230 : i32
          %dma_wait3A_232 = arith.constant 1 : i32
          %dma_wait3A_233 = arith.constant 0 : i32
          %dma_wait3A_234 = tpu.memref_slice %arg6[%rem3A_231, %dma_wait3A_232, %dma_wait3A_233] : memref<6x3x120xi32, #tpu.memory_space<vmem>> -> memref<1x1x120xi32, #tpu.memory_space<vmem>>
          %dma_wait3A_235 = tpu.memref_squeeze %dma_wait3A_234 : memref<1x1x120xi32, #tpu.memory_space<vmem>> -> memref<120xi32, #tpu.memory_space<vmem>>
          %dma_wait3A_236 = arith.constant 0 : i32
          %dma_wait3A_237 = arith.constant 0 : i32
          %dma_wait3A_238 = tpu.memref_slice %arg19[%dma_wait3A_236, %dma_wait3A_237] : memref<10112x128xf32, #tpu.memory_space<vmem_shared>> -> memref<10112x128xf32, #tpu.memory_space<vmem_shared>>
          tpu.wait_indirect_dma semaphore(%arg15 : memref<!tpu.dma_semaphore, #tpu.memory_space<semaphore_mem>>) src(%arg9 : memref<120x128xf32, #tpu.memory_space<vmem>>) dst(%dma_wait3A_238 : memref<10112x128xf32, #tpu.memory_space<vmem_shared>>)
        } else {
        }
        %dma_start3A_221 = arith.constant 0 : i32
        %dma_start3A_222 = arith.constant 0 : i32
        %dma_start3A_223 = tpu.memref_slice %arg6[%rem3A_198, %dma_start3A_221, %dma_start3A_222] : memref<6x3x120xi32, #tpu.memory_space<vmem>> -> memref<1x1x120xi32, #tpu.memory_space<vmem>>
        %dma_start3A_224 = tpu.memref_squeeze %dma_start3A_223 : memref<1x1x120xi32, #tpu.memory_space<vmem>> -> memref<120xi32, #tpu.memory_space<vmem>>
        %dma_start3A_225 = arith.constant 0 : i32
        %dma_start3A_226 = arith.constant 0 : i32
        %dma_start3A_227 = tpu.memref_slice %arg2[%dma_start3A_225, %dma_start3A_226] : memref<10000x128xf32, #tpu.memory_space<hbm>> -> memref<10000x128xf32, #tpu.memory_space<hbm>>
        tpu.enqueue_indirect_dma source(%dma_start3A_227 : memref<10000x128xf32, #tpu.memory_space<hbm>>) target(%arg9 : memref<120x128xf32, #tpu.memory_space<vmem>>) offsets(%dma_start3A_224 : memref<120xi32, #tpu.memory_space<vmem>>) semaphore(%arg12 : memref<!tpu.dma_semaphore, #tpu.memory_space<semaphore_mem>>)
      } else {
      }
      %add3A_116 = arith.constant 4 : i32
      %add3A_117 = arith.addi %add3A_93, %add3A_116 : i32
      %lt3A_118 = arith.constant 84 : i32
      %lt3A_119 = arith.cmpi slt, %add3A_117, %lt3A_118 : i32
      %convert_element_type3A_120 = arith.extui %lt3A_119 : i1 to i32
      %cond3A_121 = arith.constant 0 : i32
      %cond3A_122 = arith.cmpi ne, %convert_element_type3A_120, %cond3A_121 : i32
      scf.if %cond3A_122 {
        %add3A_195 = arith.constant 4 : i32
        %add3A_196 = arith.addi %add3A_93, %add3A_195 : i32
        %add3A_197 = arith.constant 4 : i32
        %add3A_198 = arith.addi %add3A_93, %add3A_197 : i32
        %rem3A_199 = arith.constant 6 : i32
        %rem3A_200 = arith.remsi %add3A_198, %rem3A_199 : i32
        %dma_start3A_201 = arith.constant 0 : i32
        %dma_start3A_202 = arith.constant 0 : i32
        %dma_start3A_203 = tpu.memref_slice %arg6[%rem3A_200, %dma_start3A_201, %dma_start3A_202] : memref<6x3x120xi32, #tpu.memory_space<vmem>> -> memref<1x3x120xi32, #tpu.memory_space<vmem>>
        %dma_start3A_204 = tpu.memref_squeeze %dma_start3A_203 : memref<1x3x120xi32, #tpu.memory_space<vmem>> -> memref<3x120xi32, #tpu.memory_space<vmem>>
        %dma_start3A_205 = arith.constant 0 : i32
        %dma_start3A_206 = arith.constant 0 : i32
        %dma_start3A_207 = tpu.memref_slice %arg3[%add3A, %add3A_196, %dma_start3A_205, %dma_start3A_206] : memref<32x84x3x120xi32, #tpu.memory_space<hbm>> -> memref<1x1x3x120xi32, #tpu.memory_space<hbm>>
        %dma_start3A_208 = tpu.memref_squeeze %dma_start3A_207 : memref<1x1x3x120xi32, #tpu.memory_space<hbm>> -> memref<3x120xi32, #tpu.memory_space<hbm>>
        %dma_start3A_209 = arith.constant 0 : i32
        %dma_start3A_210 = arith.constant 0 : i32
        %dma_start3A_211 = tpu.memref_slice %arg6[%rem3A_200, %dma_start3A_209, %dma_start3A_210] : memref<6x3x120xi32, #tpu.memory_space<vmem>> -> memref<1x3x120xi32, #tpu.memory_space<vmem>>
        %dma_start3A_212 = tpu.memref_squeeze %dma_start3A_211 : memref<1x3x120xi32, #tpu.memory_space<vmem>> -> memref<3x120xi32, #tpu.memory_space<vmem>>
        %dma_start3A_213 = arith.constant 0 : i32
        %dma_start3A_214 = arith.constant 0 : i32
        %dma_start3A_215 = tpu.memref_slice %arg3[%add3A, %add3A_196, %dma_start3A_213, %dma_start3A_214] : memref<32x84x3x120xi32, #tpu.memory_space<hbm>> -> memref<1x1x3x120xi32, #tpu.memory_space<hbm>>
        %dma_start3A_216 = tpu.memref_squeeze %dma_start3A_215 : memref<1x1x3x120xi32, #tpu.memory_space<hbm>> -> memref<3x120xi32, #tpu.memory_space<hbm>>
        tpu.enqueue_dma source(%dma_start3A_216 : memref<3x120xi32, #tpu.memory_space<hbm>>) target(%dma_start3A_212 : memref<3x120xi32, #tpu.memory_space<vmem>>) target_semaphore(%arg17 : memref<!tpu.dma_semaphore, #tpu.memory_space<semaphore_mem>>)
      } else {
      }
      %add3A_123 = arith.constant 1 : i32
      %add3A_124 = arith.addi %add3A_93, %add3A_123 : i32
      %rem3A_125 = arith.constant 6 : i32
      %rem3A_126 = arith.remsi %add3A_124, %rem3A_125 : i32
      %dma_wait3A_127 = arith.constant 0 : i32
      %dma_wait3A_128 = arith.constant 0 : i32
      %dma_wait3A_129 = tpu.memref_slice %arg6[%rem3A_126, %dma_wait3A_127, %dma_wait3A_128] : memref<6x3x120xi32, #tpu.memory_space<vmem>> -> memref<1x1x120xi32, #tpu.memory_space<vmem>>
      %dma_wait3A_130 = tpu.memref_squeeze %dma_wait3A_129 : memref<1x1x120xi32, #tpu.memory_space<vmem>> -> memref<120xi32, #tpu.memory_space<vmem>>
      %dma_wait3A_131 = arith.constant 0 : i32
      %dma_wait3A_132 = arith.constant 0 : i32
      %dma_wait3A_133 = tpu.memref_slice %arg2[%dma_wait3A_131, %dma_wait3A_132] : memref<10000x128xf32, #tpu.memory_space<hbm>> -> memref<10000x128xf32, #tpu.memory_space<hbm>>
      tpu.wait_indirect_dma semaphore(%arg11 : memref<!tpu.dma_semaphore, #tpu.memory_space<semaphore_mem>>) src(%dma_wait3A_133 : memref<10000x128xf32, #tpu.memory_space<hbm>>) dst(%arg8 : memref<120x128xf32, #tpu.memory_space<vmem>>)
      %parallel_loop3A_134 = arith.constant 0 : i32
      %parallel_loop3A_135 = arith.constant 120 : i32
      %parallel_loop3A_136 = arith.constant 1 : i32
      %parallel_loop3A_137 = arith.constant 2 : i32
      scf.for %parallel_loop3A_195 = %parallel_loop3A_134 to %parallel_loop3A_135 step %parallel_loop3A_136  : i32 {
        %parallel_loop3A_196 = vector.broadcast %parallel_loop3A_195 : i32 to vector<16xi32>
        %parallel_loop3A_197 = arith.constant 0 : i32
        %parallel_loop3A_198 = tpu.memref_slice %arg6[%rem3A_126, %parallel_loop3A_137, %parallel_loop3A_197] : memref<6x3x120xi32, #tpu.memory_space<vmem>> -> memref<1x1x120xi32, #tpu.memory_space<vmem>>
        %parallel_loop3A_199 = tpu.memref_squeeze %parallel_loop3A_198 : memref<1x1x120xi32, #tpu.memory_space<vmem>> -> memref<120xi32, #tpu.memory_space<vmem>>
        %parallel_loop3A_200 = tpu.vector_load_idx %parallel_loop3A_199[%parallel_loop3A_196] : memref<120xi32, #tpu.memory_space<vmem>>[vector<16xi32>], vector<16xi32>,
        %parallel_loop3A_201 = vector.bitcast %parallel_loop3A_200 : vector<16xi32> to vector<16xf32>
        %parallel_loop3A_202 = arith.index_cast %parallel_loop3A_195 : i32 to index
        %parallel_loop3A_203 = arith.constant 0 : index
        %parallel_loop3A_204 = tpu.vector_load %arg8[%parallel_loop3A_202, %parallel_loop3A_203] {strides = array<i32>} : memref<120x128xf32, #tpu.memory_space<vmem>>, vector<16xf32>,
        %parallel_loop3A_205 = arith.mulf %parallel_loop3A_204, %parallel_loop3A_201 : vector<16xf32>
        %parallel_loop3A_206 = arith.index_cast %parallel_loop3A_195 : i32 to index
        %parallel_loop3A_207 = arith.constant 0 : index
        %parallel_loop3A_208 = tpu.vector_load %arg8[%parallel_loop3A_206, %parallel_loop3A_207] {strides = array<i32>} : memref<120x128xf32, #tpu.memory_space<vmem>>, vector<16xf32>,
        tpu.vector_store %arg8[%parallel_loop3A_206, %parallel_loop3A_207], %parallel_loop3A_205 {strides = array<i32>} : memref<120x128xf32, #tpu.memory_space<vmem>>, vector<16xf32>,
        %parallel_loop3A_209 = arith.index_cast %parallel_loop3A_195 : i32 to index
        %parallel_loop3A_210 = arith.constant 16 : index
        %parallel_loop3A_211 = tpu.vector_load %arg8[%parallel_loop3A_209, %parallel_loop3A_210] {strides = array<i32>} : memref<120x128xf32, #tpu.memory_space<vmem>>, vector<16xf32>,
        %parallel_loop3A_212 = arith.mulf %parallel_loop3A_211, %parallel_loop3A_201 : vector<16xf32>
        %parallel_loop3A_213 = arith.index_cast %parallel_loop3A_195 : i32 to index
        %parallel_loop3A_214 = arith.constant 16 : index
        %parallel_loop3A_215 = tpu.vector_load %arg8[%parallel_loop3A_213, %parallel_loop3A_214] {strides = array<i32>} : memref<120x128xf32, #tpu.memory_space<vmem>>, vector<16xf32>,
        tpu.vector_store %arg8[%parallel_loop3A_213, %parallel_loop3A_214], %parallel_loop3A_212 {strides = array<i32>} : memref<120x128xf32, #tpu.memory_space<vmem>>, vector<16xf32>,
        %parallel_loop3A_216 = arith.index_cast %parallel_loop3A_195 : i32 to index
        %parallel_loop3A_217 = arith.constant 32 : index
        %parallel_loop3A_218 = tpu.vector_load %arg8[%parallel_loop3A_216, %parallel_loop3A_217] {strides = array<i32>} : memref<120x128xf32, #tpu.memory_space<vmem>>, vector<16xf32>,
        %parallel_loop3A_219 = arith.mulf %parallel_loop3A_218, %parallel_loop3A_201 : vector<16xf32>
        %parallel_loop3A_220 = arith.index_cast %parallel_loop3A_195 : i32 to index
        %parallel_loop3A_221 = arith.constant 32 : index
        %parallel_loop3A_222 = tpu.vector_load %arg8[%parallel_loop3A_220, %parallel_loop3A_221] {strides = array<i32>} : memref<120x128xf32, #tpu.memory_space<vmem>>, vector<16xf32>,
        tpu.vector_store %arg8[%parallel_loop3A_220, %parallel_loop3A_221], %parallel_loop3A_219 {strides = array<i32>} : memref<120x128xf32, #tpu.memory_space<vmem>>, vector<16xf32>,
        %parallel_loop3A_223 = arith.index_cast %parallel_loop3A_195 : i32 to index
        %parallel_loop3A_224 = arith.constant 48 : index
        %parallel_loop3A_225 = tpu.vector_load %arg8[%parallel_loop3A_223, %parallel_loop3A_224] {strides = array<i32>} : memref<120x128xf32, #tpu.memory_space<vmem>>, vector<16xf32>,
        %parallel_loop3A_226 = arith.mulf %parallel_loop3A_225, %parallel_loop3A_201 : vector<16xf32>
        %parallel_loop3A_227 = arith.index_cast %parallel_loop3A_195 : i32 to index
        %parallel_loop3A_228 = arith.constant 48 : index
        %parallel_loop3A_229 = tpu.vector_load %arg8[%parallel_loop3A_227, %parallel_loop3A_228] {strides = array<i32>} : memref<120x128xf32, #tpu.memory_space<vmem>>, vector<16xf32>,
        tpu.vector_store %arg8[%parallel_loop3A_227, %parallel_loop3A_228], %parallel_loop3A_226 {strides = array<i32>} : memref<120x128xf32, #tpu.memory_space<vmem>>, vector<16xf32>,
        %parallel_loop3A_230 = arith.index_cast %parallel_loop3A_195 : i32 to index
        %parallel_loop3A_231 = arith.constant 64 : index
        %parallel_loop3A_232 = tpu.vector_load %arg8[%parallel_loop3A_230, %parallel_loop3A_231] {strides = array<i32>} : memref<120x128xf32, #tpu.memory_space<vmem>>, vector<16xf32>,
        %parallel_loop3A_233 = arith.mulf %parallel_loop3A_232, %parallel_loop3A_201 : vector<16xf32>
        %parallel_loop3A_234 = arith.index_cast %parallel_loop3A_195 : i32 to index
        %parallel_loop3A_235 = arith.constant 64 : index
        %parallel_loop3A_236 = tpu.vector_load %arg8[%parallel_loop3A_234, %parallel_loop3A_235] {strides = array<i32>} : memref<120x128xf32, #tpu.memory_space<vmem>>, vector<16xf32>,
        tpu.vector_store %arg8[%parallel_loop3A_234, %parallel_loop3A_235], %parallel_loop3A_233 {strides = array<i32>} : memref<120x128xf32, #tpu.memory_space<vmem>>, vector<16xf32>,
        %parallel_loop3A_237 = arith.index_cast %parallel_loop3A_195 : i32 to index
        %parallel_loop3A_238 = arith.constant 80 : index
        %parallel_loop3A_239 = tpu.vector_load %arg8[%parallel_loop3A_237, %parallel_loop3A_238] {strides = array<i32>} : memref<120x128xf32, #tpu.memory_space<vmem>>, vector<16xf32>,
        %parallel_loop3A_240 = arith.mulf %parallel_loop3A_239, %parallel_loop3A_201 : vector<16xf32>
        %parallel_loop3A_241 = arith.index_cast %parallel_loop3A_195 : i32 to index
        %parallel_loop3A_242 = arith.constant 80 : index
        %parallel_loop3A_243 = tpu.vector_load %arg8[%parallel_loop3A_241, %parallel_loop3A_242] {strides = array<i32>} : memref<120x128xf32, #tpu.memory_space<vmem>>, vector<16xf32>,
        tpu.vector_store %arg8[%parallel_loop3A_241, %parallel_loop3A_242], %parallel_loop3A_240 {strides = array<i32>} : memref<120x128xf32, #tpu.memory_space<vmem>>, vector<16xf32>,
        %parallel_loop3A_244 = arith.index_cast %parallel_loop3A_195 : i32 to index
        %parallel_loop3A_245 = arith.constant 96 : index
        %parallel_loop3A_246 = tpu.vector_load %arg8[%parallel_loop3A_244, %parallel_loop3A_245] {strides = array<i32>} : memref<120x128xf32, #tpu.memory_space<vmem>>, vector<16xf32>,
        %parallel_loop3A_247 = arith.mulf %parallel_loop3A_246, %parallel_loop3A_201 : vector<16xf32>
        %parallel_loop3A_248 = arith.index_cast %parallel_loop3A_195 : i32 to index
        %parallel_loop3A_249 = arith.constant 96 : index
        %parallel_loop3A_250 = tpu.vector_load %arg8[%parallel_loop3A_248, %parallel_loop3A_249] {strides = array<i32>} : memref<120x128xf32, #tpu.memory_space<vmem>>, vector<16xf32>,
        tpu.vector_store %arg8[%parallel_loop3A_248, %parallel_loop3A_249], %parallel_loop3A_247 {strides = array<i32>} : memref<120x128xf32, #tpu.memory_space<vmem>>, vector<16xf32>,
        %parallel_loop3A_251 = arith.index_cast %parallel_loop3A_195 : i32 to index
        %parallel_loop3A_252 = arith.constant 112 : index
        %parallel_loop3A_253 = tpu.vector_load %arg8[%parallel_loop3A_251, %parallel_loop3A_252] {strides = array<i32>} : memref<120x128xf32, #tpu.memory_space<vmem>>, vector<16xf32>,
        %parallel_loop3A_254 = arith.mulf %parallel_loop3A_253, %parallel_loop3A_201 : vector<16xf32>
        %parallel_loop3A_255 = arith.index_cast %parallel_loop3A_195 : i32 to index
        %parallel_loop3A_256 = arith.constant 112 : index
        %parallel_loop3A_257 = tpu.vector_load %arg8[%parallel_loop3A_255, %parallel_loop3A_256] {strides = array<i32>} : memref<120x128xf32, #tpu.memory_space<vmem>>, vector<16xf32>,
        tpu.vector_store %arg8[%parallel_loop3A_255, %parallel_loop3A_256], %parallel_loop3A_254 {strides = array<i32>} : memref<120x128xf32, #tpu.memory_space<vmem>>, vector<16xf32>,
      } {sc.loop_unroll_factor = 8 : i64, sc.parallel_access}
      %dma_start3A_138 = arith.constant 1 : i32
      %dma_start3A_139 = arith.constant 0 : i32
      %dma_start3A_140 = tpu.memref_slice %arg6[%rem3A_126, %dma_start3A_138, %dma_start3A_139] : memref<6x3x120xi32, #tpu.memory_space<vmem>> -> memref<1x1x120xi32, #tpu.memory_space<vmem>>
      %dma_start3A_141 = tpu.memref_squeeze %dma_start3A_140 : memref<1x1x120xi32, #tpu.memory_space<vmem>> -> memref<120xi32, #tpu.memory_space<vmem>>
      %dma_start3A_142 = arith.constant 0 : i32
      %dma_start3A_143 = arith.constant 0 : i32
      %dma_start3A_144 = tpu.memref_slice %arg19[%dma_start3A_142, %dma_start3A_143] : memref<10112x128xf32, #tpu.memory_space<vmem_shared>> -> memref<10112x128xf32, #tpu.memory_space<vmem_shared>>
      tpu.enqueue_indirect_dma source(%arg8 : memref<120x128xf32, #tpu.memory_space<vmem>>) target(%dma_start3A_144 : memref<10112x128xf32, #tpu.memory_space<vmem_shared>>) offsets(%dma_start3A_141 : memref<120xi32, #tpu.memory_space<vmem>>) semaphore(%arg14 : memref<!tpu.dma_semaphore, #tpu.memory_space<semaphore_mem>>) {add = true}
      %add3A_145 = arith.constant 2 : i32
      %add3A_146 = arith.addi %add3A_124, %add3A_145 : i32
      %lt3A_147 = arith.constant 84 : i32
      %lt3A_148 = arith.cmpi slt, %add3A_146, %lt3A_147 : i32
      %convert_element_type3A_149 = arith.extui %lt3A_148 : i1 to i32
      %cond3A_150 = arith.constant 0 : i32
      %cond3A_151 = arith.cmpi ne, %convert_element_type3A_149, %cond3A_150 : i32
      scf.if %cond3A_151 {
        %add3A_195 = arith.constant 2 : i32
        %add3A_196 = arith.addi %add3A_124, %add3A_195 : i32
        %rem3A_197 = arith.constant 6 : i32
        %rem3A_198 = arith.remsi %add3A_196, %rem3A_197 : i32
        %add3A_199 = arith.constant 2 : i32
        %add3A_200 = arith.addi %add3A_124, %add3A_199 : i32
        %dma_wait3A_201 = arith.constant 0 : i32
        %dma_wait3A_202 = arith.constant 0 : i32
        %dma_wait3A_203 = tpu.memref_slice %arg6[%rem3A_198, %dma_wait3A_201, %dma_wait3A_202] : memref<6x3x120xi32, #tpu.memory_space<vmem>> -> memref<1x3x120xi32, #tpu.memory_space<vmem>>
        %dma_wait3A_204 = tpu.memref_squeeze %dma_wait3A_203 : memref<1x3x120xi32, #tpu.memory_space<vmem>> -> memref<3x120xi32, #tpu.memory_space<vmem>>
        %dma_wait3A_205 = arith.constant 0 : i32
        %dma_wait3A_206 = arith.constant 0 : i32
        %dma_wait3A_207 = tpu.memref_slice %arg3[%add3A, %add3A_200, %dma_wait3A_205, %dma_wait3A_206] : memref<32x84x3x120xi32, #tpu.memory_space<hbm>> -> memref<1x1x3x120xi32, #tpu.memory_space<hbm>>
        %dma_wait3A_208 = tpu.memref_squeeze %dma_wait3A_207 : memref<1x1x3x120xi32, #tpu.memory_space<hbm>> -> memref<3x120xi32, #tpu.memory_space<hbm>>
        %dma_wait3A_209 = arith.constant 0 : i32
        %dma_wait3A_210 = arith.constant 0 : i32
        %dma_wait3A_211 = tpu.memref_slice %arg6[%rem3A_198, %dma_wait3A_209, %dma_wait3A_210] : memref<6x3x120xi32, #tpu.memory_space<vmem>> -> memref<1x3x120xi32, #tpu.memory_space<vmem>>
        %dma_wait3A_212 = tpu.memref_squeeze %dma_wait3A_211 : memref<1x3x120xi32, #tpu.memory_space<vmem>> -> memref<3x120xi32, #tpu.memory_space<vmem>>
        %dma_wait3A_213 = arith.constant 0 : i32
        %dma_wait3A_214 = arith.constant 0 : i32
        %dma_wait3A_215 = tpu.memref_slice %arg3[%add3A, %add3A_200, %dma_wait3A_213, %dma_wait3A_214] : memref<32x84x3x120xi32, #tpu.memory_space<hbm>> -> memref<1x1x3x120xi32, #tpu.memory_space<hbm>>
        %dma_wait3A_216 = tpu.memref_squeeze %dma_wait3A_215 : memref<1x1x3x120xi32, #tpu.memory_space<hbm>> -> memref<3x120xi32, #tpu.memory_space<hbm>>
        tpu.wait_dma2 semaphore(%arg16 : memref<!tpu.dma_semaphore, #tpu.memory_space<semaphore_mem>>) src(%dma_wait3A_216 : memref<3x120xi32, #tpu.memory_space<hbm>>) dst(%dma_wait3A_212 : memref<3x120xi32, #tpu.memory_space<vmem>>)
        %ge3A = arith.constant 1 : i32
        %ge3A_217 = arith.cmpi sge, %add3A_124, %ge3A : i32
        %convert_element_type3A_218 = arith.extui %ge3A_217 : i1 to i32
        %cond3A_219 = arith.constant 0 : i32
        %cond3A_220 = arith.cmpi ne, %convert_element_type3A_218, %cond3A_219 : i32
        scf.if %cond3A_220 {
          %add3A_228 = arith.constant 5 : i32
          %add3A_229 = arith.addi %add3A_124, %add3A_228 : i32
          %rem3A_230 = arith.constant 6 : i32
          %rem3A_231 = arith.remsi %add3A_229, %rem3A_230 : i32
          %dma_wait3A_232 = arith.constant 1 : i32
          %dma_wait3A_233 = arith.constant 0 : i32
          %dma_wait3A_234 = tpu.memref_slice %arg6[%rem3A_231, %dma_wait3A_232, %dma_wait3A_233] : memref<6x3x120xi32, #tpu.memory_space<vmem>> -> memref<1x1x120xi32, #tpu.memory_space<vmem>>
          %dma_wait3A_235 = tpu.memref_squeeze %dma_wait3A_234 : memref<1x1x120xi32, #tpu.memory_space<vmem>> -> memref<120xi32, #tpu.memory_space<vmem>>
          %dma_wait3A_236 = arith.constant 0 : i32
          %dma_wait3A_237 = arith.constant 0 : i32
          %dma_wait3A_238 = tpu.memref_slice %arg19[%dma_wait3A_236, %dma_wait3A_237] : memref<10112x128xf32, #tpu.memory_space<vmem_shared>> -> memref<10112x128xf32, #tpu.memory_space<vmem_shared>>
          tpu.wait_indirect_dma semaphore(%arg13 : memref<!tpu.dma_semaphore, #tpu.memory_space<semaphore_mem>>) src(%arg7 : memref<120x128xf32, #tpu.memory_space<vmem>>) dst(%dma_wait3A_238 : memref<10112x128xf32, #tpu.memory_space<vmem_shared>>)
        } else {
        }
        %dma_start3A_221 = arith.constant 0 : i32
        %dma_start3A_222 = arith.constant 0 : i32
        %dma_start3A_223 = tpu.memref_slice %arg6[%rem3A_198, %dma_start3A_221, %dma_start3A_222] : memref<6x3x120xi32, #tpu.memory_space<vmem>> -> memref<1x1x120xi32, #tpu.memory_space<vmem>>
        %dma_start3A_224 = tpu.memref_squeeze %dma_start3A_223 : memref<1x1x120xi32, #tpu.memory_space<vmem>> -> memref<120xi32, #tpu.memory_space<vmem>>
        %dma_start3A_225 = arith.constant 0 : i32
        %dma_start3A_226 = arith.constant 0 : i32
        %dma_start3A_227 = tpu.memref_slice %arg2[%dma_start3A_225, %dma_start3A_226] : memref<10000x128xf32, #tpu.memory_space<hbm>> -> memref<10000x128xf32, #tpu.memory_space<hbm>>
        tpu.enqueue_indirect_dma source(%dma_start3A_227 : memref<10000x128xf32, #tpu.memory_space<hbm>>) target(%arg7 : memref<120x128xf32, #tpu.memory_space<vmem>>) offsets(%dma_start3A_224 : memref<120xi32, #tpu.memory_space<vmem>>) semaphore(%arg10 : memref<!tpu.dma_semaphore, #tpu.memory_space<semaphore_mem>>)
      } else {
      }
      %add3A_152 = arith.constant 4 : i32
      %add3A_153 = arith.addi %add3A_124, %add3A_152 : i32
      %lt3A_154 = arith.constant 84 : i32
      %lt3A_155 = arith.cmpi slt, %add3A_153, %lt3A_154 : i32
      %convert_element_type3A_156 = arith.extui %lt3A_155 : i1 to i32
      %cond3A_157 = arith.constant 0 : i32
      %cond3A_158 = arith.cmpi ne, %convert_element_type3A_156, %cond3A_157 : i32
      scf.if %cond3A_158 {
        %add3A_195 = arith.constant 4 : i32
        %add3A_196 = arith.addi %add3A_124, %add3A_195 : i32
        %add3A_197 = arith.constant 4 : i32
        %add3A_198 = arith.addi %add3A_124, %add3A_197 : i32
        %rem3A_199 = arith.constant 6 : i32
        %rem3A_200 = arith.remsi %add3A_198, %rem3A_199 : i32
        %dma_start3A_201 = arith.constant 0 : i32
        %dma_start3A_202 = arith.constant 0 : i32
        %dma_start3A_203 = tpu.memref_slice %arg6[%rem3A_200, %dma_start3A_201, %dma_start3A_202] : memref<6x3x120xi32, #tpu.memory_space<vmem>> -> memref<1x3x120xi32, #tpu.memory_space<vmem>>
        %dma_start3A_204 = tpu.memref_squeeze %dma_start3A_203 : memref<1x3x120xi32, #tpu.memory_space<vmem>> -> memref<3x120xi32, #tpu.memory_space<vmem>>
        %dma_start3A_205 = arith.constant 0 : i32
        %dma_start3A_206 = arith.constant 0 : i32
        %dma_start3A_207 = tpu.memref_slice %arg3[%add3A, %add3A_196, %dma_start3A_205, %dma_start3A_206] : memref<32x84x3x120xi32, #tpu.memory_space<hbm>> -> memref<1x1x3x120xi32, #tpu.memory_space<hbm>>
        %dma_start3A_208 = tpu.memref_squeeze %dma_start3A_207 : memref<1x1x3x120xi32, #tpu.memory_space<hbm>> -> memref<3x120xi32, #tpu.memory_space<hbm>>
        %dma_start3A_209 = arith.constant 0 : i32
        %dma_start3A_210 = arith.constant 0 : i32
        %dma_start3A_211 = tpu.memref_slice %arg6[%rem3A_200, %dma_start3A_209, %dma_start3A_210] : memref<6x3x120xi32, #tpu.memory_space<vmem>> -> memref<1x3x120xi32, #tpu.memory_space<vmem>>
        %dma_start3A_212 = tpu.memref_squeeze %dma_start3A_211 : memref<1x3x120xi32, #tpu.memory_space<vmem>> -> memref<3x120xi32, #tpu.memory_space<vmem>>
        %dma_start3A_213 = arith.constant 0 : i32
        %dma_start3A_214 = arith.constant 0 : i32
        %dma_start3A_215 = tpu.memref_slice %arg3[%add3A, %add3A_196, %dma_start3A_213, %dma_start3A_214] : memref<32x84x3x120xi32, #tpu.memory_space<hbm>> -> memref<1x1x3x120xi32, #tpu.memory_space<hbm>>
        %dma_start3A_216 = tpu.memref_squeeze %dma_start3A_215 : memref<1x1x3x120xi32, #tpu.memory_space<hbm>> -> memref<3x120xi32, #tpu.memory_space<hbm>>
        tpu.enqueue_dma source(%dma_start3A_216 : memref<3x120xi32, #tpu.memory_space<hbm>>) target(%dma_start3A_212 : memref<3x120xi32, #tpu.memory_space<vmem>>) target_semaphore(%arg18 : memref<!tpu.dma_semaphore, #tpu.memory_space<semaphore_mem>>)
      } else {
      }
      %add3A_159 = arith.constant 2 : i32
      %add3A_160 = arith.addi %add3A_93, %add3A_159 : i32
      %rem3A_161 = arith.constant 6 : i32
      %rem3A_162 = arith.remsi %add3A_160, %rem3A_161 : i32
      %dma_wait3A_163 = arith.constant 0 : i32
      %dma_wait3A_164 = arith.constant 0 : i32
      %dma_wait3A_165 = tpu.memref_slice %arg6[%rem3A_162, %dma_wait3A_163, %dma_wait3A_164] : memref<6x3x120xi32, #tpu.memory_space<vmem>> -> memref<1x1x120xi32, #tpu.memory_space<vmem>>
      %dma_wait3A_166 = tpu.memref_squeeze %dma_wait3A_165 : memref<1x1x120xi32, #tpu.memory_space<vmem>> -> memref<120xi32, #tpu.memory_space<vmem>>
      %dma_wait3A_167 = arith.constant 0 : i32
      %dma_wait3A_168 = arith.constant 0 : i32
      %dma_wait3A_169 = tpu.memref_slice %arg2[%dma_wait3A_167, %dma_wait3A_168] : memref<10000x128xf32, #tpu.memory_space<hbm>> -> memref<10000x128xf32, #tpu.memory_space<hbm>>
      tpu.wait_indirect_dma semaphore(%arg12 : memref<!tpu.dma_semaphore, #tpu.memory_space<semaphore_mem>>) src(%dma_wait3A_169 : memref<10000x128xf32, #tpu.memory_space<hbm>>) dst(%arg9 : memref<120x128xf32, #tpu.memory_space<vmem>>)
      %parallel_loop3A_170 = arith.constant 0 : i32
      %parallel_loop3A_171 = arith.constant 120 : i32
      %parallel_loop3A_172 = arith.constant 1 : i32
      %parallel_loop3A_173 = arith.constant 2 : i32
      scf.for %parallel_loop3A_195 = %parallel_loop3A_170 to %parallel_loop3A_171 step %parallel_loop3A_172  : i32 {
        %parallel_loop3A_196 = vector.broadcast %parallel_loop3A_195 : i32 to vector<16xi32>
        %parallel_loop3A_197 = arith.constant 0 : i32
        %parallel_loop3A_198 = tpu.memref_slice %arg6[%rem3A_162, %parallel_loop3A_173, %parallel_loop3A_197] : memref<6x3x120xi32, #tpu.memory_space<vmem>> -> memref<1x1x120xi32, #tpu.memory_space<vmem>>
        %parallel_loop3A_199 = tpu.memref_squeeze %parallel_loop3A_198 : memref<1x1x120xi32, #tpu.memory_space<vmem>> -> memref<120xi32, #tpu.memory_space<vmem>>
        %parallel_loop3A_200 = tpu.vector_load_idx %parallel_loop3A_199[%parallel_loop3A_196] : memref<120xi32, #tpu.memory_space<vmem>>[vector<16xi32>], vector<16xi32>,
        %parallel_loop3A_201 = vector.bitcast %parallel_loop3A_200 : vector<16xi32> to vector<16xf32>
        %parallel_loop3A_202 = arith.index_cast %parallel_loop3A_195 : i32 to index
        %parallel_loop3A_203 = arith.constant 0 : index
        %parallel_loop3A_204 = tpu.vector_load %arg9[%parallel_loop3A_202, %parallel_loop3A_203] {strides = array<i32>} : memref<120x128xf32, #tpu.memory_space<vmem>>, vector<16xf32>,
        %parallel_loop3A_205 = arith.mulf %parallel_loop3A_204, %parallel_loop3A_201 : vector<16xf32>
        %parallel_loop3A_206 = arith.index_cast %parallel_loop3A_195 : i32 to index
        %parallel_loop3A_207 = arith.constant 0 : index
        %parallel_loop3A_208 = tpu.vector_load %arg9[%parallel_loop3A_206, %parallel_loop3A_207] {strides = array<i32>} : memref<120x128xf32, #tpu.memory_space<vmem>>, vector<16xf32>,
        tpu.vector_store %arg9[%parallel_loop3A_206, %parallel_loop3A_207], %parallel_loop3A_205 {strides = array<i32>} : memref<120x128xf32, #tpu.memory_space<vmem>>, vector<16xf32>,
        %parallel_loop3A_209 = arith.index_cast %parallel_loop3A_195 : i32 to index
        %parallel_loop3A_210 = arith.constant 16 : index
        %parallel_loop3A_211 = tpu.vector_load %arg9[%parallel_loop3A_209, %parallel_loop3A_210] {strides = array<i32>} : memref<120x128xf32, #tpu.memory_space<vmem>>, vector<16xf32>,
        %parallel_loop3A_212 = arith.mulf %parallel_loop3A_211, %parallel_loop3A_201 : vector<16xf32>
        %parallel_loop3A_213 = arith.index_cast %parallel_loop3A_195 : i32 to index
        %parallel_loop3A_214 = arith.constant 16 : index
        %parallel_loop3A_215 = tpu.vector_load %arg9[%parallel_loop3A_213, %parallel_loop3A_214] {strides = array<i32>} : memref<120x128xf32, #tpu.memory_space<vmem>>, vector<16xf32>,
        tpu.vector_store %arg9[%parallel_loop3A_213, %parallel_loop3A_214], %parallel_loop3A_212 {strides = array<i32>} : memref<120x128xf32, #tpu.memory_space<vmem>>, vector<16xf32>,
        %parallel_loop3A_216 = arith.index_cast %parallel_loop3A_195 : i32 to index
        %parallel_loop3A_217 = arith.constant 32 : index
        %parallel_loop3A_218 = tpu.vector_load %arg9[%parallel_loop3A_216, %parallel_loop3A_217] {strides = array<i32>} : memref<120x128xf32, #tpu.memory_space<vmem>>, vector<16xf32>,
        %parallel_loop3A_219 = arith.mulf %parallel_loop3A_218, %parallel_loop3A_201 : vector<16xf32>
        %parallel_loop3A_220 = arith.index_cast %parallel_loop3A_195 : i32 to index
        %parallel_loop3A_221 = arith.constant 32 : index
        %parallel_loop3A_222 = tpu.vector_load %arg9[%parallel_loop3A_220, %parallel_loop3A_221] {strides = array<i32>} : memref<120x128xf32, #tpu.memory_space<vmem>>, vector<16xf32>,
        tpu.vector_store %arg9[%parallel_loop3A_220, %parallel_loop3A_221], %parallel_loop3A_219 {strides = array<i32>} : memref<120x128xf32, #tpu.memory_space<vmem>>, vector<16xf32>,
        %parallel_loop3A_223 = arith.index_cast %parallel_loop3A_195 : i32 to index
        %parallel_loop3A_224 = arith.constant 48 : index
        %parallel_loop3A_225 = tpu.vector_load %arg9[%parallel_loop3A_223, %parallel_loop3A_224] {strides = array<i32>} : memref<120x128xf32, #tpu.memory_space<vmem>>, vector<16xf32>,
        %parallel_loop3A_226 = arith.mulf %parallel_loop3A_225, %parallel_loop3A_201 : vector<16xf32>
        %parallel_loop3A_227 = arith.index_cast %parallel_loop3A_195 : i32 to index
        %parallel_loop3A_228 = arith.constant 48 : index
        %parallel_loop3A_229 = tpu.vector_load %arg9[%parallel_loop3A_227, %parallel_loop3A_228] {strides = array<i32>} : memref<120x128xf32, #tpu.memory_space<vmem>>, vector<16xf32>,
        tpu.vector_store %arg9[%parallel_loop3A_227, %parallel_loop3A_228], %parallel_loop3A_226 {strides = array<i32>} : memref<120x128xf32, #tpu.memory_space<vmem>>, vector<16xf32>,
        %parallel_loop3A_230 = arith.index_cast %parallel_loop3A_195 : i32 to index
        %parallel_loop3A_231 = arith.constant 64 : index
        %parallel_loop3A_232 = tpu.vector_load %arg9[%parallel_loop3A_230, %parallel_loop3A_231] {strides = array<i32>} : memref<120x128xf32, #tpu.memory_space<vmem>>, vector<16xf32>,
        %parallel_loop3A_233 = arith.mulf %parallel_loop3A_232, %parallel_loop3A_201 : vector<16xf32>
        %parallel_loop3A_234 = arith.index_cast %parallel_loop3A_195 : i32 to index
        %parallel_loop3A_235 = arith.constant 64 : index
        %parallel_loop3A_236 = tpu.vector_load %arg9[%parallel_loop3A_234, %parallel_loop3A_235] {strides = array<i32>} : memref<120x128xf32, #tpu.memory_space<vmem>>, vector<16xf32>,
        tpu.vector_store %arg9[%parallel_loop3A_234, %parallel_loop3A_235], %parallel_loop3A_233 {strides = array<i32>} : memref<120x128xf32, #tpu.memory_space<vmem>>, vector<16xf32>,
        %parallel_loop3A_237 = arith.index_cast %parallel_loop3A_195 : i32 to index
        %parallel_loop3A_238 = arith.constant 80 : index
        %parallel_loop3A_239 = tpu.vector_load %arg9[%parallel_loop3A_237, %parallel_loop3A_238] {strides = array<i32>} : memref<120x128xf32, #tpu.memory_space<vmem>>, vector<16xf32>,
        %parallel_loop3A_240 = arith.mulf %parallel_loop3A_239, %parallel_loop3A_201 : vector<16xf32>
        %parallel_loop3A_241 = arith.index_cast %parallel_loop3A_195 : i32 to index
        %parallel_loop3A_242 = arith.constant 80 : index
        %parallel_loop3A_243 = tpu.vector_load %arg9[%parallel_loop3A_241, %parallel_loop3A_242] {strides = array<i32>} : memref<120x128xf32, #tpu.memory_space<vmem>>, vector<16xf32>,
        tpu.vector_store %arg9[%parallel_loop3A_241, %parallel_loop3A_242], %parallel_loop3A_240 {strides = array<i32>} : memref<120x128xf32, #tpu.memory_space<vmem>>, vector<16xf32>,
        %parallel_loop3A_244 = arith.index_cast %parallel_loop3A_195 : i32 to index
        %parallel_loop3A_245 = arith.constant 96 : index
        %parallel_loop3A_246 = tpu.vector_load %arg9[%parallel_loop3A_244, %parallel_loop3A_245] {strides = array<i32>} : memref<120x128xf32, #tpu.memory_space<vmem>>, vector<16xf32>,
        %parallel_loop3A_247 = arith.mulf %parallel_loop3A_246, %parallel_loop3A_201 : vector<16xf32>
        %parallel_loop3A_248 = arith.index_cast %parallel_loop3A_195 : i32 to index
        %parallel_loop3A_249 = arith.constant 96 : index
        %parallel_loop3A_250 = tpu.vector_load %arg9[%parallel_loop3A_248, %parallel_loop3A_249] {strides = array<i32>} : memref<120x128xf32, #tpu.memory_space<vmem>>, vector<16xf32>,
        tpu.vector_store %arg9[%parallel_loop3A_248, %parallel_loop3A_249], %parallel_loop3A_247 {strides = array<i32>} : memref<120x128xf32, #tpu.memory_space<vmem>>, vector<16xf32>,
        %parallel_loop3A_251 = arith.index_cast %parallel_loop3A_195 : i32 to index
        %parallel_loop3A_252 = arith.constant 112 : index
        %parallel_loop3A_253 = tpu.vector_load %arg9[%parallel_loop3A_251, %parallel_loop3A_252] {strides = array<i32>} : memref<120x128xf32, #tpu.memory_space<vmem>>, vector<16xf32>,
        %parallel_loop3A_254 = arith.mulf %parallel_loop3A_253, %parallel_loop3A_201 : vector<16xf32>
        %parallel_loop3A_255 = arith.index_cast %parallel_loop3A_195 : i32 to index
        %parallel_loop3A_256 = arith.constant 112 : index
        %parallel_loop3A_257 = tpu.vector_load %arg9[%parallel_loop3A_255, %parallel_loop3A_256] {strides = array<i32>} : memref<120x128xf32, #tpu.memory_space<vmem>>, vector<16xf32>,
        tpu.vector_store %arg9[%parallel_loop3A_255, %parallel_loop3A_256], %parallel_loop3A_254 {strides = array<i32>} : memref<120x128xf32, #tpu.memory_space<vmem>>, vector<16xf32>,
      } {sc.loop_unroll_factor = 8 : i64, sc.parallel_access}
      %dma_start3A_174 = arith.constant 1 : i32
      %dma_start3A_175 = arith.constant 0 : i32
      %dma_start3A_176 = tpu.memref_slice %arg6[%rem3A_162, %dma_start3A_174, %dma_start3A_175] : memref<6x3x120xi32, #tpu.memory_space<vmem>> -> memref<1x1x120xi32, #tpu.memory_space<vmem>>
      %dma_start3A_177 = tpu.memref_squeeze %dma_start3A_176 : memref<1x1x120xi32, #tpu.memory_space<vmem>> -> memref<120xi32, #tpu.memory_space<vmem>>
      %dma_start3A_178 = arith.constant 0 : i32
      %dma_start3A_179 = arith.constant 0 : i32
      %dma_start3A_180 = tpu.memref_slice %arg19[%dma_start3A_178, %dma_start3A_179] : memref<10112x128xf32, #tpu.memory_space<vmem_shared>> -> memref<10112x128xf32, #tpu.memory_space<vmem_shared>>
      tpu.enqueue_indirect_dma source(%arg9 : memref<120x128xf32, #tpu.memory_space<vmem>>) target(%dma_start3A_180 : memref<10112x128xf32, #tpu.memory_space<vmem_shared>>) offsets(%dma_start3A_177 : memref<120xi32, #tpu.memory_space<vmem>>) semaphore(%arg15 : memref<!tpu.dma_semaphore, #tpu.memory_space<semaphore_mem>>) {add = true}
      %add3A_181 = arith.constant 2 : i32
      %add3A_182 = arith.addi %add3A_160, %add3A_181 : i32
      %lt3A_183 = arith.constant 84 : i32
      %lt3A_184 = arith.cmpi slt, %add3A_182, %lt3A_183 : i32
      %convert_element_type3A_185 = arith.extui %lt3A_184 : i1 to i32
      %cond3A_186 = arith.constant 0 : i32
      %cond3A_187 = arith.cmpi ne, %convert_element_type3A_185, %cond3A_186 : i32
      scf.if %cond3A_187 {
        %add3A_195 = arith.constant 2 : i32
        %add3A_196 = arith.addi %add3A_160, %add3A_195 : i32
        %rem3A_197 = arith.constant 6 : i32
        %rem3A_198 = arith.remsi %add3A_196, %rem3A_197 : i32
        %add3A_199 = arith.constant 2 : i32
        %add3A_200 = arith.addi %add3A_160, %add3A_199 : i32
        %dma_wait3A_201 = arith.constant 0 : i32
        %dma_wait3A_202 = arith.constant 0 : i32
        %dma_wait3A_203 = tpu.memref_slice %arg6[%rem3A_198, %dma_wait3A_201, %dma_wait3A_202] : memref<6x3x120xi32, #tpu.memory_space<vmem>> -> memref<1x3x120xi32, #tpu.memory_space<vmem>>
        %dma_wait3A_204 = tpu.memref_squeeze %dma_wait3A_203 : memref<1x3x120xi32, #tpu.memory_space<vmem>> -> memref<3x120xi32, #tpu.memory_space<vmem>>
        %dma_wait3A_205 = arith.constant 0 : i32
        %dma_wait3A_206 = arith.constant 0 : i32
        %dma_wait3A_207 = tpu.memref_slice %arg3[%add3A, %add3A_200, %dma_wait3A_205, %dma_wait3A_206] : memref<32x84x3x120xi32, #tpu.memory_space<hbm>> -> memref<1x1x3x120xi32, #tpu.memory_space<hbm>>
        %dma_wait3A_208 = tpu.memref_squeeze %dma_wait3A_207 : memref<1x1x3x120xi32, #tpu.memory_space<hbm>> -> memref<3x120xi32, #tpu.memory_space<hbm>>
        %dma_wait3A_209 = arith.constant 0 : i32
        %dma_wait3A_210 = arith.constant 0 : i32
        %dma_wait3A_211 = tpu.memref_slice %arg6[%rem3A_198, %dma_wait3A_209, %dma_wait3A_210] : memref<6x3x120xi32, #tpu.memory_space<vmem>> -> memref<1x3x120xi32, #tpu.memory_space<vmem>>
        %dma_wait3A_212 = tpu.memref_squeeze %dma_wait3A_211 : memref<1x3x120xi32, #tpu.memory_space<vmem>> -> memref<3x120xi32, #tpu.memory_space<vmem>>
        %dma_wait3A_213 = arith.constant 0 : i32
        %dma_wait3A_214 = arith.constant 0 : i32
        %dma_wait3A_215 = tpu.memref_slice %arg3[%add3A, %add3A_200, %dma_wait3A_213, %dma_wait3A_214] : memref<32x84x3x120xi32, #tpu.memory_space<hbm>> -> memref<1x1x3x120xi32, #tpu.memory_space<hbm>>
        %dma_wait3A_216 = tpu.memref_squeeze %dma_wait3A_215 : memref<1x1x3x120xi32, #tpu.memory_space<hbm>> -> memref<3x120xi32, #tpu.memory_space<hbm>>
        tpu.wait_dma2 semaphore(%arg17 : memref<!tpu.dma_semaphore, #tpu.memory_space<semaphore_mem>>) src(%dma_wait3A_216 : memref<3x120xi32, #tpu.memory_space<hbm>>) dst(%dma_wait3A_212 : memref<3x120xi32, #tpu.memory_space<vmem>>)
        %ge3A = arith.constant 1 : i32
        %ge3A_217 = arith.cmpi sge, %add3A_160, %ge3A : i32
        %convert_element_type3A_218 = arith.extui %ge3A_217 : i1 to i32
        %cond3A_219 = arith.constant 0 : i32
        %cond3A_220 = arith.cmpi ne, %convert_element_type3A_218, %cond3A_219 : i32
        scf.if %cond3A_220 {
          %add3A_228 = arith.constant 5 : i32
          %add3A_229 = arith.addi %add3A_160, %add3A_228 : i32
          %rem3A_230 = arith.constant 6 : i32
          %rem3A_231 = arith.remsi %add3A_229, %rem3A_230 : i32
          %dma_wait3A_232 = arith.constant 1 : i32
          %dma_wait3A_233 = arith.constant 0 : i32
          %dma_wait3A_234 = tpu.memref_slice %arg6[%rem3A_231, %dma_wait3A_232, %dma_wait3A_233] : memref<6x3x120xi32, #tpu.memory_space<vmem>> -> memref<1x1x120xi32, #tpu.memory_space<vmem>>
          %dma_wait3A_235 = tpu.memref_squeeze %dma_wait3A_234 : memref<1x1x120xi32, #tpu.memory_space<vmem>> -> memref<120xi32, #tpu.memory_space<vmem>>
          %dma_wait3A_236 = arith.constant 0 : i32
          %dma_wait3A_237 = arith.constant 0 : i32
          %dma_wait3A_238 = tpu.memref_slice %arg19[%dma_wait3A_236, %dma_wait3A_237] : memref<10112x128xf32, #tpu.memory_space<vmem_shared>> -> memref<10112x128xf32, #tpu.memory_space<vmem_shared>>
          tpu.wait_indirect_dma semaphore(%arg14 : memref<!tpu.dma_semaphore, #tpu.memory_space<semaphore_mem>>) src(%arg8 : memref<120x128xf32, #tpu.memory_space<vmem>>) dst(%dma_wait3A_238 : memref<10112x128xf32, #tpu.memory_space<vmem_shared>>)
        } else {
        }
        %dma_start3A_221 = arith.constant 0 : i32
        %dma_start3A_222 = arith.constant 0 : i32
        %dma_start3A_223 = tpu.memref_slice %arg6[%rem3A_198, %dma_start3A_221, %dma_start3A_222] : memref<6x3x120xi32, #tpu.memory_space<vmem>> -> memref<1x1x120xi32, #tpu.memory_space<vmem>>
        %dma_start3A_224 = tpu.memref_squeeze %dma_start3A_223 : memref<1x1x120xi32, #tpu.memory_space<vmem>> -> memref<120xi32, #tpu.memory_space<vmem>>
        %dma_start3A_225 = arith.constant 0 : i32
        %dma_start3A_226 = arith.constant 0 : i32
        %dma_start3A_227 = tpu.memref_slice %arg2[%dma_start3A_225, %dma_start3A_226] : memref<10000x128xf32, #tpu.memory_space<hbm>> -> memref<10000x128xf32, #tpu.memory_space<hbm>>
        tpu.enqueue_indirect_dma source(%dma_start3A_227 : memref<10000x128xf32, #tpu.memory_space<hbm>>) target(%arg8 : memref<120x128xf32, #tpu.memory_space<vmem>>) offsets(%dma_start3A_224 : memref<120xi32, #tpu.memory_space<vmem>>) semaphore(%arg11 : memref<!tpu.dma_semaphore, #tpu.memory_space<semaphore_mem>>)
      } else {
      }
      %add3A_188 = arith.constant 4 : i32
      %add3A_189 = arith.addi %add3A_160, %add3A_188 : i32
      %lt3A_190 = arith.constant 84 : i32
      %lt3A_191 = arith.cmpi slt, %add3A_189, %lt3A_190 : i32
      %convert_element_type3A_192 = arith.extui %lt3A_191 : i1 to i32
      %cond3A_193 = arith.constant 0 : i32
      %cond3A_194 = arith.cmpi ne, %convert_element_type3A_192, %cond3A_193 : i32
      scf.if %cond3A_194 {
        %add3A_195 = arith.constant 4 : i32
        %add3A_196 = arith.addi %add3A_160, %add3A_195 : i32
        %add3A_197 = arith.constant 4 : i32
        %add3A_198 = arith.addi %add3A_160, %add3A_197 : i32
        %rem3A_199 = arith.constant 6 : i32
        %rem3A_200 = arith.remsi %add3A_198, %rem3A_199 : i32
        %dma_start3A_201 = arith.constant 0 : i32
        %dma_start3A_202 = arith.constant 0 : i32
        %dma_start3A_203 = tpu.memref_slice %arg6[%rem3A_200, %dma_start3A_201, %dma_start3A_202] : memref<6x3x120xi32, #tpu.memory_space<vmem>> -> memref<1x3x120xi32, #tpu.memory_space<vmem>>
        %dma_start3A_204 = tpu.memref_squeeze %dma_start3A_203 : memref<1x3x120xi32, #tpu.memory_space<vmem>> -> memref<3x120xi32, #tpu.memory_space<vmem>>
        %dma_start3A_205 = arith.constant 0 : i32
        %dma_start3A_206 = arith.constant 0 : i32
        %dma_start3A_207 = tpu.memref_slice %arg3[%add3A, %add3A_196, %dma_start3A_205, %dma_start3A_206] : memref<32x84x3x120xi32, #tpu.memory_space<hbm>> -> memref<1x1x3x120xi32, #tpu.memory_space<hbm>>
        %dma_start3A_208 = tpu.memref_squeeze %dma_start3A_207 : memref<1x1x3x120xi32, #tpu.memory_space<hbm>> -> memref<3x120xi32, #tpu.memory_space<hbm>>
        %dma_start3A_209 = arith.constant 0 : i32
        %dma_start3A_210 = arith.constant 0 : i32
        %dma_start3A_211 = tpu.memref_slice %arg6[%rem3A_200, %dma_start3A_209, %dma_start3A_210] : memref<6x3x120xi32, #tpu.memory_space<vmem>> -> memref<1x3x120xi32, #tpu.memory_space<vmem>>
        %dma_start3A_212 = tpu.memref_squeeze %dma_start3A_211 : memref<1x3x120xi32, #tpu.memory_space<vmem>> -> memref<3x120xi32, #tpu.memory_space<vmem>>
        %dma_start3A_213 = arith.constant 0 : i32
        %dma_start3A_214 = arith.constant 0 : i32
        %dma_start3A_215 = tpu.memref_slice %arg3[%add3A, %add3A_196, %dma_start3A_213, %dma_start3A_214] : memref<32x84x3x120xi32, #tpu.memory_space<hbm>> -> memref<1x1x3x120xi32, #tpu.memory_space<hbm>>
        %dma_start3A_216 = tpu.memref_squeeze %dma_start3A_215 : memref<1x1x3x120xi32, #tpu.memory_space<hbm>> -> memref<3x120xi32, #tpu.memory_space<hbm>>
        tpu.enqueue_dma source(%dma_start3A_216 : memref<3x120xi32, #tpu.memory_space<hbm>>) target(%dma_start3A_212 : memref<3x120xi32, #tpu.memory_space<vmem>>) target_semaphore(%arg16 : memref<!tpu.dma_semaphore, #tpu.memory_space<semaphore_mem>>)
      } else {
      }
    }
    %scan3A_60 = arith.constant 28 : i32
    %dma_wait3A = arith.constant 3 : i32
    %dma_wait3A_61 = arith.constant 1 : i32
    %dma_wait3A_62 = arith.constant 0 : i32
    %dma_wait3A_63 = tpu.memref_slice %arg6[%dma_wait3A, %dma_wait3A_61, %dma_wait3A_62] : memref<6x3x120xi32, #tpu.memory_space<vmem>> -> memref<1x1x120xi32, #tpu.memory_space<vmem>>
    %dma_wait3A_64 = tpu.memref_squeeze %dma_wait3A_63 : memref<1x1x120xi32, #tpu.memory_space<vmem>> -> memref<120xi32, #tpu.memory_space<vmem>>
    %dma_wait3A_65 = arith.constant 0 : i32
    %dma_wait3A_66 = arith.constant 0 : i32
    %dma_wait3A_67 = tpu.memref_slice %arg19[%dma_wait3A_65, %dma_wait3A_66] : memref<10112x128xf32, #tpu.memory_space<vmem_shared>> -> memref<10112x128xf32, #tpu.memory_space<vmem_shared>>
    tpu.wait_indirect_dma semaphore(%arg13 : memref<!tpu.dma_semaphore, #tpu.memory_space<semaphore_mem>>) src(%arg7 : memref<120x128xf32, #tpu.memory_space<vmem>>) dst(%dma_wait3A_67 : memref<10112x128xf32, #tpu.memory_space<vmem_shared>>)
    %dma_wait3A_68 = arith.constant 4 : i32
    %dma_wait3A_69 = arith.constant 1 : i32
    %dma_wait3A_70 = arith.constant 0 : i32
    %dma_wait3A_71 = tpu.memref_slice %arg6[%dma_wait3A_68, %dma_wait3A_69, %dma_wait3A_70] : memref<6x3x120xi32, #tpu.memory_space<vmem>> -> memref<1x1x120xi32, #tpu.memory_space<vmem>>
    %dma_wait3A_72 = tpu.memref_squeeze %dma_wait3A_71 : memref<1x1x120xi32, #tpu.memory_space<vmem>> -> memref<120xi32, #tpu.memory_space<vmem>>
    %dma_wait3A_73 = arith.constant 0 : i32
    %dma_wait3A_74 = arith.constant 0 : i32
    %dma_wait3A_75 = tpu.memref_slice %arg19[%dma_wait3A_73, %dma_wait3A_74] : memref<10112x128xf32, #tpu.memory_space<vmem_shared>> -> memref<10112x128xf32, #tpu.memory_space<vmem_shared>>
    tpu.wait_indirect_dma semaphore(%arg14 : memref<!tpu.dma_semaphore, #tpu.memory_space<semaphore_mem>>) src(%arg8 : memref<120x128xf32, #tpu.memory_space<vmem>>) dst(%dma_wait3A_75 : memref<10112x128xf32, #tpu.memory_space<vmem_shared>>)
    %dma_wait3A_76 = arith.constant 5 : i32
    %dma_wait3A_77 = arith.constant 1 : i32
    %dma_wait3A_78 = arith.constant 0 : i32
    %dma_wait3A_79 = tpu.memref_slice %arg6[%dma_wait3A_76, %dma_wait3A_77, %dma_wait3A_78] : memref<6x3x120xi32, #tpu.memory_space<vmem>> -> memref<1x1x120xi32, #tpu.memory_space<vmem>>
    %dma_wait3A_80 = tpu.memref_squeeze %dma_wait3A_79 : memref<1x1x120xi32, #tpu.memory_space<vmem>> -> memref<120xi32, #tpu.memory_space<vmem>>
    %dma_wait3A_81 = arith.constant 0 : i32
    %dma_wait3A_82 = arith.constant 0 : i32
    %dma_wait3A_83 = tpu.memref_slice %arg19[%dma_wait3A_81, %dma_wait3A_82] : memref<10112x128xf32, #tpu.memory_space<vmem_shared>> -> memref<10112x128xf32, #tpu.memory_space<vmem_shared>>
    tpu.wait_indirect_dma semaphore(%arg15 : memref<!tpu.dma_semaphore, #tpu.memory_space<semaphore_mem>>) src(%arg9 : memref<120x128xf32, #tpu.memory_space<vmem>>) dst(%dma_wait3A_83 : memref<10112x128xf32, #tpu.memory_space<vmem_shared>>)
    %barrier3A_84 = arith.constant 0 : index
    tpu.barrier barrier_id(%barrier3A_84)
    %mul3A_85 = arith.constant 632 : i32
    %mul3A_86 = arith.muli %arg1, %mul3A_85 : i32
    %mul3A_87 = arith.constant 632 : i32
    %mul3A_88 = arith.muli %arg1, %mul3A_87 : i32
    "tpu.region"() ({
      %run_scoped3A_89 = tpu.sem_alloc : memref<!tpu.dma_semaphore, #tpu.memory_space<semaphore_mem>>
      %dma_start3A_90 = arith.constant 0 : i32
      %dma_start3A_91 = tpu.memref_slice %arg5[%arg0, %mul3A_88, %dma_start3A_90] : memref<2x10112x128xf32, #tpu.memory_space<hbm>> -> memref<1x632x128xf32, #tpu.memory_space<hbm>>
      %dma_start3A_92 = tpu.memref_squeeze %dma_start3A_91 : memref<1x632x128xf32, #tpu.memory_space<hbm>> -> memref<632x128xf32, #tpu.memory_space<hbm>>
      %dma_start3A_93 = arith.constant 0 : i32
      %dma_start3A_94 = tpu.memref_slice %arg19[%mul3A_86, %dma_start3A_93] : memref<10112x128xf32, #tpu.memory_space<vmem_shared>> -> memref<632x128xf32, #tpu.memory_space<vmem_shared>>
      tpu.enqueue_dma source(%dma_start3A_94 : memref<632x128xf32, #tpu.memory_space<vmem_shared>>) target(%dma_start3A_92 : memref<632x128xf32, #tpu.memory_space<hbm>>) target_semaphore(%run_scoped3A_89 : memref<!tpu.dma_semaphore, #tpu.memory_space<semaphore_mem>>)
      %dma_wait3A_95 = arith.constant 0 : i32
      %dma_wait3A_96 = tpu.memref_slice %arg5[%arg0, %mul3A_88, %dma_wait3A_95] : memref<2x10112x128xf32, #tpu.memory_space<hbm>> -> memref<1x632x128xf32, #tpu.memory_space<hbm>>
      %dma_wait3A_97 = tpu.memref_squeeze %dma_wait3A_96 : memref<1x632x128xf32, #tpu.memory_space<hbm>> -> memref<632x128xf32, #tpu.memory_space<hbm>>
      %dma_wait3A_98 = arith.constant 0 : i32
      %dma_wait3A_99 = tpu.memref_slice %arg19[%mul3A_86, %dma_wait3A_98] : memref<10112x128xf32, #tpu.memory_space<vmem_shared>> -> memref<632x128xf32, #tpu.memory_space<vmem_shared>>
      tpu.wait_dma2 semaphore(%run_scoped3A_89 : memref<!tpu.dma_semaphore, #tpu.memory_space<semaphore_mem>>) src(%dma_wait3A_99 : memref<632x128xf32, #tpu.memory_space<vmem_shared>>) dst(%dma_wait3A_97 : memref<632x128xf32, #tpu.memory_space<hbm>>)
      tpu.yield
    }) : () -> ()
    return
  }
}

#map = affine_map<(d0, d1) -> (0, 0)>
#map1 = affine_map<(d0, d1) -> (0, 0, 0, 0)>
#map2 = affine_map<(d0, d1) -> (0, 0, 0)>
module attributes {stable_mosaic.version = 14 : i64} {
  func.func @_sc_agg_body(%arg0: i32, %arg1: i32, %arg2: memref<10000x128xf32, #tpu.memory_space<hbm>>, %arg3: memref<32x84x3x120xi32, #tpu.memory_space<hbm>>, %arg4: memref<632x128xf32, #tpu.memory_space<hbm>>, %arg5: memref<2x10112x128xf32, #tpu.memory_space<hbm>>, %arg6: memref<6x3x120xi32, #tpu.memory_space<vmem>>, %arg7: memref<120x128xf32, #tpu.memory_space<vmem>>, %arg8: memref<120x128xf32, #tpu.memory_space<vmem>>, %arg9: memref<120x128xf32, #tpu.memory_space<vmem>>, %arg10: memref<!tpu.dma_semaphore, #tpu.memory_space<semaphore_mem>>, %arg11: memref<!tpu.dma_semaphore, #tpu.memory_space<semaphore_mem>>, %arg12: memref<!tpu.dma_semaphore, #tpu.memory_space<semaphore_mem>>, %arg13: memref<!tpu.dma_semaphore, #tpu.memory_space<semaphore_mem>>, %arg14: memref<!tpu.dma_semaphore, #tpu.memory_space<semaphore_mem>>, %arg15: memref<!tpu.dma_semaphore, #tpu.memory_space<semaphore_mem>>, %arg16: memref<!tpu.dma_semaphore, #tpu.memory_space<semaphore_mem>>, %arg17: memref<!tpu.dma_semaphore, #tpu.memory_space<semaphore_mem>>, %arg18: memref<!tpu.dma_semaphore, #tpu.memory_space<semaphore_mem>>, %arg19: memref<10112x128xf32, #tpu.memory_space<vmem_shared>>) attributes {dimension_semantics = [#tpu.dimension_semantics<core_parallel>, #tpu.dimension_semantics<subcore_parallel>], iteration_bounds = array<i64: 2, 16>, scalar_prefetch = 0 : i64, scratch_operands = 14 : i64, tpu.core_type = #tpu.core_type<sc_vector_subcore>, window_params = [{transform_indices = #map}, {transform_indices = #map1}, {transform_indices = #map}, {transform_indices = #map2}]} {
    %mul3A = arith.constant 16 : i32
    %mul3A_0 = arith.muli %arg0, %mul3A : i32
    %add3A = arith.addi %mul3A_0, %arg1 : i32
    %run_scoped3A = arith.constant 0 : i32
    %run_scoped3A_1 = arith.constant 0 : i32
    "tpu.region"() ({
      %run_scoped3A_89 = tpu.sem_alloc : memref<!tpu.dma_semaphore, #tpu.memory_space<semaphore_mem>>
      %dma_start3A_90 = arith.constant 0 : i32
      %dma_start3A_91 = arith.constant 0 : i32
      %dma_start3A_92 = tpu.memref_slice %arg6[%run_scoped3A_1, %dma_start3A_90, %dma_start3A_91] : memref<6x3x120xi32, #tpu.memory_space<vmem>> -> memref<1x3x120xi32, #tpu.memory_space<vmem>>
      %dma_start3A_93 = tpu.memref_squeeze %dma_start3A_92 : memref<1x3x120xi32, #tpu.memory_space<vmem>> -> memref<3x120xi32, #tpu.memory_space<vmem>>
      %dma_start3A_94 = arith.constant 0 : i32
      %dma_start3A_95 = arith.constant 0 : i32
      %dma_start3A_96 = tpu.memref_slice %arg3[%add3A, %run_scoped3A, %dma_start3A_94, %dma_start3A_95] : memref<32x84x3x120xi32, #tpu.memory_space<hbm>> -> memref<1x1x3x120xi32, #tpu.memory_space<hbm>>
      %dma_start3A_97 = tpu.memref_squeeze %dma_start3A_96 : memref<1x1x3x120xi32, #tpu.memory_space<hbm>> -> memref<3x120xi32, #tpu.memory_space<hbm>>
      %dma_start3A_98 = arith.constant 0 : i32
      %dma_start3A_99 = arith.constant 0 : i32
      %dma_start3A_100 = tpu.memref_slice %arg6[%run_scoped3A_1, %dma_start3A_98, %dma_start3A_99] : memref<6x3x120xi32, #tpu.memory_space<vmem>> -> memref<1x3x120xi32, #tpu.memory_space<vmem>>
      %dma_start3A_101 = tpu.memref_squeeze %dma_start3A_100 : memref<1x3x120xi32, #tpu.memory_space<vmem>> -> memref<3x120xi32, #tpu.memory_space<vmem>>
      %dma_start3A_102 = arith.constant 0 : i32
      %dma_start3A_103 = arith.constant 0 : i32
      %dma_start3A_104 = tpu.memref_slice %arg3[%add3A, %run_scoped3A, %dma_start3A_102, %dma_start3A_103] : memref<32x84x3x120xi32, #tpu.memory_space<hbm>> -> memref<1x1x3x120xi32, #tpu.memory_space<hbm>>
      %dma_start3A_105 = tpu.memref_squeeze %dma_start3A_104 : memref<1x1x3x120xi32, #tpu.memory_space<hbm>> -> memref<3x120xi32, #tpu.memory_space<hbm>>
      tpu.enqueue_dma source(%dma_start3A_105 : memref<3x120xi32, #tpu.memory_space<hbm>>) target(%dma_start3A_101 : memref<3x120xi32, #tpu.memory_space<vmem>>) target_semaphore(%run_scoped3A_89 : memref<!tpu.dma_semaphore, #tpu.memory_space<semaphore_mem>>)
      %dma_wait3A_106 = arith.constant 0 : i32
      %dma_wait3A_107 = arith.constant 0 : i32
      %dma_wait3A_108 = tpu.memref_slice %arg6[%run_scoped3A_1, %dma_wait3A_106, %dma_wait3A_107] : memref<6x3x120xi32, #tpu.memory_space<vmem>> -> memref<1x3x120xi32, #tpu.memory_space<vmem>>
      %dma_wait3A_109 = tpu.memref_squeeze %dma_wait3A_108 : memref<1x3x120xi32, #tpu.memory_space<vmem>> -> memref<3x120xi32, #tpu.memory_space<vmem>>
      %dma_wait3A_110 = arith.constant 0 : i32
      %dma_wait3A_111 = arith.constant 0 : i32
      %dma_wait3A_112 = tpu.memref_slice %arg3[%add3A, %run_scoped3A, %dma_wait3A_110, %dma_wait3A_111] : memref<32x84x3x120xi32, #tpu.memory_space<hbm>> -> memref<1x1x3x120xi32, #tpu.memory_space<hbm>>
      %dma_wait3A_113 = tpu.memref_squeeze %dma_wait3A_112 : memref<1x1x3x120xi32, #tpu.memory_space<hbm>> -> memref<3x120xi32, #tpu.memory_space<hbm>>
      %dma_wait3A_114 = arith.constant 0 : i32
      %dma_wait3A_115 = arith.constant 0 : i32
      %dma_wait3A_116 = tpu.memref_slice %arg6[%run_scoped3A_1, %dma_wait3A_114, %dma_wait3A_115] : memref<6x3x120xi32, #tpu.memory_space<vmem>> -> memref<1x3x120xi32, #tpu.memory_space<vmem>>
      %dma_wait3A_117 = tpu.memref_squeeze %dma_wait3A_116 : memref<1x3x120xi32, #tpu.memory_space<vmem>> -> memref<3x120xi32, #tpu.memory_space<vmem>>
      %dma_wait3A_118 = arith.constant 0 : i32
      %dma_wait3A_119 = arith.constant 0 : i32
      %dma_wait3A_120 = tpu.memref_slice %arg3[%add3A, %run_scoped3A, %dma_wait3A_118, %dma_wait3A_119] : memref<32x84x3x120xi32, #tpu.memory_space<hbm>> -> memref<1x1x3x120xi32, #tpu.memory_space<hbm>>
      %dma_wait3A_121 = tpu.memref_squeeze %dma_wait3A_120 : memref<1x1x3x120xi32, #tpu.memory_space<hbm>> -> memref<3x120xi32, #tpu.memory_space<hbm>>
      tpu.wait_dma2 semaphore(%run_scoped3A_89 : memref<!tpu.dma_semaphore, #tpu.memory_space<semaphore_mem>>) src(%dma_wait3A_121 : memref<3x120xi32, #tpu.memory_space<hbm>>) dst(%dma_wait3A_117 : memref<3x120xi32, #tpu.memory_space<vmem>>)
      tpu.yield
    }) : () -> ()
    %run_scoped3A_2 = arith.constant 1 : i32
    %run_scoped3A_3 = arith.constant 1 : i32
    "tpu.region"() ({
      %run_scoped3A_89 = tpu.sem_alloc : memref<!tpu.dma_semaphore, #tpu.memory_space<semaphore_mem>>
      %dma_start3A_90 = arith.constant 0 : i32
      %dma_start3A_91 = arith.constant 0 : i32
      %dma_start3A_92 = tpu.memref_slice %arg6[%run_scoped3A_3, %dma_start3A_90, %dma_start3A_91] : memref<6x3x120xi32, #tpu.memory_space<vmem>> -> memref<1x3x120xi32, #tpu.memory_space<vmem>>
      %dma_start3A_93 = tpu.memref_squeeze %dma_start3A_92 : memref<1x3x120xi32, #tpu.memory_space<vmem>> -> memref<3x120xi32, #tpu.memory_space<vmem>>
      %dma_start3A_94 = arith.constant 0 : i32
      %dma_start3A_95 = arith.constant 0 : i32
      %dma_start3A_96 = tpu.memref_slice %arg3[%add3A, %run_scoped3A_2, %dma_start3A_94, %dma_start3A_95] : memref<32x84x3x120xi32, #tpu.memory_space<hbm>> -> memref<1x1x3x120xi32, #tpu.memory_space<hbm>>
      %dma_start3A_97 = tpu.memref_squeeze %dma_start3A_96 : memref<1x1x3x120xi32, #tpu.memory_space<hbm>> -> memref<3x120xi32, #tpu.memory_space<hbm>>
      %dma_start3A_98 = arith.constant 0 : i32
      %dma_start3A_99 = arith.constant 0 : i32
      %dma_start3A_100 = tpu.memref_slice %arg6[%run_scoped3A_3, %dma_start3A_98, %dma_start3A_99] : memref<6x3x120xi32, #tpu.memory_space<vmem>> -> memref<1x3x120xi32, #tpu.memory_space<vmem>>
      %dma_start3A_101 = tpu.memref_squeeze %dma_start3A_100 : memref<1x3x120xi32, #tpu.memory_space<vmem>> -> memref<3x120xi32, #tpu.memory_space<vmem>>
      %dma_start3A_102 = arith.constant 0 : i32
      %dma_start3A_103 = arith.constant 0 : i32
      %dma_start3A_104 = tpu.memref_slice %arg3[%add3A, %run_scoped3A_2, %dma_start3A_102, %dma_start3A_103] : memref<32x84x3x120xi32, #tpu.memory_space<hbm>> -> memref<1x1x3x120xi32, #tpu.memory_space<hbm>>
      %dma_start3A_105 = tpu.memref_squeeze %dma_start3A_104 : memref<1x1x3x120xi32, #tpu.memory_space<hbm>> -> memref<3x120xi32, #tpu.memory_space<hbm>>
      tpu.enqueue_dma source(%dma_start3A_105 : memref<3x120xi32, #tpu.memory_space<hbm>>) target(%dma_start3A_101 : memref<3x120xi32, #tpu.memory_space<vmem>>) target_semaphore(%run_scoped3A_89 : memref<!tpu.dma_semaphore, #tpu.memory_space<semaphore_mem>>)
      %dma_wait3A_106 = arith.constant 0 : i32
      %dma_wait3A_107 = arith.constant 0 : i32
      %dma_wait3A_108 = tpu.memref_slice %arg6[%run_scoped3A_3, %dma_wait3A_106, %dma_wait3A_107] : memref<6x3x120xi32, #tpu.memory_space<vmem>> -> memref<1x3x120xi32, #tpu.memory_space<vmem>>
      %dma_wait3A_109 = tpu.memref_squeeze %dma_wait3A_108 : memref<1x3x120xi32, #tpu.memory_space<vmem>> -> memref<3x120xi32, #tpu.memory_space<vmem>>
      %dma_wait3A_110 = arith.constant 0 : i32
      %dma_wait3A_111 = arith.constant 0 : i32
      %dma_wait3A_112 = tpu.memref_slice %arg3[%add3A, %run_scoped3A_2, %dma_wait3A_110, %dma_wait3A_111] : memref<32x84x3x120xi32, #tpu.memory_space<hbm>> -> memref<1x1x3x120xi32, #tpu.memory_space<hbm>>
      %dma_wait3A_113 = tpu.memref_squeeze %dma_wait3A_112 : memref<1x1x3x120xi32, #tpu.memory_space<hbm>> -> memref<3x120xi32, #tpu.memory_space<hbm>>
      %dma_wait3A_114 = arith.constant 0 : i32
      %dma_wait3A_115 = arith.constant 0 : i32
      %dma_wait3A_116 = tpu.memref_slice %arg6[%run_scoped3A_3, %dma_wait3A_114, %dma_wait3A_115] : memref<6x3x120xi32, #tpu.memory_space<vmem>> -> memref<1x3x120xi32, #tpu.memory_space<vmem>>
      %dma_wait3A_117 = tpu.memref_squeeze %dma_wait3A_116 : memref<1x3x120xi32, #tpu.memory_space<vmem>> -> memref<3x120xi32, #tpu.memory_space<vmem>>
      %dma_wait3A_118 = arith.constant 0 : i32
      %dma_wait3A_119 = arith.constant 0 : i32
      %dma_wait3A_120 = tpu.memref_slice %arg3[%add3A, %run_scoped3A_2, %dma_wait3A_118, %dma_wait3A_119] : memref<32x84x3x120xi32, #tpu.memory_space<hbm>> -> memref<1x1x3x120xi32, #tpu.memory_space<hbm>>
      %dma_wait3A_121 = tpu.memref_squeeze %dma_wait3A_120 : memref<1x1x3x120xi32, #tpu.memory_space<hbm>> -> memref<3x120xi32, #tpu.memory_space<hbm>>
      tpu.wait_dma2 semaphore(%run_scoped3A_89 : memref<!tpu.dma_semaphore, #tpu.memory_space<semaphore_mem>>) src(%dma_wait3A_121 : memref<3x120xi32, #tpu.memory_space<hbm>>) dst(%dma_wait3A_117 : memref<3x120xi32, #tpu.memory_space<vmem>>)
      tpu.yield
    }) : () -> ()
    %dma_start3A = arith.constant 2 : i32
    %dma_start3A_4 = arith.constant 2 : i32
    %dma_start3A_5 = arith.constant 0 : i32
    %dma_start3A_6 = arith.constant 0 : i32
    %dma_start3A_7 = tpu.memref_slice %arg6[%dma_start3A_4, %dma_start3A_5, %dma_start3A_6] : memref<6x3x120xi32, #tpu.memory_space<vmem>> -> memref<1x3x120xi32, #tpu.memory_space<vmem>>
    %dma_start3A_8 = tpu.memref_squeeze %dma_start3A_7 : memref<1x3x120xi32, #tpu.memory_space<vmem>> -> memref<3x120xi32, #tpu.memory_space<vmem>>
    %dma_start3A_9 = arith.constant 0 : i32
    %dma_start3A_10 = arith.constant 0 : i32
    %dma_start3A_11 = tpu.memref_slice %arg3[%add3A, %dma_start3A, %dma_start3A_9, %dma_start3A_10] : memref<32x84x3x120xi32, #tpu.memory_space<hbm>> -> memref<1x1x3x120xi32, #tpu.memory_space<hbm>>
    %dma_start3A_12 = tpu.memref_squeeze %dma_start3A_11 : memref<1x1x3x120xi32, #tpu.memory_space<hbm>> -> memref<3x120xi32, #tpu.memory_space<hbm>>
    %dma_start3A_13 = arith.constant 0 : i32
    %dma_start3A_14 = arith.constant 0 : i32
    %dma_start3A_15 = tpu.memref_slice %arg6[%dma_start3A_4, %dma_start3A_13, %dma_start3A_14] : memref<6x3x120xi32, #tpu.memory_space<vmem>> -> memref<1x3x120xi32, #tpu.memory_space<vmem>>
    %dma_start3A_16 = tpu.memref_squeeze %dma_start3A_15 : memref<1x3x120xi32, #tpu.memory_space<vmem>> -> memref<3x120xi32, #tpu.memory_space<vmem>>
    %dma_start3A_17 = arith.constant 0 : i32
    %dma_start3A_18 = arith.constant 0 : i32
    %dma_start3A_19 = tpu.memref_slice %arg3[%add3A, %dma_start3A, %dma_start3A_17, %dma_start3A_18] : memref<32x84x3x120xi32, #tpu.memory_space<hbm>> -> memref<1x1x3x120xi32, #tpu.memory_space<hbm>>
    %dma_start3A_20 = tpu.memref_squeeze %dma_start3A_19 : memref<1x1x3x120xi32, #tpu.memory_space<hbm>> -> memref<3x120xi32, #tpu.memory_space<hbm>>
    tpu.enqueue_dma source(%dma_start3A_20 : memref<3x120xi32, #tpu.memory_space<hbm>>) target(%dma_start3A_16 : memref<3x120xi32, #tpu.memory_space<vmem>>) target_semaphore(%arg18 : memref<!tpu.dma_semaphore, #tpu.memory_space<semaphore_mem>>)
    %dma_start3A_21 = arith.constant 3 : i32
    %dma_start3A_22 = arith.constant 3 : i32
    %dma_start3A_23 = arith.constant 0 : i32
    %dma_start3A_24 = arith.constant 0 : i32
    %dma_start3A_25 = tpu.memref_slice %arg6[%dma_start3A_22, %dma_start3A_23, %dma_start3A_24] : memref<6x3x120xi32, #tpu.memory_space<vmem>> -> memref<1x3x120xi32, #tpu.memory_space<vmem>>
    %dma_start3A_26 = tpu.memref_squeeze %dma_start3A_25 : memref<1x3x120xi32, #tpu.memory_space<vmem>> -> memref<3x120xi32, #tpu.memory_space<vmem>>
    %dma_start3A_27 = arith.constant 0 : i32
    %dma_start3A_28 = arith.constant 0 : i32
    %dma_start3A_29 = tpu.memref_slice %arg3[%add3A, %dma_start3A_21, %dma_start3A_27, %dma_start3A_28] : memref<32x84x3x120xi32, #tpu.memory_space<hbm>> -> memref<1x1x3x120xi32, #tpu.memory_space<hbm>>
    %dma_start3A_30 = tpu.memref_squeeze %dma_start3A_29 : memref<1x1x3x120xi32, #tpu.memory_space<hbm>> -> memref<3x120xi32, #tpu.memory_space<hbm>>
    %dma_start3A_31 = arith.constant 0 : i32
    %dma_start3A_32 = arith.constant 0 : i32
    %dma_start3A_33 = tpu.memref_slice %arg6[%dma_start3A_22, %dma_start3A_31, %dma_start3A_32] : memref<6x3x120xi32, #tpu.memory_space<vmem>> -> memref<1x3x120xi32, #tpu.memory_space<vmem>>
    %dma_start3A_34 = tpu.memref_squeeze %dma_start3A_33 : memref<1x3x120xi32, #tpu.memory_space<vmem>> -> memref<3x120xi32, #tpu.memory_space<vmem>>
    %dma_start3A_35 = arith.constant 0 : i32
    %dma_start3A_36 = arith.constant 0 : i32
    %dma_start3A_37 = tpu.memref_slice %arg3[%add3A, %dma_start3A_21, %dma_start3A_35, %dma_start3A_36] : memref<32x84x3x120xi32, #tpu.memory_space<hbm>> -> memref<1x1x3x120xi32, #tpu.memory_space<hbm>>
    %dma_start3A_38 = tpu.memref_squeeze %dma_start3A_37 : memref<1x1x3x120xi32, #tpu.memory_space<hbm>> -> memref<3x120xi32, #tpu.memory_space<hbm>>
    tpu.enqueue_dma source(%dma_start3A_38 : memref<3x120xi32, #tpu.memory_space<hbm>>) target(%dma_start3A_34 : memref<3x120xi32, #tpu.memory_space<vmem>>) target_semaphore(%arg16 : memref<!tpu.dma_semaphore, #tpu.memory_space<semaphore_mem>>)
    %mul3A_39 = arith.constant 632 : i32
    %mul3A_40 = arith.muli %arg1, %mul3A_39 : i32
    "tpu.region"() ({
      %run_scoped3A_89 = tpu.sem_alloc : memref<!tpu.dma_semaphore, #tpu.memory_space<semaphore_mem>>
      %dma_start3A_90 = arith.constant 0 : i32
      %dma_start3A_91 = tpu.memref_slice %arg19[%mul3A_40, %dma_start3A_90] : memref<10112x128xf32, #tpu.memory_space<vmem_shared>> -> memref<632x128xf32, #tpu.memory_space<vmem_shared>>
      tpu.enqueue_dma source(%arg4 : memref<632x128xf32, #tpu.memory_space<hbm>>) target(%dma_start3A_91 : memref<632x128xf32, #tpu.memory_space<vmem_shared>>) target_semaphore(%run_scoped3A_89 : memref<!tpu.dma_semaphore, #tpu.memory_space<semaphore_mem>>)
      %dma_wait3A_92 = arith.constant 0 : i32
      %dma_wait3A_93 = tpu.memref_slice %arg19[%mul3A_40, %dma_wait3A_92] : memref<10112x128xf32, #tpu.memory_space<vmem_shared>> -> memref<632x128xf32, #tpu.memory_space<vmem_shared>>
      tpu.wait_dma2 semaphore(%run_scoped3A_89 : memref<!tpu.dma_semaphore, #tpu.memory_space<semaphore_mem>>) src(%arg4 : memref<632x128xf32, #tpu.memory_space<hbm>>) dst(%dma_wait3A_93 : memref<632x128xf32, #tpu.memory_space<vmem_shared>>)
      tpu.yield
    }) : () -> ()
    %barrier3A = arith.constant 0 : index
    tpu.barrier barrier_id(%barrier3A)
    %dma_start3A_41 = arith.constant 0 : i32
    %dma_start3A_42 = arith.constant 0 : i32
    %dma_start3A_43 = arith.constant 0 : i32
    %dma_start3A_44 = tpu.memref_slice %arg6[%dma_start3A_41, %dma_start3A_42, %dma_start3A_43] : memref<6x3x120xi32, #tpu.memory_space<vmem>> -> memref<1x1x120xi32, #tpu.memory_space<vmem>>
    %dma_start3A_45 = tpu.memref_squeeze %dma_start3A_44 : memref<1x1x120xi32, #tpu.memory_space<vmem>> -> memref<120xi32, #tpu.memory_space<vmem>>
    %dma_start3A_46 = arith.constant 0 : i32
    %dma_start3A_47 = arith.constant 0 : i32
    %dma_start3A_48 = tpu.memref_slice %arg2[%dma_start3A_46, %dma_start3A_47] : memref<10000x128xf32, #tpu.memory_space<hbm>> -> memref<10000x128xf32, #tpu.memory_space<hbm>>
    tpu.enqueue_indirect_dma source(%dma_start3A_48 : memref<10000x128xf32, #tpu.memory_space<hbm>>) target(%arg7 : memref<120x128xf32, #tpu.memory_space<vmem>>) offsets(%dma_start3A_45 : memref<120xi32, #tpu.memory_space<vmem>>) semaphore(%arg10 : memref<!tpu.dma_semaphore, #tpu.memory_space<semaphore_mem>>)
    %dma_start3A_49 = arith.constant 1 : i32
    %dma_start3A_50 = arith.constant 0 : i32
    %dma_start3A_51 = arith.constant 0 : i32
    %dma_start3A_52 = tpu.memref_slice %arg6[%dma_start3A_49, %dma_start3A_50, %dma_start3A_51] : memref<6x3x120xi32, #tpu.memory_space<vmem>> -> memref<1x1x120xi32, #tpu.memory_space<vmem>>
    %dma_start3A_53 = tpu.memref_squeeze %dma_start3A_52 : memref<1x1x120xi32, #tpu.memory_space<vmem>> -> memref<120xi32, #tpu.memory_space<vmem>>
    %dma_start3A_54 = arith.constant 0 : i32
    %dma_start3A_55 = arith.constant 0 : i32
    %dma_start3A_56 = tpu.memref_slice %arg2[%dma_start3A_54, %dma_start3A_55] : memref<10000x128xf32, #tpu.memory_space<hbm>> -> memref<10000x128xf32, #tpu.memory_space<hbm>>
    tpu.enqueue_indirect_dma source(%dma_start3A_56 : memref<10000x128xf32, #tpu.memory_space<hbm>>) target(%arg8 : memref<120x128xf32, #tpu.memory_space<vmem>>) offsets(%dma_start3A_53 : memref<120xi32, #tpu.memory_space<vmem>>) semaphore(%arg11 : memref<!tpu.dma_semaphore, #tpu.memory_space<semaphore_mem>>)
    %scan3A = arith.constant 0 : i32
    %scan3A_57 = arith.constant 28 : i32
    %scan3A_58 = arith.addi %scan3A, %scan3A_57 : i32
    %scan3A_59 = arith.constant 1 : i32
    scf.for %scan3A_89 = %scan3A to %scan3A_58 step %scan3A_59  : i32 {
      %mul3A_90 = arith.constant 3 : i32
      %mul3A_91 = arith.muli %scan3A_89, %mul3A_90 : i32
      %add3A_92 = arith.constant 0 : i32
      %add3A_93 = arith.addi %add3A_92, %mul3A_91 : i32
      %rem3A = arith.constant 6 : i32
      %rem3A_94 = arith.remsi %add3A_93, %rem3A : i32
      %dma_wait3A_95 = arith.constant 0 : i32
      %dma_wait3A_96 = arith.constant 0 : i32
      %dma_wait3A_97 = tpu.memref_slice %arg6[%rem3A_94, %dma_wait3A_95, %dma_wait3A_96] : memref<6x3x120xi32, #tpu.memory_space<vmem>> -> memref<1x1x120xi32, #tpu.memory_space<vmem>>
      %dma_wait3A_98 = tpu.memref_squeeze %dma_wait3A_97 : memref<1x1x120xi32, #tpu.memory_space<vmem>> -> memref<120xi32, #tpu.memory_space<vmem>>
      %dma_wait3A_99 = arith.constant 0 : i32
      %dma_wait3A_100 = arith.constant 0 : i32
      %dma_wait3A_101 = tpu.memref_slice %arg2[%dma_wait3A_99, %dma_wait3A_100] : memref<10000x128xf32, #tpu.memory_space<hbm>> -> memref<10000x128xf32, #tpu.memory_space<hbm>>
      tpu.wait_indirect_dma semaphore(%arg10 : memref<!tpu.dma_semaphore, #tpu.memory_space<semaphore_mem>>) src(%dma_wait3A_101 : memref<10000x128xf32, #tpu.memory_space<hbm>>) dst(%arg7 : memref<120x128xf32, #tpu.memory_space<vmem>>)
      %parallel_loop3A = arith.constant 0 : i32
      %parallel_loop3A_102 = arith.constant 120 : i32
      %parallel_loop3A_103 = arith.constant 1 : i32
      %parallel_loop3A_104 = arith.constant 2 : i32
      scf.for %parallel_loop3A_195 = %parallel_loop3A to %parallel_loop3A_102 step %parallel_loop3A_103  : i32 {
        %parallel_loop3A_196 = vector.broadcast %parallel_loop3A_195 : i32 to vector<16xi32>
        %parallel_loop3A_197 = arith.constant 0 : i32
        %parallel_loop3A_198 = tpu.memref_slice %arg6[%rem3A_94, %parallel_loop3A_104, %parallel_loop3A_197] : memref<6x3x120xi32, #tpu.memory_space<vmem>> -> memref<1x1x120xi32, #tpu.memory_space<vmem>>
        %parallel_loop3A_199 = tpu.memref_squeeze %parallel_loop3A_198 : memref<1x1x120xi32, #tpu.memory_space<vmem>> -> memref<120xi32, #tpu.memory_space<vmem>>
        %parallel_loop3A_200 = tpu.vector_load_idx %parallel_loop3A_199[%parallel_loop3A_196] : memref<120xi32, #tpu.memory_space<vmem>>[vector<16xi32>], vector<16xi32>,
        %parallel_loop3A_201 = vector.bitcast %parallel_loop3A_200 : vector<16xi32> to vector<16xf32>
        %parallel_loop3A_202 = arith.index_cast %parallel_loop3A_195 : i32 to index
        %parallel_loop3A_203 = arith.constant 0 : index
        %parallel_loop3A_204 = tpu.vector_load %arg7[%parallel_loop3A_202, %parallel_loop3A_203] {strides = array<i32>} : memref<120x128xf32, #tpu.memory_space<vmem>>, vector<16xf32>,
        %parallel_loop3A_205 = arith.mulf %parallel_loop3A_204, %parallel_loop3A_201 : vector<16xf32>
        %parallel_loop3A_206 = arith.index_cast %parallel_loop3A_195 : i32 to index
        %parallel_loop3A_207 = arith.constant 0 : index
        %parallel_loop3A_208 = tpu.vector_load %arg7[%parallel_loop3A_206, %parallel_loop3A_207] {strides = array<i32>} : memref<120x128xf32, #tpu.memory_space<vmem>>, vector<16xf32>,
        tpu.vector_store %arg7[%parallel_loop3A_206, %parallel_loop3A_207], %parallel_loop3A_205 {strides = array<i32>} : memref<120x128xf32, #tpu.memory_space<vmem>>, vector<16xf32>,
        %parallel_loop3A_209 = arith.index_cast %parallel_loop3A_195 : i32 to index
        %parallel_loop3A_210 = arith.constant 16 : index
        %parallel_loop3A_211 = tpu.vector_load %arg7[%parallel_loop3A_209, %parallel_loop3A_210] {strides = array<i32>} : memref<120x128xf32, #tpu.memory_space<vmem>>, vector<16xf32>,
        %parallel_loop3A_212 = arith.mulf %parallel_loop3A_211, %parallel_loop3A_201 : vector<16xf32>
        %parallel_loop3A_213 = arith.index_cast %parallel_loop3A_195 : i32 to index
        %parallel_loop3A_214 = arith.constant 16 : index
        %parallel_loop3A_215 = tpu.vector_load %arg7[%parallel_loop3A_213, %parallel_loop3A_214] {strides = array<i32>} : memref<120x128xf32, #tpu.memory_space<vmem>>, vector<16xf32>,
        tpu.vector_store %arg7[%parallel_loop3A_213, %parallel_loop3A_214], %parallel_loop3A_212 {strides = array<i32>} : memref<120x128xf32, #tpu.memory_space<vmem>>, vector<16xf32>,
        %parallel_loop3A_216 = arith.index_cast %parallel_loop3A_195 : i32 to index
        %parallel_loop3A_217 = arith.constant 32 : index
        %parallel_loop3A_218 = tpu.vector_load %arg7[%parallel_loop3A_216, %parallel_loop3A_217] {strides = array<i32>} : memref<120x128xf32, #tpu.memory_space<vmem>>, vector<16xf32>,
        %parallel_loop3A_219 = arith.mulf %parallel_loop3A_218, %parallel_loop3A_201 : vector<16xf32>
        %parallel_loop3A_220 = arith.index_cast %parallel_loop3A_195 : i32 to index
        %parallel_loop3A_221 = arith.constant 32 : index
        %parallel_loop3A_222 = tpu.vector_load %arg7[%parallel_loop3A_220, %parallel_loop3A_221] {strides = array<i32>} : memref<120x128xf32, #tpu.memory_space<vmem>>, vector<16xf32>,
        tpu.vector_store %arg7[%parallel_loop3A_220, %parallel_loop3A_221], %parallel_loop3A_219 {strides = array<i32>} : memref<120x128xf32, #tpu.memory_space<vmem>>, vector<16xf32>,
        %parallel_loop3A_223 = arith.index_cast %parallel_loop3A_195 : i32 to index
        %parallel_loop3A_224 = arith.constant 48 : index
        %parallel_loop3A_225 = tpu.vector_load %arg7[%parallel_loop3A_223, %parallel_loop3A_224] {strides = array<i32>} : memref<120x128xf32, #tpu.memory_space<vmem>>, vector<16xf32>,
        %parallel_loop3A_226 = arith.mulf %parallel_loop3A_225, %parallel_loop3A_201 : vector<16xf32>
        %parallel_loop3A_227 = arith.index_cast %parallel_loop3A_195 : i32 to index
        %parallel_loop3A_228 = arith.constant 48 : index
        %parallel_loop3A_229 = tpu.vector_load %arg7[%parallel_loop3A_227, %parallel_loop3A_228] {strides = array<i32>} : memref<120x128xf32, #tpu.memory_space<vmem>>, vector<16xf32>,
        tpu.vector_store %arg7[%parallel_loop3A_227, %parallel_loop3A_228], %parallel_loop3A_226 {strides = array<i32>} : memref<120x128xf32, #tpu.memory_space<vmem>>, vector<16xf32>,
        %parallel_loop3A_230 = arith.index_cast %parallel_loop3A_195 : i32 to index
        %parallel_loop3A_231 = arith.constant 64 : index
        %parallel_loop3A_232 = tpu.vector_load %arg7[%parallel_loop3A_230, %parallel_loop3A_231] {strides = array<i32>} : memref<120x128xf32, #tpu.memory_space<vmem>>, vector<16xf32>,
        %parallel_loop3A_233 = arith.mulf %parallel_loop3A_232, %parallel_loop3A_201 : vector<16xf32>
        %parallel_loop3A_234 = arith.index_cast %parallel_loop3A_195 : i32 to index
        %parallel_loop3A_235 = arith.constant 64 : index
        %parallel_loop3A_236 = tpu.vector_load %arg7[%parallel_loop3A_234, %parallel_loop3A_235] {strides = array<i32>} : memref<120x128xf32, #tpu.memory_space<vmem>>, vector<16xf32>,
        tpu.vector_store %arg7[%parallel_loop3A_234, %parallel_loop3A_235], %parallel_loop3A_233 {strides = array<i32>} : memref<120x128xf32, #tpu.memory_space<vmem>>, vector<16xf32>,
        %parallel_loop3A_237 = arith.index_cast %parallel_loop3A_195 : i32 to index
        %parallel_loop3A_238 = arith.constant 80 : index
        %parallel_loop3A_239 = tpu.vector_load %arg7[%parallel_loop3A_237, %parallel_loop3A_238] {strides = array<i32>} : memref<120x128xf32, #tpu.memory_space<vmem>>, vector<16xf32>,
        %parallel_loop3A_240 = arith.mulf %parallel_loop3A_239, %parallel_loop3A_201 : vector<16xf32>
        %parallel_loop3A_241 = arith.index_cast %parallel_loop3A_195 : i32 to index
        %parallel_loop3A_242 = arith.constant 80 : index
        %parallel_loop3A_243 = tpu.vector_load %arg7[%parallel_loop3A_241, %parallel_loop3A_242] {strides = array<i32>} : memref<120x128xf32, #tpu.memory_space<vmem>>, vector<16xf32>,
        tpu.vector_store %arg7[%parallel_loop3A_241, %parallel_loop3A_242], %parallel_loop3A_240 {strides = array<i32>} : memref<120x128xf32, #tpu.memory_space<vmem>>, vector<16xf32>,
        %parallel_loop3A_244 = arith.index_cast %parallel_loop3A_195 : i32 to index
        %parallel_loop3A_245 = arith.constant 96 : index
        %parallel_loop3A_246 = tpu.vector_load %arg7[%parallel_loop3A_244, %parallel_loop3A_245] {strides = array<i32>} : memref<120x128xf32, #tpu.memory_space<vmem>>, vector<16xf32>,
        %parallel_loop3A_247 = arith.mulf %parallel_loop3A_246, %parallel_loop3A_201 : vector<16xf32>
        %parallel_loop3A_248 = arith.index_cast %parallel_loop3A_195 : i32 to index
        %parallel_loop3A_249 = arith.constant 96 : index
        %parallel_loop3A_250 = tpu.vector_load %arg7[%parallel_loop3A_248, %parallel_loop3A_249] {strides = array<i32>} : memref<120x128xf32, #tpu.memory_space<vmem>>, vector<16xf32>,
        tpu.vector_store %arg7[%parallel_loop3A_248, %parallel_loop3A_249], %parallel_loop3A_247 {strides = array<i32>} : memref<120x128xf32, #tpu.memory_space<vmem>>, vector<16xf32>,
        %parallel_loop3A_251 = arith.index_cast %parallel_loop3A_195 : i32 to index
        %parallel_loop3A_252 = arith.constant 112 : index
        %parallel_loop3A_253 = tpu.vector_load %arg7[%parallel_loop3A_251, %parallel_loop3A_252] {strides = array<i32>} : memref<120x128xf32, #tpu.memory_space<vmem>>, vector<16xf32>,
        %parallel_loop3A_254 = arith.mulf %parallel_loop3A_253, %parallel_loop3A_201 : vector<16xf32>
        %parallel_loop3A_255 = arith.index_cast %parallel_loop3A_195 : i32 to index
        %parallel_loop3A_256 = arith.constant 112 : index
        %parallel_loop3A_257 = tpu.vector_load %arg7[%parallel_loop3A_255, %parallel_loop3A_256] {strides = array<i32>} : memref<120x128xf32, #tpu.memory_space<vmem>>, vector<16xf32>,
        tpu.vector_store %arg7[%parallel_loop3A_255, %parallel_loop3A_256], %parallel_loop3A_254 {strides = array<i32>} : memref<120x128xf32, #tpu.memory_space<vmem>>, vector<16xf32>,
      } {sc.loop_unroll_factor = 8 : i64, sc.parallel_access}
      %dma_start3A_105 = arith.constant 1 : i32
      %dma_start3A_106 = arith.constant 0 : i32
      %dma_start3A_107 = tpu.memref_slice %arg6[%rem3A_94, %dma_start3A_105, %dma_start3A_106] : memref<6x3x120xi32, #tpu.memory_space<vmem>> -> memref<1x1x120xi32, #tpu.memory_space<vmem>>
      %dma_start3A_108 = tpu.memref_squeeze %dma_start3A_107 : memref<1x1x120xi32, #tpu.memory_space<vmem>> -> memref<120xi32, #tpu.memory_space<vmem>>
      %dma_start3A_109 = arith.constant 0 : i32
      %dma_start3A_110 = arith.constant 0 : i32
      %dma_start3A_111 = tpu.memref_slice %arg19[%dma_start3A_109, %dma_start3A_110] : memref<10112x128xf32, #tpu.memory_space<vmem_shared>> -> memref<10112x128xf32, #tpu.memory_space<vmem_shared>>
      tpu.enqueue_indirect_dma source(%arg7 : memref<120x128xf32, #tpu.memory_space<vmem>>) target(%dma_start3A_111 : memref<10112x128xf32, #tpu.memory_space<vmem_shared>>) offsets(%dma_start3A_108 : memref<120xi32, #tpu.memory_space<vmem>>) semaphore(%arg13 : memref<!tpu.dma_semaphore, #tpu.memory_space<semaphore_mem>>) {add = true}
      %add3A_112 = arith.constant 2 : i32
      %add3A_113 = arith.addi %add3A_93, %add3A_112 : i32
      %lt3A = arith.constant 84 : i32
      %lt3A_114 = arith.cmpi slt, %add3A_113, %lt3A : i32
      %convert_element_type3A = arith.extui %lt3A_114 : i1 to i32
      %cond3A = arith.constant 0 : i32
      %cond3A_115 = arith.cmpi ne, %convert_element_type3A, %cond3A : i32
      scf.if %cond3A_115 {
        %add3A_195 = arith.constant 2 : i32
        %add3A_196 = arith.addi %add3A_93, %add3A_195 : i32
        %rem3A_197 = arith.constant 6 : i32
        %rem3A_198 = arith.remsi %add3A_196, %rem3A_197 : i32
        %add3A_199 = arith.constant 2 : i32
        %add3A_200 = arith.addi %add3A_93, %add3A_199 : i32
        %dma_wait3A_201 = arith.constant 0 : i32
        %dma_wait3A_202 = arith.constant 0 : i32
        %dma_wait3A_203 = tpu.memref_slice %arg6[%rem3A_198, %dma_wait3A_201, %dma_wait3A_202] : memref<6x3x120xi32, #tpu.memory_space<vmem>> -> memref<1x3x120xi32, #tpu.memory_space<vmem>>
        %dma_wait3A_204 = tpu.memref_squeeze %dma_wait3A_203 : memref<1x3x120xi32, #tpu.memory_space<vmem>> -> memref<3x120xi32, #tpu.memory_space<vmem>>
        %dma_wait3A_205 = arith.constant 0 : i32
        %dma_wait3A_206 = arith.constant 0 : i32
        %dma_wait3A_207 = tpu.memref_slice %arg3[%add3A, %add3A_200, %dma_wait3A_205, %dma_wait3A_206] : memref<32x84x3x120xi32, #tpu.memory_space<hbm>> -> memref<1x1x3x120xi32, #tpu.memory_space<hbm>>
        %dma_wait3A_208 = tpu.memref_squeeze %dma_wait3A_207 : memref<1x1x3x120xi32, #tpu.memory_space<hbm>> -> memref<3x120xi32, #tpu.memory_space<hbm>>
        %dma_wait3A_209 = arith.constant 0 : i32
        %dma_wait3A_210 = arith.constant 0 : i32
        %dma_wait3A_211 = tpu.memref_slice %arg6[%rem3A_198, %dma_wait3A_209, %dma_wait3A_210] : memref<6x3x120xi32, #tpu.memory_space<vmem>> -> memref<1x3x120xi32, #tpu.memory_space<vmem>>
        %dma_wait3A_212 = tpu.memref_squeeze %dma_wait3A_211 : memref<1x3x120xi32, #tpu.memory_space<vmem>> -> memref<3x120xi32, #tpu.memory_space<vmem>>
        %dma_wait3A_213 = arith.constant 0 : i32
        %dma_wait3A_214 = arith.constant 0 : i32
        %dma_wait3A_215 = tpu.memref_slice %arg3[%add3A, %add3A_200, %dma_wait3A_213, %dma_wait3A_214] : memref<32x84x3x120xi32, #tpu.memory_space<hbm>> -> memref<1x1x3x120xi32, #tpu.memory_space<hbm>>
        %dma_wait3A_216 = tpu.memref_squeeze %dma_wait3A_215 : memref<1x1x3x120xi32, #tpu.memory_space<hbm>> -> memref<3x120xi32, #tpu.memory_space<hbm>>
        tpu.wait_dma2 semaphore(%arg18 : memref<!tpu.dma_semaphore, #tpu.memory_space<semaphore_mem>>) src(%dma_wait3A_216 : memref<3x120xi32, #tpu.memory_space<hbm>>) dst(%dma_wait3A_212 : memref<3x120xi32, #tpu.memory_space<vmem>>)
        %ge3A = arith.constant 1 : i32
        %ge3A_217 = arith.cmpi sge, %add3A_93, %ge3A : i32
        %convert_element_type3A_218 = arith.extui %ge3A_217 : i1 to i32
        %cond3A_219 = arith.constant 0 : i32
        %cond3A_220 = arith.cmpi ne, %convert_element_type3A_218, %cond3A_219 : i32
        scf.if %cond3A_220 {
          %add3A_228 = arith.constant 5 : i32
          %add3A_229 = arith.addi %add3A_93, %add3A_228 : i32
          %rem3A_230 = arith.constant 6 : i32
          %rem3A_231 = arith.remsi %add3A_229, %rem3A_230 : i32
          %dma_wait3A_232 = arith.constant 1 : i32
          %dma_wait3A_233 = arith.constant 0 : i32
          %dma_wait3A_234 = tpu.memref_slice %arg6[%rem3A_231, %dma_wait3A_232, %dma_wait3A_233] : memref<6x3x120xi32, #tpu.memory_space<vmem>> -> memref<1x1x120xi32, #tpu.memory_space<vmem>>
          %dma_wait3A_235 = tpu.memref_squeeze %dma_wait3A_234 : memref<1x1x120xi32, #tpu.memory_space<vmem>> -> memref<120xi32, #tpu.memory_space<vmem>>
          %dma_wait3A_236 = arith.constant 0 : i32
          %dma_wait3A_237 = arith.constant 0 : i32
          %dma_wait3A_238 = tpu.memref_slice %arg19[%dma_wait3A_236, %dma_wait3A_237] : memref<10112x128xf32, #tpu.memory_space<vmem_shared>> -> memref<10112x128xf32, #tpu.memory_space<vmem_shared>>
          tpu.wait_indirect_dma semaphore(%arg15 : memref<!tpu.dma_semaphore, #tpu.memory_space<semaphore_mem>>) src(%arg9 : memref<120x128xf32, #tpu.memory_space<vmem>>) dst(%dma_wait3A_238 : memref<10112x128xf32, #tpu.memory_space<vmem_shared>>)
        } else {
        }
        %dma_start3A_221 = arith.constant 0 : i32
        %dma_start3A_222 = arith.constant 0 : i32
        %dma_start3A_223 = tpu.memref_slice %arg6[%rem3A_198, %dma_start3A_221, %dma_start3A_222] : memref<6x3x120xi32, #tpu.memory_space<vmem>> -> memref<1x1x120xi32, #tpu.memory_space<vmem>>
        %dma_start3A_224 = tpu.memref_squeeze %dma_start3A_223 : memref<1x1x120xi32, #tpu.memory_space<vmem>> -> memref<120xi32, #tpu.memory_space<vmem>>
        %dma_start3A_225 = arith.constant 0 : i32
        %dma_start3A_226 = arith.constant 0 : i32
        %dma_start3A_227 = tpu.memref_slice %arg2[%dma_start3A_225, %dma_start3A_226] : memref<10000x128xf32, #tpu.memory_space<hbm>> -> memref<10000x128xf32, #tpu.memory_space<hbm>>
        tpu.enqueue_indirect_dma source(%dma_start3A_227 : memref<10000x128xf32, #tpu.memory_space<hbm>>) target(%arg9 : memref<120x128xf32, #tpu.memory_space<vmem>>) offsets(%dma_start3A_224 : memref<120xi32, #tpu.memory_space<vmem>>) semaphore(%arg12 : memref<!tpu.dma_semaphore, #tpu.memory_space<semaphore_mem>>)
      } else {
      }
      %add3A_116 = arith.constant 4 : i32
      %add3A_117 = arith.addi %add3A_93, %add3A_116 : i32
      %lt3A_118 = arith.constant 84 : i32
      %lt3A_119 = arith.cmpi slt, %add3A_117, %lt3A_118 : i32
      %convert_element_type3A_120 = arith.extui %lt3A_119 : i1 to i32
      %cond3A_121 = arith.constant 0 : i32
      %cond3A_122 = arith.cmpi ne, %convert_element_type3A_120, %cond3A_121 : i32
      scf.if %cond3A_122 {
        %add3A_195 = arith.constant 4 : i32
        %add3A_196 = arith.addi %add3A_93, %add3A_195 : i32
        %add3A_197 = arith.constant 4 : i32
        %add3A_198 = arith.addi %add3A_93, %add3A_197 : i32
        %rem3A_199 = arith.constant 6 : i32
        %rem3A_200 = arith.remsi %add3A_198, %rem3A_199 : i32
        %dma_start3A_201 = arith.constant 0 : i32
        %dma_start3A_202 = arith.constant 0 : i32
        %dma_start3A_203 = tpu.memref_slice %arg6[%rem3A_200, %dma_start3A_201, %dma_start3A_202] : memref<6x3x120xi32, #tpu.memory_space<vmem>> -> memref<1x3x120xi32, #tpu.memory_space<vmem>>
        %dma_start3A_204 = tpu.memref_squeeze %dma_start3A_203 : memref<1x3x120xi32, #tpu.memory_space<vmem>> -> memref<3x120xi32, #tpu.memory_space<vmem>>
        %dma_start3A_205 = arith.constant 0 : i32
        %dma_start3A_206 = arith.constant 0 : i32
        %dma_start3A_207 = tpu.memref_slice %arg3[%add3A, %add3A_196, %dma_start3A_205, %dma_start3A_206] : memref<32x84x3x120xi32, #tpu.memory_space<hbm>> -> memref<1x1x3x120xi32, #tpu.memory_space<hbm>>
        %dma_start3A_208 = tpu.memref_squeeze %dma_start3A_207 : memref<1x1x3x120xi32, #tpu.memory_space<hbm>> -> memref<3x120xi32, #tpu.memory_space<hbm>>
        %dma_start3A_209 = arith.constant 0 : i32
        %dma_start3A_210 = arith.constant 0 : i32
        %dma_start3A_211 = tpu.memref_slice %arg6[%rem3A_200, %dma_start3A_209, %dma_start3A_210] : memref<6x3x120xi32, #tpu.memory_space<vmem>> -> memref<1x3x120xi32, #tpu.memory_space<vmem>>
        %dma_start3A_212 = tpu.memref_squeeze %dma_start3A_211 : memref<1x3x120xi32, #tpu.memory_space<vmem>> -> memref<3x120xi32, #tpu.memory_space<vmem>>
        %dma_start3A_213 = arith.constant 0 : i32
        %dma_start3A_214 = arith.constant 0 : i32
        %dma_start3A_215 = tpu.memref_slice %arg3[%add3A, %add3A_196, %dma_start3A_213, %dma_start3A_214] : memref<32x84x3x120xi32, #tpu.memory_space<hbm>> -> memref<1x1x3x120xi32, #tpu.memory_space<hbm>>
        %dma_start3A_216 = tpu.memref_squeeze %dma_start3A_215 : memref<1x1x3x120xi32, #tpu.memory_space<hbm>> -> memref<3x120xi32, #tpu.memory_space<hbm>>
        tpu.enqueue_dma source(%dma_start3A_216 : memref<3x120xi32, #tpu.memory_space<hbm>>) target(%dma_start3A_212 : memref<3x120xi32, #tpu.memory_space<vmem>>) target_semaphore(%arg17 : memref<!tpu.dma_semaphore, #tpu.memory_space<semaphore_mem>>)
      } else {
      }
      %add3A_123 = arith.constant 1 : i32
      %add3A_124 = arith.addi %add3A_93, %add3A_123 : i32
      %rem3A_125 = arith.constant 6 : i32
      %rem3A_126 = arith.remsi %add3A_124, %rem3A_125 : i32
      %dma_wait3A_127 = arith.constant 0 : i32
      %dma_wait3A_128 = arith.constant 0 : i32
      %dma_wait3A_129 = tpu.memref_slice %arg6[%rem3A_126, %dma_wait3A_127, %dma_wait3A_128] : memref<6x3x120xi32, #tpu.memory_space<vmem>> -> memref<1x1x120xi32, #tpu.memory_space<vmem>>
      %dma_wait3A_130 = tpu.memref_squeeze %dma_wait3A_129 : memref<1x1x120xi32, #tpu.memory_space<vmem>> -> memref<120xi32, #tpu.memory_space<vmem>>
      %dma_wait3A_131 = arith.constant 0 : i32
      %dma_wait3A_132 = arith.constant 0 : i32
      %dma_wait3A_133 = tpu.memref_slice %arg2[%dma_wait3A_131, %dma_wait3A_132] : memref<10000x128xf32, #tpu.memory_space<hbm>> -> memref<10000x128xf32, #tpu.memory_space<hbm>>
      tpu.wait_indirect_dma semaphore(%arg11 : memref<!tpu.dma_semaphore, #tpu.memory_space<semaphore_mem>>) src(%dma_wait3A_133 : memref<10000x128xf32, #tpu.memory_space<hbm>>) dst(%arg8 : memref<120x128xf32, #tpu.memory_space<vmem>>)
      %parallel_loop3A_134 = arith.constant 0 : i32
      %parallel_loop3A_135 = arith.constant 120 : i32
      %parallel_loop3A_136 = arith.constant 1 : i32
      %parallel_loop3A_137 = arith.constant 2 : i32
      scf.for %parallel_loop3A_195 = %parallel_loop3A_134 to %parallel_loop3A_135 step %parallel_loop3A_136  : i32 {
        %parallel_loop3A_196 = vector.broadcast %parallel_loop3A_195 : i32 to vector<16xi32>
        %parallel_loop3A_197 = arith.constant 0 : i32
        %parallel_loop3A_198 = tpu.memref_slice %arg6[%rem3A_126, %parallel_loop3A_137, %parallel_loop3A_197] : memref<6x3x120xi32, #tpu.memory_space<vmem>> -> memref<1x1x120xi32, #tpu.memory_space<vmem>>
        %parallel_loop3A_199 = tpu.memref_squeeze %parallel_loop3A_198 : memref<1x1x120xi32, #tpu.memory_space<vmem>> -> memref<120xi32, #tpu.memory_space<vmem>>
        %parallel_loop3A_200 = tpu.vector_load_idx %parallel_loop3A_199[%parallel_loop3A_196] : memref<120xi32, #tpu.memory_space<vmem>>[vector<16xi32>], vector<16xi32>,
        %parallel_loop3A_201 = vector.bitcast %parallel_loop3A_200 : vector<16xi32> to vector<16xf32>
        %parallel_loop3A_202 = arith.index_cast %parallel_loop3A_195 : i32 to index
        %parallel_loop3A_203 = arith.constant 0 : index
        %parallel_loop3A_204 = tpu.vector_load %arg8[%parallel_loop3A_202, %parallel_loop3A_203] {strides = array<i32>} : memref<120x128xf32, #tpu.memory_space<vmem>>, vector<16xf32>,
        %parallel_loop3A_205 = arith.mulf %parallel_loop3A_204, %parallel_loop3A_201 : vector<16xf32>
        %parallel_loop3A_206 = arith.index_cast %parallel_loop3A_195 : i32 to index
        %parallel_loop3A_207 = arith.constant 0 : index
        %parallel_loop3A_208 = tpu.vector_load %arg8[%parallel_loop3A_206, %parallel_loop3A_207] {strides = array<i32>} : memref<120x128xf32, #tpu.memory_space<vmem>>, vector<16xf32>,
        tpu.vector_store %arg8[%parallel_loop3A_206, %parallel_loop3A_207], %parallel_loop3A_205 {strides = array<i32>} : memref<120x128xf32, #tpu.memory_space<vmem>>, vector<16xf32>,
        %parallel_loop3A_209 = arith.index_cast %parallel_loop3A_195 : i32 to index
        %parallel_loop3A_210 = arith.constant 16 : index
        %parallel_loop3A_211 = tpu.vector_load %arg8[%parallel_loop3A_209, %parallel_loop3A_210] {strides = array<i32>} : memref<120x128xf32, #tpu.memory_space<vmem>>, vector<16xf32>,
        %parallel_loop3A_212 = arith.mulf %parallel_loop3A_211, %parallel_loop3A_201 : vector<16xf32>
        %parallel_loop3A_213 = arith.index_cast %parallel_loop3A_195 : i32 to index
        %parallel_loop3A_214 = arith.constant 16 : index
        %parallel_loop3A_215 = tpu.vector_load %arg8[%parallel_loop3A_213, %parallel_loop3A_214] {strides = array<i32>} : memref<120x128xf32, #tpu.memory_space<vmem>>, vector<16xf32>,
        tpu.vector_store %arg8[%parallel_loop3A_213, %parallel_loop3A_214], %parallel_loop3A_212 {strides = array<i32>} : memref<120x128xf32, #tpu.memory_space<vmem>>, vector<16xf32>,
        %parallel_loop3A_216 = arith.index_cast %parallel_loop3A_195 : i32 to index
        %parallel_loop3A_217 = arith.constant 32 : index
        %parallel_loop3A_218 = tpu.vector_load %arg8[%parallel_loop3A_216, %parallel_loop3A_217] {strides = array<i32>} : memref<120x128xf32, #tpu.memory_space<vmem>>, vector<16xf32>,
        %parallel_loop3A_219 = arith.mulf %parallel_loop3A_218, %parallel_loop3A_201 : vector<16xf32>
        %parallel_loop3A_220 = arith.index_cast %parallel_loop3A_195 : i32 to index
        %parallel_loop3A_221 = arith.constant 32 : index
        %parallel_loop3A_222 = tpu.vector_load %arg8[%parallel_loop3A_220, %parallel_loop3A_221] {strides = array<i32>} : memref<120x128xf32, #tpu.memory_space<vmem>>, vector<16xf32>,
        tpu.vector_store %arg8[%parallel_loop3A_220, %parallel_loop3A_221], %parallel_loop3A_219 {strides = array<i32>} : memref<120x128xf32, #tpu.memory_space<vmem>>, vector<16xf32>,
        %parallel_loop3A_223 = arith.index_cast %parallel_loop3A_195 : i32 to index
        %parallel_loop3A_224 = arith.constant 48 : index
        %parallel_loop3A_225 = tpu.vector_load %arg8[%parallel_loop3A_223, %parallel_loop3A_224] {strides = array<i32>} : memref<120x128xf32, #tpu.memory_space<vmem>>, vector<16xf32>,
        %parallel_loop3A_226 = arith.mulf %parallel_loop3A_225, %parallel_loop3A_201 : vector<16xf32>
        %parallel_loop3A_227 = arith.index_cast %parallel_loop3A_195 : i32 to index
        %parallel_loop3A_228 = arith.constant 48 : index
        %parallel_loop3A_229 = tpu.vector_load %arg8[%parallel_loop3A_227, %parallel_loop3A_228] {strides = array<i32>} : memref<120x128xf32, #tpu.memory_space<vmem>>, vector<16xf32>,
        tpu.vector_store %arg8[%parallel_loop3A_227, %parallel_loop3A_228], %parallel_loop3A_226 {strides = array<i32>} : memref<120x128xf32, #tpu.memory_space<vmem>>, vector<16xf32>,
        %parallel_loop3A_230 = arith.index_cast %parallel_loop3A_195 : i32 to index
        %parallel_loop3A_231 = arith.constant 64 : index
        %parallel_loop3A_232 = tpu.vector_load %arg8[%parallel_loop3A_230, %parallel_loop3A_231] {strides = array<i32>} : memref<120x128xf32, #tpu.memory_space<vmem>>, vector<16xf32>,
        %parallel_loop3A_233 = arith.mulf %parallel_loop3A_232, %parallel_loop3A_201 : vector<16xf32>
        %parallel_loop3A_234 = arith.index_cast %parallel_loop3A_195 : i32 to index
        %parallel_loop3A_235 = arith.constant 64 : index
        %parallel_loop3A_236 = tpu.vector_load %arg8[%parallel_loop3A_234, %parallel_loop3A_235] {strides = array<i32>} : memref<120x128xf32, #tpu.memory_space<vmem>>, vector<16xf32>,
        tpu.vector_store %arg8[%parallel_loop3A_234, %parallel_loop3A_235], %parallel_loop3A_233 {strides = array<i32>} : memref<120x128xf32, #tpu.memory_space<vmem>>, vector<16xf32>,
        %parallel_loop3A_237 = arith.index_cast %parallel_loop3A_195 : i32 to index
        %parallel_loop3A_238 = arith.constant 80 : index
        %parallel_loop3A_239 = tpu.vector_load %arg8[%parallel_loop3A_237, %parallel_loop3A_238] {strides = array<i32>} : memref<120x128xf32, #tpu.memory_space<vmem>>, vector<16xf32>,
        %parallel_loop3A_240 = arith.mulf %parallel_loop3A_239, %parallel_loop3A_201 : vector<16xf32>
        %parallel_loop3A_241 = arith.index_cast %parallel_loop3A_195 : i32 to index
        %parallel_loop3A_242 = arith.constant 80 : index
        %parallel_loop3A_243 = tpu.vector_load %arg8[%parallel_loop3A_241, %parallel_loop3A_242] {strides = array<i32>} : memref<120x128xf32, #tpu.memory_space<vmem>>, vector<16xf32>,
        tpu.vector_store %arg8[%parallel_loop3A_241, %parallel_loop3A_242], %parallel_loop3A_240 {strides = array<i32>} : memref<120x128xf32, #tpu.memory_space<vmem>>, vector<16xf32>,
        %parallel_loop3A_244 = arith.index_cast %parallel_loop3A_195 : i32 to index
        %parallel_loop3A_245 = arith.constant 96 : index
        %parallel_loop3A_246 = tpu.vector_load %arg8[%parallel_loop3A_244, %parallel_loop3A_245] {strides = array<i32>} : memref<120x128xf32, #tpu.memory_space<vmem>>, vector<16xf32>,
        %parallel_loop3A_247 = arith.mulf %parallel_loop3A_246, %parallel_loop3A_201 : vector<16xf32>
        %parallel_loop3A_248 = arith.index_cast %parallel_loop3A_195 : i32 to index
        %parallel_loop3A_249 = arith.constant 96 : index
        %parallel_loop3A_250 = tpu.vector_load %arg8[%parallel_loop3A_248, %parallel_loop3A_249] {strides = array<i32>} : memref<120x128xf32, #tpu.memory_space<vmem>>, vector<16xf32>,
        tpu.vector_store %arg8[%parallel_loop3A_248, %parallel_loop3A_249], %parallel_loop3A_247 {strides = array<i32>} : memref<120x128xf32, #tpu.memory_space<vmem>>, vector<16xf32>,
        %parallel_loop3A_251 = arith.index_cast %parallel_loop3A_195 : i32 to index
        %parallel_loop3A_252 = arith.constant 112 : index
        %parallel_loop3A_253 = tpu.vector_load %arg8[%parallel_loop3A_251, %parallel_loop3A_252] {strides = array<i32>} : memref<120x128xf32, #tpu.memory_space<vmem>>, vector<16xf32>,
        %parallel_loop3A_254 = arith.mulf %parallel_loop3A_253, %parallel_loop3A_201 : vector<16xf32>
        %parallel_loop3A_255 = arith.index_cast %parallel_loop3A_195 : i32 to index
        %parallel_loop3A_256 = arith.constant 112 : index
        %parallel_loop3A_257 = tpu.vector_load %arg8[%parallel_loop3A_255, %parallel_loop3A_256] {strides = array<i32>} : memref<120x128xf32, #tpu.memory_space<vmem>>, vector<16xf32>,
        tpu.vector_store %arg8[%parallel_loop3A_255, %parallel_loop3A_256], %parallel_loop3A_254 {strides = array<i32>} : memref<120x128xf32, #tpu.memory_space<vmem>>, vector<16xf32>,
      } {sc.loop_unroll_factor = 8 : i64, sc.parallel_access}
      %dma_start3A_138 = arith.constant 1 : i32
      %dma_start3A_139 = arith.constant 0 : i32
      %dma_start3A_140 = tpu.memref_slice %arg6[%rem3A_126, %dma_start3A_138, %dma_start3A_139] : memref<6x3x120xi32, #tpu.memory_space<vmem>> -> memref<1x1x120xi32, #tpu.memory_space<vmem>>
      %dma_start3A_141 = tpu.memref_squeeze %dma_start3A_140 : memref<1x1x120xi32, #tpu.memory_space<vmem>> -> memref<120xi32, #tpu.memory_space<vmem>>
      %dma_start3A_142 = arith.constant 0 : i32
      %dma_start3A_143 = arith.constant 0 : i32
      %dma_start3A_144 = tpu.memref_slice %arg19[%dma_start3A_142, %dma_start3A_143] : memref<10112x128xf32, #tpu.memory_space<vmem_shared>> -> memref<10112x128xf32, #tpu.memory_space<vmem_shared>>
      tpu.enqueue_indirect_dma source(%arg8 : memref<120x128xf32, #tpu.memory_space<vmem>>) target(%dma_start3A_144 : memref<10112x128xf32, #tpu.memory_space<vmem_shared>>) offsets(%dma_start3A_141 : memref<120xi32, #tpu.memory_space<vmem>>) semaphore(%arg14 : memref<!tpu.dma_semaphore, #tpu.memory_space<semaphore_mem>>) {add = true}
      %add3A_145 = arith.constant 2 : i32
      %add3A_146 = arith.addi %add3A_124, %add3A_145 : i32
      %lt3A_147 = arith.constant 84 : i32
      %lt3A_148 = arith.cmpi slt, %add3A_146, %lt3A_147 : i32
      %convert_element_type3A_149 = arith.extui %lt3A_148 : i1 to i32
      %cond3A_150 = arith.constant 0 : i32
      %cond3A_151 = arith.cmpi ne, %convert_element_type3A_149, %cond3A_150 : i32
      scf.if %cond3A_151 {
        %add3A_195 = arith.constant 2 : i32
        %add3A_196 = arith.addi %add3A_124, %add3A_195 : i32
        %rem3A_197 = arith.constant 6 : i32
        %rem3A_198 = arith.remsi %add3A_196, %rem3A_197 : i32
        %add3A_199 = arith.constant 2 : i32
        %add3A_200 = arith.addi %add3A_124, %add3A_199 : i32
        %dma_wait3A_201 = arith.constant 0 : i32
        %dma_wait3A_202 = arith.constant 0 : i32
        %dma_wait3A_203 = tpu.memref_slice %arg6[%rem3A_198, %dma_wait3A_201, %dma_wait3A_202] : memref<6x3x120xi32, #tpu.memory_space<vmem>> -> memref<1x3x120xi32, #tpu.memory_space<vmem>>
        %dma_wait3A_204 = tpu.memref_squeeze %dma_wait3A_203 : memref<1x3x120xi32, #tpu.memory_space<vmem>> -> memref<3x120xi32, #tpu.memory_space<vmem>>
        %dma_wait3A_205 = arith.constant 0 : i32
        %dma_wait3A_206 = arith.constant 0 : i32
        %dma_wait3A_207 = tpu.memref_slice %arg3[%add3A, %add3A_200, %dma_wait3A_205, %dma_wait3A_206] : memref<32x84x3x120xi32, #tpu.memory_space<hbm>> -> memref<1x1x3x120xi32, #tpu.memory_space<hbm>>
        %dma_wait3A_208 = tpu.memref_squeeze %dma_wait3A_207 : memref<1x1x3x120xi32, #tpu.memory_space<hbm>> -> memref<3x120xi32, #tpu.memory_space<hbm>>
        %dma_wait3A_209 = arith.constant 0 : i32
        %dma_wait3A_210 = arith.constant 0 : i32
        %dma_wait3A_211 = tpu.memref_slice %arg6[%rem3A_198, %dma_wait3A_209, %dma_wait3A_210] : memref<6x3x120xi32, #tpu.memory_space<vmem>> -> memref<1x3x120xi32, #tpu.memory_space<vmem>>
        %dma_wait3A_212 = tpu.memref_squeeze %dma_wait3A_211 : memref<1x3x120xi32, #tpu.memory_space<vmem>> -> memref<3x120xi32, #tpu.memory_space<vmem>>
        %dma_wait3A_213 = arith.constant 0 : i32
        %dma_wait3A_214 = arith.constant 0 : i32
        %dma_wait3A_215 = tpu.memref_slice %arg3[%add3A, %add3A_200, %dma_wait3A_213, %dma_wait3A_214] : memref<32x84x3x120xi32, #tpu.memory_space<hbm>> -> memref<1x1x3x120xi32, #tpu.memory_space<hbm>>
        %dma_wait3A_216 = tpu.memref_squeeze %dma_wait3A_215 : memref<1x1x3x120xi32, #tpu.memory_space<hbm>> -> memref<3x120xi32, #tpu.memory_space<hbm>>
        tpu.wait_dma2 semaphore(%arg16 : memref<!tpu.dma_semaphore, #tpu.memory_space<semaphore_mem>>) src(%dma_wait3A_216 : memref<3x120xi32, #tpu.memory_space<hbm>>) dst(%dma_wait3A_212 : memref<3x120xi32, #tpu.memory_space<vmem>>)
        %ge3A = arith.constant 1 : i32
        %ge3A_217 = arith.cmpi sge, %add3A_124, %ge3A : i32
        %convert_element_type3A_218 = arith.extui %ge3A_217 : i1 to i32
        %cond3A_219 = arith.constant 0 : i32
        %cond3A_220 = arith.cmpi ne, %convert_element_type3A_218, %cond3A_219 : i32
        scf.if %cond3A_220 {
          %add3A_228 = arith.constant 5 : i32
          %add3A_229 = arith.addi %add3A_124, %add3A_228 : i32
          %rem3A_230 = arith.constant 6 : i32
          %rem3A_231 = arith.remsi %add3A_229, %rem3A_230 : i32
          %dma_wait3A_232 = arith.constant 1 : i32
          %dma_wait3A_233 = arith.constant 0 : i32
          %dma_wait3A_234 = tpu.memref_slice %arg6[%rem3A_231, %dma_wait3A_232, %dma_wait3A_233] : memref<6x3x120xi32, #tpu.memory_space<vmem>> -> memref<1x1x120xi32, #tpu.memory_space<vmem>>
          %dma_wait3A_235 = tpu.memref_squeeze %dma_wait3A_234 : memref<1x1x120xi32, #tpu.memory_space<vmem>> -> memref<120xi32, #tpu.memory_space<vmem>>
          %dma_wait3A_236 = arith.constant 0 : i32
          %dma_wait3A_237 = arith.constant 0 : i32
          %dma_wait3A_238 = tpu.memref_slice %arg19[%dma_wait3A_236, %dma_wait3A_237] : memref<10112x128xf32, #tpu.memory_space<vmem_shared>> -> memref<10112x128xf32, #tpu.memory_space<vmem_shared>>
          tpu.wait_indirect_dma semaphore(%arg13 : memref<!tpu.dma_semaphore, #tpu.memory_space<semaphore_mem>>) src(%arg7 : memref<120x128xf32, #tpu.memory_space<vmem>>) dst(%dma_wait3A_238 : memref<10112x128xf32, #tpu.memory_space<vmem_shared>>)
        } else {
        }
        %dma_start3A_221 = arith.constant 0 : i32
        %dma_start3A_222 = arith.constant 0 : i32
        %dma_start3A_223 = tpu.memref_slice %arg6[%rem3A_198, %dma_start3A_221, %dma_start3A_222] : memref<6x3x120xi32, #tpu.memory_space<vmem>> -> memref<1x1x120xi32, #tpu.memory_space<vmem>>
        %dma_start3A_224 = tpu.memref_squeeze %dma_start3A_223 : memref<1x1x120xi32, #tpu.memory_space<vmem>> -> memref<120xi32, #tpu.memory_space<vmem>>
        %dma_start3A_225 = arith.constant 0 : i32
        %dma_start3A_226 = arith.constant 0 : i32
        %dma_start3A_227 = tpu.memref_slice %arg2[%dma_start3A_225, %dma_start3A_226] : memref<10000x128xf32, #tpu.memory_space<hbm>> -> memref<10000x128xf32, #tpu.memory_space<hbm>>
        tpu.enqueue_indirect_dma source(%dma_start3A_227 : memref<10000x128xf32, #tpu.memory_space<hbm>>) target(%arg7 : memref<120x128xf32, #tpu.memory_space<vmem>>) offsets(%dma_start3A_224 : memref<120xi32, #tpu.memory_space<vmem>>) semaphore(%arg10 : memref<!tpu.dma_semaphore, #tpu.memory_space<semaphore_mem>>)
      } else {
      }
      %add3A_152 = arith.constant 4 : i32
      %add3A_153 = arith.addi %add3A_124, %add3A_152 : i32
      %lt3A_154 = arith.constant 84 : i32
      %lt3A_155 = arith.cmpi slt, %add3A_153, %lt3A_154 : i32
      %convert_element_type3A_156 = arith.extui %lt3A_155 : i1 to i32
      %cond3A_157 = arith.constant 0 : i32
      %cond3A_158 = arith.cmpi ne, %convert_element_type3A_156, %cond3A_157 : i32
      scf.if %cond3A_158 {
        %add3A_195 = arith.constant 4 : i32
        %add3A_196 = arith.addi %add3A_124, %add3A_195 : i32
        %add3A_197 = arith.constant 4 : i32
        %add3A_198 = arith.addi %add3A_124, %add3A_197 : i32
        %rem3A_199 = arith.constant 6 : i32
        %rem3A_200 = arith.remsi %add3A_198, %rem3A_199 : i32
        %dma_start3A_201 = arith.constant 0 : i32
        %dma_start3A_202 = arith.constant 0 : i32
        %dma_start3A_203 = tpu.memref_slice %arg6[%rem3A_200, %dma_start3A_201, %dma_start3A_202] : memref<6x3x120xi32, #tpu.memory_space<vmem>> -> memref<1x3x120xi32, #tpu.memory_space<vmem>>
        %dma_start3A_204 = tpu.memref_squeeze %dma_start3A_203 : memref<1x3x120xi32, #tpu.memory_space<vmem>> -> memref<3x120xi32, #tpu.memory_space<vmem>>
        %dma_start3A_205 = arith.constant 0 : i32
        %dma_start3A_206 = arith.constant 0 : i32
        %dma_start3A_207 = tpu.memref_slice %arg3[%add3A, %add3A_196, %dma_start3A_205, %dma_start3A_206] : memref<32x84x3x120xi32, #tpu.memory_space<hbm>> -> memref<1x1x3x120xi32, #tpu.memory_space<hbm>>
        %dma_start3A_208 = tpu.memref_squeeze %dma_start3A_207 : memref<1x1x3x120xi32, #tpu.memory_space<hbm>> -> memref<3x120xi32, #tpu.memory_space<hbm>>
        %dma_start3A_209 = arith.constant 0 : i32
        %dma_start3A_210 = arith.constant 0 : i32
        %dma_start3A_211 = tpu.memref_slice %arg6[%rem3A_200, %dma_start3A_209, %dma_start3A_210] : memref<6x3x120xi32, #tpu.memory_space<vmem>> -> memref<1x3x120xi32, #tpu.memory_space<vmem>>
        %dma_start3A_212 = tpu.memref_squeeze %dma_start3A_211 : memref<1x3x120xi32, #tpu.memory_space<vmem>> -> memref<3x120xi32, #tpu.memory_space<vmem>>
        %dma_start3A_213 = arith.constant 0 : i32
        %dma_start3A_214 = arith.constant 0 : i32
        %dma_start3A_215 = tpu.memref_slice %arg3[%add3A, %add3A_196, %dma_start3A_213, %dma_start3A_214] : memref<32x84x3x120xi32, #tpu.memory_space<hbm>> -> memref<1x1x3x120xi32, #tpu.memory_space<hbm>>
        %dma_start3A_216 = tpu.memref_squeeze %dma_start3A_215 : memref<1x1x3x120xi32, #tpu.memory_space<hbm>> -> memref<3x120xi32, #tpu.memory_space<hbm>>
        tpu.enqueue_dma source(%dma_start3A_216 : memref<3x120xi32, #tpu.memory_space<hbm>>) target(%dma_start3A_212 : memref<3x120xi32, #tpu.memory_space<vmem>>) target_semaphore(%arg18 : memref<!tpu.dma_semaphore, #tpu.memory_space<semaphore_mem>>)
      } else {
      }
      %add3A_159 = arith.constant 2 : i32
      %add3A_160 = arith.addi %add3A_93, %add3A_159 : i32
      %rem3A_161 = arith.constant 6 : i32
      %rem3A_162 = arith.remsi %add3A_160, %rem3A_161 : i32
      %dma_wait3A_163 = arith.constant 0 : i32
      %dma_wait3A_164 = arith.constant 0 : i32
      %dma_wait3A_165 = tpu.memref_slice %arg6[%rem3A_162, %dma_wait3A_163, %dma_wait3A_164] : memref<6x3x120xi32, #tpu.memory_space<vmem>> -> memref<1x1x120xi32, #tpu.memory_space<vmem>>
      %dma_wait3A_166 = tpu.memref_squeeze %dma_wait3A_165 : memref<1x1x120xi32, #tpu.memory_space<vmem>> -> memref<120xi32, #tpu.memory_space<vmem>>
      %dma_wait3A_167 = arith.constant 0 : i32
      %dma_wait3A_168 = arith.constant 0 : i32
      %dma_wait3A_169 = tpu.memref_slice %arg2[%dma_wait3A_167, %dma_wait3A_168] : memref<10000x128xf32, #tpu.memory_space<hbm>> -> memref<10000x128xf32, #tpu.memory_space<hbm>>
      tpu.wait_indirect_dma semaphore(%arg12 : memref<!tpu.dma_semaphore, #tpu.memory_space<semaphore_mem>>) src(%dma_wait3A_169 : memref<10000x128xf32, #tpu.memory_space<hbm>>) dst(%arg9 : memref<120x128xf32, #tpu.memory_space<vmem>>)
      %parallel_loop3A_170 = arith.constant 0 : i32
      %parallel_loop3A_171 = arith.constant 120 : i32
      %parallel_loop3A_172 = arith.constant 1 : i32
      %parallel_loop3A_173 = arith.constant 2 : i32
      scf.for %parallel_loop3A_195 = %parallel_loop3A_170 to %parallel_loop3A_171 step %parallel_loop3A_172  : i32 {
        %parallel_loop3A_196 = vector.broadcast %parallel_loop3A_195 : i32 to vector<16xi32>
        %parallel_loop3A_197 = arith.constant 0 : i32
        %parallel_loop3A_198 = tpu.memref_slice %arg6[%rem3A_162, %parallel_loop3A_173, %parallel_loop3A_197] : memref<6x3x120xi32, #tpu.memory_space<vmem>> -> memref<1x1x120xi32, #tpu.memory_space<vmem>>
        %parallel_loop3A_199 = tpu.memref_squeeze %parallel_loop3A_198 : memref<1x1x120xi32, #tpu.memory_space<vmem>> -> memref<120xi32, #tpu.memory_space<vmem>>
        %parallel_loop3A_200 = tpu.vector_load_idx %parallel_loop3A_199[%parallel_loop3A_196] : memref<120xi32, #tpu.memory_space<vmem>>[vector<16xi32>], vector<16xi32>,
        %parallel_loop3A_201 = vector.bitcast %parallel_loop3A_200 : vector<16xi32> to vector<16xf32>
        %parallel_loop3A_202 = arith.index_cast %parallel_loop3A_195 : i32 to index
        %parallel_loop3A_203 = arith.constant 0 : index
        %parallel_loop3A_204 = tpu.vector_load %arg9[%parallel_loop3A_202, %parallel_loop3A_203] {strides = array<i32>} : memref<120x128xf32, #tpu.memory_space<vmem>>, vector<16xf32>,
        %parallel_loop3A_205 = arith.mulf %parallel_loop3A_204, %parallel_loop3A_201 : vector<16xf32>
        %parallel_loop3A_206 = arith.index_cast %parallel_loop3A_195 : i32 to index
        %parallel_loop3A_207 = arith.constant 0 : index
        %parallel_loop3A_208 = tpu.vector_load %arg9[%parallel_loop3A_206, %parallel_loop3A_207] {strides = array<i32>} : memref<120x128xf32, #tpu.memory_space<vmem>>, vector<16xf32>,
        tpu.vector_store %arg9[%parallel_loop3A_206, %parallel_loop3A_207], %parallel_loop3A_205 {strides = array<i32>} : memref<120x128xf32, #tpu.memory_space<vmem>>, vector<16xf32>,
        %parallel_loop3A_209 = arith.index_cast %parallel_loop3A_195 : i32 to index
        %parallel_loop3A_210 = arith.constant 16 : index
        %parallel_loop3A_211 = tpu.vector_load %arg9[%parallel_loop3A_209, %parallel_loop3A_210] {strides = array<i32>} : memref<120x128xf32, #tpu.memory_space<vmem>>, vector<16xf32>,
        %parallel_loop3A_212 = arith.mulf %parallel_loop3A_211, %parallel_loop3A_201 : vector<16xf32>
        %parallel_loop3A_213 = arith.index_cast %parallel_loop3A_195 : i32 to index
        %parallel_loop3A_214 = arith.constant 16 : index
        %parallel_loop3A_215 = tpu.vector_load %arg9[%parallel_loop3A_213, %parallel_loop3A_214] {strides = array<i32>} : memref<120x128xf32, #tpu.memory_space<vmem>>, vector<16xf32>,
        tpu.vector_store %arg9[%parallel_loop3A_213, %parallel_loop3A_214], %parallel_loop3A_212 {strides = array<i32>} : memref<120x128xf32, #tpu.memory_space<vmem>>, vector<16xf32>,
        %parallel_loop3A_216 = arith.index_cast %parallel_loop3A_195 : i32 to index
        %parallel_loop3A_217 = arith.constant 32 : index
        %parallel_loop3A_218 = tpu.vector_load %arg9[%parallel_loop3A_216, %parallel_loop3A_217] {strides = array<i32>} : memref<120x128xf32, #tpu.memory_space<vmem>>, vector<16xf32>,
        %parallel_loop3A_219 = arith.mulf %parallel_loop3A_218, %parallel_loop3A_201 : vector<16xf32>
        %parallel_loop3A_220 = arith.index_cast %parallel_loop3A_195 : i32 to index
        %parallel_loop3A_221 = arith.constant 32 : index
        %parallel_loop3A_222 = tpu.vector_load %arg9[%parallel_loop3A_220, %parallel_loop3A_221] {strides = array<i32>} : memref<120x128xf32, #tpu.memory_space<vmem>>, vector<16xf32>,
        tpu.vector_store %arg9[%parallel_loop3A_220, %parallel_loop3A_221], %parallel_loop3A_219 {strides = array<i32>} : memref<120x128xf32, #tpu.memory_space<vmem>>, vector<16xf32>,
        %parallel_loop3A_223 = arith.index_cast %parallel_loop3A_195 : i32 to index
        %parallel_loop3A_224 = arith.constant 48 : index
        %parallel_loop3A_225 = tpu.vector_load %arg9[%parallel_loop3A_223, %parallel_loop3A_224] {strides = array<i32>} : memref<120x128xf32, #tpu.memory_space<vmem>>, vector<16xf32>,
        %parallel_loop3A_226 = arith.mulf %parallel_loop3A_225, %parallel_loop3A_201 : vector<16xf32>
        %parallel_loop3A_227 = arith.index_cast %parallel_loop3A_195 : i32 to index
        %parallel_loop3A_228 = arith.constant 48 : index
        %parallel_loop3A_229 = tpu.vector_load %arg9[%parallel_loop3A_227, %parallel_loop3A_228] {strides = array<i32>} : memref<120x128xf32, #tpu.memory_space<vmem>>, vector<16xf32>,
        tpu.vector_store %arg9[%parallel_loop3A_227, %parallel_loop3A_228], %parallel_loop3A_226 {strides = array<i32>} : memref<120x128xf32, #tpu.memory_space<vmem>>, vector<16xf32>,
        %parallel_loop3A_230 = arith.index_cast %parallel_loop3A_195 : i32 to index
        %parallel_loop3A_231 = arith.constant 64 : index
        %parallel_loop3A_232 = tpu.vector_load %arg9[%parallel_loop3A_230, %parallel_loop3A_231] {strides = array<i32>} : memref<120x128xf32, #tpu.memory_space<vmem>>, vector<16xf32>,
        %parallel_loop3A_233 = arith.mulf %parallel_loop3A_232, %parallel_loop3A_201 : vector<16xf32>
        %parallel_loop3A_234 = arith.index_cast %parallel_loop3A_195 : i32 to index
        %parallel_loop3A_235 = arith.constant 64 : index
        %parallel_loop3A_236 = tpu.vector_load %arg9[%parallel_loop3A_234, %parallel_loop3A_235] {strides = array<i32>} : memref<120x128xf32, #tpu.memory_space<vmem>>, vector<16xf32>,
        tpu.vector_store %arg9[%parallel_loop3A_234, %parallel_loop3A_235], %parallel_loop3A_233 {strides = array<i32>} : memref<120x128xf32, #tpu.memory_space<vmem>>, vector<16xf32>,
        %parallel_loop3A_237 = arith.index_cast %parallel_loop3A_195 : i32 to index
        %parallel_loop3A_238 = arith.constant 80 : index
        %parallel_loop3A_239 = tpu.vector_load %arg9[%parallel_loop3A_237, %parallel_loop3A_238] {strides = array<i32>} : memref<120x128xf32, #tpu.memory_space<vmem>>, vector<16xf32>,
        %parallel_loop3A_240 = arith.mulf %parallel_loop3A_239, %parallel_loop3A_201 : vector<16xf32>
        %parallel_loop3A_241 = arith.index_cast %parallel_loop3A_195 : i32 to index
        %parallel_loop3A_242 = arith.constant 80 : index
        %parallel_loop3A_243 = tpu.vector_load %arg9[%parallel_loop3A_241, %parallel_loop3A_242] {strides = array<i32>} : memref<120x128xf32, #tpu.memory_space<vmem>>, vector<16xf32>,
        tpu.vector_store %arg9[%parallel_loop3A_241, %parallel_loop3A_242], %parallel_loop3A_240 {strides = array<i32>} : memref<120x128xf32, #tpu.memory_space<vmem>>, vector<16xf32>,
        %parallel_loop3A_244 = arith.index_cast %parallel_loop3A_195 : i32 to index
        %parallel_loop3A_245 = arith.constant 96 : index
        %parallel_loop3A_246 = tpu.vector_load %arg9[%parallel_loop3A_244, %parallel_loop3A_245] {strides = array<i32>} : memref<120x128xf32, #tpu.memory_space<vmem>>, vector<16xf32>,
        %parallel_loop3A_247 = arith.mulf %parallel_loop3A_246, %parallel_loop3A_201 : vector<16xf32>
        %parallel_loop3A_248 = arith.index_cast %parallel_loop3A_195 : i32 to index
        %parallel_loop3A_249 = arith.constant 96 : index
        %parallel_loop3A_250 = tpu.vector_load %arg9[%parallel_loop3A_248, %parallel_loop3A_249] {strides = array<i32>} : memref<120x128xf32, #tpu.memory_space<vmem>>, vector<16xf32>,
        tpu.vector_store %arg9[%parallel_loop3A_248, %parallel_loop3A_249], %parallel_loop3A_247 {strides = array<i32>} : memref<120x128xf32, #tpu.memory_space<vmem>>, vector<16xf32>,
        %parallel_loop3A_251 = arith.index_cast %parallel_loop3A_195 : i32 to index
        %parallel_loop3A_252 = arith.constant 112 : index
        %parallel_loop3A_253 = tpu.vector_load %arg9[%parallel_loop3A_251, %parallel_loop3A_252] {strides = array<i32>} : memref<120x128xf32, #tpu.memory_space<vmem>>, vector<16xf32>,
        %parallel_loop3A_254 = arith.mulf %parallel_loop3A_253, %parallel_loop3A_201 : vector<16xf32>
        %parallel_loop3A_255 = arith.index_cast %parallel_loop3A_195 : i32 to index
        %parallel_loop3A_256 = arith.constant 112 : index
        %parallel_loop3A_257 = tpu.vector_load %arg9[%parallel_loop3A_255, %parallel_loop3A_256] {strides = array<i32>} : memref<120x128xf32, #tpu.memory_space<vmem>>, vector<16xf32>,
        tpu.vector_store %arg9[%parallel_loop3A_255, %parallel_loop3A_256], %parallel_loop3A_254 {strides = array<i32>} : memref<120x128xf32, #tpu.memory_space<vmem>>, vector<16xf32>,
      } {sc.loop_unroll_factor = 8 : i64, sc.parallel_access}
      %dma_start3A_174 = arith.constant 1 : i32
      %dma_start3A_175 = arith.constant 0 : i32
      %dma_start3A_176 = tpu.memref_slice %arg6[%rem3A_162, %dma_start3A_174, %dma_start3A_175] : memref<6x3x120xi32, #tpu.memory_space<vmem>> -> memref<1x1x120xi32, #tpu.memory_space<vmem>>
      %dma_start3A_177 = tpu.memref_squeeze %dma_start3A_176 : memref<1x1x120xi32, #tpu.memory_space<vmem>> -> memref<120xi32, #tpu.memory_space<vmem>>
      %dma_start3A_178 = arith.constant 0 : i32
      %dma_start3A_179 = arith.constant 0 : i32
      %dma_start3A_180 = tpu.memref_slice %arg19[%dma_start3A_178, %dma_start3A_179] : memref<10112x128xf32, #tpu.memory_space<vmem_shared>> -> memref<10112x128xf32, #tpu.memory_space<vmem_shared>>
      tpu.enqueue_indirect_dma source(%arg9 : memref<120x128xf32, #tpu.memory_space<vmem>>) target(%dma_start3A_180 : memref<10112x128xf32, #tpu.memory_space<vmem_shared>>) offsets(%dma_start3A_177 : memref<120xi32, #tpu.memory_space<vmem>>) semaphore(%arg15 : memref<!tpu.dma_semaphore, #tpu.memory_space<semaphore_mem>>) {add = true}
      %add3A_181 = arith.constant 2 : i32
      %add3A_182 = arith.addi %add3A_160, %add3A_181 : i32
      %lt3A_183 = arith.constant 84 : i32
      %lt3A_184 = arith.cmpi slt, %add3A_182, %lt3A_183 : i32
      %convert_element_type3A_185 = arith.extui %lt3A_184 : i1 to i32
      %cond3A_186 = arith.constant 0 : i32
      %cond3A_187 = arith.cmpi ne, %convert_element_type3A_185, %cond3A_186 : i32
      scf.if %cond3A_187 {
        %add3A_195 = arith.constant 2 : i32
        %add3A_196 = arith.addi %add3A_160, %add3A_195 : i32
        %rem3A_197 = arith.constant 6 : i32
        %rem3A_198 = arith.remsi %add3A_196, %rem3A_197 : i32
        %add3A_199 = arith.constant 2 : i32
        %add3A_200 = arith.addi %add3A_160, %add3A_199 : i32
        %dma_wait3A_201 = arith.constant 0 : i32
        %dma_wait3A_202 = arith.constant 0 : i32
        %dma_wait3A_203 = tpu.memref_slice %arg6[%rem3A_198, %dma_wait3A_201, %dma_wait3A_202] : memref<6x3x120xi32, #tpu.memory_space<vmem>> -> memref<1x3x120xi32, #tpu.memory_space<vmem>>
        %dma_wait3A_204 = tpu.memref_squeeze %dma_wait3A_203 : memref<1x3x120xi32, #tpu.memory_space<vmem>> -> memref<3x120xi32, #tpu.memory_space<vmem>>
        %dma_wait3A_205 = arith.constant 0 : i32
        %dma_wait3A_206 = arith.constant 0 : i32
        %dma_wait3A_207 = tpu.memref_slice %arg3[%add3A, %add3A_200, %dma_wait3A_205, %dma_wait3A_206] : memref<32x84x3x120xi32, #tpu.memory_space<hbm>> -> memref<1x1x3x120xi32, #tpu.memory_space<hbm>>
        %dma_wait3A_208 = tpu.memref_squeeze %dma_wait3A_207 : memref<1x1x3x120xi32, #tpu.memory_space<hbm>> -> memref<3x120xi32, #tpu.memory_space<hbm>>
        %dma_wait3A_209 = arith.constant 0 : i32
        %dma_wait3A_210 = arith.constant 0 : i32
        %dma_wait3A_211 = tpu.memref_slice %arg6[%rem3A_198, %dma_wait3A_209, %dma_wait3A_210] : memref<6x3x120xi32, #tpu.memory_space<vmem>> -> memref<1x3x120xi32, #tpu.memory_space<vmem>>
        %dma_wait3A_212 = tpu.memref_squeeze %dma_wait3A_211 : memref<1x3x120xi32, #tpu.memory_space<vmem>> -> memref<3x120xi32, #tpu.memory_space<vmem>>
        %dma_wait3A_213 = arith.constant 0 : i32
        %dma_wait3A_214 = arith.constant 0 : i32
        %dma_wait3A_215 = tpu.memref_slice %arg3[%add3A, %add3A_200, %dma_wait3A_213, %dma_wait3A_214] : memref<32x84x3x120xi32, #tpu.memory_space<hbm>> -> memref<1x1x3x120xi32, #tpu.memory_space<hbm>>
        %dma_wait3A_216 = tpu.memref_squeeze %dma_wait3A_215 : memref<1x1x3x120xi32, #tpu.memory_space<hbm>> -> memref<3x120xi32, #tpu.memory_space<hbm>>
        tpu.wait_dma2 semaphore(%arg17 : memref<!tpu.dma_semaphore, #tpu.memory_space<semaphore_mem>>) src(%dma_wait3A_216 : memref<3x120xi32, #tpu.memory_space<hbm>>) dst(%dma_wait3A_212 : memref<3x120xi32, #tpu.memory_space<vmem>>)
        %ge3A = arith.constant 1 : i32
        %ge3A_217 = arith.cmpi sge, %add3A_160, %ge3A : i32
        %convert_element_type3A_218 = arith.extui %ge3A_217 : i1 to i32
        %cond3A_219 = arith.constant 0 : i32
        %cond3A_220 = arith.cmpi ne, %convert_element_type3A_218, %cond3A_219 : i32
        scf.if %cond3A_220 {
          %add3A_228 = arith.constant 5 : i32
          %add3A_229 = arith.addi %add3A_160, %add3A_228 : i32
          %rem3A_230 = arith.constant 6 : i32
          %rem3A_231 = arith.remsi %add3A_229, %rem3A_230 : i32
          %dma_wait3A_232 = arith.constant 1 : i32
          %dma_wait3A_233 = arith.constant 0 : i32
          %dma_wait3A_234 = tpu.memref_slice %arg6[%rem3A_231, %dma_wait3A_232, %dma_wait3A_233] : memref<6x3x120xi32, #tpu.memory_space<vmem>> -> memref<1x1x120xi32, #tpu.memory_space<vmem>>
          %dma_wait3A_235 = tpu.memref_squeeze %dma_wait3A_234 : memref<1x1x120xi32, #tpu.memory_space<vmem>> -> memref<120xi32, #tpu.memory_space<vmem>>
          %dma_wait3A_236 = arith.constant 0 : i32
          %dma_wait3A_237 = arith.constant 0 : i32
          %dma_wait3A_238 = tpu.memref_slice %arg19[%dma_wait3A_236, %dma_wait3A_237] : memref<10112x128xf32, #tpu.memory_space<vmem_shared>> -> memref<10112x128xf32, #tpu.memory_space<vmem_shared>>
          tpu.wait_indirect_dma semaphore(%arg14 : memref<!tpu.dma_semaphore, #tpu.memory_space<semaphore_mem>>) src(%arg8 : memref<120x128xf32, #tpu.memory_space<vmem>>) dst(%dma_wait3A_238 : memref<10112x128xf32, #tpu.memory_space<vmem_shared>>)
        } else {
        }
        %dma_start3A_221 = arith.constant 0 : i32
        %dma_start3A_222 = arith.constant 0 : i32
        %dma_start3A_223 = tpu.memref_slice %arg6[%rem3A_198, %dma_start3A_221, %dma_start3A_222] : memref<6x3x120xi32, #tpu.memory_space<vmem>> -> memref<1x1x120xi32, #tpu.memory_space<vmem>>
        %dma_start3A_224 = tpu.memref_squeeze %dma_start3A_223 : memref<1x1x120xi32, #tpu.memory_space<vmem>> -> memref<120xi32, #tpu.memory_space<vmem>>
        %dma_start3A_225 = arith.constant 0 : i32
        %dma_start3A_226 = arith.constant 0 : i32
        %dma_start3A_227 = tpu.memref_slice %arg2[%dma_start3A_225, %dma_start3A_226] : memref<10000x128xf32, #tpu.memory_space<hbm>> -> memref<10000x128xf32, #tpu.memory_space<hbm>>
        tpu.enqueue_indirect_dma source(%dma_start3A_227 : memref<10000x128xf32, #tpu.memory_space<hbm>>) target(%arg8 : memref<120x128xf32, #tpu.memory_space<vmem>>) offsets(%dma_start3A_224 : memref<120xi32, #tpu.memory_space<vmem>>) semaphore(%arg11 : memref<!tpu.dma_semaphore, #tpu.memory_space<semaphore_mem>>)
      } else {
      }
      %add3A_188 = arith.constant 4 : i32
      %add3A_189 = arith.addi %add3A_160, %add3A_188 : i32
      %lt3A_190 = arith.constant 84 : i32
      %lt3A_191 = arith.cmpi slt, %add3A_189, %lt3A_190 : i32
      %convert_element_type3A_192 = arith.extui %lt3A_191 : i1 to i32
      %cond3A_193 = arith.constant 0 : i32
      %cond3A_194 = arith.cmpi ne, %convert_element_type3A_192, %cond3A_193 : i32
      scf.if %cond3A_194 {
        %add3A_195 = arith.constant 4 : i32
        %add3A_196 = arith.addi %add3A_160, %add3A_195 : i32
        %add3A_197 = arith.constant 4 : i32
        %add3A_198 = arith.addi %add3A_160, %add3A_197 : i32
        %rem3A_199 = arith.constant 6 : i32
        %rem3A_200 = arith.remsi %add3A_198, %rem3A_199 : i32
        %dma_start3A_201 = arith.constant 0 : i32
        %dma_start3A_202 = arith.constant 0 : i32
        %dma_start3A_203 = tpu.memref_slice %arg6[%rem3A_200, %dma_start3A_201, %dma_start3A_202] : memref<6x3x120xi32, #tpu.memory_space<vmem>> -> memref<1x3x120xi32, #tpu.memory_space<vmem>>
        %dma_start3A_204 = tpu.memref_squeeze %dma_start3A_203 : memref<1x3x120xi32, #tpu.memory_space<vmem>> -> memref<3x120xi32, #tpu.memory_space<vmem>>
        %dma_start3A_205 = arith.constant 0 : i32
        %dma_start3A_206 = arith.constant 0 : i32
        %dma_start3A_207 = tpu.memref_slice %arg3[%add3A, %add3A_196, %dma_start3A_205, %dma_start3A_206] : memref<32x84x3x120xi32, #tpu.memory_space<hbm>> -> memref<1x1x3x120xi32, #tpu.memory_space<hbm>>
        %dma_start3A_208 = tpu.memref_squeeze %dma_start3A_207 : memref<1x1x3x120xi32, #tpu.memory_space<hbm>> -> memref<3x120xi32, #tpu.memory_space<hbm>>
        %dma_start3A_209 = arith.constant 0 : i32
        %dma_start3A_210 = arith.constant 0 : i32
        %dma_start3A_211 = tpu.memref_slice %arg6[%rem3A_200, %dma_start3A_209, %dma_start3A_210] : memref<6x3x120xi32, #tpu.memory_space<vmem>> -> memref<1x3x120xi32, #tpu.memory_space<vmem>>
        %dma_start3A_212 = tpu.memref_squeeze %dma_start3A_211 : memref<1x3x120xi32, #tpu.memory_space<vmem>> -> memref<3x120xi32, #tpu.memory_space<vmem>>
        %dma_start3A_213 = arith.constant 0 : i32
        %dma_start3A_214 = arith.constant 0 : i32
        %dma_start3A_215 = tpu.memref_slice %arg3[%add3A, %add3A_196, %dma_start3A_213, %dma_start3A_214] : memref<32x84x3x120xi32, #tpu.memory_space<hbm>> -> memref<1x1x3x120xi32, #tpu.memory_space<hbm>>
        %dma_start3A_216 = tpu.memref_squeeze %dma_start3A_215 : memref<1x1x3x120xi32, #tpu.memory_space<hbm>> -> memref<3x120xi32, #tpu.memory_space<hbm>>
        tpu.enqueue_dma source(%dma_start3A_216 : memref<3x120xi32, #tpu.memory_space<hbm>>) target(%dma_start3A_212 : memref<3x120xi32, #tpu.memory_space<vmem>>) target_semaphore(%arg16 : memref<!tpu.dma_semaphore, #tpu.memory_space<semaphore_mem>>)
      } else {
      }
    }
    %scan3A_60 = arith.constant 28 : i32
    %dma_wait3A = arith.constant 3 : i32
    %dma_wait3A_61 = arith.constant 1 : i32
    %dma_wait3A_62 = arith.constant 0 : i32
    %dma_wait3A_63 = tpu.memref_slice %arg6[%dma_wait3A, %dma_wait3A_61, %dma_wait3A_62] : memref<6x3x120xi32, #tpu.memory_space<vmem>> -> memref<1x1x120xi32, #tpu.memory_space<vmem>>
    %dma_wait3A_64 = tpu.memref_squeeze %dma_wait3A_63 : memref<1x1x120xi32, #tpu.memory_space<vmem>> -> memref<120xi32, #tpu.memory_space<vmem>>
    %dma_wait3A_65 = arith.constant 0 : i32
    %dma_wait3A_66 = arith.constant 0 : i32
    %dma_wait3A_67 = tpu.memref_slice %arg19[%dma_wait3A_65, %dma_wait3A_66] : memref<10112x128xf32, #tpu.memory_space<vmem_shared>> -> memref<10112x128xf32, #tpu.memory_space<vmem_shared>>
    tpu.wait_indirect_dma semaphore(%arg13 : memref<!tpu.dma_semaphore, #tpu.memory_space<semaphore_mem>>) src(%arg7 : memref<120x128xf32, #tpu.memory_space<vmem>>) dst(%dma_wait3A_67 : memref<10112x128xf32, #tpu.memory_space<vmem_shared>>)
    %dma_wait3A_68 = arith.constant 4 : i32
    %dma_wait3A_69 = arith.constant 1 : i32
    %dma_wait3A_70 = arith.constant 0 : i32
    %dma_wait3A_71 = tpu.memref_slice %arg6[%dma_wait3A_68, %dma_wait3A_69, %dma_wait3A_70] : memref<6x3x120xi32, #tpu.memory_space<vmem>> -> memref<1x1x120xi32, #tpu.memory_space<vmem>>
    %dma_wait3A_72 = tpu.memref_squeeze %dma_wait3A_71 : memref<1x1x120xi32, #tpu.memory_space<vmem>> -> memref<120xi32, #tpu.memory_space<vmem>>
    %dma_wait3A_73 = arith.constant 0 : i32
    %dma_wait3A_74 = arith.constant 0 : i32
    %dma_wait3A_75 = tpu.memref_slice %arg19[%dma_wait3A_73, %dma_wait3A_74] : memref<10112x128xf32, #tpu.memory_space<vmem_shared>> -> memref<10112x128xf32, #tpu.memory_space<vmem_shared>>
    tpu.wait_indirect_dma semaphore(%arg14 : memref<!tpu.dma_semaphore, #tpu.memory_space<semaphore_mem>>) src(%arg8 : memref<120x128xf32, #tpu.memory_space<vmem>>) dst(%dma_wait3A_75 : memref<10112x128xf32, #tpu.memory_space<vmem_shared>>)
    %dma_wait3A_76 = arith.constant 5 : i32
    %dma_wait3A_77 = arith.constant 1 : i32
    %dma_wait3A_78 = arith.constant 0 : i32
    %dma_wait3A_79 = tpu.memref_slice %arg6[%dma_wait3A_76, %dma_wait3A_77, %dma_wait3A_78] : memref<6x3x120xi32, #tpu.memory_space<vmem>> -> memref<1x1x120xi32, #tpu.memory_space<vmem>>
    %dma_wait3A_80 = tpu.memref_squeeze %dma_wait3A_79 : memref<1x1x120xi32, #tpu.memory_space<vmem>> -> memref<120xi32, #tpu.memory_space<vmem>>
    %dma_wait3A_81 = arith.constant 0 : i32
    %dma_wait3A_82 = arith.constant 0 : i32
    %dma_wait3A_83 = tpu.memref_slice %arg19[%dma_wait3A_81, %dma_wait3A_82] : memref<10112x128xf32, #tpu.memory_space<vmem_shared>> -> memref<10112x128xf32, #tpu.memory_space<vmem_shared>>
    tpu.wait_indirect_dma semaphore(%arg15 : memref<!tpu.dma_semaphore, #tpu.memory_space<semaphore_mem>>) src(%arg9 : memref<120x128xf32, #tpu.memory_space<vmem>>) dst(%dma_wait3A_83 : memref<10112x128xf32, #tpu.memory_space<vmem_shared>>)
    %barrier3A_84 = arith.constant 0 : index
    tpu.barrier barrier_id(%barrier3A_84)
    %mul3A_85 = arith.constant 632 : i32
    %mul3A_86 = arith.muli %arg1, %mul3A_85 : i32
    %mul3A_87 = arith.constant 632 : i32
    %mul3A_88 = arith.muli %arg1, %mul3A_87 : i32
    "tpu.region"() ({
      %run_scoped3A_89 = tpu.sem_alloc : memref<!tpu.dma_semaphore, #tpu.memory_space<semaphore_mem>>
      %dma_start3A_90 = arith.constant 0 : i32
      %dma_start3A_91 = tpu.memref_slice %arg5[%arg0, %mul3A_88, %dma_start3A_90] : memref<2x10112x128xf32, #tpu.memory_space<hbm>> -> memref<1x632x128xf32, #tpu.memory_space<hbm>>
      %dma_start3A_92 = tpu.memref_squeeze %dma_start3A_91 : memref<1x632x128xf32, #tpu.memory_space<hbm>> -> memref<632x128xf32, #tpu.memory_space<hbm>>
      %dma_start3A_93 = arith.constant 0 : i32
      %dma_start3A_94 = tpu.memref_slice %arg19[%mul3A_86, %dma_start3A_93] : memref<10112x128xf32, #tpu.memory_space<vmem_shared>> -> memref<632x128xf32, #tpu.memory_space<vmem_shared>>
      tpu.enqueue_dma source(%dma_start3A_94 : memref<632x128xf32, #tpu.memory_space<vmem_shared>>) target(%dma_start3A_92 : memref<632x128xf32, #tpu.memory_space<hbm>>) target_semaphore(%run_scoped3A_89 : memref<!tpu.dma_semaphore, #tpu.memory_space<semaphore_mem>>)
      %dma_wait3A_95 = arith.constant 0 : i32
      %dma_wait3A_96 = tpu.memref_slice %arg5[%arg0, %mul3A_88, %dma_wait3A_95] : memref<2x10112x128xf32, #tpu.memory_space<hbm>> -> memref<1x632x128xf32, #tpu.memory_space<hbm>>
      %dma_wait3A_97 = tpu.memref_squeeze %dma_wait3A_96 : memref<1x632x128xf32, #tpu.memory_space<hbm>> -> memref<632x128xf32, #tpu.memory_space<hbm>>
      %dma_wait3A_98 = arith.constant 0 : i32
      %dma_wait3A_99 = tpu.memref_slice %arg19[%mul3A_86, %dma_wait3A_98] : memref<10112x128xf32, #tpu.memory_space<vmem_shared>> -> memref<632x128xf32, #tpu.memory_space<vmem_shared>>
      tpu.wait_dma2 semaphore(%run_scoped3A_89 : memref<!tpu.dma_semaphore, #tpu.memory_space<semaphore_mem>>) src(%dma_wait3A_99 : memref<632x128xf32, #tpu.memory_space<vmem_shared>>) dst(%dma_wait3A_97 : memref<632x128xf32, #tpu.memory_space<hbm>>)
      tpu.yield
    }) : () -> ()
    return
  }
}

module attributes {stable_mosaic.version = 14 : i64} {
  func.func @_matmul_body(%arg0: i32, %arg1: memref<1000x128xf32, #tpu.memory_space<vmem>>, %arg2: memref<128x128xf32, #tpu.memory_space<vmem>>, %arg3: memref<1000x128xf32, #tpu.memory_space<vmem>>) attributes {dimension_semantics = [#tpu.dimension_semantics<arbitrary>], iteration_bounds = array<i64: 10>, scalar_prefetch = 0 : i64, scratch_operands = 0 : i64, tpu.core_type = #tpu.core_type<tc>, window_params = [{transform_indices = @transform_0, window_bounds = array<i64: 1000, 128>}, {pipeline_mode = #tpu.pipeline_mode<synchronous>, transform_indices = @transform_1, window_bounds = array<i64: 128, 128>}, {transform_indices = @transform_2, window_bounds = array<i64: 1000, 128>}]} {
    %get3A = arith.constant 0 : index
    %get3A_0 = arith.constant 0 : index
    %get3A_1 = vector.load %arg1[%get3A, %get3A_0] : memref<1000x128xf32, #tpu.memory_space<vmem>>, vector<1000x128xf32>
    %get3A_2 = arith.constant 0 : index
    %get3A_3 = arith.constant 0 : index
    %get3A_4 = vector.load %arg2[%get3A_2, %get3A_3] : memref<128x128xf32, #tpu.memory_space<vmem>>, vector<128x128xf32>
    %dot_general3A = arith.constant dense<0.000000e+00> : vector<1000x128xf32>
    %dot_general3A_5 = tpu.matmul %get3A_1, %get3A_4, %dot_general3A {dimension_numbers = #tpu.dot_dimension_numbers<[1], [0], [0], [1], [0, 0, 1, 1], [], []>, transpose_lhs_hint = false} : vector<1000x128xf32>, vector<128x128xf32>, vector<1000x128xf32> -> vector<1000x128xf32>
    %swap3A = arith.constant 0 : index
    %swap3A_6 = arith.constant 0 : index
    %swap3A_7 = vector.load %arg3[%swap3A, %swap3A_6] : memref<1000x128xf32, #tpu.memory_space<vmem>>, vector<1000x128xf32>
    tpu.vector_store %arg3[%swap3A, %swap3A_6], %dot_general3A_5 {strides = array<i32>} : memref<1000x128xf32, #tpu.memory_space<vmem>>, vector<1000x128xf32>,
    return
  }
  func.func @transform_0(%arg0: i32) -> (i32, i32) {
    %c0_i32 = arith.constant 0 : i32
    %c0_i32_0 = arith.constant 0 : i32
    return %arg0, %c0_i32 : i32, i32
  }
  func.func @transform_1(%arg0: i32) -> (i32, i32) {
    %c0_i32 = arith.constant 0 : i32
    %c0_i32_0 = arith.constant 0 : i32
    %c0_i32_1 = arith.constant 0 : i32
    return %c0_i32, %c0_i32_0 : i32, i32
  }
  func.func @transform_2(%arg0: i32) -> (i32, i32) {
    %c0_i32 = arith.constant 0 : i32
    %c0_i32_0 = arith.constant 0 : i32
    return %arg0, %c0_i32 : i32, i32
  }
}

module attributes {stable_mosaic.version = 14 : i64} {
  func.func @_gru_body(%arg0: i32, %arg1: memref<1x1000x128xf32, #tpu.memory_space<vmem>>, %arg2: memref<1x1000x128xf32, #tpu.memory_space<vmem>>, %arg3: memref<1000x128xf32, #tpu.memory_space<vmem>>, %arg4: memref<128x384xf32, #tpu.memory_space<vmem>>, %arg5: memref<128x384xf32, #tpu.memory_space<vmem>>, %arg6: memref<1x384xf32, #tpu.memory_space<vmem>>, %arg7: memref<1x384xf32, #tpu.memory_space<vmem>>, %arg8: memref<1000x128xf32, #tpu.memory_space<vmem>>) attributes {dimension_semantics = [#tpu.dimension_semantics<arbitrary>], iteration_bounds = array<i64: 10>, scalar_prefetch = 0 : i64, scratch_operands = 0 : i64, tpu.core_type = #tpu.core_type<tc>, window_params = [{transform_indices = @transform_0, window_bounds = array<i64: 1, 1000, 128>}, {transform_indices = @transform_1, window_bounds = array<i64: 1, 1000, 128>}, {transform_indices = @transform_2, window_bounds = array<i64: 1000, 128>}, {pipeline_mode = #tpu.pipeline_mode<synchronous>, transform_indices = @transform_3, window_bounds = array<i64: 128, 384>}, {pipeline_mode = #tpu.pipeline_mode<synchronous>, transform_indices = @transform_4, window_bounds = array<i64: 128, 384>}, {pipeline_mode = #tpu.pipeline_mode<synchronous>, transform_indices = @transform_5, window_bounds = array<i64: 1, 384>}, {pipeline_mode = #tpu.pipeline_mode<synchronous>, transform_indices = @transform_6, window_bounds = array<i64: 1, 384>}, {transform_indices = @transform_7, window_bounds = array<i64: 1000, 128>}]} {
    %get3A = arith.constant 0 : index
    %get3A_0 = arith.constant 0 : index
    %get3A_1 = arith.constant 0 : index
    %get3A_2 = vector.load %arg1[%get3A, %get3A_0, %get3A_1] : memref<1x1000x128xf32, #tpu.memory_space<vmem>>, vector<1x1000x128xf32>
    %get3A_3 = vector.shape_cast %get3A_2 : vector<1x1000x128xf32> to vector<1000x128xf32>
    %get3A_4 = arith.constant 0 : index
    %get3A_5 = arith.constant 0 : index
    %get3A_6 = arith.constant 0 : index
    %get3A_7 = vector.load %arg2[%get3A_4, %get3A_5, %get3A_6] : memref<1x1000x128xf32, #tpu.memory_space<vmem>>, vector<1x1000x128xf32>
    %get3A_8 = vector.shape_cast %get3A_7 : vector<1x1000x128xf32> to vector<1000x128xf32>
    %add3A = arith.addf %get3A_3, %get3A_8 : vector<1000x128xf32>
    %get3A_9 = arith.constant 0 : index
    %get3A_10 = arith.constant 0 : index
    %get3A_11 = vector.load %arg3[%get3A_9, %get3A_10] : memref<1000x128xf32, #tpu.memory_space<vmem>>, vector<1000x128xf32>
    %get3A_12 = arith.constant 0 : index
    %get3A_13 = arith.constant 0 : index
    %get3A_14 = vector.load %arg4[%get3A_12, %get3A_13] : memref<128x384xf32, #tpu.memory_space<vmem>>, vector<128x384xf32>
    %dot_general3A = arith.constant dense<0.000000e+00> : vector<1000x384xf32>
    %dot_general3A_15 = tpu.matmul %add3A, %get3A_14, %dot_general3A {dimension_numbers = #tpu.dot_dimension_numbers<[1], [0], [0], [1], [0, 0, 1, 1], [], []>, transpose_lhs_hint = false} : vector<1000x128xf32>, vector<128x384xf32>, vector<1000x384xf32> -> vector<1000x384xf32>
    %get3A_16 = arith.constant 0 : index
    %get3A_17 = arith.constant 0 : index
    %get3A_18 = vector.load %arg6[%get3A_16, %get3A_17] : memref<1x384xf32, #tpu.memory_space<vmem>>, vector<1x384xf32>
    %add3A_19 = vector.broadcast %get3A_18 : vector<1x384xf32> to vector<1000x384xf32>
    %add3A_20 = arith.addf %dot_general3A_15, %add3A_19 : vector<1000x384xf32>
    %get3A_21 = arith.constant 0 : index
    %get3A_22 = arith.constant 0 : index
    %get3A_23 = vector.load %arg5[%get3A_21, %get3A_22] : memref<128x384xf32, #tpu.memory_space<vmem>>, vector<128x384xf32>
    %dot_general3A_24 = arith.constant dense<0.000000e+00> : vector<1000x384xf32>
    %dot_general3A_25 = tpu.matmul %get3A_11, %get3A_23, %dot_general3A_24 {dimension_numbers = #tpu.dot_dimension_numbers<[1], [0], [0], [1], [0, 0, 1, 1], [], []>, transpose_lhs_hint = false} : vector<1000x128xf32>, vector<128x384xf32>, vector<1000x384xf32> -> vector<1000x384xf32>
    %get3A_26 = arith.constant 0 : index
    %get3A_27 = arith.constant 0 : index
    %get3A_28 = vector.load %arg7[%get3A_26, %get3A_27] : memref<1x384xf32, #tpu.memory_space<vmem>>, vector<1x384xf32>
    %add3A_29 = vector.broadcast %get3A_28 : vector<1x384xf32> to vector<1000x384xf32>
    %add3A_30 = arith.addf %dot_general3A_25, %add3A_29 : vector<1000x384xf32>
    %slice3A = vector.extract_strided_slice %add3A_20 {offsets = [0, 0], sizes = [1000, 128], strides = [1, 1]} : vector<1000x384xf32> to vector<1000x128xf32>
    %slice3A_31 = vector.extract_strided_slice %add3A_30 {offsets = [0, 0], sizes = [1000, 128], strides = [1, 1]} : vector<1000x384xf32> to vector<1000x128xf32>
    %add3A_32 = arith.addf %slice3A, %slice3A_31 : vector<1000x128xf32>
    %logistic3A = arith.negf %add3A_32 : vector<1000x128xf32>
    %logistic3A_33 = math.exp %logistic3A : vector<1000x128xf32>
    %logistic3A_34 = arith.constant 1.000000e+00 : f32
    %logistic3A_35 = vector.broadcast %logistic3A_34 : f32 to vector<1000x128xf32>
    %logistic3A_36 = arith.addf %logistic3A_35, %logistic3A_33 : vector<1000x128xf32>
    %logistic3A_37 = arith.divf %logistic3A_35, %logistic3A_36 : vector<1000x128xf32>
    %slice3A_38 = vector.extract_strided_slice %add3A_20 {offsets = [0, 128], sizes = [1000, 128], strides = [1, 1]} : vector<1000x384xf32> to vector<1000x128xf32>
    %slice3A_39 = vector.extract_strided_slice %add3A_30 {offsets = [0, 128], sizes = [1000, 128], strides = [1, 1]} : vector<1000x384xf32> to vector<1000x128xf32>
    %add3A_40 = arith.addf %slice3A_38, %slice3A_39 : vector<1000x128xf32>
    %logistic3A_41 = arith.negf %add3A_40 : vector<1000x128xf32>
    %logistic3A_42 = math.exp %logistic3A_41 : vector<1000x128xf32>
    %logistic3A_43 = arith.constant 1.000000e+00 : f32
    %logistic3A_44 = vector.broadcast %logistic3A_43 : f32 to vector<1000x128xf32>
    %logistic3A_45 = arith.addf %logistic3A_44, %logistic3A_42 : vector<1000x128xf32>
    %logistic3A_46 = arith.divf %logistic3A_44, %logistic3A_45 : vector<1000x128xf32>
    %slice3A_47 = vector.extract_strided_slice %add3A_20 {offsets = [0, 256], sizes = [1000, 128], strides = [1, 1]} : vector<1000x384xf32> to vector<1000x128xf32>
    %slice3A_48 = vector.extract_strided_slice %add3A_30 {offsets = [0, 256], sizes = [1000, 128], strides = [1, 1]} : vector<1000x384xf32> to vector<1000x128xf32>
    %mul3A = arith.mulf %logistic3A_37, %slice3A_48 : vector<1000x128xf32>
    %add3A_49 = arith.addf %slice3A_47, %mul3A : vector<1000x128xf32>
    %tanh3A = math.tanh %add3A_49 : vector<1000x128xf32>
    %sub3A = arith.constant 1.000000e+00 : f32
    %sub3A_50 = vector.broadcast %sub3A : f32 to vector<1000x128xf32>
    %sub3A_51 = arith.subf %sub3A_50, %logistic3A_46 : vector<1000x128xf32>
    %mul3A_52 = arith.mulf %sub3A_51, %tanh3A : vector<1000x128xf32>
    %mul3A_53 = arith.mulf %logistic3A_46, %get3A_11 : vector<1000x128xf32>
    %add3A_54 = arith.addf %mul3A_52, %mul3A_53 : vector<1000x128xf32>
    %swap3A = arith.constant 0 : index
    %swap3A_55 = arith.constant 0 : index
    %swap3A_56 = vector.load %arg8[%swap3A, %swap3A_55] : memref<1000x128xf32, #tpu.memory_space<vmem>>, vector<1000x128xf32>
    tpu.vector_store %arg8[%swap3A, %swap3A_55], %add3A_54 {strides = array<i32>} : memref<1000x128xf32, #tpu.memory_space<vmem>>, vector<1000x128xf32>,
    return
  }
  func.func @transform_0(%arg0: i32) -> (i32, i32, i32) {
    %c0_i32 = arith.constant 0 : i32
    %c0_i32_0 = arith.constant 0 : i32
    %c0_i32_1 = arith.constant 0 : i32
    return %c0_i32, %arg0, %c0_i32_0 : i32, i32, i32
  }
  func.func @transform_1(%arg0: i32) -> (i32, i32, i32) {
    %c1_i32 = arith.constant 1 : i32
    %c0_i32 = arith.constant 0 : i32
    %c0_i32_0 = arith.constant 0 : i32
    return %c1_i32, %arg0, %c0_i32 : i32, i32, i32
  }
  func.func @transform_2(%arg0: i32) -> (i32, i32) {
    %c0_i32 = arith.constant 0 : i32
    %c0_i32_0 = arith.constant 0 : i32
    return %arg0, %c0_i32 : i32, i32
  }
  func.func @transform_3(%arg0: i32) -> (i32, i32) {
    %c0_i32 = arith.constant 0 : i32
    %c0_i32_0 = arith.constant 0 : i32
    %c0_i32_1 = arith.constant 0 : i32
    return %c0_i32, %c0_i32_0 : i32, i32
  }
  func.func @transform_4(%arg0: i32) -> (i32, i32) {
    %c0_i32 = arith.constant 0 : i32
    %c0_i32_0 = arith.constant 0 : i32
    %c0_i32_1 = arith.constant 0 : i32
    return %c0_i32, %c0_i32_0 : i32, i32
  }
  func.func @transform_5(%arg0: i32) -> (i32, i32) {
    %c0_i32 = arith.constant 0 : i32
    %c0_i32_0 = arith.constant 0 : i32
    %c0_i32_1 = arith.constant 0 : i32
    return %c0_i32, %c0_i32_0 : i32, i32
  }
  func.func @transform_6(%arg0: i32) -> (i32, i32) {
    %c0_i32 = arith.constant 0 : i32
    %c0_i32_0 = arith.constant 0 : i32
    %c0_i32_1 = arith.constant 0 : i32
    return %c0_i32, %c0_i32_0 : i32, i32
  }
  func.func @transform_7(%arg0: i32) -> (i32, i32) {
    %c0_i32 = arith.constant 0 : i32
    %c0_i32_0 = arith.constant 0 : i32
    return %arg0, %c0_i32 : i32, i32
  }
}

module attributes {stable_mosaic.version = 14 : i64} {
  func.func @_gru_body(%arg0: i32, %arg1: memref<1x1000x128xf32, #tpu.memory_space<vmem>>, %arg2: memref<1x1000x128xf32, #tpu.memory_space<vmem>>, %arg3: memref<1000x128xf32, #tpu.memory_space<vmem>>, %arg4: memref<128x384xf32, #tpu.memory_space<vmem>>, %arg5: memref<128x384xf32, #tpu.memory_space<vmem>>, %arg6: memref<1x384xf32, #tpu.memory_space<vmem>>, %arg7: memref<1x384xf32, #tpu.memory_space<vmem>>, %arg8: memref<1000x128xf32, #tpu.memory_space<vmem>>) attributes {dimension_semantics = [#tpu.dimension_semantics<arbitrary>], iteration_bounds = array<i64: 10>, scalar_prefetch = 0 : i64, scratch_operands = 0 : i64, tpu.core_type = #tpu.core_type<tc>, window_params = [{transform_indices = @transform_0, window_bounds = array<i64: 1, 1000, 128>}, {transform_indices = @transform_1, window_bounds = array<i64: 1, 1000, 128>}, {transform_indices = @transform_2, window_bounds = array<i64: 1000, 128>}, {pipeline_mode = #tpu.pipeline_mode<synchronous>, transform_indices = @transform_3, window_bounds = array<i64: 128, 384>}, {pipeline_mode = #tpu.pipeline_mode<synchronous>, transform_indices = @transform_4, window_bounds = array<i64: 128, 384>}, {pipeline_mode = #tpu.pipeline_mode<synchronous>, transform_indices = @transform_5, window_bounds = array<i64: 1, 384>}, {pipeline_mode = #tpu.pipeline_mode<synchronous>, transform_indices = @transform_6, window_bounds = array<i64: 1, 384>}, {transform_indices = @transform_7, window_bounds = array<i64: 1000, 128>}]} {
    %get3A = arith.constant 0 : index
    %get3A_0 = arith.constant 0 : index
    %get3A_1 = arith.constant 0 : index
    %get3A_2 = vector.load %arg1[%get3A, %get3A_0, %get3A_1] : memref<1x1000x128xf32, #tpu.memory_space<vmem>>, vector<1x1000x128xf32>
    %get3A_3 = vector.shape_cast %get3A_2 : vector<1x1000x128xf32> to vector<1000x128xf32>
    %get3A_4 = arith.constant 0 : index
    %get3A_5 = arith.constant 0 : index
    %get3A_6 = arith.constant 0 : index
    %get3A_7 = vector.load %arg2[%get3A_4, %get3A_5, %get3A_6] : memref<1x1000x128xf32, #tpu.memory_space<vmem>>, vector<1x1000x128xf32>
    %get3A_8 = vector.shape_cast %get3A_7 : vector<1x1000x128xf32> to vector<1000x128xf32>
    %add3A = arith.addf %get3A_3, %get3A_8 : vector<1000x128xf32>
    %get3A_9 = arith.constant 0 : index
    %get3A_10 = arith.constant 0 : index
    %get3A_11 = vector.load %arg3[%get3A_9, %get3A_10] : memref<1000x128xf32, #tpu.memory_space<vmem>>, vector<1000x128xf32>
    %get3A_12 = arith.constant 0 : index
    %get3A_13 = arith.constant 0 : index
    %get3A_14 = vector.load %arg4[%get3A_12, %get3A_13] : memref<128x384xf32, #tpu.memory_space<vmem>>, vector<128x384xf32>
    %dot_general3A = arith.constant dense<0.000000e+00> : vector<1000x384xf32>
    %dot_general3A_15 = tpu.matmul %add3A, %get3A_14, %dot_general3A {dimension_numbers = #tpu.dot_dimension_numbers<[1], [0], [0], [1], [0, 0, 1, 1], [], []>, transpose_lhs_hint = false} : vector<1000x128xf32>, vector<128x384xf32>, vector<1000x384xf32> -> vector<1000x384xf32>
    %get3A_16 = arith.constant 0 : index
    %get3A_17 = arith.constant 0 : index
    %get3A_18 = vector.load %arg6[%get3A_16, %get3A_17] : memref<1x384xf32, #tpu.memory_space<vmem>>, vector<1x384xf32>
    %add3A_19 = vector.broadcast %get3A_18 : vector<1x384xf32> to vector<1000x384xf32>
    %add3A_20 = arith.addf %dot_general3A_15, %add3A_19 : vector<1000x384xf32>
    %get3A_21 = arith.constant 0 : index
    %get3A_22 = arith.constant 0 : index
    %get3A_23 = vector.load %arg5[%get3A_21, %get3A_22] : memref<128x384xf32, #tpu.memory_space<vmem>>, vector<128x384xf32>
    %dot_general3A_24 = arith.constant dense<0.000000e+00> : vector<1000x384xf32>
    %dot_general3A_25 = tpu.matmul %get3A_11, %get3A_23, %dot_general3A_24 {dimension_numbers = #tpu.dot_dimension_numbers<[1], [0], [0], [1], [0, 0, 1, 1], [], []>, transpose_lhs_hint = false} : vector<1000x128xf32>, vector<128x384xf32>, vector<1000x384xf32> -> vector<1000x384xf32>
    %get3A_26 = arith.constant 0 : index
    %get3A_27 = arith.constant 0 : index
    %get3A_28 = vector.load %arg7[%get3A_26, %get3A_27] : memref<1x384xf32, #tpu.memory_space<vmem>>, vector<1x384xf32>
    %add3A_29 = vector.broadcast %get3A_28 : vector<1x384xf32> to vector<1000x384xf32>
    %add3A_30 = arith.addf %dot_general3A_25, %add3A_29 : vector<1000x384xf32>
    %slice3A = vector.extract_strided_slice %add3A_20 {offsets = [0, 0], sizes = [1000, 128], strides = [1, 1]} : vector<1000x384xf32> to vector<1000x128xf32>
    %slice3A_31 = vector.extract_strided_slice %add3A_30 {offsets = [0, 0], sizes = [1000, 128], strides = [1, 1]} : vector<1000x384xf32> to vector<1000x128xf32>
    %add3A_32 = arith.addf %slice3A, %slice3A_31 : vector<1000x128xf32>
    %logistic3A = arith.negf %add3A_32 : vector<1000x128xf32>
    %logistic3A_33 = math.exp %logistic3A : vector<1000x128xf32>
    %logistic3A_34 = arith.constant 1.000000e+00 : f32
    %logistic3A_35 = vector.broadcast %logistic3A_34 : f32 to vector<1000x128xf32>
    %logistic3A_36 = arith.addf %logistic3A_35, %logistic3A_33 : vector<1000x128xf32>
    %logistic3A_37 = arith.divf %logistic3A_35, %logistic3A_36 : vector<1000x128xf32>
    %slice3A_38 = vector.extract_strided_slice %add3A_20 {offsets = [0, 128], sizes = [1000, 128], strides = [1, 1]} : vector<1000x384xf32> to vector<1000x128xf32>
    %slice3A_39 = vector.extract_strided_slice %add3A_30 {offsets = [0, 128], sizes = [1000, 128], strides = [1, 1]} : vector<1000x384xf32> to vector<1000x128xf32>
    %add3A_40 = arith.addf %slice3A_38, %slice3A_39 : vector<1000x128xf32>
    %logistic3A_41 = arith.negf %add3A_40 : vector<1000x128xf32>
    %logistic3A_42 = math.exp %logistic3A_41 : vector<1000x128xf32>
    %logistic3A_43 = arith.constant 1.000000e+00 : f32
    %logistic3A_44 = vector.broadcast %logistic3A_43 : f32 to vector<1000x128xf32>
    %logistic3A_45 = arith.addf %logistic3A_44, %logistic3A_42 : vector<1000x128xf32>
    %logistic3A_46 = arith.divf %logistic3A_44, %logistic3A_45 : vector<1000x128xf32>
    %slice3A_47 = vector.extract_strided_slice %add3A_20 {offsets = [0, 256], sizes = [1000, 128], strides = [1, 1]} : vector<1000x384xf32> to vector<1000x128xf32>
    %slice3A_48 = vector.extract_strided_slice %add3A_30 {offsets = [0, 256], sizes = [1000, 128], strides = [1, 1]} : vector<1000x384xf32> to vector<1000x128xf32>
    %mul3A = arith.mulf %logistic3A_37, %slice3A_48 : vector<1000x128xf32>
    %add3A_49 = arith.addf %slice3A_47, %mul3A : vector<1000x128xf32>
    %tanh3A = math.tanh %add3A_49 : vector<1000x128xf32>
    %sub3A = arith.constant 1.000000e+00 : f32
    %sub3A_50 = vector.broadcast %sub3A : f32 to vector<1000x128xf32>
    %sub3A_51 = arith.subf %sub3A_50, %logistic3A_46 : vector<1000x128xf32>
    %mul3A_52 = arith.mulf %sub3A_51, %tanh3A : vector<1000x128xf32>
    %mul3A_53 = arith.mulf %logistic3A_46, %get3A_11 : vector<1000x128xf32>
    %add3A_54 = arith.addf %mul3A_52, %mul3A_53 : vector<1000x128xf32>
    %swap3A = arith.constant 0 : index
    %swap3A_55 = arith.constant 0 : index
    %swap3A_56 = vector.load %arg8[%swap3A, %swap3A_55] : memref<1000x128xf32, #tpu.memory_space<vmem>>, vector<1000x128xf32>
    tpu.vector_store %arg8[%swap3A, %swap3A_55], %add3A_54 {strides = array<i32>} : memref<1000x128xf32, #tpu.memory_space<vmem>>, vector<1000x128xf32>,
    return
  }
  func.func @transform_0(%arg0: i32) -> (i32, i32, i32) {
    %c0_i32 = arith.constant 0 : i32
    %c0_i32_0 = arith.constant 0 : i32
    %c0_i32_1 = arith.constant 0 : i32
    return %c0_i32, %arg0, %c0_i32_0 : i32, i32, i32
  }
  func.func @transform_1(%arg0: i32) -> (i32, i32, i32) {
    %c1_i32 = arith.constant 1 : i32
    %c0_i32 = arith.constant 0 : i32
    %c0_i32_0 = arith.constant 0 : i32
    return %c1_i32, %arg0, %c0_i32 : i32, i32, i32
  }
  func.func @transform_2(%arg0: i32) -> (i32, i32) {
    %c0_i32 = arith.constant 0 : i32
    %c0_i32_0 = arith.constant 0 : i32
    return %arg0, %c0_i32 : i32, i32
  }
  func.func @transform_3(%arg0: i32) -> (i32, i32) {
    %c0_i32 = arith.constant 0 : i32
    %c0_i32_0 = arith.constant 0 : i32
    %c0_i32_1 = arith.constant 0 : i32
    return %c0_i32, %c0_i32_0 : i32, i32
  }
  func.func @transform_4(%arg0: i32) -> (i32, i32) {
    %c0_i32 = arith.constant 0 : i32
    %c0_i32_0 = arith.constant 0 : i32
    %c0_i32_1 = arith.constant 0 : i32
    return %c0_i32, %c0_i32_0 : i32, i32
  }
  func.func @transform_5(%arg0: i32) -> (i32, i32) {
    %c0_i32 = arith.constant 0 : i32
    %c0_i32_0 = arith.constant 0 : i32
    %c0_i32_1 = arith.constant 0 : i32
    return %c0_i32, %c0_i32_0 : i32, i32
  }
  func.func @transform_6(%arg0: i32) -> (i32, i32) {
    %c0_i32 = arith.constant 0 : i32
    %c0_i32_0 = arith.constant 0 : i32
    %c0_i32_1 = arith.constant 0 : i32
    return %c0_i32, %c0_i32_0 : i32, i32
  }
  func.func @transform_7(%arg0: i32) -> (i32, i32) {
    %c0_i32 = arith.constant 0 : i32
    %c0_i32_0 = arith.constant 0 : i32
    return %arg0, %c0_i32 : i32, i32
  }
}

</mosaic_0001>

<sc_bundles>
// kernel: kernel.11.cloned.1.call-start
scs
__scs_entry_jumppad:
0x0: {  	(pc) =	sbr.rel $0x88, $3  }
0x1: {  	(tag) =	ssettag $0x0;
	lr =	simm.s32 $0x1  }
0x2: {  	[smem:$0x3F99] =	sst lr;
	_ =	strace $0xD0000000  }
0x3: {  	_ = 	snop  }
0x4: {  	_ = 	snop  }
0x5: {  	_ = 	snop  }
0x6: {  	_ = 	snop  }
0x7: {  	_ = 	snop  }
__scs_overlays_trampoline_lowered:
0x8: {  	[smem:$0x3FA8] =	sst s0  }
0x9: {  	[smem:$0x3FA9] =	sst s1  }
0xa: {  	[smem:$0x3FAA] =	sst s2  }
0xb: {  	[smem:$0x3FAB] =	sst s3  }
0xc: {  	[smem:$0x3FAC] =	sst s4  }
0xd: {  	[smem:$0x3FAD] =	sst s5  }
0xe: {  	[smem:$0x3FAE] =	sst s6  }
0xf: {  	[smem:$0x3FAF] =	sst s7  }
0x10: {  	[smem:$0x3FB0] =	sst s8  }
0x11: {  	[smem:$0x3FB1] =	sst s9;
	s0 =	simm.s32 @!p0 $0x0  }
0x12: {  	s1 =	sld [smem:$0x3F97];
	s0 =	simm.s32 @p0 $0x1  }
0x13: {  	[smem:$0x3FB2] =	sst s0;
	s0 =	simm.s32 @!p1 $0x0  }
0x14: {  	s2 =	sld [smem:$0x3F96];
	s0 =	simm.s32 @p1 $0x1  }
0x15: {  	[smem:$0x3FB3] =	sst s0;
	s0 =	simm.s32 @!p2 $0x0  }
0x16: {  	s3 =	sld [smem:$0x3FDB];
	s0 =	simm.s32 @p2 $0x1  }
0x17: {  	s4 =	simm.s32 $0x1BF5;
	[smem:$0x3FB5] =	sst s0  }
0x18: {  	s0 =	sld [smem:$0x3F98];
	_ =	swait.ge [sflag:s4], $0x0  }
0x19: {  	s7 =	sld [smem:$0x3F99]  }
0x1a: {  	s8 =	sadd.s32 $0xFFFFE003, lr  }
0x1b: {  	s9 =	sadd.s32 $0xFFFFFEF7, lr;
	s5 =	simm.s32 $0xFFFFFFFF;
	p2 =	slt.u32 s8, $0xFFFFF086  }
0x1c: {  	p1 =	slt.u32 s9, $0xF7A;
	s5 =	simm.s32 @!p2 $0x0  }
0x1d: {  	s5 =	simm.s32 @p1 $0x1;
	p0 =	seq.s32 s7, s2  }
0x1e: {  	s7 =	smul.u32 @!p0 $0xF7A, s2;
	p2 =	seq.s32 @!p0 s5, $0x0  }
0x1f: {  	s9 =	smul.u32 $0xF7A, s1;
	s8 =	simm.s32 @!p0 $0x1BF5;
	p2 =	por !p2, p0  }
0x20: {  	[sflag:s8] =	ssyncset.s32 @!p0 $0xFFFFF086;
	s6 =	sadd.s32 @!p0 s3, s7;
	s7 =	simm.s32 @!p0 $0x108  }
0x21: {  	s3 =	sadd.s32 s3, s9;
	s6 =	sadd.s32 @!p0 $0x88, s6;
	s7 =	simm.s32 @p2 $0x1082  }
0x22: {  	[simem:s7], [sflag:s8] =	dma.local @!p0 [hbm:s6], $0xF7A  }
0x23: {  	s9 =	sor.u32 $0xD0000000, s2;
	s6 =	simm.s32 $0x108;
	_ =	swait.ge @!p0 [sflag:s8], $0x0  }
0x24: {  	s3 =	sadd.s32 $0x88, s3;
	s6 =	simm.s32 @!p1 $0x1082;
	[sflag:s4] =	ssyncset.s32 $0xFFFFF086  }
0x25: {  	[simem:s6], [sflag:s4] =	dma.local [hbm:s3], $0xF7A  }
0x26: {  	[smem:$0x3F99] =	sst s1;
	(tag) =	ssettag s2;
	_ =	strace s9  }
0x27: {  	s1 =	sld [smem:$0x3FA9]  }
0x28: {  	s2 =	sld [smem:$0x3FAA]  }
0x29: {  	s4 =	sld [smem:$0x3FAC]  }
0x2a: {  	p0 =	seq.s32 s5, $0x0;
	s5 =	sld [smem:$0x3FAD]  }
0x2b: {  	s6 =	sld [smem:$0x3FAE]  }
0x2c: {  	s7 =	sld [smem:$0x3FAF]  }
0x2d: {  	s3 =	simm.s32 $0x108;
	s8 =	sld [smem:$0x3FB0]  }
0x2e: {  	s3 =	simm.s32 @!p0 $0x1082;
	s9 =	sld [smem:$0x3FB1]  }
0x2f: {  	lr =	sadd.s32 s0, s3;
	s0 =	sld [smem:$0x3FA8]  }
0x30: {  	s3 =	sld [smem:$0x3FAB]  }
0x31: {  	[smem:$0x3FB4] =	sst s10  }
0x32: {  	s10 =	sld [smem:$0x3FB2];
	_ =	sdelay $0x3  }
0x33: {  	p0 =	seq.s32 s10, $0x1;
	s10 =	sld [smem:$0x3FB4];
	_ =	sdelay $0x3  }
0x34: {  	[smem:$0x3FB4] =	sst s10  }
0x35: {  	s10 =	sld [smem:$0x3FB3];
	_ =	sdelay $0x3  }
0x36: {  	p1 =	seq.s32 s10, $0x1;
	s10 =	sld [smem:$0x3FB4];
	_ =	sdelay $0x3  }
0x37: {  	[smem:$0x3FB4] =	sst s10  }
0x38: {  	s10 =	sld [smem:$0x3FB5]  }
0x39: {  	_ = 	snop;
	(pc) =	sbr.ind lr, $3  }
0x3a: {  	_ = 	snop  }
0x3b: {  	_ = 	snop  }
0x3c: {  	p2 =	seq.s32 s10, $0x1;
	s10 =	sld [smem:$0x3FB4]  }
0x3d: {  	_ =	shalt  }
0x3e: {  	_ =	shalt  }
0x3f: {  	_ =	shalt  }
0x40: {  	_ =	shalt  }
0x41: {  	_ =	shalt  }
0x42: {  	_ =	shalt  }
0x43: {  	_ =	shalt  }
0x44: {  	_ =	shalt  }
0x45: {  	_ =	shalt  }
0x46: {  	_ =	shalt  }
0x47: {  	_ =	shalt  }
0x48: {  	_ =	shalt  }
0x49: {  	_ =	shalt  }
0x4a: {  	_ =	shalt  }
0x4b: {  	_ =	shalt  }
0x4c: {  	_ =	shalt  }
0x4d: {  	_ =	shalt  }
0x4e: {  	_ =	shalt  }
0x4f: {  	_ =	shalt  }
0x50: {  	_ =	shalt  }
0x51: {  	_ =	shalt  }
0x52: {  	_ =	shalt  }
0x53: {  	_ =	shalt  }
0x54: {  	_ =	shalt  }
0x55: {  	_ =	shalt  }
0x56: {  	_ =	shalt  }
0x57: {  	_ =	shalt  }
0x58: {  	_ =	shalt  }
0x59: {  	_ =	shalt  }
0x5a: {  	_ =	shalt  }
0x5b: {  	_ =	shalt  }
0x5c: {  	_ =	shalt  }
0x5d: {  	_ =	shalt  }
0x5e: {  	_ =	shalt  }
0x5f: {  	_ =	shalt  }
0x60: {  	_ =	shalt  }
0x61: {  	_ =	shalt  }
0x62: {  	_ =	shalt  }
0x63: {  	_ =	shalt  }
0x64: {  	_ =	shalt  }
0x65: {  	_ =	shalt  }
0x66: {  	_ =	shalt  }
0x67: {  	_ =	shalt  }
0x68: {  	_ =	shalt  }
0x69: {  	_ =	shalt  }
0x6a: {  	_ =	shalt  }
0x6b: {  	_ =	shalt  }
0x6c: {  	_ =	shalt  }
0x6d: {  	_ =	shalt  }
0x6e: {  	_ =	shalt  }
0x6f: {  	_ =	shalt  }
0x70: {  	_ =	shalt  }
0x71: {  	_ =	shalt  }
0x72: {  	_ =	shalt  }
0x73: {  	_ =	shalt  }
0x74: {  	_ =	shalt  }
0x75: {  	_ =	shalt  }
0x76: {  	_ =	shalt  }
0x77: {  	_ =	shalt  }
0x78: {  	_ =	shalt  }
0x79: {  	_ =	shalt  }
0x7a: {  	_ =	shalt  }
0x7b: {  	_ =	shalt  }
0x7c: {  	_ =	shalt  }
0x7d: {  	_ =	shalt  }
0x7e: {  	_ =	shalt  }
0x7f: {  	_ =	shalt  }
0x80: {  	_ =	shalt  }
0x81: {  	_ =	shalt  }
0x82: {  	_ =	shalt  }
0x83: {  	_ =	shalt  }
0x84: {  	_ =	shalt  }
0x85: {  	_ =	shalt  }
0x86: {  	_ =	shalt  }
0x87: {  	_ =	shalt  }
.Lfunc_end0:
.L_simem_size_0:
called_computation.1_lowered:
.L_overlay_start_0:
0x88: {  	s2 =	sld [smem:$0x3FD9]  }
0x89: {  	s3 =	sld [smem:$0x3FFE];
	_ =	sdelay $0x1  }
0x8a: {  	s1 =	srdreg.scid  }
0x8b: {  	s0 =	sand.u32 $0x1, s1  }
0x8c: {  	s17 =	sshll.u32 s0, $0xA;
	s2 =	sadd.s32 s3, s2  }
0x8d: {  	s2 =	sadd.s32 s2, s17  }
0x8e: {  	[smem:$0x3FC0] =	sst s2  }
0x8f: {  	_ = 	snop  }
0x90: {  	s2 =	sld [smem:$0x3FD0];
	(tm) =	ssettm $0x1  }
0x91: {  	s18 =	sld [smem:$0x3FFB];
	_ =	sdelay $0x3  }
0x92: {  	_ =	strace s18  }
0x93: {  	s3 =	sld [smem:$0x3FFC];
	_ =	sdelay $0x3  }
0x94: {  	_ =	strace s3  }
0x95: {  	s3 =	sld [smem:$0x3FFD];
	_ =	sdelay $0x3  }
0x96: {  	_ =	strace s3  }
0x97: {  	_ =	strace $0x8FFFFFFF  }
0x98: {  	s19 =	sld [smem:$0x3FDB];
	_ =	sdelay $0x1  }
0x99: {  	s4 =	simm.s32 $_scs_section_size  }
0x9a: {  	s5 =	simm.s32 $_size__tile_overlayer_lowered;
	s6 =	simm.s32 $_tile_overlayer_lowered  }
0x9b: {  	s22 =	simm.s32 $0x1BFF;
	s21 =	sshll.u32 s6, $0x1;
	s3 =	sadd.s32 s4, s19  }
0x9c: {  	s7 =	simm.s32 $0x0;
	s20 =	sshll.u32 s5, $0x1;
	s5 =	sadd.s32 s21, s3  }
0x9d: {  	[timem:s7], [sflag:s22] =	dma.local [hbm:s5], s20  }
0x9e: {  	_ =	swait.ge [sflag:s22], s20  }
0x9f: {  	s4 =	ssub.s32 $0x0, s20;
	[sflag:s22] =	ssyncset.done $0x0  }
0xa0: {  	[sflag:s22] =	ssyncadd.s32 s4;
	_ =	sdelay $0x1  }
0xa1: {  	s23 =	simm.s32 $0x1B8B  }
0xa2: {  	_ =	swait.ge [sflag:s23], $0x1  }
0xa3: {  	[sflag:s23] =	ssyncset.done $0x0  }
0xa4: {  	s25 =	simm.s32 $0x1B8E;
	s24 =	sld [smem:$0x3FFE];
	[sflag:s23] =	ssyncadd.s32 $0xFFFFFFFF  }
0xa5: {  	s26 =	simm.s32 $execute0_lowered;
	[smem:$0x3FD2] =	sst s25  }
0xa6: {  	s5 =	sshll.u32 s26, $0x1;
	_ =	strace $0x80000049;
	[dreg:$0x1] =	wrdreg $0xFFFFFFFF  }
0xa7: {  	s28 =	simm.s32 $_size_execute0_lowered;
	s3 =	sadd.s32 s3, s5;
	[dreg:$0x0] =	wrdreg $0x0  }
0xa8: {  	s5 =	sshll.u32 s28, $0x1;
	[dreg:$0x2] =	wrdreg s3  }
0xa9: {  	[dreg:$0x3] =	wrdreg s5  }
0xaa: {  	[dreg:$0x4] =	wrdreg $0xC0  }
0xab: {  	_ =	task [dreg:s7], $0x5FFFF  }
0xac: {  	[dreg:$0x1] =	wrdreg $0xFFFFFFFF  }
0xad: {  	[dreg:$0x0] =	wrdreg $0x60  }
0xae: {  	[dreg:$0x2] =	wrdreg s2  }
0xaf: {  	[dreg:$0x3] =	wrdreg s24  }
0xb0: {  	[dreg:$0x4] =	wrdreg $0xC0000  }
0xb1: {  	[dreg:$0x5] =	wrdreg $0x9  }
0xb2: {  	_ =	task.clear_ibuf [dreg:s7], $0x6FFFF;
	_ =	strace $0x90000049  }
0xb3: {  	s29 =	simm.s32 $0x9;
	_ =	strace $0x8000004B  }
0xb4: {  	_ =	swait.ge [sflag:s29], $0x1  }
0xb5: {  	[sflag:s29] =	ssyncadd.s32 $0xFFFFFFFF  }
0xb6: {  	_ =	strace $0x9000004B  }
0xb7: {  	_ =	sfence  }
0xb8: {  	s30 =	sld [smem:$0x0];
	_ =	sdelay $0x2  }
0xb9: {  	s31 =	sshll.u32 s1, $0xD;
	s1 =	sshrl.u32 s1, $0x2  }
0xba: {  	s3 =	sand.u32 $0x4000, s31;
	s1 =	sadd.s32 s1, s30  }
0xbb: {  	s0 =	sor.u32 s3, s0;
	s1 =	sshll.u32 s1, $0x11  }
0xbc: {  	s0 =	sor.u32 s1, s0  }
0xbd: {  	s0 =	sadd.s32 $0x8F2B, s0  }
0xbe: {  	[sflag:s0] =	ssyncadd.remote.s32 $0x1  }
0xbf: {  	_ =	sfence.sel $0xFFFF  }
0xc0: {  	[dreg:$0x0] =	wrdreg $0xFFFFFFFF;
	(pc) =	sbr.abs _section_cstart, $3  }
0xc1: {  	[dreg:$0x1] =	wrdreg $0xFFFFFFFF  }
0xc2: {  	_ =	task.clear_ibuf [dreg:s7], $0x2FFFF;
	_ =	strace $0x9FFFFFFF  }
0xc3: {  	(tm) =	ssettm $0x7FFFFFFF  }
tec
execute0_lowered:
.L_overlay_start_1:
0x0: {  	(tag) =	ssettag $0x1  }
0x1: {  	s1 =	rddreg [dreg:$0x0]  }
0x2: {  	s0 =	rddreg [dreg:$0x1]  }
0x3: {  	s3 =	rddreg [dreg:$0x2];
	s2 =	srdreg.scid  }
0x4: {  	s10 =	stileid.u32;
	s4 =	simm.s32 $0x0;
	s14 =	simm.s32 $0xA  }
0x5: {  	s28 =	simm.s32 $0x3;
	s29 =	simm.s32 $0x4;
	s30 =	simm.s32 $0x5  }
0x6: {  	s31 =	simm.s32 $0x6;
	s2 =	sand.u32 $0x1, s2;
	s6 =	smul.u32 $0x13C00, s10  }
0x7: {  	[smem:$0x7FF] =	sst s4;
	s18 =	sadd.s32 $0x2BC00, s0;
	s9 =	smul.u32 $0x4F000, s10  }
0x8: {  	s26 =	sshll.u32 s10, $0x6;
	s5 =	smul.u32 $0x13C000, s2;
	s7 =	sshll.u32 s2, $0x4  }
0x9: {  	_ =	strace $0x8000004A;
	[dreg:$0x4] =	wrdreg s18;
	s2 =	ssub.s32 $0x2, s2  }
0xa: {  	s18 =	sor.u32 $0x1C0A, s26;
	s26 =	simm.s32 $0x2;
	s7 =	sor.u32 s10, s7  }
0xb: {  	s21 =	sshrl.u32 s2, $0x1;
	s23 =	sshrl.u32 s9, $0x2;
	s8 =	sadd.s32 s6, s5  }
0xc: {  	s5 =	smul.u32 $0xA800, s7;
	s6 =	sadd.s32 $0x1C00, s0;
	s2 =	ssub.s32 s2, s21  }
0xd: {  	s7 =	sadd.s32 s23, s3;
	s21 =	simm.s32 $0xC00;
	s23 =	simm.s32 $0x1  }
0xe: {  	s19 =	sshrl.u32 s8, $0x3;
	s25 =	smax.u32 s2, $0x1;
	s20 =	sshrl.u32 s5, $0x3  }
0xf: {  	s0 =	sadd.s32 s19, s0;
	[dreg:$0xa] =	wrdreg s25;
	s8 =	sadd.s32 s6, s20  }
0x10: {  	s19 =	sshrl.u32 s7, $0x3;
	s0 =	sadd.s32 $0x2E400, s0;
	[dreg:$0x5] =	wrdreg s8  }
0x11: {  	s25 =	simm.s32 $0x8400;
	s22 =	sadd.s32 $0x40, s8;
	[dreg:$0x9] =	wrdreg s0  }
0x12: {  	s20 =	simm.s32 $0x78;
	s24 =	sadd.s32 $0x80, s8;
	[dreg:$0x6] =	wrdreg s22  }
0x13: {  	s8 =	sadd.s32 $0xC0, s8;
	s0 =	simm.s32 $0x0;
	[dreg:$0x7] =	wrdreg s24  }
0x14: {  	[dreg:$0x8] =	wrdreg s8;
	s22 =	simm.s32 $0x4800;
	s24 =	simm.s32 $0x9  }
.LBB2_1:
0x15: {  	s2 =	rddreg [dreg:$0x5]  }
0x16: {  	[tilespmem:s4], [sflag:$0xA] =	stream.linear.gather [hbm4b:s2+s4], $0x180, $0x38;
	[tilespmem:$0x1FC00] =	vst v63  }
0x17: {  	_ =	swait.ge [sflag:s14], $0x180  }
0x18: {  	[sflag:s14] =	ssyncset.done $0x0  }
0x19: {  	s7 =	simm.s32 $0x200;
	s12 =	rddreg [dreg:$0x6];
	[sflag:s14] =	ssyncadd.s32 $0xFFFFFE80  }
0x1a: {  	[tilespmem:s7], [sflag:$0xA] =	stream.linear.gather [hbm4b:s12+s4], $0x180, $0x38;
	[tilespmem:$0x1FC00] =	vst v63  }
0x1b: {  	_ =	swait.ge [sflag:s14], $0x180  }
0x1c: {  	[sflag:s14] =	ssyncset.done $0x0;
	s13 =	rddreg [dreg:$0x7]  }
0x1d: {  	s8 =	simm.s32 $0x400;
	s15 =	rddreg [dreg:$0x8];
	[sflag:s14] =	ssyncadd.s32 $0xFFFFFE80  }
0x1e: {  	[tilespmem:s8], [sflag:$0x9] =	stream.linear.gather [hbm4b:s13+s4], $0x180, $0x38;
	[tilespmem:$0x1FC00] =	vst v63  }
0x1f: {  	s16 =	simm.s32 $0x600;
	s17 =	rddreg [dreg:$0x4]  }
0x20: {  	[tilespmem:s16], [sflag:$0x7] =	stream.linear.gather [hbm4b:s15+s4], $0x180, $0x38;
	[tilespmem:$0x1FC00] =	vst v63  }
0x21: {  	[spmem:s19], [sflag:s18] =	dma.local [hbm:s17], $0x2780  }
0x22: {  	_ =	swait.ge [sflag:s14], $0x2780  }
0x23: {  	[sflag:s14] =	ssyncset.done $0x0  }
0x24: {  	[sflag:s14] =	ssyncadd.s32 $0xFFFFD880  }
0x25: {  	[bflag:$0x0] =	sbarrier.arrive $0xFFFF  }
0x26: {  	[tilespmem:s21], [sflag:$0x1] =	stream.indirect.gather [hbm4b:s1+s20], $0x80, s4, s20, $0xb8;
	[tilespmem:$0x1FC00] =	vst v63  }
0x27: {  	s2 =	simm.s32 $0x0  }
0x28: {  	[tilespmem:s22], [sflag:$0x2] =	stream.indirect.gather [hbm4b:s1+s20], $0x80, s7, s20, $0xb8;
	[tilespmem:$0x1FC00] =	vst v63  }
.LBB2_2:
0x29: {  	s7 =	smul.u32 $0x201, s2;
	_ =	sdelay $0x1  }
0x2a: {  	s7 =	sshrl.u32 s7, $0xA  }
0x2b: {  	s16 =	smul.u32 $0x3, s2;
	s7 =	sand.u32 $0x3F, s7  }
0x2c: {  	s7 =	smul.u32 $0x6, s7;
	_ =	sdelay $0x1  }
0x2d: {  	s9 =	simm.s32 $0x0;
	_ =	swait.ge [sflag:s23], $0x3C00;
	s7 =	ssub.s32 s16, s7  }
0x2e: {  	s15 =	simm.s32 $0x6;
	[sflag:s23] =	ssyncset.done $0x0;
	s7 =	sand.u32 $0xFF, s7  }
0x2f: {  	v0 =	vmov s9;
	v1 =	vmov s15;
	[sflag:s23] =	ssyncadd.s32 $0xFFFFC400;
	s15 =	sshll.u32 s7, $0x9;
	s7 =	simm.s32 $0xE00  }
0x30: {  	v0 =	vand.u32 $0xFFFFFFF8, v0;
	v3 =	vld [tilespmem:s7+$0x170]  }
0x31: {  	v1 =	vand.u32 $0xFFFFFFFE, v1;
	v0 =	vbroadcast v0, $0x0;
	v4 =	vld [tilespmem:s7+$0xFFFFFE00]  }
0x32: {  	v1 =	vbroadcast v1, $0x0;
	v5 =	vld [tilespmem:s7+$0xFFFFFE10]  }
0x33: {  	s10 =	simm.s32 $0x1;
	v6 =	vld [tilespmem:s7+$0xFFFFFE20]  }
0x34: {  	v2 =	vmov s10;
	v7 =	vld [tilespmem:s7+$0xFFFFFE30]  }
0x35: {  	v2 =	vand.u32 $0xFFFFFFF9, v2;
	v8 =	vld [tilespmem:s7+$0xFFFFFE40]  }
0x36: {  	v2 =	vbroadcast v2, $0x0;
	s9 =	sor.u32 $0x100, s15;
	v9 =	vld [tilespmem:s7+$0xFFFFFE50]  }
0x37: {  	v0 =	vld.idx.msk [tilespmem:v0+s9+$0x0], $0xffff  }
0x38: {  	v1 =	vld.idx.msk [tilespmem:v1+s9+$0x0], $0xffff  }
0x39: {  	v10 =	vld [tilespmem:s7+$0xFFFFFE60]  }
0x3a: {  	v11 =	vld [tilespmem:s7+$0xFFFFFE70]  }
0x3b: {  	v12 =	vld [tilespmem:s7+$0xFFFFFE80]  }
0x3c: {  	v2 =	vld.idx.msk [tilespmem:v2+s9+$0x0], $0xffff;
	v4 =	vmul.f32 v0, v4  }
0x3d: {  	v13 =	vld [tilespmem:s7+$0xFFFFFE90];
	v3 =	vmul.f32 v1, v3  }
0x3e: {  	v14 =	vld [tilespmem:s7+$0xFFFFFEA0];
	v5 =	vmul.f32 v0, v5;
	[tilespmem:s7+$0xFFFFFE00] =	vst v4  }
0x3f: {  	s17 =	simm.s32 $0x2;
	v15 =	vld [tilespmem:s7+$0xFFFFFEB0];
	v7 =	vmul.f32 v0, v7;
	[tilespmem:s7+$0x170] =	vst v3  }
0x40: {  	v8 =	vmul.f32 v0, v8;
	v4 =	vmov s17;
	v3 =	vmul.f32 v0, v6;
	v6 =	vld [tilespmem:s7+$0xFFFFFEC0];
	[tilespmem:s7+$0xFFFFFE10] =	vst v5  }
0x41: {  	v5 =	vmul.f32 v2, v12;
	v12 =	vld [tilespmem:s7+$0xFFFFFED0];
	[tilespmem:s7+$0xFFFFFE30] =	vst v7;
	v4 =	vand.u32 $0xFFFFFFFA, v4  }
0x42: {  	v7 =	vmul.f32 v0, v9;
	v9 =	vld [tilespmem:s7+$0xFFFFFEF0];
	[tilespmem:s7+$0xFFFFFE40] =	vst v8;
	v4 =	vbroadcast v4, $0x0  }
0x43: {  	v8 =	vmul.f32 v0, v10;
	v10 =	vld [tilespmem:s7+$0xFFFFFF00];
	[tilespmem:s7+$0xFFFFFE20] =	vst v3  }
0x44: {  	v0 =	vmul.f32 v0, v11;
	v11 =	vld [tilespmem:s7+$0xFFFFFF20];
	[tilespmem:s7+$0xFFFFFE80] =	vst v5  }
0x45: {  	s8 =	simm.s32 $0x3;
	v3 =	vld [tilespmem:s7+$0xFFFFFEE0];
	[tilespmem:s7+$0xFFFFFE50] =	vst v7  }
0x46: {  	v5 =	vmov s8;
	v7 =	vld [tilespmem:s7+$0xFFFFFF10];
	[tilespmem:s7+$0xFFFFFE60] =	vst v8;
	v8 =	vmul.f32 v2, v13  }
0x47: {  	[tilespmem:s7+$0xFFFFFE70] =	vst v0;
	v0 =	vmul.f32 v2, v14;
	v13 =	vld [tilespmem:s7+$0xFFFFFF30];
	v5 =	vand.u32 $0xFFFFFFFB, v5  }
0x48: {  	v5 =	vbroadcast v5, $0x0;
	[tilespmem:s7+$0xFFFFFE90] =	vst v8;
	v8 =	vmul.f32 v2, v15;
	v4 =	vld.idx.msk [tilespmem:v4+s9+$0x0], $0xffff  }
0x49: {  	v14 =	vld [tilespmem:s7+$0xFFFFFF40];
	[tilespmem:s7+$0xFFFFFEA0] =	vst v0;
	v6 =	vmul.f32 v2, v6  }
0x4a: {  	v12 =	vmul.f32 v2, v12;
	[tilespmem:s7+$0xFFFFFEB0] =	vst v8;
	v8 =	vld [tilespmem:s7+$0xFFFFFF60]  }
0x4b: {  	[tilespmem:s7+$0xFFFFFEC0] =	vst v6;
	v3 =	vmul.f32 v2, v3;
	v6 =	vld [tilespmem:s7+$0xFFFFFF70]  }
0x4c: {  	[tilespmem:s7+$0xFFFFFED0] =	vst v12;
	v2 =	vmul.f32 v2, v9;
	v9 =	vld [tilespmem:s7+$0xFFFFFF80]  }
0x4d: {  	v12 =	vld [tilespmem:s7+$0xFFFFFFB0];
	[tilespmem:s7+$0xFFFFFEE0] =	vst v3;
	v0 =	vmul.f32 v4, v10  }
0x4e: {  	[tilespmem:s7+$0xFFFFFEF0] =	vst v2;
	v5 =	vld.idx.msk [tilespmem:v5+s9+$0x0], $0xffff;
	v3 =	vmul.f32 v4, v7  }
0x4f: {  	s11 =	simm.s32 $0x4;
	v10 =	vld [tilespmem:s7+$0xFFFFFF50];
	v2 =	vmul.f32 v4, v11;
	[tilespmem:s7+$0xFFFFFF00] =	vst v0  }
0x50: {  	v7 =	vld [tilespmem:s7+$0xFFFFFF90];
	v8 =	vmul.f32 v4, v8;
	v0 =	vmov s11;
	[tilespmem:s7+$0xFFFFFF10] =	vst v3  }
0x51: {  	v11 =	vld [tilespmem:s7+$0xFFFFFFA0];
	v3 =	vmul.f32 v4, v13;
	[tilespmem:s7+$0xFFFFFF20] =	vst v2;
	v0 =	vand.u32 $0xFFFFFFFC, v0  }
0x52: {  	v2 =	vmul.f32 v4, v14;
	v13 =	vld [tilespmem:s7+$0xFFFFFFC0];
	[tilespmem:s7+$0xFFFFFF60] =	vst v8;
	v0 =	vbroadcast v0, $0x0  }
0x53: {  	v8 =	vld [tilespmem:s7+$0x0];
	[tilespmem:s7+$0xFFFFFF30] =	vst v3;
	v3 =	vmul.f32 v5, v9  }
0x54: {  	s12 =	simm.s32 $0x5;
	v9 =	vld [tilespmem:s7+$0xFFFFFFD0];
	[tilespmem:s7+$0xFFFFFF40] =	vst v2;
	v10 =	vmul.f32 v4, v10  }
0x55: {  	v2 =	vld [tilespmem:s7+$0xFFFFFFE0];
	v4 =	vmul.f32 v4, v6;
	[tilespmem:s7+$0xFFFFFF80] =	vst v3;
	v3 =	vmov s12  }
0x56: {  	v6 =	vld [tilespmem:s7+$0xFFFFFFF0];
	v7 =	vmul.f32 v5, v7;
	[tilespmem:s7+$0xFFFFFF50] =	vst v10;
	v3 =	vand.u32 $0xFFFFFFFD, v3  }
0x57: {  	[tilespmem:s7+$0xFFFFFF70] =	vst v4;
	v4 =	vmul.f32 v5, v11;
	v10 =	vld [tilespmem:s7+$0x10];
	v3 =	vbroadcast v3, $0x0  }
0x58: {  	[tilespmem:s7+$0xFFFFFF90] =	vst v7;
	v7 =	vmul.f32 v5, v12;
	v0 =	vld.idx.msk [tilespmem:v0+s9+$0x0], $0xffff  }
0x59: {  	v11 =	vld [tilespmem:s7+$0x20];
	[tilespmem:s7+$0xFFFFFFA0] =	vst v4;
	v4 =	vmul.f32 v5, v13  }
0x5a: {  	v12 =	vld [tilespmem:s7+$0x30];
	[tilespmem:s7+$0xFFFFFFB0] =	vst v7;
	v7 =	vmul.f32 v5, v9  }
0x5b: {  	v9 =	vld [tilespmem:s7+$0x40];
	v2 =	vmul.f32 v5, v2;
	[tilespmem:s7+$0xFFFFFFC0] =	vst v4  }
0x5c: {  	v5 =	vmul.f32 v5, v6;
	[tilespmem:s7+$0xFFFFFFD0] =	vst v7;
	v7 =	vld [tilespmem:s7+$0x60]  }
0x5d: {  	[tilespmem:s7+$0xFFFFFFE0] =	vst v2;
	v3 =	vld.idx.msk [tilespmem:v3+s9+$0x0], $0xffff;
	v4 =	vmul.f32 v0, v8  }
0x5e: {  	[tilespmem:s7+$0xFFFFFFF0] =	vst v5;
	v8 =	vld [tilespmem:s7+$0x50];
	v5 =	vmul.f32 v0, v11  }
0x5f: {  	v2 =	vmul.f32 v0, v10;
	v10 =	vld [tilespmem:s7+$0x90];
	[tilespmem:s7+$0x0] =	vst v4  }
0x60: {  	v6 =	vld [tilespmem:s7+$0x80];
	[tilespmem:s7+$0x20] =	vst v5;
	v5 =	vmul.f32 v0, v9  }
0x61: {  	v4 =	vld [tilespmem:s7+$0x70];
	[tilespmem:s7+$0x10] =	vst v2;
	v2 =	vmul.f32 v0, v12  }
0x62: {  	v9 =	vld [tilespmem:s7+$0xA0];
	[tilespmem:s7+$0x40] =	vst v5;
	v5 =	vmul.f32 v0, v7  }
0x63: {  	[tilespmem:s7+$0x30] =	vst v2;
	v7 =	vld [tilespmem:s7+$0xC0];
	v2 =	vmul.f32 v0, v8  }
0x64: {  	v8 =	vld [tilespmem:s7+$0xB0];
	v10 =	vmul.f32 v3, v10;
	[tilespmem:s7+$0x60] =	vst v5  }
0x65: {  	v5 =	vld [tilespmem:s7+$0xE0];
	[tilespmem:s7+$0x50] =	vst v2;
	v2 =	vmul.f32 v3, v6  }
0x66: {  	v6 =	vld [tilespmem:s7+$0xD0];
	v4 =	vmul.f32 v0, v4;
	[tilespmem:s7+$0x90] =	vst v10  }
0x67: {  	v10 =	vld [tilespmem:s7+$0x150];
	[tilespmem:s7+$0x80] =	vst v2  }
0x68: {  	[tilespmem:s7+$0x70] =	vst v4;
	v2 =	vmul.f32 v3, v9;
	v4 =	vld [tilespmem:s7+$0xF0]  }
0x69: {  	v9 =	vld [tilespmem:s7+$0x100];
	v8 =	vmul.f32 v3, v8  }
0x6a: {  	s13 =	simm.s32 $0x7;
	[tilespmem:s7+$0xA0] =	vst v2;
	v2 =	vmul.f32 v3, v7;
	v7 =	vld [tilespmem:s7+$0x110]  }
0x6b: {  	v13 =	vld [tilespmem:s7+$0x180];
	v11 =	vmov s13;
	[tilespmem:s7+$0xB0] =	vst v8;
	v6 =	vmul.f32 v3, v6  }
0x6c: {  	v8 =	vld [tilespmem:s7+$0x120];
	v10 =	vmul.f32 v1, v10;
	[tilespmem:s7+$0xC0] =	vst v2  }
0x6d: {  	s13 =	simm.s32 $0xC;
	v2 =	vmul.f32 v3, v5;
	v5 =	vld [tilespmem:s7+$0x130];
	[tilespmem:s7+$0xD0] =	vst v6;
	v3 =	vmul.f32 v3, v4  }
0x6e: {  	s17 =	simm.s32 $0x8;
	v14 =	vmov s13;
	v4 =	vld [tilespmem:s7+$0x140];
	[tilespmem:s7+$0x150] =	vst v10  }
0x6f: {  	s11 =	simm.s32 $0x9;
	s12 =	simm.s32 $0xA;
	v6 =	vmov s17;
	v9 =	vmul.f32 v1, v9;
	[tilespmem:s7+$0xF0] =	vst v3;
	v3 =	vmul.f32 v1, v7;
	v7 =	vld [tilespmem:s7+$0x160]  }
0x70: {  	s8 =	simm.s32 $0xF;
	v12 =	vmov s12;
	v0 =	vld.idx.msk [tilespmem:v11+s9+$0x0], $0xffff;
	v11 =	vmov s11;
	s17 =	simm.s32 $0xD;
	[tilespmem:s7+$0xE0] =	vst v2;
	v6 =	vand.u32 $0xFFFFFFF8, v6  }
0x71: {  	v16 =	vld [tilespmem:s7+$0x190];
	s12 =	simm.s32 $0xB;
	v2 =	vmov s8;
	v17 =	vmov s17;
	[tilespmem:s7+$0x100] =	vst v9;
	v8 =	vmul.f32 v1, v8  }
0x72: {  	v9 =	vmov s12;
	[tilespmem:s7+$0x110] =	vst v3;
	v15 =	vmul.f32 v1, v5;
	v3 =	vbroadcast v6, $0x0;
	v5 =	vld [tilespmem:s7+$0x1A0]  }
0x73: {  	v6 =	vld [tilespmem:s7+$0x1B0];
	[tilespmem:s7+$0x120] =	vst v8;
	v8 =	vmul.f32 v1, v4;
	v4 =	vand.u32 $0xFFFFFFF9, v11;
	v11 =	vand.u32 $0xFFFFFFFA, v12  }
0x74: {  	v12 =	vand.u32 $0xFFFFFFFB, v9;
	[tilespmem:s7+$0x130] =	vst v15;
	v4 =	vbroadcast v4, $0x0;
	v15 =	vmul.f32 v1, v7;
	v7 =	vld [tilespmem:s7+$0x1C0]  }
0x75: {  	v9 =	vbroadcast v11, $0x0;
	[tilespmem:s7+$0x140] =	vst v8;
	v1 =	vand.u32 $0xFFFFFFFC, v14;
	v14 =	vmul.f32 v0, v13;
	v8 =	vld [tilespmem:s7+$0x1D0]  }
0x76: {  	s10 =	simm.s32 $0x10;
	s11 =	simm.s32 $0xE;
	v10 =	vld [tilespmem:s7+$0x1E0];
	v11 =	vbroadcast v12, $0x0;
	v12 =	vmul.f32 v0, v16;
	v13 =	vand.u32 $0xFFFFFFFD, v17;
	[tilespmem:s7+$0x160] =	vst v15  }
.LBB2_3:
0x77: {  	p0 =	slt.u32 s10, $0x70;
	v1 =	vbroadcast v1, $0x0;
	v15 =	vmov s11;
	[tilespmem:s7+$0x180] =	vst v14;
	v5 =	vmul.f32 v0, v5;
	v14 =	vld [tilespmem:s7+$0x1F0]  }
0x78: {  	v13 =	vbroadcast v13, $0x0;
	v15 =	vand.u32 $0xFFFFFFFE, v15;
	v16 =	vld.idx.msk [tilespmem:v2+s9+$0x0], $0xffff;
	[tilespmem:s7+$0x190] =	vst v12;
	v2 =	vmul.f32 v0, v6  }
0x79: {  	v6 =	vld.idx.msk [tilespmem:v3+s9+$0x0], $0xffff;
	v12 =	vbroadcast v15, $0x0;
	[tilespmem:s7+$0x1A0] =	vst v5;
	v3 =	vmul.f32 v0, v7  }
0x7a: {  	v5 =	vld.idx.msk [tilespmem:v4+s9+$0x0], $0xffff;
	[tilespmem:s7+$0x1B0] =	vst v2;
	v2 =	vmul.f32 v0, v8  }
0x7b: {  	v7 =	vld.idx.msk [tilespmem:v9+s9+$0x0], $0xffff;
	[tilespmem:s7+$0x1C0] =	vst v3;
	v8 =	vmul.f32 v0, v10  }
0x7c: {  	v4 =	vld.idx.msk [tilespmem:v11+s9+$0x0], $0xffff;
	[tilespmem:s7+$0x1D0] =	vst v2;
	v9 =	vmul.f32 v0, v14  }
0x7d: {  	v3 =	vld.idx.msk [tilespmem:v1+s9+$0x0], $0xffff;
	[tilespmem:s7+$0x1E0] =	vst v8  }
0x7e: {  	v0 =	vmov v16;
	v2 =	vld.idx.msk [tilespmem:v13+s9+$0x0], $0xffff;
	[tilespmem:s7+$0x1F0] =	vst v9  }
0x7f: {  	s7 =	sadd.s32 $0x400, s7;
	v1 =	vld.idx.msk [tilespmem:v12+s9+$0x0], $0xffff  }
0x80: {  	v8 =	vld [tilespmem:s7+$0x170]  }
0x81: {  	v9 =	vld [tilespmem:s7+$0xFFFFFE00]  }
0x82: {  	v10 =	vld [tilespmem:s7+$0xFFFFFE10]  }
0x83: {  	v11 =	vld [tilespmem:s7+$0xFFFFFE20]  }
0x84: {  	v12 =	vld [tilespmem:s7+$0xFFFFFE30]  }
0x85: {  	v13 =	vld [tilespmem:s7+$0xFFFFFE40];
	v8 =	vmul.f32 v1, v8  }
0x86: {  	v9 =	vmul.f32 v6, v9;
	v14 =	vld [tilespmem:s7+$0xFFFFFE50]  }
0x87: {  	v10 =	vmul.f32 v6, v10;
	v15 =	vld [tilespmem:s7+$0xFFFFFE60];
	[tilespmem:s7+$0x170] =	vst v8  }
0x88: {  	[tilespmem:s7+$0xFFFFFE00] =	vst v9;
	v8 =	vmul.f32 v6, v11;
	v9 =	vld [tilespmem:s7+$0xFFFFFE70]  }
0x89: {  	[tilespmem:s7+$0xFFFFFE10] =	vst v10;
	v10 =	vmul.f32 v6, v12;
	v11 =	vld [tilespmem:s7+$0xFFFFFE80]  }
0x8a: {  	[tilespmem:s7+$0xFFFFFE20] =	vst v8;
	v8 =	vmul.f32 v6, v13;
	v12 =	vld [tilespmem:s7+$0xFFFFFE90]  }
0x8b: {  	[tilespmem:s7+$0xFFFFFE30] =	vst v10;
	v10 =	vmul.f32 v6, v14;
	v13 =	vld [tilespmem:s7+$0xFFFFFEA0]  }
0x8c: {  	[tilespmem:s7+$0xFFFFFE40] =	vst v8;
	v8 =	vmul.f32 v6, v15;
	v14 =	vld [tilespmem:s7+$0xFFFFFEB0]  }
0x8d: {  	[tilespmem:s7+$0xFFFFFE50] =	vst v10;
	v6 =	vmul.f32 v6, v9;
	v9 =	vld [tilespmem:s7+$0xFFFFFEC0]  }
0x8e: {  	[tilespmem:s7+$0xFFFFFE60] =	vst v8;
	v8 =	vmul.f32 v5, v11;
	v10 =	vld [tilespmem:s7+$0xFFFFFED0]  }
0x8f: {  	[tilespmem:s7+$0xFFFFFE70] =	vst v6;
	v6 =	vmul.f32 v5, v12;
	v11 =	vld [tilespmem:s7+$0xFFFFFEE0]  }
0x90: {  	[tilespmem:s7+$0xFFFFFE80] =	vst v8;
	v8 =	vmul.f32 v5, v13;
	v12 =	vld [tilespmem:s7+$0xFFFFFEF0]  }
0x91: {  	[tilespmem:s7+$0xFFFFFE90] =	vst v6;
	v6 =	vmul.f32 v5, v14;
	v13 =	vld [tilespmem:s7+$0xFFFFFF00]  }
0x92: {  	[tilespmem:s7+$0xFFFFFEA0] =	vst v8;
	v8 =	vmul.f32 v5, v9;
	v9 =	vld [tilespmem:s7+$0xFFFFFF10]  }
0x93: {  	[tilespmem:s7+$0xFFFFFEB0] =	vst v6;
	v6 =	vmul.f32 v5, v10;
	v10 =	vld [tilespmem:s7+$0xFFFFFF20]  }
0x94: {  	[tilespmem:s7+$0xFFFFFEC0] =	vst v8;
	v8 =	vmul.f32 v5, v11;
	v11 =	vld [tilespmem:s7+$0xFFFFFF30]  }
0x95: {  	[tilespmem:s7+$0xFFFFFED0] =	vst v6;
	v5 =	vmul.f32 v5, v12;
	v6 =	vld [tilespmem:s7+$0xFFFFFF40]  }
0x96: {  	[tilespmem:s7+$0xFFFFFEE0] =	vst v8;
	v8 =	vmul.f32 v7, v13;
	v12 =	vld [tilespmem:s7+$0xFFFFFF50]  }
0x97: {  	[tilespmem:s7+$0xFFFFFEF0] =	vst v5;
	v5 =	vmul.f32 v7, v9;
	v9 =	vld [tilespmem:s7+$0xFFFFFF60]  }
0x98: {  	[tilespmem:s7+$0xFFFFFF00] =	vst v8;
	v8 =	vmul.f32 v7, v10;
	v10 =	vld [tilespmem:s7+$0xFFFFFF70]  }
0x99: {  	[tilespmem:s7+$0xFFFFFF10] =	vst v5;
	v5 =	vmul.f32 v7, v11;
	v11 =	vld [tilespmem:s7+$0xFFFFFF80]  }
0x9a: {  	[tilespmem:s7+$0xFFFFFF20] =	vst v8;
	v6 =	vmul.f32 v7, v6;
	v8 =	vld [tilespmem:s7+$0xFFFFFF90]  }
0x9b: {  	[tilespmem:s7+$0xFFFFFF30] =	vst v5;
	v5 =	vmul.f32 v7, v12;
	v12 =	vld [tilespmem:s7+$0xFFFFFFA0]  }
0x9c: {  	[tilespmem:s7+$0xFFFFFF40] =	vst v6;
	v6 =	vmul.f32 v7, v9;
	v9 =	vld [tilespmem:s7+$0xFFFFFFB0]  }
0x9d: {  	[tilespmem:s7+$0xFFFFFF50] =	vst v5;
	v5 =	vmul.f32 v7, v10;
	v7 =	vld [tilespmem:s7+$0xFFFFFFC0]  }
0x9e: {  	[tilespmem:s7+$0xFFFFFF60] =	vst v6;
	v6 =	vmul.f32 v4, v11;
	v10 =	vld [tilespmem:s7+$0xFFFFFFD0]  }
0x9f: {  	[tilespmem:s7+$0xFFFFFF70] =	vst v5;
	v5 =	vmul.f32 v4, v8;
	v8 =	vld [tilespmem:s7+$0xFFFFFFE0]  }
0xa0: {  	[tilespmem:s7+$0xFFFFFF80] =	vst v6;
	v6 =	vmul.f32 v4, v12;
	v11 =	vld [tilespmem:s7+$0xFFFFFFF0]  }
0xa1: {  	[tilespmem:s7+$0xFFFFFF90] =	vst v5;
	v5 =	vmul.f32 v4, v9;
	v9 =	vld [tilespmem:s7+$0x0]  }
0xa2: {  	[tilespmem:s7+$0xFFFFFFA0] =	vst v6;
	v6 =	vmul.f32 v4, v7;
	v7 =	vld [tilespmem:s7+$0x10]  }
0xa3: {  	[tilespmem:s7+$0xFFFFFFB0] =	vst v5;
	v5 =	vmul.f32 v4, v10;
	v10 =	vld [tilespmem:s7+$0x20]  }
0xa4: {  	[tilespmem:s7+$0xFFFFFFC0] =	vst v6;
	v6 =	vmul.f32 v4, v8;
	v8 =	vld [tilespmem:s7+$0x30]  }
0xa5: {  	[tilespmem:s7+$0xFFFFFFD0] =	vst v5;
	v4 =	vmul.f32 v4, v11;
	v5 =	vld [tilespmem:s7+$0x40]  }
0xa6: {  	[tilespmem:s7+$0xFFFFFFE0] =	vst v6;
	v6 =	vmul.f32 v3, v9;
	v9 =	vld [tilespmem:s7+$0x50]  }
0xa7: {  	[tilespmem:s7+$0xFFFFFFF0] =	vst v4;
	v4 =	vmul.f32 v3, v7;
	v7 =	vld [tilespmem:s7+$0x60]  }
0xa8: {  	[tilespmem:s7+$0x0] =	vst v6;
	v6 =	vmul.f32 v3, v10;
	v10 =	vld [tilespmem:s7+$0x70]  }
0xa9: {  	[tilespmem:s7+$0x10] =	vst v4;
	v4 =	vmul.f32 v3, v8;
	v8 =	vld [tilespmem:s7+$0x80]  }
0xaa: {  	[tilespmem:s7+$0x20] =	vst v6;
	v5 =	vmul.f32 v3, v5;
	v6 =	vld [tilespmem:s7+$0x90]  }
0xab: {  	[tilespmem:s7+$0x30] =	vst v4;
	v4 =	vmul.f32 v3, v9;
	v9 =	vld [tilespmem:s7+$0xA0]  }
0xac: {  	[tilespmem:s7+$0x40] =	vst v5;
	v5 =	vmul.f32 v3, v7;
	v7 =	vld [tilespmem:s7+$0xB0]  }
0xad: {  	[tilespmem:s7+$0x50] =	vst v4;
	v3 =	vmul.f32 v3, v10;
	v4 =	vld [tilespmem:s7+$0xC0]  }
0xae: {  	[tilespmem:s7+$0x60] =	vst v5;
	v5 =	vmul.f32 v2, v8;
	v8 =	vld [tilespmem:s7+$0xD0]  }
0xaf: {  	[tilespmem:s7+$0x70] =	vst v3;
	v3 =	vmul.f32 v2, v6;
	v6 =	vld [tilespmem:s7+$0xE0]  }
0xb0: {  	[tilespmem:s7+$0x80] =	vst v5;
	v5 =	vmul.f32 v2, v9;
	v9 =	vld [tilespmem:s7+$0xF0]  }
0xb1: {  	[tilespmem:s7+$0x90] =	vst v3;
	v3 =	vmul.f32 v2, v7;
	v7 =	vld [tilespmem:s7+$0x100]  }
0xb2: {  	[tilespmem:s7+$0xA0] =	vst v5;
	v4 =	vmul.f32 v2, v4;
	v5 =	vld [tilespmem:s7+$0x110]  }
0xb3: {  	[tilespmem:s7+$0xB0] =	vst v3;
	v3 =	vmul.f32 v2, v8;
	v8 =	vld [tilespmem:s7+$0x120]  }
0xb4: {  	[tilespmem:s7+$0xC0] =	vst v4;
	v4 =	vmul.f32 v2, v6;
	v6 =	vld [tilespmem:s7+$0x130]  }
0xb5: {  	[tilespmem:s7+$0xD0] =	vst v3;
	v3 =	vmul.f32 v2, v9;
	v9 =	vld [tilespmem:s7+$0x140]  }
0xb6: {  	s11 =	sadd.s32 $0x7, s10;
	v2 =	vmov s10;
	[tilespmem:s7+$0xE0] =	vst v4;
	v4 =	vmul.f32 v1, v7;
	v7 =	vld [tilespmem:s7+$0x150]  }
0xb7: {  	s12 =	sadd.s32 $0x1, s10;
	s17 =	sadd.s32 $0x2, s10;
	v10 =	vand.u32 $0xFFFFFFF8, v2;
	v2 =	vmov s11;
	[tilespmem:s7+$0xF0] =	vst v3;
	v3 =	vmul.f32 v1, v5;
	v11 =	vld [tilespmem:s7+$0x160]  }
0xb8: {  	v13 =	vmov s17;
	v12 =	vmov s12;
	s12 =	sadd.s32 $0x4, s10;
	s11 =	sadd.s32 $0x3, s10;
	[tilespmem:s7+$0x100] =	vst v4;
	v4 =	vmul.f32 v1, v8;
	v8 =	vld [tilespmem:s7+$0x180]  }
0xb9: {  	v15 =	vmov s12;
	v14 =	vmov s11;
	s11 =	sadd.s32 $0x5, s10;
	[tilespmem:s7+$0x110] =	vst v3;
	v6 =	vmul.f32 v1, v6;
	v16 =	vld [tilespmem:s7+$0x190]  }
.Ltmp0:
0xba: {  	v3 =	vbroadcast v10, $0x0;
	v10 =	vmov s11;
	[tilespmem:s7+$0x120] =	vst v4;
	v9 =	vmul.f32 v1, v9;
	v5 =	vld [tilespmem:s7+$0x1A0];
	(pc) =	sbr.rel @p0 .LBB2_3-.Ltmp0, $4  }
0xbb: {  	v4 =	vand.u32 $0xFFFFFFF9, v12;
	v12 =	vand.u32 $0xFFFFFFFA, v13;
	[tilespmem:s7+$0x130] =	vst v6;
	v13 =	vmul.f32 v1, v7;
	v6 =	vld [tilespmem:s7+$0x1B0]  }
0xbc: {  	v17 =	vand.u32 $0xFFFFFFFB, v14;
	v4 =	vbroadcast v4, $0x0;
	[tilespmem:s7+$0x140] =	vst v9;
	v18 =	vmul.f32 v1, v11;
	v7 =	vld [tilespmem:s7+$0x1C0]  }
0xbd: {  	v9 =	vbroadcast v12, $0x0;
	v1 =	vand.u32 $0xFFFFFFFC, v15;
	[tilespmem:s7+$0x150] =	vst v13;
	v14 =	vmul.f32 v0, v8;
	v8 =	vld [tilespmem:s7+$0x1D0]  }
0xbe: {  	s11 =	sadd.s32 $0x6, s10;
	s10 =	sadd.s32 $0x8, s10;
	v11 =	vbroadcast v17, $0x0;
	v13 =	vand.u32 $0xFFFFFFFD, v10;
	[tilespmem:s7+$0x160] =	vst v18;
	v12 =	vmul.f32 v0, v16;
	v10 =	vld [tilespmem:s7+$0x1E0]  }
0xbf: {  	_ =	sdelay $0x2  }
0xc0: {  	v15 =	vld [tilespmem:s7+$0x1F0]  }
0xc1: {  	v34 =	vbroadcast v1, $0x0;
	v1 =	vld.idx.msk [tilespmem:v2+s9+$0x0], $0xffff  }
0xc2: {  	v17 =	vld.idx.msk [tilespmem:v3+s9+$0x0], $0xffff  }
0xc3: {  	v37 =	vld.idx.msk [tilespmem:v4+s9+$0x0], $0xffff  }
0xc4: {  	v9 =	vld.idx.msk [tilespmem:v9+s9+$0x0], $0xffff  }
0xc5: {  	s12 =	sadd.s32 $0x400, s7;
	v11 =	vld.idx.msk [tilespmem:v11+s9+$0x0], $0xffff  }
0xc6: {  	v40 =	vld [tilespmem:s12+$0xFFFFFE00]  }
0xc7: {  	v42 =	vld [tilespmem:s12+$0xFFFFFE10]  }
0xc8: {  	[tilespmem:s7+$0x180] =	vst v14;
	v5 =	vmul.f32 v0, v5;
	v44 =	vld [tilespmem:s12+$0xFFFFFE20]  }
0xc9: {  	[tilespmem:s7+$0x190] =	vst v12;
	v6 =	vmul.f32 v0, v6;
	v46 =	vld [tilespmem:s12+$0xFFFFFE30]  }
0xca: {  	v47 =	vld [tilespmem:s12+$0xFFFFFE40];
	[tilespmem:s7+$0x1A0] =	vst v5;
	v39 =	vmul.f32 v0, v7  }
0xcb: {  	v49 =	vld [tilespmem:s12+$0xFFFFFE50];
	[tilespmem:s7+$0x1B0] =	vst v6;
	v41 =	vmul.f32 v0, v8  }
0xcc: {  	v50 =	vld [tilespmem:s12+$0xFFFFFE60];
	[tilespmem:s7+$0x1C0] =	vst v39;
	v43 =	vmul.f32 v0, v10  }
0xcd: {  	v52 =	vld [tilespmem:s12+$0xFFFFFE70];
	[tilespmem:s7+$0x1D0] =	vst v41;
	v45 =	vmul.f32 v0, v15  }
0xce: {  	v53 =	vld [tilespmem:s12+$0xFFFFFE80];
	[tilespmem:s7+$0x1E0] =	vst v43;
	v48 =	vmul.f32 v17, v40  }
0xcf: {  	v55 =	vld [tilespmem:s12+$0xFFFFFE90];
	v8 =	vmul.f32 v17, v42;
	[tilespmem:s7+$0x1F0] =	vst v45  }
0xd0: {  	v57 =	vld [tilespmem:s12+$0xFFFFFEA0];
	v51 =	vmul.f32 v17, v44;
	[tilespmem:s12+$0xFFFFFE00] =	vst v48  }
0xd1: {  	v59 =	vld [tilespmem:s12+$0xFFFFFEB0];
	v6 =	vmul.f32 v17, v46;
	[tilespmem:s12+$0xFFFFFE10] =	vst v8  }
0xd2: {  	v61 =	vld [tilespmem:s12+$0xFFFFFEC0];
	v54 =	vmul.f32 v17, v47;
	[tilespmem:s12+$0xFFFFFE20] =	vst v51  }
0xd3: {  	v63 =	vld [tilespmem:s12+$0xFFFFFED0];
	v56 =	vmul.f32 v17, v49;
	[tilespmem:s12+$0xFFFFFE30] =	vst v6  }
0xd4: {  	v19 =	vld [tilespmem:s12+$0xFFFFFEF0];
	v58 =	vmul.f32 v17, v50;
	[tilespmem:s12+$0xFFFFFE40] =	vst v54  }
0xd5: {  	v21 =	vld [tilespmem:s12+$0xFFFFFF00];
	v60 =	vmul.f32 v17, v52;
	[tilespmem:s12+$0xFFFFFE50] =	vst v56  }
0xd6: {  	v23 =	vld [tilespmem:s12+$0xFFFFFF10];
	v62 =	vmul.f32 v37, v53;
	[tilespmem:s12+$0xFFFFFE60] =	vst v58  }
0xd7: {  	v25 =	vld [tilespmem:s12+$0xFFFFFF20];
	v5 =	vmul.f32 v37, v55;
	[tilespmem:s12+$0xFFFFFE70] =	vst v60  }
0xd8: {  	v27 =	vld [tilespmem:s12+$0xFFFFFF30];
	v18 =	vmul.f32 v37, v57;
	[tilespmem:s12+$0xFFFFFE80] =	vst v62  }
0xd9: {  	v13 =	vbroadcast v13, $0x0;
	v31 =	vld [tilespmem:s12+$0xFFFFFF50];
	v20 =	vmul.f32 v37, v59;
	[tilespmem:s12+$0xFFFFFE90] =	vst v5  }
0xda: {  	v35 =	vmov s11;
	v33 =	vld [tilespmem:s12+$0xFFFFFF60];
	v22 =	vmul.f32 v37, v61;
	[tilespmem:s12+$0xFFFFFEA0] =	vst v18  }
0xdb: {  	v16 =	vand.u32 $0xFFFFFFFE, v35;
	v35 =	vld [tilespmem:s12+$0xFFFFFF70];
	v24 =	vmul.f32 v37, v63;
	[tilespmem:s12+$0xFFFFFEB0] =	vst v20  }
0xdc: {  	v39 =	vld [tilespmem:s12+$0xFFFFFF90];
	v28 =	vmul.f32 v37, v19;
	[tilespmem:s12+$0xFFFFFEC0] =	vst v22  }
0xdd: {  	v36 =	vbroadcast v16, $0x0;
	v41 =	vld [tilespmem:s12+$0xFFFFFFA0];
	v30 =	vmul.f32 v9, v21;
	[tilespmem:s12+$0xFFFFFED0] =	vst v24  }
0xde: {  	v4 =	vld.idx.msk [tilespmem:v34+s9+$0x0], $0xffff;
	v32 =	vmul.f32 v9, v23;
	[tilespmem:s12+$0xFFFFFEF0] =	vst v28  }
0xdf: {  	v3 =	vld.idx.msk [tilespmem:v13+s9+$0x0], $0xffff;
	v34 =	vmul.f32 v9, v25;
	[tilespmem:s12+$0xFFFFFF00] =	vst v30  }
0xe0: {  	v17 =	vld [tilespmem:s12+$0xFFFFFEE0];
	v40 =	vmul.f32 v9, v31;
	[tilespmem:s12+$0xFFFFFF10] =	vst v32  }
0xe1: {  	v42 =	vmul.f32 v9, v33;
	v43 =	vld [tilespmem:s12+$0xFFFFFFB0];
	[tilespmem:s12+$0xFFFFFF20] =	vst v34  }
0xe2: {  	v44 =	vmul.f32 v9, v35;
	v47 =	vld [tilespmem:s12+$0xFFFFFFD0];
	[tilespmem:s12+$0xFFFFFF50] =	vst v40  }
0xe3: {  	v2 =	vld.idx.msk [tilespmem:v36+s9+$0x0], $0xffff;
	v36 =	vmul.f32 v9, v27;
	[tilespmem:s12+$0xFFFFFF60] =	vst v42  }
0xe4: {  	v49 =	vld [tilespmem:s12+$0xFFFFFFE0];
	[tilespmem:s12+$0xFFFFFF70] =	vst v44;
	v48 =	vmul.f32 v11, v39  }
0xe5: {  	v53 =	vld [tilespmem:s12+$0x0];
	[tilespmem:s12+$0xFFFFFF30] =	vst v36;
	v50 =	vmul.f32 v11, v41  }
0xe6: {  	v57 =	vld [tilespmem:s12+$0x20];
	v26 =	vmul.f32 v37, v17;
	[tilespmem:s12+$0xFFFFFF90] =	vst v48  }
0xe7: {  	v59 =	vld [tilespmem:s12+$0x30];
	v52 =	vmul.f32 v11, v43;
	[tilespmem:s12+$0xFFFFFFA0] =	vst v50  }
0xe8: {  	v61 =	vld [tilespmem:s12+$0x40];
	v56 =	vmul.f32 v11, v47;
	[tilespmem:s12+$0xFFFFFEE0] =	vst v26  }
0xe9: {  	v63 =	vld [tilespmem:s12+$0x50];
	v58 =	vmul.f32 v11, v49;
	[tilespmem:s12+$0xFFFFFFB0] =	vst v52  }
0xea: {  	v13 =	vld [tilespmem:s12+$0x60];
	v62 =	vmul.f32 v4, v53;
	[tilespmem:s12+$0xFFFFFFD0] =	vst v56  }
0xeb: {  	v19 =	vld [tilespmem:s12+$0x90];
	v14 =	vmul.f32 v4, v57;
	[tilespmem:s12+$0xFFFFFFE0] =	vst v58  }
0xec: {  	v23 =	vld [tilespmem:s12+$0xB0];
	v16 =	vmul.f32 v4, v59;
	[tilespmem:s12+$0x0] =	vst v62  }
0xed: {  	v45 =	vld [tilespmem:s12+$0xFFFFFFC0];
	v18 =	vmul.f32 v4, v61;
	[tilespmem:s12+$0x20] =	vst v14  }
0xee: {  	v38 =	vld [tilespmem:s12+$0x170];
	v20 =	vmul.f32 v4, v63;
	[tilespmem:s12+$0x30] =	vst v16  }
0xef: {  	v29 =	vld [tilespmem:s12+$0xFFFFFF40];
	v22 =	vmul.f32 v4, v13;
	[tilespmem:s12+$0x40] =	vst v18  }
0xf0: {  	v51 =	vld [tilespmem:s12+$0xFFFFFFF0];
	v27 =	vmul.f32 v3, v19;
	[tilespmem:s12+$0x50] =	vst v20  }
0xf1: {  	v21 =	vld [tilespmem:s12+$0xA0];
	v31 =	vmul.f32 v3, v23;
	[tilespmem:s12+$0x60] =	vst v22  }
0xf2: {  	v24 =	vld [tilespmem:s12+$0xC0];
	v54 =	vmul.f32 v11, v45;
	[tilespmem:s12+$0x90] =	vst v27  }
0xf3: {  	v32 =	vld [tilespmem:s12+$0x100];
	v12 =	vmul.f32 v2, v38;
	[tilespmem:s12+$0xB0] =	vst v31  }
0xf4: {  	v34 =	vld [tilespmem:s12+$0x110];
	v38 =	vmul.f32 v9, v29;
	[tilespmem:s12+$0xFFFFFFC0] =	vst v54  }
0xf5: {  	v39 =	vld [tilespmem:s12+$0x140];
	v60 =	vmul.f32 v11, v51;
	[tilespmem:s12+$0x170] =	vst v12  }
0xf6: {  	v55 =	vld [tilespmem:s12+$0x10];
	v29 =	vmul.f32 v3, v21;
	[tilespmem:s12+$0xFFFFFF40] =	vst v38  }
0xf7: {  	v15 =	vld [tilespmem:s12+$0x70];
	v33 =	vmul.f32 v3, v24;
	[tilespmem:s12+$0xFFFFFFF0] =	vst v60  }
0xf8: {  	v36 =	vld [tilespmem:s12+$0x120];
	v40 =	vmul.f32 v2, v32;
	[tilespmem:s12+$0xA0] =	vst v29  }
0xf9: {  	v41 =	vld [tilespmem:s12+$0x150];
	v42 =	vmul.f32 v2, v34;
	[tilespmem:s12+$0xC0] =	vst v33  }
0xfa: {  	v37 =	vld [tilespmem:s12+$0xFFFFFF80];
	v48 =	vmul.f32 v2, v39;
	[tilespmem:s12+$0x100] =	vst v40  }
0xfb: {  	v17 =	vld [tilespmem:s12+$0x80];
	v12 =	vmul.f32 v4, v55;
	[tilespmem:s12+$0x110] =	vst v42  }
0xfc: {  	v28 =	vld [tilespmem:s12+$0xE0];
	v4 =	vmul.f32 v4, v15;
	[tilespmem:s12+$0x140] =	vst v48  }
0xfd: {  	v43 =	vld [tilespmem:s12+$0x160];
	v44 =	vmul.f32 v2, v36;
	[tilespmem:s12+$0x10] =	vst v12  }
0xfe: {  	v47 =	vld [tilespmem:s12+$0x190];
	v50 =	vmul.f32 v2, v41;
	[tilespmem:s12+$0x70] =	vst v4  }
0xff: {  	v49 =	vld [tilespmem:s12+$0x1A0];
	v46 =	vmul.f32 v11, v37;
	[tilespmem:s12+$0x120] =	vst v44  }
0x100: {  	v57 =	vld [tilespmem:s12+$0x1E0];
	v25 =	vmul.f32 v3, v17;
	[tilespmem:s12+$0x150] =	vst v50  }
0x101: {  	v59 =	vld [tilespmem:s12+$0x1F0];
	v37 =	vmul.f32 v3, v28;
	[tilespmem:s12+$0xFFFFFF80] =	vst v46  }
0x102: {  	v45 =	vld [tilespmem:s12+$0x180];
	v52 =	vmul.f32 v2, v43;
	[tilespmem:s12+$0x80] =	vst v25  }
0x103: {  	v26 =	vld [tilespmem:s12+$0xD0];
	v56 =	vmul.f32 v1, v47;
	[tilespmem:s12+$0xE0] =	vst v37  }
0x104: {  	v30 =	vld [tilespmem:s12+$0xF0];
	v58 =	vmul.f32 v1, v49;
	[tilespmem:s12+$0x160] =	vst v52  }
0x105: {  	v51 =	vld [tilespmem:s12+$0x1B0];
	v62 =	vmul.f32 v1, v57;
	[tilespmem:s12+$0x190] =	vst v56  }
0x106: {  	v38 =	vld [tilespmem:s12+$0x130];
	v63 =	vmul.f32 v1, v59;
	[tilespmem:s12+$0x1A0] =	vst v58  }
0x107: {  	v53 =	vld [tilespmem:s12+$0x1C0];
	v54 =	vmul.f32 v1, v45;
	[tilespmem:s12+$0x1E0] =	vst v62  }
0x108: {  	v55 =	vld [tilespmem:s12+$0x1D0];
	v35 =	vmul.f32 v3, v26;
	[tilespmem:s12+$0x1F0] =	vst v63  }
0x109: {  	v3 =	vmul.f32 v3, v30;
	[tilespmem:s12+$0x180] =	vst v54  }
0x10a: {  	s13 =	sadd.s32 $0x2, s16;
	v60 =	vmul.f32 v1, v51;
	[tilespmem:s12+$0xD0] =	vst v35  }
0x10b: {  	s10 =	smulhi.u32 $0xAAAAAAAB, s13;
	[tilespmem:s12+$0xF0] =	vst v3;
	v46 =	vmul.f32 v2, v38  }
0x10c: {  	v2 =	vmul.f32 v1, v53;
	[tilespmem:s12+$0x1B0] =	vst v60  }
0x10d: {  	s10 =	sshrl.u32 s10, $0x2;
	v61 =	vmul.f32 v1, v55;
	[tilespmem:s12+$0x130] =	vst v46  }
0x10e: {  	p0 =	sne.s32 s2, $0x0;
	s10 =	smul.u32 $0x6, s10;
	[tilespmem:s12+$0x1C0] =	vst v2  }
.Ltmp1:
0x10f: {  	s17 =	sadd.s32 $0x80, s15;
	[tilespmem:s12+$0x1D0] =	vst v61;
	(pc) =	sbr.rel @!p0 .LBB2_5-.Ltmp1, $4  }
0x110: {  	[spmem:s3] =	stream.indirect.scatter.add.f32 [tilespmem:s21], [sflag:$0x4], $0x80, s17, s20, $0xb8;
	[tilespmem:$0x1FC00] =	vst v63  }
0x111: {  	s7 =	ssub.s32 s13, s10;
	_ =	swait.ge [sflag:s24], $0x180  }
0x112: {  	s7 =	sshll.u32 s7, $0x9;
	[sflag:s24] =	ssyncset.done $0x0  }
0x113: {  	s17 =	sand.u32 $0x3FFFFE00, s7;
	[sflag:s24] =	ssyncadd.s32 $0xFFFFFE80  }
0x114: {  	p1 =	seq.s32 s2, $0x1B  }
.Ltmp2:
0x115: {  	_ = 	snop;
	(pc) =	sbr.rel @p1 .LBB2_8-.Ltmp2, $4  }
.Ltmp3:
0x116: {  	_ =	swait.ge [sflag:s31], $0x3C00;
	(pc) =	sbr.rel @!p1 .LBB2_7-.Ltmp3, $4  }
0x117: {  	[sflag:s31] =	ssyncset.done $0x0  }
0x118: {  	s15 =	sadd.s32 $0x4, s16;
	p0 =	por $0x1, $0x1;
	[sflag:s31] =	ssyncadd.s32 $0xFFFFC400  }
0x119: {  	[tilespmem:s25], [sflag:$0x3] =	stream.indirect.gather [hbm4b:s1+s20], $0x80, s17, s20, $0xb8;
	[tilespmem:$0x1FC00] =	vst v63  }
0x11a: {  	_ = 	snop  }
.LBB2_5:
0x11b: {  	s17 =	sand.u32 $0x3FFFFE00, s7;
	s15 =	simm.s32 $0x4  }
0x11c: {  	[tilespmem:s25], [sflag:$0x3] =	stream.indirect.gather [hbm4b:s1+s20], $0x80, s17, s20, $0xb8;
	[tilespmem:$0x1FC00] =	vst v63  }
.LBB2_7:
0x11d: {  	s7 =	smulhi.u32 $0xAAAAAAAB, s15;
	_ =	sdelay $0x1  }
0x11e: {  	s7 =	sshrl.u32 s7, $0x2  }
0x11f: {  	s9 =	sshll.u32 s15, $0x9;
	s7 =	smul.u32 $0x6, s7  }
0x120: {  	s9 =	sadd.s32 s5, s9  }
0x121: {  	s9 =	sshrl.u32 s9, $0x3;
	s7 =	ssub.s32 s15, s7  }
0x122: {  	p0 =	por $0x0, $0x0;
	s9 =	sadd.s32 s6, s9;
	s7 =	sshll.u32 s7, $0x9  }
0x123: {  	[tilespmem:s7], [sflag:$0x8] =	stream.linear.gather [hbm4b:s9+s4], $0x180, $0x38;
	[tilespmem:$0x1FC00] =	vst v63  }
.LBB2_8:
0x124: {  	s7 =	sadd.s32 $0x1, s16  }
0x125: {  	s10 =	smulhi.u32 $0xAAAAAAAB, s7;
	_ =	sdelay $0x1  }
0x126: {  	s9 =	simm.s32 $0x0;
	s13 =	sshrl.u32 s10, $0x2  }
0x127: {  	_ =	swait.ge [sflag:s26], $0x3C00;
	v0 =	vmov s9;
	s9 =	smul.u32 $0x6, s13  }
0x128: {  	s12 =	simm.s32 $0x6;
	[sflag:s26] =	ssyncset.done $0x0  }
0x129: {  	[sflag:s26] =	ssyncadd.s32 $0xFFFFC400;
	s7 =	ssub.s32 s7, s9;
	s9 =	simm.s32 $0x4A00  }
0x12a: {  	v1 =	vmov s12;
	v0 =	vand.u32 $0xFFFFFFF8, v0;
	v3 =	vld [tilespmem:s9+$0x170]  }
0x12b: {  	v1 =	vand.u32 $0xFFFFFFFE, v1;
	v0 =	vbroadcast v0, $0x0;
	v4 =	vld [tilespmem:s9+$0xFFFFFE00]  }
0x12c: {  	v1 =	vbroadcast v1, $0x0;
	v5 =	vld [tilespmem:s9+$0xFFFFFE10]  }
0x12d: {  	s11 =	simm.s32 $0x1;
	v6 =	vld [tilespmem:s9+$0xFFFFFE20]  }
0x12e: {  	v2 =	vmov s11;
	v7 =	vld [tilespmem:s9+$0xFFFFFE30]  }
0x12f: {  	v2 =	vand.u32 $0xFFFFFFF9, v2;
	s7 =	sshll.u32 s7, $0x9;
	v8 =	vld [tilespmem:s9+$0xFFFFFE40]  }
0x130: {  	v2 =	vbroadcast v2, $0x0;
	v9 =	vld [tilespmem:s9+$0xFFFFFE50];
	s10 =	sor.u32 $0x100, s7  }
0x131: {  	v0 =	vld.idx.msk [tilespmem:v0+s10+$0x0], $0xffff  }
0x132: {  	v1 =	vld.idx.msk [tilespmem:v1+s10+$0x0], $0xffff  }
0x133: {  	v10 =	vld [tilespmem:s9+$0xFFFFFE60]  }
0x134: {  	v11 =	vld [tilespmem:s9+$0xFFFFFE70]  }
0x135: {  	v12 =	vld [tilespmem:s9+$0xFFFFFE80]  }
0x136: {  	v2 =	vld.idx.msk [tilespmem:v2+s10+$0x0], $0xffff;
	v4 =	vmul.f32 v0, v4  }
0x137: {  	v13 =	vld [tilespmem:s9+$0xFFFFFE90];
	v3 =	vmul.f32 v1, v3  }
0x138: {  	v14 =	vld [tilespmem:s9+$0xFFFFFEA0];
	v5 =	vmul.f32 v0, v5;
	[tilespmem:s9+$0xFFFFFE00] =	vst v4  }
0x139: {  	s8 =	simm.s32 $0x2;
	v15 =	vld [tilespmem:s9+$0xFFFFFEB0];
	v7 =	vmul.f32 v0, v7;
	[tilespmem:s9+$0x170] =	vst v3  }
0x13a: {  	v8 =	vmul.f32 v0, v8;
	v4 =	vmov s8;
	v3 =	vmul.f32 v0, v6;
	v6 =	vld [tilespmem:s9+$0xFFFFFEC0];
	[tilespmem:s9+$0xFFFFFE10] =	vst v5  }
0x13b: {  	v5 =	vmul.f32 v2, v12;
	v12 =	vld [tilespmem:s9+$0xFFFFFED0];
	[tilespmem:s9+$0xFFFFFE30] =	vst v7;
	v4 =	vand.u32 $0xFFFFFFFA, v4  }
0x13c: {  	v7 =	vmul.f32 v0, v9;
	v9 =	vld [tilespmem:s9+$0xFFFFFEF0];
	[tilespmem:s9+$0xFFFFFE40] =	vst v8;
	v4 =	vbroadcast v4, $0x0  }
0x13d: {  	v8 =	vmul.f32 v0, v10;
	v10 =	vld [tilespmem:s9+$0xFFFFFF00];
	[tilespmem:s9+$0xFFFFFE20] =	vst v3  }
0x13e: {  	v0 =	vmul.f32 v0, v11;
	v11 =	vld [tilespmem:s9+$0xFFFFFF20];
	[tilespmem:s9+$0xFFFFFE80] =	vst v5  }
0x13f: {  	s12 =	simm.s32 $0x3;
	v3 =	vld [tilespmem:s9+$0xFFFFFEE0];
	[tilespmem:s9+$0xFFFFFE50] =	vst v7  }
0x140: {  	v5 =	vmov s12;
	v7 =	vld [tilespmem:s9+$0xFFFFFF10];
	[tilespmem:s9+$0xFFFFFE60] =	vst v8;
	v8 =	vmul.f32 v2, v13  }
0x141: {  	[tilespmem:s9+$0xFFFFFE70] =	vst v0;
	v0 =	vmul.f32 v2, v14;
	v13 =	vld [tilespmem:s9+$0xFFFFFF30];
	v5 =	vand.u32 $0xFFFFFFFB, v5  }
0x142: {  	v5 =	vbroadcast v5, $0x0;
	[tilespmem:s9+$0xFFFFFE90] =	vst v8;
	v8 =	vmul.f32 v2, v15;
	v4 =	vld.idx.msk [tilespmem:v4+s10+$0x0], $0xffff  }
0x143: {  	v14 =	vld [tilespmem:s9+$0xFFFFFF40];
	[tilespmem:s9+$0xFFFFFEA0] =	vst v0;
	v6 =	vmul.f32 v2, v6  }
0x144: {  	v12 =	vmul.f32 v2, v12;
	[tilespmem:s9+$0xFFFFFEB0] =	vst v8;
	v8 =	vld [tilespmem:s9+$0xFFFFFF60]  }
0x145: {  	[tilespmem:s9+$0xFFFFFEC0] =	vst v6;
	v3 =	vmul.f32 v2, v3;
	v6 =	vld [tilespmem:s9+$0xFFFFFF70]  }
0x146: {  	[tilespmem:s9+$0xFFFFFED0] =	vst v12;
	v2 =	vmul.f32 v2, v9;
	v9 =	vld [tilespmem:s9+$0xFFFFFF80]  }
0x147: {  	v12 =	vld [tilespmem:s9+$0xFFFFFFB0];
	[tilespmem:s9+$0xFFFFFEE0] =	vst v3;
	v0 =	vmul.f32 v4, v10  }
0x148: {  	[tilespmem:s9+$0xFFFFFEF0] =	vst v2;
	v5 =	vld.idx.msk [tilespmem:v5+s10+$0x0], $0xffff;
	v3 =	vmul.f32 v4, v7  }
0x149: {  	s13 =	simm.s32 $0x4;
	v10 =	vld [tilespmem:s9+$0xFFFFFF50];
	v2 =	vmul.f32 v4, v11;
	[tilespmem:s9+$0xFFFFFF00] =	vst v0  }
0x14a: {  	v7 =	vld [tilespmem:s9+$0xFFFFFF90];
	v8 =	vmul.f32 v4, v8;
	v0 =	vmov s13;
	[tilespmem:s9+$0xFFFFFF10] =	vst v3  }
0x14b: {  	v11 =	vld [tilespmem:s9+$0xFFFFFFA0];
	v3 =	vmul.f32 v4, v13;
	[tilespmem:s9+$0xFFFFFF20] =	vst v2;
	v0 =	vand.u32 $0xFFFFFFFC, v0  }
0x14c: {  	v2 =	vmul.f32 v4, v14;
	v13 =	vld [tilespmem:s9+$0xFFFFFFC0];
	[tilespmem:s9+$0xFFFFFF60] =	vst v8;
	v0 =	vbroadcast v0, $0x0  }
0x14d: {  	v8 =	vld [tilespmem:s9+$0x0];
	[tilespmem:s9+$0xFFFFFF30] =	vst v3;
	v3 =	vmul.f32 v5, v9  }
0x14e: {  	s8 =	simm.s32 $0x5;
	v9 =	vld [tilespmem:s9+$0xFFFFFFD0];
	[tilespmem:s9+$0xFFFFFF40] =	vst v2;
	v10 =	vmul.f32 v4, v10  }
0x14f: {  	v2 =	vld [tilespmem:s9+$0xFFFFFFE0];
	v4 =	vmul.f32 v4, v6;
	[tilespmem:s9+$0xFFFFFF80] =	vst v3;
	v3 =	vmov s8  }
0x150: {  	v6 =	vld [tilespmem:s9+$0xFFFFFFF0];
	v7 =	vmul.f32 v5, v7;
	[tilespmem:s9+$0xFFFFFF50] =	vst v10;
	v3 =	vand.u32 $0xFFFFFFFD, v3  }
0x151: {  	[tilespmem:s9+$0xFFFFFF70] =	vst v4;
	v4 =	vmul.f32 v5, v11;
	v10 =	vld [tilespmem:s9+$0x10];
	v3 =	vbroadcast v3, $0x0  }
0x152: {  	[tilespmem:s9+$0xFFFFFF90] =	vst v7;
	v7 =	vmul.f32 v5, v12;
	v0 =	vld.idx.msk [tilespmem:v0+s10+$0x0], $0xffff  }
0x153: {  	v11 =	vld [tilespmem:s9+$0x20];
	[tilespmem:s9+$0xFFFFFFA0] =	vst v4;
	v4 =	vmul.f32 v5, v13  }
0x154: {  	v12 =	vld [tilespmem:s9+$0x30];
	[tilespmem:s9+$0xFFFFFFB0] =	vst v7;
	v7 =	vmul.f32 v5, v9  }
0x155: {  	v9 =	vld [tilespmem:s9+$0x40];
	v2 =	vmul.f32 v5, v2;
	[tilespmem:s9+$0xFFFFFFC0] =	vst v4  }
0x156: {  	v5 =	vmul.f32 v5, v6;
	[tilespmem:s9+$0xFFFFFFD0] =	vst v7;
	v7 =	vld [tilespmem:s9+$0x60]  }
0x157: {  	[tilespmem:s9+$0xFFFFFFE0] =	vst v2;
	v3 =	vld.idx.msk [tilespmem:v3+s10+$0x0], $0xffff;
	v4 =	vmul.f32 v0, v8  }
0x158: {  	[tilespmem:s9+$0xFFFFFFF0] =	vst v5;
	v8 =	vld [tilespmem:s9+$0x50];
	v5 =	vmul.f32 v0, v11  }
0x159: {  	v2 =	vmul.f32 v0, v10;
	v10 =	vld [tilespmem:s9+$0x90];
	[tilespmem:s9+$0x0] =	vst v4  }
0x15a: {  	v6 =	vld [tilespmem:s9+$0x80];
	[tilespmem:s9+$0x20] =	vst v5;
	v5 =	vmul.f32 v0, v9  }
0x15b: {  	v4 =	vld [tilespmem:s9+$0x70];
	[tilespmem:s9+$0x10] =	vst v2;
	v2 =	vmul.f32 v0, v12  }
0x15c: {  	v9 =	vld [tilespmem:s9+$0xA0];
	[tilespmem:s9+$0x40] =	vst v5;
	v5 =	vmul.f32 v0, v7  }
0x15d: {  	[tilespmem:s9+$0x30] =	vst v2;
	v7 =	vld [tilespmem:s9+$0xC0];
	v2 =	vmul.f32 v0, v8  }
0x15e: {  	v8 =	vld [tilespmem:s9+$0xB0];
	v10 =	vmul.f32 v3, v10;
	[tilespmem:s9+$0x60] =	vst v5  }
0x15f: {  	s12 =	simm.s32 $0x7;
	v5 =	vld [tilespmem:s9+$0xE0];
	[tilespmem:s9+$0x50] =	vst v2;
	v2 =	vmul.f32 v3, v6  }
0x160: {  	v11 =	vmov s12;
	v6 =	vld [tilespmem:s9+$0xD0];
	v4 =	vmul.f32 v0, v4;
	[tilespmem:s9+$0x90] =	vst v10  }
0x161: {  	v10 =	vld [tilespmem:s9+$0x150];
	[tilespmem:s9+$0x80] =	vst v2  }
0x162: {  	[tilespmem:s9+$0x70] =	vst v4;
	v2 =	vmul.f32 v3, v9;
	v4 =	vld [tilespmem:s9+$0xF0]  }
0x163: {  	v9 =	vld [tilespmem:s9+$0x100];
	v8 =	vmul.f32 v3, v8  }
0x164: {  	[tilespmem:s9+$0xA0] =	vst v2;
	v2 =	vmul.f32 v3, v7;
	v7 =	vld [tilespmem:s9+$0x110]  }
0x165: {  	v0 =	vld.idx.msk [tilespmem:v11+s10+$0x0], $0xffff;
	[tilespmem:s9+$0xB0] =	vst v8;
	v6 =	vmul.f32 v3, v6  }
0x166: {  	v8 =	vld [tilespmem:s9+$0x120];
	v10 =	vmul.f32 v1, v10;
	[tilespmem:s9+$0xC0] =	vst v2  }
0x167: {  	s12 =	simm.s32 $0x9;
	v2 =	vmul.f32 v3, v5;
	v5 =	vld [tilespmem:s9+$0x130];
	[tilespmem:s9+$0xD0] =	vst v6;
	v3 =	vmul.f32 v3, v4  }
0x168: {  	s13 =	simm.s32 $0x8;
	v11 =	vmov s12;
	v4 =	vld [tilespmem:s9+$0x140];
	[tilespmem:s9+$0x150] =	vst v10  }
0x169: {  	s8 =	simm.s32 $0xF;
	v6 =	vmov s13;
	v9 =	vmul.f32 v1, v9;
	s13 =	simm.s32 $0xA;
	[tilespmem:s9+$0xF0] =	vst v3;
	v3 =	vmul.f32 v1, v7;
	v7 =	vld [tilespmem:s9+$0x160]  }
0x16a: {  	v13 =	vld [tilespmem:s9+$0x180];
	[tilespmem:s9+$0xE0] =	vst v2;
	v6 =	vand.u32 $0xFFFFFFF8, v6;
	v2 =	vmov s8;
	v12 =	vmov s13;
	s13 =	simm.s32 $0xB;
	s8 =	simm.s32 $0xC  }
0x16b: {  	v16 =	vld [tilespmem:s9+$0x190];
	[tilespmem:s9+$0x100] =	vst v9;
	v9 =	vmov s13;
	v14 =	vmov s8;
	s13 =	simm.s32 $0xD;
	v8 =	vmul.f32 v1, v8  }
0x16c: {  	v17 =	vmov s13;
	[tilespmem:s9+$0x110] =	vst v3;
	v15 =	vmul.f32 v1, v5;
	v3 =	vbroadcast v6, $0x0;
	v5 =	vld [tilespmem:s9+$0x1A0]  }
0x16d: {  	v6 =	vld [tilespmem:s9+$0x1B0];
	[tilespmem:s9+$0x120] =	vst v8;
	v8 =	vmul.f32 v1, v4;
	v4 =	vand.u32 $0xFFFFFFF9, v11;
	v11 =	vand.u32 $0xFFFFFFFA, v12  }
0x16e: {  	v12 =	vand.u32 $0xFFFFFFFB, v9;
	[tilespmem:s9+$0x130] =	vst v15;
	v4 =	vbroadcast v4, $0x0;
	v15 =	vmul.f32 v1, v7;
	v7 =	vld [tilespmem:s9+$0x1C0]  }
0x16f: {  	v9 =	vbroadcast v11, $0x0;
	[tilespmem:s9+$0x140] =	vst v8;
	v1 =	vand.u32 $0xFFFFFFFC, v14;
	v14 =	vmul.f32 v0, v13;
	v8 =	vld [tilespmem:s9+$0x1D0]  }
0x170: {  	s11 =	simm.s32 $0x10;
	s12 =	simm.s32 $0xE;
	v10 =	vld [tilespmem:s9+$0x1E0];
	v11 =	vbroadcast v12, $0x0;
	v12 =	vmul.f32 v0, v16;
	v13 =	vand.u32 $0xFFFFFFFD, v17;
	[tilespmem:s9+$0x160] =	vst v15  }
.LBB2_9:
0x171: {  	p1 =	slt.u32 s11, $0x70;
	v1 =	vbroadcast v1, $0x0;
	v15 =	vmov s12;
	[tilespmem:s9+$0x180] =	vst v14;
	v5 =	vmul.f32 v0, v5;
	v14 =	vld [tilespmem:s9+$0x1F0]  }
0x172: {  	v13 =	vbroadcast v13, $0x0;
	v15 =	vand.u32 $0xFFFFFFFE, v15;
	v16 =	vld.idx.msk [tilespmem:v2+s10+$0x0], $0xffff;
	[tilespmem:s9+$0x190] =	vst v12;
	v2 =	vmul.f32 v0, v6  }
0x173: {  	v6 =	vld.idx.msk [tilespmem:v3+s10+$0x0], $0xffff;
	v12 =	vbroadcast v15, $0x0;
	[tilespmem:s9+$0x1A0] =	vst v5;
	v3 =	vmul.f32 v0, v7  }
0x174: {  	v5 =	vld.idx.msk [tilespmem:v4+s10+$0x0], $0xffff;
	[tilespmem:s9+$0x1B0] =	vst v2;
	v2 =	vmul.f32 v0, v8  }
0x175: {  	v7 =	vld.idx.msk [tilespmem:v9+s10+$0x0], $0xffff;
	[tilespmem:s9+$0x1C0] =	vst v3;
	v8 =	vmul.f32 v0, v10  }
0x176: {  	v4 =	vld.idx.msk [tilespmem:v11+s10+$0x0], $0xffff;
	[tilespmem:s9+$0x1D0] =	vst v2;
	v9 =	vmul.f32 v0, v14  }
0x177: {  	v3 =	vld.idx.msk [tilespmem:v1+s10+$0x0], $0xffff;
	[tilespmem:s9+$0x1E0] =	vst v8  }
0x178: {  	v0 =	vmov v16;
	v2 =	vld.idx.msk [tilespmem:v13+s10+$0x0], $0xffff;
	[tilespmem:s9+$0x1F0] =	vst v9  }
0x179: {  	s9 =	sadd.s32 $0x400, s9;
	v1 =	vld.idx.msk [tilespmem:v12+s10+$0x0], $0xffff  }
0x17a: {  	v8 =	vld [tilespmem:s9+$0x170]  }
0x17b: {  	v9 =	vld [tilespmem:s9+$0xFFFFFE00]  }
0x17c: {  	v10 =	vld [tilespmem:s9+$0xFFFFFE10]  }
0x17d: {  	v11 =	vld [tilespmem:s9+$0xFFFFFE20]  }
0x17e: {  	v12 =	vld [tilespmem:s9+$0xFFFFFE30]  }
0x17f: {  	v13 =	vld [tilespmem:s9+$0xFFFFFE40];
	v8 =	vmul.f32 v1, v8  }
0x180: {  	v9 =	vmul.f32 v6, v9;
	v14 =	vld [tilespmem:s9+$0xFFFFFE50]  }
0x181: {  	v10 =	vmul.f32 v6, v10;
	v15 =	vld [tilespmem:s9+$0xFFFFFE60];
	[tilespmem:s9+$0x170] =	vst v8  }
0x182: {  	[tilespmem:s9+$0xFFFFFE00] =	vst v9;
	v8 =	vmul.f32 v6, v11;
	v9 =	vld [tilespmem:s9+$0xFFFFFE70]  }
0x183: {  	[tilespmem:s9+$0xFFFFFE10] =	vst v10;
	v10 =	vmul.f32 v6, v12;
	v11 =	vld [tilespmem:s9+$0xFFFFFE80]  }
0x184: {  	[tilespmem:s9+$0xFFFFFE20] =	vst v8;
	v8 =	vmul.f32 v6, v13;
	v12 =	vld [tilespmem:s9+$0xFFFFFE90]  }
0x185: {  	[tilespmem:s9+$0xFFFFFE30] =	vst v10;
	v10 =	vmul.f32 v6, v14;
	v13 =	vld [tilespmem:s9+$0xFFFFFEA0]  }
0x186: {  	[tilespmem:s9+$0xFFFFFE40] =	vst v8;
	v8 =	vmul.f32 v6, v15;
	v14 =	vld [tilespmem:s9+$0xFFFFFEB0]  }
0x187: {  	[tilespmem:s9+$0xFFFFFE50] =	vst v10;
	v6 =	vmul.f32 v6, v9;
	v9 =	vld [tilespmem:s9+$0xFFFFFEC0]  }
0x188: {  	[tilespmem:s9+$0xFFFFFE60] =	vst v8;
	v8 =	vmul.f32 v5, v11;
	v10 =	vld [tilespmem:s9+$0xFFFFFED0]  }
0x189: {  	[tilespmem:s9+$0xFFFFFE70] =	vst v6;
	v6 =	vmul.f32 v5, v12;
	v11 =	vld [tilespmem:s9+$0xFFFFFEE0]  }
0x18a: {  	[tilespmem:s9+$0xFFFFFE80] =	vst v8;
	v8 =	vmul.f32 v5, v13;
	v12 =	vld [tilespmem:s9+$0xFFFFFEF0]  }
0x18b: {  	[tilespmem:s9+$0xFFFFFE90] =	vst v6;
	v6 =	vmul.f32 v5, v14;
	v13 =	vld [tilespmem:s9+$0xFFFFFF00]  }
0x18c: {  	[tilespmem:s9+$0xFFFFFEA0] =	vst v8;
	v8 =	vmul.f32 v5, v9;
	v9 =	vld [tilespmem:s9+$0xFFFFFF10]  }
0x18d: {  	[tilespmem:s9+$0xFFFFFEB0] =	vst v6;
	v6 =	vmul.f32 v5, v10;
	v10 =	vld [tilespmem:s9+$0xFFFFFF20]  }
0x18e: {  	[tilespmem:s9+$0xFFFFFEC0] =	vst v8;
	v8 =	vmul.f32 v5, v11;
	v11 =	vld [tilespmem:s9+$0xFFFFFF30]  }
0x18f: {  	[tilespmem:s9+$0xFFFFFED0] =	vst v6;
	v5 =	vmul.f32 v5, v12;
	v6 =	vld [tilespmem:s9+$0xFFFFFF40]  }
0x190: {  	[tilespmem:s9+$0xFFFFFEE0] =	vst v8;
	v8 =	vmul.f32 v7, v13;
	v12 =	vld [tilespmem:s9+$0xFFFFFF50]  }
0x191: {  	[tilespmem:s9+$0xFFFFFEF0] =	vst v5;
	v5 =	vmul.f32 v7, v9;
	v9 =	vld [tilespmem:s9+$0xFFFFFF60]  }
0x192: {  	[tilespmem:s9+$0xFFFFFF00] =	vst v8;
	v8 =	vmul.f32 v7, v10;
	v10 =	vld [tilespmem:s9+$0xFFFFFF70]  }
0x193: {  	[tilespmem:s9+$0xFFFFFF10] =	vst v5;
	v5 =	vmul.f32 v7, v11;
	v11 =	vld [tilespmem:s9+$0xFFFFFF80]  }
0x194: {  	[tilespmem:s9+$0xFFFFFF20] =	vst v8;
	v6 =	vmul.f32 v7, v6;
	v8 =	vld [tilespmem:s9+$0xFFFFFF90]  }
0x195: {  	[tilespmem:s9+$0xFFFFFF30] =	vst v5;
	v5 =	vmul.f32 v7, v12;
	v12 =	vld [tilespmem:s9+$0xFFFFFFA0]  }
0x196: {  	[tilespmem:s9+$0xFFFFFF40] =	vst v6;
	v6 =	vmul.f32 v7, v9;
	v9 =	vld [tilespmem:s9+$0xFFFFFFB0]  }
0x197: {  	[tilespmem:s9+$0xFFFFFF50] =	vst v5;
	v5 =	vmul.f32 v7, v10;
	v7 =	vld [tilespmem:s9+$0xFFFFFFC0]  }
0x198: {  	[tilespmem:s9+$0xFFFFFF60] =	vst v6;
	v6 =	vmul.f32 v4, v11;
	v10 =	vld [tilespmem:s9+$0xFFFFFFD0]  }
0x199: {  	[tilespmem:s9+$0xFFFFFF70] =	vst v5;
	v5 =	vmul.f32 v4, v8;
	v8 =	vld [tilespmem:s9+$0xFFFFFFE0]  }
0x19a: {  	[tilespmem:s9+$0xFFFFFF80] =	vst v6;
	v6 =	vmul.f32 v4, v12;
	v11 =	vld [tilespmem:s9+$0xFFFFFFF0]  }
0x19b: {  	[tilespmem:s9+$0xFFFFFF90] =	vst v5;
	v5 =	vmul.f32 v4, v9;
	v9 =	vld [tilespmem:s9+$0x0]  }
0x19c: {  	[tilespmem:s9+$0xFFFFFFA0] =	vst v6;
	v6 =	vmul.f32 v4, v7;
	v7 =	vld [tilespmem:s9+$0x10]  }
0x19d: {  	[tilespmem:s9+$0xFFFFFFB0] =	vst v5;
	v5 =	vmul.f32 v4, v10;
	v10 =	vld [tilespmem:s9+$0x20]  }
0x19e: {  	[tilespmem:s9+$0xFFFFFFC0] =	vst v6;
	v6 =	vmul.f32 v4, v8;
	v8 =	vld [tilespmem:s9+$0x30]  }
0x19f: {  	[tilespmem:s9+$0xFFFFFFD0] =	vst v5;
	v4 =	vmul.f32 v4, v11;
	v5 =	vld [tilespmem:s9+$0x40]  }
0x1a0: {  	[tilespmem:s9+$0xFFFFFFE0] =	vst v6;
	v6 =	vmul.f32 v3, v9;
	v9 =	vld [tilespmem:s9+$0x50]  }
0x1a1: {  	[tilespmem:s9+$0xFFFFFFF0] =	vst v4;
	v4 =	vmul.f32 v3, v7;
	v7 =	vld [tilespmem:s9+$0x60]  }
0x1a2: {  	[tilespmem:s9+$0x0] =	vst v6;
	v6 =	vmul.f32 v3, v10;
	v10 =	vld [tilespmem:s9+$0x70]  }
0x1a3: {  	[tilespmem:s9+$0x10] =	vst v4;
	v4 =	vmul.f32 v3, v8;
	v8 =	vld [tilespmem:s9+$0x80]  }
0x1a4: {  	[tilespmem:s9+$0x20] =	vst v6;
	v5 =	vmul.f32 v3, v5;
	v6 =	vld [tilespmem:s9+$0x90]  }
0x1a5: {  	[tilespmem:s9+$0x30] =	vst v4;
	v4 =	vmul.f32 v3, v9;
	v9 =	vld [tilespmem:s9+$0xA0]  }
0x1a6: {  	[tilespmem:s9+$0x40] =	vst v5;
	v5 =	vmul.f32 v3, v7;
	v7 =	vld [tilespmem:s9+$0xB0]  }
0x1a7: {  	[tilespmem:s9+$0x50] =	vst v4;
	v3 =	vmul.f32 v3, v10;
	v4 =	vld [tilespmem:s9+$0xC0]  }
0x1a8: {  	[tilespmem:s9+$0x60] =	vst v5;
	v5 =	vmul.f32 v2, v8;
	v8 =	vld [tilespmem:s9+$0xD0]  }
0x1a9: {  	[tilespmem:s9+$0x70] =	vst v3;
	v3 =	vmul.f32 v2, v6;
	v6 =	vld [tilespmem:s9+$0xE0]  }
0x1aa: {  	[tilespmem:s9+$0x80] =	vst v5;
	v5 =	vmul.f32 v2, v9;
	v9 =	vld [tilespmem:s9+$0xF0]  }
0x1ab: {  	[tilespmem:s9+$0x90] =	vst v3;
	v3 =	vmul.f32 v2, v7;
	v7 =	vld [tilespmem:s9+$0x100]  }
0x1ac: {  	[tilespmem:s9+$0xA0] =	vst v5;
	v4 =	vmul.f32 v2, v4;
	v5 =	vld [tilespmem:s9+$0x110]  }
0x1ad: {  	[tilespmem:s9+$0xB0] =	vst v3;
	v3 =	vmul.f32 v2, v8;
	v8 =	vld [tilespmem:s9+$0x120]  }
0x1ae: {  	[tilespmem:s9+$0xC0] =	vst v4;
	v4 =	vmul.f32 v2, v6;
	v6 =	vld [tilespmem:s9+$0x130]  }
0x1af: {  	[tilespmem:s9+$0xD0] =	vst v3;
	v3 =	vmul.f32 v2, v9;
	v9 =	vld [tilespmem:s9+$0x140]  }
0x1b0: {  	s12 =	sadd.s32 $0x7, s11;
	v2 =	vmov s11;
	[tilespmem:s9+$0xE0] =	vst v4;
	v4 =	vmul.f32 v1, v7;
	v7 =	vld [tilespmem:s9+$0x150]  }
0x1b1: {  	s13 =	sadd.s32 $0x1, s11;
	s8 =	sadd.s32 $0x2, s11;
	v10 =	vand.u32 $0xFFFFFFF8, v2;
	v2 =	vmov s12;
	[tilespmem:s9+$0xF0] =	vst v3;
	v3 =	vmul.f32 v1, v5;
	v11 =	vld [tilespmem:s9+$0x160]  }
0x1b2: {  	v13 =	vmov s8;
	s8 =	sadd.s32 $0x3, s11;
	v12 =	vmov s13;
	s12 =	sadd.s32 $0x4, s11;
	[tilespmem:s9+$0x100] =	vst v4;
	v4 =	vmul.f32 v1, v8;
	v8 =	vld [tilespmem:s9+$0x180]  }
0x1b3: {  	v14 =	vmov s8;
	s8 =	sadd.s32 $0x5, s11;
	v15 =	vmov s12;
	[tilespmem:s9+$0x110] =	vst v3;
	v6 =	vmul.f32 v1, v6;
	v16 =	vld [tilespmem:s9+$0x190]  }
.Ltmp4:
0x1b4: {  	v3 =	vbroadcast v10, $0x0;
	v10 =	vmov s8;
	[tilespmem:s9+$0x120] =	vst v4;
	v9 =	vmul.f32 v1, v9;
	v5 =	vld [tilespmem:s9+$0x1A0];
	(pc) =	sbr.rel @p1 .LBB2_9-.Ltmp4, $4  }
0x1b5: {  	v4 =	vand.u32 $0xFFFFFFF9, v12;
	v12 =	vand.u32 $0xFFFFFFFA, v13;
	[tilespmem:s9+$0x130] =	vst v6;
	v13 =	vmul.f32 v1, v7;
	v6 =	vld [tilespmem:s9+$0x1B0]  }
0x1b6: {  	v17 =	vand.u32 $0xFFFFFFFB, v14;
	v4 =	vbroadcast v4, $0x0;
	[tilespmem:s9+$0x140] =	vst v9;
	v18 =	vmul.f32 v1, v11;
	v7 =	vld [tilespmem:s9+$0x1C0]  }
0x1b7: {  	v9 =	vbroadcast v12, $0x0;
	v1 =	vand.u32 $0xFFFFFFFC, v15;
	[tilespmem:s9+$0x150] =	vst v13;
	v14 =	vmul.f32 v0, v8;
	v8 =	vld [tilespmem:s9+$0x1D0]  }
0x1b8: {  	s12 =	sadd.s32 $0x6, s11;
	s11 =	sadd.s32 $0x8, s11;
	v11 =	vbroadcast v17, $0x0;
	v13 =	vand.u32 $0xFFFFFFFD, v10;
	[tilespmem:s9+$0x160] =	vst v18;
	v12 =	vmul.f32 v0, v16;
	v10 =	vld [tilespmem:s9+$0x1E0]  }
0x1b9: {  	_ =	sdelay $0x2  }
0x1ba: {  	v15 =	vld [tilespmem:s9+$0x1F0]  }
0x1bb: {  	v17 =	vld.idx.msk [tilespmem:v3+s10+$0x0], $0xffff  }
0x1bc: {  	v61 =	vld.idx.msk [tilespmem:v4+s10+$0x0], $0xffff  }
0x1bd: {  	[tilespmem:s9+$0x180] =	vst v14;
	v14 =	vbroadcast v1, $0x0;
	v1 =	vmov s12;
	v9 =	vld.idx.msk [tilespmem:v9+s10+$0x0], $0xffff  }
0x1be: {  	v16 =	vand.u32 $0xFFFFFFFE, v1;
	v1 =	vld.idx.msk [tilespmem:v2+s10+$0x0], $0xffff  }
0x1bf: {  	v5 =	vmul.f32 v0, v5;
	s12 =	sadd.s32 $0x400, s9;
	v11 =	vld.idx.msk [tilespmem:v11+s10+$0x0], $0xffff  }
0x1c0: {  	v13 =	vbroadcast v13, $0x0;
	[tilespmem:s9+$0x190] =	vst v12;
	v6 =	vmul.f32 v0, v6;
	v12 =	vld [tilespmem:s12+$0x170]  }
0x1c1: {  	[tilespmem:s9+$0x1A0] =	vst v5;
	v5 =	vmul.f32 v0, v7;
	v7 =	vld [tilespmem:s12+$0xFFFFFE00]  }
0x1c2: {  	v2 =	vbroadcast v16, $0x0;
	[tilespmem:s9+$0x1B0] =	vst v6;
	v6 =	vmul.f32 v0, v8;
	v8 =	vld [tilespmem:s12+$0xFFFFFE10]  }
0x1c3: {  	[tilespmem:s9+$0x1C0] =	vst v5;
	v5 =	vmul.f32 v0, v10;
	v10 =	vld [tilespmem:s12+$0xFFFFFE20]  }
0x1c4: {  	[tilespmem:s9+$0x1D0] =	vst v6;
	v6 =	vld [tilespmem:s12+$0xFFFFFE30]  }
0x1c5: {  	v4 =	vld.idx.msk [tilespmem:v14+s10+$0x0], $0xffff  }
0x1c6: {  	v0 =	vmul.f32 v0, v15;
	v3 =	vld.idx.msk [tilespmem:v13+s10+$0x0], $0xffff  }
0x1c7: {  	[tilespmem:s9+$0x1E0] =	vst v5;
	v5 =	vld [tilespmem:s12+$0xFFFFFE40]  }
0x1c8: {  	[tilespmem:s9+$0x1F0] =	vst v0;
	v0 =	vmul.f32 v17, v7;
	v2 =	vld.idx.msk [tilespmem:v2+s10+$0x0], $0xffff  }
0x1c9: {  	v7 =	vld [tilespmem:s12+$0xFFFFFE50];
	v8 =	vmul.f32 v17, v8  }
0x1ca: {  	v13 =	vld [tilespmem:s12+$0xFFFFFE60];
	[tilespmem:s12+$0xFFFFFE00] =	vst v0;
	v0 =	vmul.f32 v17, v10  }
0x1cb: {  	v10 =	vld [tilespmem:s12+$0xFFFFFE70];
	[tilespmem:s12+$0xFFFFFE10] =	vst v8;
	v6 =	vmul.f32 v17, v6  }
0x1cc: {  	v8 =	vld [tilespmem:s12+$0xFFFFFE80];
	[tilespmem:s12+$0xFFFFFE20] =	vst v0;
	v0 =	vmul.f32 v17, v5  }
0x1cd: {  	v5 =	vld [tilespmem:s12+$0xFFFFFE90];
	[tilespmem:s12+$0xFFFFFE30] =	vst v6;
	v12 =	vmul.f32 v2, v12  }
0x1ce: {  	v6 =	vmul.f32 v17, v7;
	v7 =	vld [tilespmem:s12+$0xFFFFFEA0];
	[tilespmem:s12+$0xFFFFFE40] =	vst v0  }
0x1cf: {  	v0 =	vmul.f32 v17, v13;
	[tilespmem:s12+$0x170] =	vst v12;
	v12 =	vld [tilespmem:s12+$0xFFFFFEB0]  }
0x1d0: {  	[tilespmem:s12+$0xFFFFFE50] =	vst v6;
	v6 =	vmul.f32 v17, v10;
	v10 =	vld [tilespmem:s12+$0xFFFFFEC0]  }
0x1d1: {  	[tilespmem:s12+$0xFFFFFE60] =	vst v0;
	v0 =	vmul.f32 v61, v8;
	v8 =	vld [tilespmem:s12+$0xFFFFFED0]  }
0x1d2: {  	[tilespmem:s12+$0xFFFFFE70] =	vst v6;
	v5 =	vmul.f32 v61, v5;
	v6 =	vld [tilespmem:s12+$0xFFFFFEE0]  }
0x1d3: {  	[tilespmem:s12+$0xFFFFFE80] =	vst v0;
	v0 =	vmul.f32 v61, v7;
	v7 =	vld [tilespmem:s12+$0xFFFFFEF0]  }
0x1d4: {  	[tilespmem:s12+$0xFFFFFE90] =	vst v5;
	v5 =	vmul.f32 v61, v12;
	v12 =	vld [tilespmem:s12+$0xFFFFFF00]  }
0x1d5: {  	[tilespmem:s12+$0xFFFFFEA0] =	vst v0;
	v0 =	vmul.f32 v61, v10;
	v10 =	vld [tilespmem:s12+$0xFFFFFF10]  }
0x1d6: {  	[tilespmem:s12+$0xFFFFFEB0] =	vst v5;
	v5 =	vmul.f32 v61, v8;
	v8 =	vld [tilespmem:s12+$0xFFFFFF20]  }
0x1d7: {  	[tilespmem:s12+$0xFFFFFEC0] =	vst v0;
	v0 =	vmul.f32 v61, v6;
	v6 =	vld [tilespmem:s12+$0xFFFFFF30]  }
0x1d8: {  	[tilespmem:s12+$0xFFFFFED0] =	vst v5;
	v5 =	vmul.f32 v61, v7;
	v7 =	vld [tilespmem:s12+$0xFFFFFF40]  }
0x1d9: {  	[tilespmem:s12+$0xFFFFFEE0] =	vst v0;
	v0 =	vmul.f32 v9, v12;
	v12 =	vld [tilespmem:s12+$0xFFFFFF50]  }
0x1da: {  	[tilespmem:s12+$0xFFFFFEF0] =	vst v5;
	v5 =	vmul.f32 v9, v10;
	v10 =	vld [tilespmem:s12+$0xFFFFFF60]  }
0x1db: {  	[tilespmem:s12+$0xFFFFFF00] =	vst v0;
	v0 =	vmul.f32 v9, v8;
	v8 =	vld [tilespmem:s12+$0xFFFFFF70]  }
0x1dc: {  	[tilespmem:s12+$0xFFFFFF10] =	vst v5;
	v5 =	vmul.f32 v9, v6;
	v6 =	vld [tilespmem:s12+$0xFFFFFF80]  }
0x1dd: {  	[tilespmem:s12+$0xFFFFFF20] =	vst v0;
	v0 =	vmul.f32 v9, v7;
	v7 =	vld [tilespmem:s12+$0xFFFFFF90]  }
0x1de: {  	[tilespmem:s12+$0xFFFFFF30] =	vst v5;
	v5 =	vmul.f32 v9, v12;
	v12 =	vld [tilespmem:s12+$0xFFFFFFA0]  }
0x1df: {  	[tilespmem:s12+$0xFFFFFF40] =	vst v0;
	v0 =	vmul.f32 v9, v10;
	v10 =	vld [tilespmem:s12+$0xFFFFFFB0]  }
0x1e0: {  	[tilespmem:s12+$0xFFFFFF50] =	vst v5;
	v5 =	vmul.f32 v9, v8;
	v8 =	vld [tilespmem:s12+$0xFFFFFFC0]  }
0x1e1: {  	[tilespmem:s12+$0xFFFFFF60] =	vst v0;
	v0 =	vmul.f32 v11, v6;
	v6 =	vld [tilespmem:s12+$0xFFFFFFD0]  }
0x1e2: {  	[tilespmem:s12+$0xFFFFFF70] =	vst v5;
	v5 =	vmul.f32 v11, v7;
	v7 =	vld [tilespmem:s12+$0xFFFFFFE0]  }
0x1e3: {  	v9 =	vld [tilespmem:s12+$0xFFFFFFF0];
	[tilespmem:s12+$0xFFFFFF80] =	vst v0;
	v0 =	vmul.f32 v11, v12  }
0x1e4: {  	[tilespmem:s12+$0xFFFFFF90] =	vst v5;
	v5 =	vmul.f32 v11, v10;
	v10 =	vld [tilespmem:s12+$0x0]  }
0x1e5: {  	[tilespmem:s12+$0xFFFFFFA0] =	vst v0;
	v0 =	vmul.f32 v11, v8;
	v8 =	vld [tilespmem:s12+$0x10]  }
0x1e6: {  	[tilespmem:s12+$0xFFFFFFB0] =	vst v5;
	v5 =	vmul.f32 v11, v6;
	v6 =	vld [tilespmem:s12+$0x20]  }
0x1e7: {  	[tilespmem:s12+$0xFFFFFFC0] =	vst v0;
	v0 =	vmul.f32 v11, v7;
	v7 =	vld [tilespmem:s12+$0x30]  }
0x1e8: {  	[tilespmem:s12+$0xFFFFFFD0] =	vst v5;
	v5 =	vmul.f32 v11, v9;
	v9 =	vld [tilespmem:s12+$0x40]  }
0x1e9: {  	[tilespmem:s12+$0xFFFFFFE0] =	vst v0;
	v0 =	vmul.f32 v4, v10;
	v10 =	vld [tilespmem:s12+$0x50]  }
0x1ea: {  	[tilespmem:s12+$0xFFFFFFF0] =	vst v5;
	v5 =	vmul.f32 v4, v8;
	v8 =	vld [tilespmem:s12+$0x60]  }
0x1eb: {  	[tilespmem:s12+$0x0] =	vst v0;
	v0 =	vmul.f32 v4, v6;
	v6 =	vld [tilespmem:s12+$0x70]  }
0x1ec: {  	[tilespmem:s12+$0x10] =	vst v5;
	v5 =	vmul.f32 v4, v7;
	v7 =	vld [tilespmem:s12+$0x80]  }
0x1ed: {  	[tilespmem:s12+$0x20] =	vst v0;
	v0 =	vmul.f32 v4, v9;
	v9 =	vld [tilespmem:s12+$0x90]  }
0x1ee: {  	[tilespmem:s12+$0x30] =	vst v5;
	v5 =	vmul.f32 v4, v10;
	v10 =	vld [tilespmem:s12+$0xA0]  }
0x1ef: {  	[tilespmem:s12+$0x40] =	vst v0;
	v0 =	vmul.f32 v4, v8;
	v8 =	vld [tilespmem:s12+$0xB0]  }
0x1f0: {  	[tilespmem:s12+$0x50] =	vst v5;
	v4 =	vmul.f32 v4, v6;
	v5 =	vld [tilespmem:s12+$0xC0]  }
0x1f1: {  	v6 =	vld [tilespmem:s12+$0xD0];
	[tilespmem:s12+$0x60] =	vst v0;
	v0 =	vmul.f32 v3, v7  }
0x1f2: {  	v7 =	vld [tilespmem:s12+$0xE0];
	[tilespmem:s12+$0x70] =	vst v4;
	v4 =	vmul.f32 v3, v9  }
0x1f3: {  	v9 =	vld [tilespmem:s12+$0xF0];
	[tilespmem:s12+$0x80] =	vst v0;
	v0 =	vmul.f32 v3, v10  }
0x1f4: {  	[tilespmem:s12+$0x90] =	vst v4;
	v4 =	vmul.f32 v3, v8;
	v8 =	vld [tilespmem:s12+$0x100]  }
0x1f5: {  	[tilespmem:s12+$0xA0] =	vst v0;
	v0 =	vmul.f32 v3, v5;
	v5 =	vld [tilespmem:s12+$0x110]  }
0x1f6: {  	[tilespmem:s12+$0xB0] =	vst v4;
	v4 =	vmul.f32 v3, v6;
	v6 =	vld [tilespmem:s12+$0x120]  }
0x1f7: {  	[tilespmem:s12+$0xC0] =	vst v0;
	v0 =	vmul.f32 v3, v7;
	v7 =	vld [tilespmem:s12+$0x130]  }
0x1f8: {  	v3 =	vmul.f32 v3, v9;
	[tilespmem:s12+$0xD0] =	vst v4;
	v4 =	vld [tilespmem:s12+$0x140]  }
0x1f9: {  	[tilespmem:s12+$0xE0] =	vst v0;
	v0 =	vmul.f32 v2, v8;
	v8 =	vld [tilespmem:s12+$0x150]  }
0x1fa: {  	[tilespmem:s12+$0xF0] =	vst v3;
	v3 =	vmul.f32 v2, v5;
	v5 =	vld [tilespmem:s12+$0x160]  }
0x1fb: {  	[tilespmem:s12+$0x100] =	vst v0;
	v0 =	vmul.f32 v2, v6;
	v6 =	vld [tilespmem:s12+$0x180]  }
0x1fc: {  	[tilespmem:s12+$0x110] =	vst v3;
	v3 =	vmul.f32 v2, v7;
	v7 =	vld [tilespmem:s12+$0x190]  }
0x1fd: {  	[tilespmem:s12+$0x120] =	vst v0;
	v0 =	vmul.f32 v2, v4;
	v4 =	vld [tilespmem:s12+$0x1A0]  }
0x1fe: {  	[tilespmem:s12+$0x130] =	vst v3;
	v3 =	vmul.f32 v2, v8;
	v8 =	vld [tilespmem:s12+$0x1B0]  }
0x1ff: {  	[tilespmem:s12+$0x140] =	vst v0;
	v0 =	vmul.f32 v2, v5;
	v2 =	vld [tilespmem:s12+$0x1C0]  }
0x200: {  	v5 =	vld [tilespmem:s12+$0x1D0];
	[tilespmem:s12+$0x150] =	vst v3;
	v3 =	vmul.f32 v1, v6  }
0x201: {  	v6 =	vld [tilespmem:s12+$0x1E0];
	[tilespmem:s12+$0x160] =	vst v0;
	v0 =	vmul.f32 v1, v7  }
0x202: {  	[tilespmem:s12+$0x180] =	vst v3;
	v3 =	vmul.f32 v1, v4;
	v4 =	vld [tilespmem:s12+$0x1F0]  }
0x203: {  	[tilespmem:s12+$0x190] =	vst v0;
	v0 =	vmul.f32 v1, v8  }
0x204: {  	[tilespmem:s12+$0x1A0] =	vst v3;
	v2 =	vmul.f32 v1, v2  }
0x205: {  	[tilespmem:s12+$0x1B0] =	vst v0;
	v0 =	vmul.f32 v1, v5  }
0x206: {  	[tilespmem:s12+$0x1C0] =	vst v2;
	v2 =	vmul.f32 v1, v6  }
0x207: {  	[tilespmem:s12+$0x1D0] =	vst v0;
	v0 =	vmul.f32 v1, v4  }
0x208: {  	[tilespmem:s12+$0x1E0] =	vst v2  }
0x209: {  	s7 =	sadd.s32 $0x80, s7;
	[tilespmem:s12+$0x1F0] =	vst v0  }
0x20a: {  	[spmem:s3] =	stream.indirect.scatter.add.f32 [tilespmem:s22], [sflag:$0x5], $0x80, s7, s20, $0xb8;
	[tilespmem:$0x1FC00] =	vst v63  }
0x20b: {  	s9 =	simm.s32 @!p0 $0x7;
	s7 =	sadd.s32 @!p0 $0x3, s16  }
0x20c: {  	s8 =	smulhi.u32 @!p0 $0xAAAAAAAB, s7;
	_ =	swait.ge @!p0 [sflag:s9], $0x180  }
0x20d: {  	[sflag:s9] =	ssyncset.done @!p0 $0x0  }
0x20e: {  	s8 =	sshrl.u32 @!p0 s8, $0x2;
	[sflag:s9] =	ssyncadd.s32 @!p0 $0xFFFFFE80;
	s9 =	simm.s32 @!p0 $0x4  }
0x20f: {  	s8 =	smul.u32 @!p0 $0x6, s8;
	_ =	swait.ge @!p0 [sflag:s9], $0x3C00  }
0x210: {  	s10 =	simm.s32 @!p0 $0xC00;
	[sflag:s9] =	ssyncset.done @!p0 $0x0  }
0x211: {  	s7 =	ssub.s32 @!p0 s7, s8;
	[sflag:s9] =	ssyncadd.s32 @!p0 $0xFFFFC400;
	s8 =	sadd.s32 @!p0 $0x5, s16  }
0x212: {  	s9 =	simm.s32 @!p0 $0x78;
	s7 =	sshll.u32 @!p0 s7, $0x9;
	s11 =	smulhi.u32 @!p0 $0xAAAAAAAB, s8  }
0x213: {  	[tilespmem:s10], [sflag:$0x1] =	stream.indirect.gather @!p0 [hbm4b:s1+s9], $0x80, s7, s9, $0xb8;
	[tilespmem:$0x1FC00] =	vst v63  }
0x214: {  	s13 =	simm.s32 $0x0;
	s7 =	sshrl.u32 @!p0 s11, $0x2  }
0x215: {  	v0 =	vmov s13;
	s10 =	sshll.u32 @!p0 s8, $0x9;
	s11 =	simm.s32 $0x6;
	s7 =	smul.u32 @!p0 $0x6, s7  }
0x216: {  	v0 =	vand.u32 $0xFFFFFFF8, v0;
	s10 =	sadd.s32 @!p0 s5, s10;
	v1 =	vmov s11  }
0x217: {  	v0 =	vbroadcast v0, $0x0;
	v1 =	vand.u32 $0xFFFFFFFE, v1;
	s7 =	ssub.s32 @!p0 s8, s7;
	s8 =	sshrl.u32 @!p0 s10, $0x3  }
0x218: {  	s9 =	simm.s32 @!p0 $0x0;
	v1 =	vbroadcast v1, $0x0;
	s7 =	sshll.u32 @!p0 s7, $0x9;
	s8 =	sadd.s32 @!p0 s6, s8  }
0x219: {  	[tilespmem:s7], [sflag:$0x9] =	stream.linear.gather @!p0 [hbm4b:s8+s9], $0x180, $0x38;
	[tilespmem:$0x1FC00] =	vst v63  }
0x21a: {  	_ =	swait.ge [sflag:s28], $0x3C00  }
0x21b: {  	[sflag:s28] =	ssyncset.done $0x0  }
0x21c: {  	s9 =	sadd.s32 $0x100, s17;
	[sflag:s28] =	ssyncadd.s32 $0xFFFFC400  }
0x21d: {  	v0 =	vld.idx.msk [tilespmem:v0+s9+$0x0], $0xffff  }
0x21e: {  	s12 =	simm.s32 $0x1;
	s7 =	simm.s32 $0x8600;
	v1 =	vld.idx.msk [tilespmem:v1+s9+$0x0], $0xffff  }
0x21f: {  	v2 =	vmov s12;
	v3 =	vld [tilespmem:s7+$0x170]  }
0x220: {  	v2 =	vand.u32 $0xFFFFFFF9, v2;
	v4 =	vld [tilespmem:s7+$0xFFFFFE00]  }
0x221: {  	v2 =	vbroadcast v2, $0x0;
	v5 =	vld [tilespmem:s7+$0xFFFFFE10]  }
0x222: {  	v6 =	vld [tilespmem:s7+$0xFFFFFE20]  }
0x223: {  	v7 =	vld [tilespmem:s7+$0xFFFFFE30]  }
0x224: {  	v8 =	vld [tilespmem:s7+$0xFFFFFE40]  }
0x225: {  	v9 =	vld [tilespmem:s7+$0xFFFFFE50]  }
0x226: {  	v10 =	vld [tilespmem:s7+$0xFFFFFE60]  }
0x227: {  	v2 =	vld.idx.msk [tilespmem:v2+s9+$0x0], $0xffff  }
0x228: {  	v11 =	vld [tilespmem:s7+$0xFFFFFE70]  }
0x229: {  	v12 =	vld [tilespmem:s7+$0xFFFFFE80];
	v4 =	vmul.f32 v0, v4  }
0x22a: {  	v13 =	vld [tilespmem:s7+$0xFFFFFE90];
	v3 =	vmul.f32 v1, v3  }
0x22b: {  	v14 =	vld [tilespmem:s7+$0xFFFFFEA0];
	v5 =	vmul.f32 v0, v5;
	[tilespmem:s7+$0xFFFFFE00] =	vst v4  }
0x22c: {  	s13 =	simm.s32 $0x2;
	v15 =	vld [tilespmem:s7+$0xFFFFFEB0];
	v7 =	vmul.f32 v0, v7;
	[tilespmem:s7+$0x170] =	vst v3  }
0x22d: {  	v8 =	vmul.f32 v0, v8;
	v4 =	vmov s13;
	v3 =	vmul.f32 v0, v6;
	v6 =	vld [tilespmem:s7+$0xFFFFFEC0];
	[tilespmem:s7+$0xFFFFFE10] =	vst v5  }
0x22e: {  	v5 =	vmul.f32 v2, v12;
	v12 =	vld [tilespmem:s7+$0xFFFFFED0];
	[tilespmem:s7+$0xFFFFFE30] =	vst v7;
	v4 =	vand.u32 $0xFFFFFFFA, v4  }
0x22f: {  	v7 =	vmul.f32 v0, v9;
	v9 =	vld [tilespmem:s7+$0xFFFFFEF0];
	[tilespmem:s7+$0xFFFFFE40] =	vst v8;
	v4 =	vbroadcast v4, $0x0  }
0x230: {  	v8 =	vmul.f32 v0, v10;
	v10 =	vld [tilespmem:s7+$0xFFFFFF00];
	[tilespmem:s7+$0xFFFFFE20] =	vst v3  }
0x231: {  	v0 =	vmul.f32 v0, v11;
	v11 =	vld [tilespmem:s7+$0xFFFFFF20];
	[tilespmem:s7+$0xFFFFFE80] =	vst v5  }
0x232: {  	s10 =	simm.s32 $0x3;
	v3 =	vld [tilespmem:s7+$0xFFFFFEE0];
	[tilespmem:s7+$0xFFFFFE50] =	vst v7  }
0x233: {  	v5 =	vmov s10;
	v7 =	vld [tilespmem:s7+$0xFFFFFF10];
	[tilespmem:s7+$0xFFFFFE60] =	vst v8;
	v8 =	vmul.f32 v2, v13  }
0x234: {  	[tilespmem:s7+$0xFFFFFE70] =	vst v0;
	v0 =	vmul.f32 v2, v14;
	v13 =	vld [tilespmem:s7+$0xFFFFFF30];
	v5 =	vand.u32 $0xFFFFFFFB, v5  }
0x235: {  	v5 =	vbroadcast v5, $0x0;
	[tilespmem:s7+$0xFFFFFE90] =	vst v8;
	v8 =	vmul.f32 v2, v15;
	v4 =	vld.idx.msk [tilespmem:v4+s9+$0x0], $0xffff  }
0x236: {  	v14 =	vld [tilespmem:s7+$0xFFFFFF40];
	[tilespmem:s7+$0xFFFFFEA0] =	vst v0;
	v6 =	vmul.f32 v2, v6  }
0x237: {  	v12 =	vmul.f32 v2, v12;
	[tilespmem:s7+$0xFFFFFEB0] =	vst v8;
	v8 =	vld [tilespmem:s7+$0xFFFFFF60]  }
0x238: {  	[tilespmem:s7+$0xFFFFFEC0] =	vst v6;
	v3 =	vmul.f32 v2, v3;
	v6 =	vld [tilespmem:s7+$0xFFFFFF70]  }
0x239: {  	[tilespmem:s7+$0xFFFFFED0] =	vst v12;
	v2 =	vmul.f32 v2, v9;
	v9 =	vld [tilespmem:s7+$0xFFFFFF80]  }
0x23a: {  	v12 =	vld [tilespmem:s7+$0xFFFFFFB0];
	[tilespmem:s7+$0xFFFFFEE0] =	vst v3;
	v0 =	vmul.f32 v4, v10  }
0x23b: {  	[tilespmem:s7+$0xFFFFFEF0] =	vst v2;
	v5 =	vld.idx.msk [tilespmem:v5+s9+$0x0], $0xffff;
	v3 =	vmul.f32 v4, v7  }
0x23c: {  	s11 =	simm.s32 $0x4;
	v10 =	vld [tilespmem:s7+$0xFFFFFF50];
	v2 =	vmul.f32 v4, v11;
	[tilespmem:s7+$0xFFFFFF00] =	vst v0  }
0x23d: {  	v7 =	vld [tilespmem:s7+$0xFFFFFF90];
	v8 =	vmul.f32 v4, v8;
	v0 =	vmov s11;
	[tilespmem:s7+$0xFFFFFF10] =	vst v3  }
0x23e: {  	v11 =	vld [tilespmem:s7+$0xFFFFFFA0];
	v3 =	vmul.f32 v4, v13;
	[tilespmem:s7+$0xFFFFFF20] =	vst v2;
	v0 =	vand.u32 $0xFFFFFFFC, v0  }
0x23f: {  	v2 =	vmul.f32 v4, v14;
	v13 =	vld [tilespmem:s7+$0xFFFFFFC0];
	[tilespmem:s7+$0xFFFFFF60] =	vst v8;
	v0 =	vbroadcast v0, $0x0  }
0x240: {  	v8 =	vld [tilespmem:s7+$0x0];
	[tilespmem:s7+$0xFFFFFF30] =	vst v3;
	v3 =	vmul.f32 v5, v9  }
0x241: {  	s12 =	simm.s32 $0x5;
	v9 =	vld [tilespmem:s7+$0xFFFFFFD0];
	[tilespmem:s7+$0xFFFFFF40] =	vst v2;
	v10 =	vmul.f32 v4, v10  }
0x242: {  	v2 =	vld [tilespmem:s7+$0xFFFFFFE0];
	v4 =	vmul.f32 v4, v6;
	[tilespmem:s7+$0xFFFFFF80] =	vst v3;
	v3 =	vmov s12  }
0x243: {  	v6 =	vld [tilespmem:s7+$0xFFFFFFF0];
	v7 =	vmul.f32 v5, v7;
	[tilespmem:s7+$0xFFFFFF50] =	vst v10;
	v3 =	vand.u32 $0xFFFFFFFD, v3  }
0x244: {  	[tilespmem:s7+$0xFFFFFF70] =	vst v4;
	v4 =	vmul.f32 v5, v11;
	v10 =	vld [tilespmem:s7+$0x10];
	v3 =	vbroadcast v3, $0x0  }
0x245: {  	[tilespmem:s7+$0xFFFFFF90] =	vst v7;
	v7 =	vmul.f32 v5, v12;
	v0 =	vld.idx.msk [tilespmem:v0+s9+$0x0], $0xffff  }
0x246: {  	v11 =	vld [tilespmem:s7+$0x20];
	[tilespmem:s7+$0xFFFFFFA0] =	vst v4;
	v4 =	vmul.f32 v5, v13  }
0x247: {  	v12 =	vld [tilespmem:s7+$0x30];
	[tilespmem:s7+$0xFFFFFFB0] =	vst v7;
	v7 =	vmul.f32 v5, v9  }
0x248: {  	v9 =	vld [tilespmem:s7+$0x40];
	v2 =	vmul.f32 v5, v2;
	[tilespmem:s7+$0xFFFFFFC0] =	vst v4  }
0x249: {  	v5 =	vmul.f32 v5, v6;
	[tilespmem:s7+$0xFFFFFFD0] =	vst v7;
	v7 =	vld [tilespmem:s7+$0x60]  }
0x24a: {  	[tilespmem:s7+$0xFFFFFFE0] =	vst v2;
	v3 =	vld.idx.msk [tilespmem:v3+s9+$0x0], $0xffff;
	v4 =	vmul.f32 v0, v8  }
0x24b: {  	[tilespmem:s7+$0xFFFFFFF0] =	vst v5;
	v8 =	vld [tilespmem:s7+$0x50];
	v5 =	vmul.f32 v0, v11  }
0x24c: {  	v2 =	vmul.f32 v0, v10;
	v10 =	vld [tilespmem:s7+$0x90];
	[tilespmem:s7+$0x0] =	vst v4  }
0x24d: {  	v6 =	vld [tilespmem:s7+$0x80];
	[tilespmem:s7+$0x20] =	vst v5;
	v5 =	vmul.f32 v0, v9  }
0x24e: {  	v4 =	vld [tilespmem:s7+$0x70];
	[tilespmem:s7+$0x10] =	vst v2;
	v2 =	vmul.f32 v0, v12  }
0x24f: {  	v9 =	vld [tilespmem:s7+$0xA0];
	[tilespmem:s7+$0x40] =	vst v5;
	v5 =	vmul.f32 v0, v7  }
0x250: {  	[tilespmem:s7+$0x30] =	vst v2;
	v7 =	vld [tilespmem:s7+$0xC0];
	v2 =	vmul.f32 v0, v8  }
0x251: {  	v8 =	vld [tilespmem:s7+$0xB0];
	v10 =	vmul.f32 v3, v10;
	[tilespmem:s7+$0x60] =	vst v5  }
0x252: {  	s13 =	simm.s32 $0x7;
	v5 =	vld [tilespmem:s7+$0xE0];
	[tilespmem:s7+$0x50] =	vst v2;
	v2 =	vmul.f32 v3, v6  }
0x253: {  	v11 =	vmov s13;
	v6 =	vld [tilespmem:s7+$0xD0];
	v4 =	vmul.f32 v0, v4;
	[tilespmem:s7+$0x90] =	vst v10  }
0x254: {  	v10 =	vld [tilespmem:s7+$0x150];
	[tilespmem:s7+$0x80] =	vst v2  }
0x255: {  	[tilespmem:s7+$0x70] =	vst v4;
	v2 =	vmul.f32 v3, v9;
	v4 =	vld [tilespmem:s7+$0xF0]  }
0x256: {  	v9 =	vld [tilespmem:s7+$0x100];
	v8 =	vmul.f32 v3, v8  }
0x257: {  	[tilespmem:s7+$0xA0] =	vst v2;
	v2 =	vmul.f32 v3, v7;
	v7 =	vld [tilespmem:s7+$0x110]  }
0x258: {  	v0 =	vld.idx.msk [tilespmem:v11+s9+$0x0], $0xffff;
	[tilespmem:s7+$0xB0] =	vst v8;
	v6 =	vmul.f32 v3, v6  }
0x259: {  	v8 =	vld [tilespmem:s7+$0x120];
	v10 =	vmul.f32 v1, v10;
	[tilespmem:s7+$0xC0] =	vst v2  }
0x25a: {  	s13 =	simm.s32 $0xA;
	v2 =	vmul.f32 v3, v5;
	v5 =	vld [tilespmem:s7+$0x130];
	[tilespmem:s7+$0xD0] =	vst v6;
	v3 =	vmul.f32 v3, v4  }
0x25b: {  	s12 =	simm.s32 $0x9;
	v12 =	vmov s13;
	v4 =	vld [tilespmem:s7+$0x140];
	[tilespmem:s7+$0x150] =	vst v10  }
0x25c: {  	s10 =	simm.s32 $0x8;
	s13 =	simm.s32 $0xD;
	v11 =	vmov s12;
	s12 =	simm.s32 $0xC;
	v9 =	vmul.f32 v1, v9;
	[tilespmem:s7+$0xF0] =	vst v3;
	v3 =	vmul.f32 v1, v7;
	v7 =	vld [tilespmem:s7+$0x160]  }
0x25d: {  	s11 =	simm.s32 $0xF;
	v13 =	vld [tilespmem:s7+$0x180];
	v63 =	vmov s13;
	v14 =	vmov s12;
	v6 =	vmov s10;
	[tilespmem:s7+$0xE0] =	vst v2  }
0x25e: {  	v62 =	vld [tilespmem:s7+$0x190];
	v6 =	vand.u32 $0xFFFFFFF8, v6;
	v2 =	vmov s11;
	s11 =	simm.s32 $0xB;
	[tilespmem:s7+$0x100] =	vst v9;
	v8 =	vmul.f32 v1, v8  }
0x25f: {  	v9 =	vmov s11;
	[tilespmem:s7+$0x110] =	vst v3;
	v15 =	vmul.f32 v1, v5;
	v3 =	vbroadcast v6, $0x0;
	v5 =	vld [tilespmem:s7+$0x1A0]  }
0x260: {  	v6 =	vld [tilespmem:s7+$0x1B0];
	[tilespmem:s7+$0x120] =	vst v8;
	v8 =	vmul.f32 v1, v4;
	v4 =	vand.u32 $0xFFFFFFF9, v11;
	v11 =	vand.u32 $0xFFFFFFFA, v12  }
0x261: {  	v12 =	vand.u32 $0xFFFFFFFB, v9;
	[tilespmem:s7+$0x130] =	vst v15;
	v4 =	vbroadcast v4, $0x0;
	v15 =	vmul.f32 v1, v7;
	v7 =	vld [tilespmem:s7+$0x1C0]  }
0x262: {  	v9 =	vbroadcast v11, $0x0;
	[tilespmem:s7+$0x140] =	vst v8;
	v1 =	vand.u32 $0xFFFFFFFC, v14;
	v14 =	vmul.f32 v0, v13;
	v8 =	vld [tilespmem:s7+$0x1D0]  }
0x263: {  	s10 =	simm.s32 $0x10;
	v10 =	vld [tilespmem:s7+$0x1E0];
	s11 =	simm.s32 $0xE;
	v11 =	vbroadcast v12, $0x0;
	v12 =	vmul.f32 v0, v62;
	v13 =	vand.u32 $0xFFFFFFFD, v63;
	[tilespmem:s7+$0x160] =	vst v15  }
.LBB2_11:
0x264: {  	p1 =	slt.u32 s10, $0x70;
	v1 =	vbroadcast v1, $0x0;
	v15 =	vmov s11;
	[tilespmem:s7+$0x180] =	vst v14;
	v5 =	vmul.f32 v0, v5;
	v14 =	vld [tilespmem:s7+$0x1F0]  }
0x265: {  	v13 =	vbroadcast v13, $0x0;
	v15 =	vand.u32 $0xFFFFFFFE, v15;
	v16 =	vld.idx.msk [tilespmem:v2+s9+$0x0], $0xffff;
	[tilespmem:s7+$0x190] =	vst v12;
	v2 =	vmul.f32 v0, v6  }
0x266: {  	v6 =	vld.idx.msk [tilespmem:v3+s9+$0x0], $0xffff;
	v12 =	vbroadcast v15, $0x0;
	[tilespmem:s7+$0x1A0] =	vst v5;
	v3 =	vmul.f32 v0, v7  }
0x267: {  	v5 =	vld.idx.msk [tilespmem:v4+s9+$0x0], $0xffff;
	[tilespmem:s7+$0x1B0] =	vst v2;
	v2 =	vmul.f32 v0, v8  }
0x268: {  	v7 =	vld.idx.msk [tilespmem:v9+s9+$0x0], $0xffff;
	[tilespmem:s7+$0x1C0] =	vst v3;
	v8 =	vmul.f32 v0, v10  }
0x269: {  	v4 =	vld.idx.msk [tilespmem:v11+s9+$0x0], $0xffff;
	[tilespmem:s7+$0x1D0] =	vst v2;
	v9 =	vmul.f32 v0, v14  }
0x26a: {  	v3 =	vld.idx.msk [tilespmem:v1+s9+$0x0], $0xffff;
	[tilespmem:s7+$0x1E0] =	vst v8  }
0x26b: {  	v0 =	vmov v16;
	v2 =	vld.idx.msk [tilespmem:v13+s9+$0x0], $0xffff;
	[tilespmem:s7+$0x1F0] =	vst v9  }
0x26c: {  	s7 =	sadd.s32 $0x400, s7;
	v1 =	vld.idx.msk [tilespmem:v12+s9+$0x0], $0xffff  }
0x26d: {  	v8 =	vld [tilespmem:s7+$0x170]  }
0x26e: {  	v9 =	vld [tilespmem:s7+$0xFFFFFE00]  }
0x26f: {  	v10 =	vld [tilespmem:s7+$0xFFFFFE10]  }
0x270: {  	v11 =	vld [tilespmem:s7+$0xFFFFFE20]  }
0x271: {  	v12 =	vld [tilespmem:s7+$0xFFFFFE30]  }
0x272: {  	v13 =	vld [tilespmem:s7+$0xFFFFFE40];
	v8 =	vmul.f32 v1, v8  }
0x273: {  	v9 =	vmul.f32 v6, v9;
	v14 =	vld [tilespmem:s7+$0xFFFFFE50]  }
0x274: {  	v10 =	vmul.f32 v6, v10;
	v15 =	vld [tilespmem:s7+$0xFFFFFE60];
	[tilespmem:s7+$0x170] =	vst v8  }
0x275: {  	[tilespmem:s7+$0xFFFFFE00] =	vst v9;
	v8 =	vmul.f32 v6, v11;
	v9 =	vld [tilespmem:s7+$0xFFFFFE70]  }
0x276: {  	[tilespmem:s7+$0xFFFFFE10] =	vst v10;
	v10 =	vmul.f32 v6, v12;
	v11 =	vld [tilespmem:s7+$0xFFFFFE80]  }
0x277: {  	[tilespmem:s7+$0xFFFFFE20] =	vst v8;
	v8 =	vmul.f32 v6, v13;
	v12 =	vld [tilespmem:s7+$0xFFFFFE90]  }
0x278: {  	[tilespmem:s7+$0xFFFFFE30] =	vst v10;
	v10 =	vmul.f32 v6, v14;
	v13 =	vld [tilespmem:s7+$0xFFFFFEA0]  }
0x279: {  	[tilespmem:s7+$0xFFFFFE40] =	vst v8;
	v8 =	vmul.f32 v6, v15;
	v14 =	vld [tilespmem:s7+$0xFFFFFEB0]  }
0x27a: {  	[tilespmem:s7+$0xFFFFFE50] =	vst v10;
	v6 =	vmul.f32 v6, v9;
	v9 =	vld [tilespmem:s7+$0xFFFFFEC0]  }
0x27b: {  	[tilespmem:s7+$0xFFFFFE60] =	vst v8;
	v8 =	vmul.f32 v5, v11;
	v10 =	vld [tilespmem:s7+$0xFFFFFED0]  }
0x27c: {  	[tilespmem:s7+$0xFFFFFE70] =	vst v6;
	v6 =	vmul.f32 v5, v12;
	v11 =	vld [tilespmem:s7+$0xFFFFFEE0]  }
0x27d: {  	[tilespmem:s7+$0xFFFFFE80] =	vst v8;
	v8 =	vmul.f32 v5, v13;
	v12 =	vld [tilespmem:s7+$0xFFFFFEF0]  }
0x27e: {  	[tilespmem:s7+$0xFFFFFE90] =	vst v6;
	v6 =	vmul.f32 v5, v14;
	v13 =	vld [tilespmem:s7+$0xFFFFFF00]  }
0x27f: {  	[tilespmem:s7+$0xFFFFFEA0] =	vst v8;
	v8 =	vmul.f32 v5, v9;
	v9 =	vld [tilespmem:s7+$0xFFFFFF10]  }
0x280: {  	[tilespmem:s7+$0xFFFFFEB0] =	vst v6;
	v6 =	vmul.f32 v5, v10;
	v10 =	vld [tilespmem:s7+$0xFFFFFF20]  }
0x281: {  	[tilespmem:s7+$0xFFFFFEC0] =	vst v8;
	v8 =	vmul.f32 v5, v11;
	v11 =	vld [tilespmem:s7+$0xFFFFFF30]  }
0x282: {  	[tilespmem:s7+$0xFFFFFED0] =	vst v6;
	v5 =	vmul.f32 v5, v12;
	v6 =	vld [tilespmem:s7+$0xFFFFFF40]  }
0x283: {  	[tilespmem:s7+$0xFFFFFEE0] =	vst v8;
	v8 =	vmul.f32 v7, v13;
	v12 =	vld [tilespmem:s7+$0xFFFFFF50]  }
0x284: {  	[tilespmem:s7+$0xFFFFFEF0] =	vst v5;
	v5 =	vmul.f32 v7, v9;
	v9 =	vld [tilespmem:s7+$0xFFFFFF60]  }
0x285: {  	[tilespmem:s7+$0xFFFFFF00] =	vst v8;
	v8 =	vmul.f32 v7, v10;
	v10 =	vld [tilespmem:s7+$0xFFFFFF70]  }
0x286: {  	[tilespmem:s7+$0xFFFFFF10] =	vst v5;
	v5 =	vmul.f32 v7, v11;
	v11 =	vld [tilespmem:s7+$0xFFFFFF80]  }
0x287: {  	[tilespmem:s7+$0xFFFFFF20] =	vst v8;
	v6 =	vmul.f32 v7, v6;
	v8 =	vld [tilespmem:s7+$0xFFFFFF90]  }
0x288: {  	[tilespmem:s7+$0xFFFFFF30] =	vst v5;
	v5 =	vmul.f32 v7, v12;
	v12 =	vld [tilespmem:s7+$0xFFFFFFA0]  }
0x289: {  	[tilespmem:s7+$0xFFFFFF40] =	vst v6;
	v6 =	vmul.f32 v7, v9;
	v9 =	vld [tilespmem:s7+$0xFFFFFFB0]  }
0x28a: {  	[tilespmem:s7+$0xFFFFFF50] =	vst v5;
	v5 =	vmul.f32 v7, v10;
	v7 =	vld [tilespmem:s7+$0xFFFFFFC0]  }
0x28b: {  	[tilespmem:s7+$0xFFFFFF60] =	vst v6;
	v6 =	vmul.f32 v4, v11;
	v10 =	vld [tilespmem:s7+$0xFFFFFFD0]  }
0x28c: {  	[tilespmem:s7+$0xFFFFFF70] =	vst v5;
	v5 =	vmul.f32 v4, v8;
	v8 =	vld [tilespmem:s7+$0xFFFFFFE0]  }
0x28d: {  	[tilespmem:s7+$0xFFFFFF80] =	vst v6;
	v6 =	vmul.f32 v4, v12;
	v11 =	vld [tilespmem:s7+$0xFFFFFFF0]  }
0x28e: {  	[tilespmem:s7+$0xFFFFFF90] =	vst v5;
	v5 =	vmul.f32 v4, v9;
	v9 =	vld [tilespmem:s7+$0x0]  }
0x28f: {  	[tilespmem:s7+$0xFFFFFFA0] =	vst v6;
	v6 =	vmul.f32 v4, v7;
	v7 =	vld [tilespmem:s7+$0x10]  }
0x290: {  	[tilespmem:s7+$0xFFFFFFB0] =	vst v5;
	v5 =	vmul.f32 v4, v10;
	v10 =	vld [tilespmem:s7+$0x20]  }
0x291: {  	[tilespmem:s7+$0xFFFFFFC0] =	vst v6;
	v6 =	vmul.f32 v4, v8;
	v8 =	vld [tilespmem:s7+$0x30]  }
0x292: {  	[tilespmem:s7+$0xFFFFFFD0] =	vst v5;
	v4 =	vmul.f32 v4, v11;
	v5 =	vld [tilespmem:s7+$0x40]  }
0x293: {  	[tilespmem:s7+$0xFFFFFFE0] =	vst v6;
	v6 =	vmul.f32 v3, v9;
	v9 =	vld [tilespmem:s7+$0x50]  }
0x294: {  	[tilespmem:s7+$0xFFFFFFF0] =	vst v4;
	v4 =	vmul.f32 v3, v7;
	v7 =	vld [tilespmem:s7+$0x60]  }
0x295: {  	[tilespmem:s7+$0x0] =	vst v6;
	v6 =	vmul.f32 v3, v10;
	v10 =	vld [tilespmem:s7+$0x70]  }
0x296: {  	[tilespmem:s7+$0x10] =	vst v4;
	v4 =	vmul.f32 v3, v8;
	v8 =	vld [tilespmem:s7+$0x80]  }
0x297: {  	[tilespmem:s7+$0x20] =	vst v6;
	v5 =	vmul.f32 v3, v5;
	v6 =	vld [tilespmem:s7+$0x90]  }
0x298: {  	[tilespmem:s7+$0x30] =	vst v4;
	v4 =	vmul.f32 v3, v9;
	v9 =	vld [tilespmem:s7+$0xA0]  }
0x299: {  	[tilespmem:s7+$0x40] =	vst v5;
	v5 =	vmul.f32 v3, v7;
	v7 =	vld [tilespmem:s7+$0xB0]  }
0x29a: {  	[tilespmem:s7+$0x50] =	vst v4;
	v3 =	vmul.f32 v3, v10;
	v4 =	vld [tilespmem:s7+$0xC0]  }
0x29b: {  	[tilespmem:s7+$0x60] =	vst v5;
	v5 =	vmul.f32 v2, v8;
	v8 =	vld [tilespmem:s7+$0xD0]  }
0x29c: {  	[tilespmem:s7+$0x70] =	vst v3;
	v3 =	vmul.f32 v2, v6;
	v6 =	vld [tilespmem:s7+$0xE0]  }
0x29d: {  	[tilespmem:s7+$0x80] =	vst v5;
	v5 =	vmul.f32 v2, v9;
	v9 =	vld [tilespmem:s7+$0xF0]  }
0x29e: {  	[tilespmem:s7+$0x90] =	vst v3;
	v3 =	vmul.f32 v2, v7;
	v7 =	vld [tilespmem:s7+$0x100]  }
0x29f: {  	[tilespmem:s7+$0xA0] =	vst v5;
	v4 =	vmul.f32 v2, v4;
	v5 =	vld [tilespmem:s7+$0x110]  }
0x2a0: {  	[tilespmem:s7+$0xB0] =	vst v3;
	v3 =	vmul.f32 v2, v8;
	v8 =	vld [tilespmem:s7+$0x120]  }
0x2a1: {  	[tilespmem:s7+$0xC0] =	vst v4;
	v4 =	vmul.f32 v2, v6;
	v6 =	vld [tilespmem:s7+$0x130]  }
0x2a2: {  	[tilespmem:s7+$0xD0] =	vst v3;
	v3 =	vmul.f32 v2, v9;
	v9 =	vld [tilespmem:s7+$0x140]  }
0x2a3: {  	s8 =	sadd.s32 $0x7, s10;
	v2 =	vmov s10;
	[tilespmem:s7+$0xE0] =	vst v4;
	v4 =	vmul.f32 v1, v7;
	v7 =	vld [tilespmem:s7+$0x150]  }
0x2a4: {  	s11 =	sadd.s32 $0x1, s10;
	s12 =	sadd.s32 $0x2, s10;
	v10 =	vand.u32 $0xFFFFFFF8, v2;
	v2 =	vmov s8;
	[tilespmem:s7+$0xF0] =	vst v3;
	v3 =	vmul.f32 v1, v5;
	v11 =	vld [tilespmem:s7+$0x160]  }
0x2a5: {  	v13 =	vmov s12;
	v12 =	vmov s11;
	s11 =	sadd.s32 $0x4, s10;
	s8 =	sadd.s32 $0x3, s10;
	[tilespmem:s7+$0x100] =	vst v4;
	v4 =	vmul.f32 v1, v8;
	v8 =	vld [tilespmem:s7+$0x180]  }
0x2a6: {  	v15 =	vmov s11;
	v14 =	vmov s8;
	s8 =	sadd.s32 $0x5, s10;
	[tilespmem:s7+$0x110] =	vst v3;
	v6 =	vmul.f32 v1, v6;
	v16 =	vld [tilespmem:s7+$0x190]  }
.Ltmp5:
0x2a7: {  	v3 =	vbroadcast v10, $0x0;
	v10 =	vmov s8;
	[tilespmem:s7+$0x120] =	vst v4;
	v9 =	vmul.f32 v1, v9;
	v5 =	vld [tilespmem:s7+$0x1A0];
	(pc) =	sbr.rel @p1 .LBB2_11-.Ltmp5, $4  }
0x2a8: {  	v4 =	vand.u32 $0xFFFFFFF9, v12;
	v12 =	vand.u32 $0xFFFFFFFA, v13;
	[tilespmem:s7+$0x130] =	vst v6;
	v13 =	vmul.f32 v1, v7;
	v6 =	vld [tilespmem:s7+$0x1B0]  }
0x2a9: {  	v17 =	vand.u32 $0xFFFFFFFB, v14;
	v4 =	vbroadcast v4, $0x0;
	[tilespmem:s7+$0x140] =	vst v9;
	v18 =	vmul.f32 v1, v11;
	v7 =	vld [tilespmem:s7+$0x1C0]  }
0x2aa: {  	v9 =	vbroadcast v12, $0x0;
	v1 =	vand.u32 $0xFFFFFFFC, v15;
	[tilespmem:s7+$0x150] =	vst v13;
	v14 =	vmul.f32 v0, v8;
	v8 =	vld [tilespmem:s7+$0x1D0]  }
0x2ab: {  	s11 =	sadd.s32 $0x6, s10;
	s10 =	sadd.s32 $0x8, s10;
	v11 =	vbroadcast v17, $0x0;
	v13 =	vand.u32 $0xFFFFFFFD, v10;
	[tilespmem:s7+$0x160] =	vst v18;
	v12 =	vmul.f32 v0, v16;
	v10 =	vld [tilespmem:s7+$0x1E0]  }
0x2ac: {  	_ =	sdelay $0x2  }
0x2ad: {  	v15 =	vld [tilespmem:s7+$0x1F0]  }
0x2ae: {  	v34 =	vbroadcast v1, $0x0;
	v1 =	vld.idx.msk [tilespmem:v2+s9+$0x0], $0xffff  }
0x2af: {  	v17 =	vld.idx.msk [tilespmem:v3+s9+$0x0], $0xffff  }
0x2b0: {  	v37 =	vld.idx.msk [tilespmem:v4+s9+$0x0], $0xffff  }
0x2b1: {  	v9 =	vld.idx.msk [tilespmem:v9+s9+$0x0], $0xffff  }
0x2b2: {  	s13 =	sadd.s32 $0x400, s7;
	v11 =	vld.idx.msk [tilespmem:v11+s9+$0x0], $0xffff  }
0x2b3: {  	v40 =	vld [tilespmem:s13+$0xFFFFFE00]  }
0x2b4: {  	v42 =	vld [tilespmem:s13+$0xFFFFFE10]  }
0x2b5: {  	[tilespmem:s7+$0x180] =	vst v14;
	v5 =	vmul.f32 v0, v5;
	v44 =	vld [tilespmem:s13+$0xFFFFFE20]  }
0x2b6: {  	[tilespmem:s7+$0x190] =	vst v12;
	v6 =	vmul.f32 v0, v6;
	v46 =	vld [tilespmem:s13+$0xFFFFFE30]  }
0x2b7: {  	v47 =	vld [tilespmem:s13+$0xFFFFFE40];
	[tilespmem:s7+$0x1A0] =	vst v5;
	v39 =	vmul.f32 v0, v7  }
0x2b8: {  	v49 =	vld [tilespmem:s13+$0xFFFFFE50];
	[tilespmem:s7+$0x1B0] =	vst v6;
	v41 =	vmul.f32 v0, v8  }
0x2b9: {  	v50 =	vld [tilespmem:s13+$0xFFFFFE60];
	[tilespmem:s7+$0x1C0] =	vst v39;
	v43 =	vmul.f32 v0, v10  }
0x2ba: {  	v52 =	vld [tilespmem:s13+$0xFFFFFE70];
	[tilespmem:s7+$0x1D0] =	vst v41;
	v45 =	vmul.f32 v0, v15  }
0x2bb: {  	v53 =	vld [tilespmem:s13+$0xFFFFFE80];
	[tilespmem:s7+$0x1E0] =	vst v43;
	v48 =	vmul.f32 v17, v40  }
0x2bc: {  	v55 =	vld [tilespmem:s13+$0xFFFFFE90];
	v8 =	vmul.f32 v17, v42;
	[tilespmem:s7+$0x1F0] =	vst v45  }
0x2bd: {  	v57 =	vld [tilespmem:s13+$0xFFFFFEA0];
	v51 =	vmul.f32 v17, v44;
	[tilespmem:s13+$0xFFFFFE00] =	vst v48  }
0x2be: {  	v59 =	vld [tilespmem:s13+$0xFFFFFEB0];
	v6 =	vmul.f32 v17, v46;
	[tilespmem:s13+$0xFFFFFE10] =	vst v8  }
0x2bf: {  	v61 =	vld [tilespmem:s13+$0xFFFFFEC0];
	v54 =	vmul.f32 v17, v47;
	[tilespmem:s13+$0xFFFFFE20] =	vst v51  }
0x2c0: {  	v63 =	vld [tilespmem:s13+$0xFFFFFED0];
	v56 =	vmul.f32 v17, v49;
	[tilespmem:s13+$0xFFFFFE30] =	vst v6  }
0x2c1: {  	v19 =	vld [tilespmem:s13+$0xFFFFFEF0];
	v58 =	vmul.f32 v17, v50;
	[tilespmem:s13+$0xFFFFFE40] =	vst v54  }
0x2c2: {  	v21 =	vld [tilespmem:s13+$0xFFFFFF00];
	v60 =	vmul.f32 v17, v52;
	[tilespmem:s13+$0xFFFFFE50] =	vst v56  }
0x2c3: {  	v23 =	vld [tilespmem:s13+$0xFFFFFF10];
	v62 =	vmul.f32 v37, v53;
	[tilespmem:s13+$0xFFFFFE60] =	vst v58  }
0x2c4: {  	v25 =	vld [tilespmem:s13+$0xFFFFFF20];
	v5 =	vmul.f32 v37, v55;
	[tilespmem:s13+$0xFFFFFE70] =	vst v60  }
0x2c5: {  	v27 =	vld [tilespmem:s13+$0xFFFFFF30];
	v18 =	vmul.f32 v37, v57;
	[tilespmem:s13+$0xFFFFFE80] =	vst v62  }
0x2c6: {  	v13 =	vbroadcast v13, $0x0;
	v31 =	vld [tilespmem:s13+$0xFFFFFF50];
	v20 =	vmul.f32 v37, v59;
	[tilespmem:s13+$0xFFFFFE90] =	vst v5  }
0x2c7: {  	v35 =	vmov s11;
	v33 =	vld [tilespmem:s13+$0xFFFFFF60];
	v22 =	vmul.f32 v37, v61;
	[tilespmem:s13+$0xFFFFFEA0] =	vst v18  }
0x2c8: {  	v16 =	vand.u32 $0xFFFFFFFE, v35;
	v35 =	vld [tilespmem:s13+$0xFFFFFF70];
	v24 =	vmul.f32 v37, v63;
	[tilespmem:s13+$0xFFFFFEB0] =	vst v20  }
0x2c9: {  	v39 =	vld [tilespmem:s13+$0xFFFFFF90];
	v28 =	vmul.f32 v37, v19;
	[tilespmem:s13+$0xFFFFFEC0] =	vst v22  }
0x2ca: {  	v36 =	vbroadcast v16, $0x0;
	v41 =	vld [tilespmem:s13+$0xFFFFFFA0];
	v30 =	vmul.f32 v9, v21;
	[tilespmem:s13+$0xFFFFFED0] =	vst v24  }
0x2cb: {  	v4 =	vld.idx.msk [tilespmem:v34+s9+$0x0], $0xffff;
	v32 =	vmul.f32 v9, v23;
	[tilespmem:s13+$0xFFFFFEF0] =	vst v28  }
0x2cc: {  	v3 =	vld.idx.msk [tilespmem:v13+s9+$0x0], $0xffff;
	v34 =	vmul.f32 v9, v25;
	[tilespmem:s13+$0xFFFFFF00] =	vst v30  }
0x2cd: {  	v17 =	vld [tilespmem:s13+$0xFFFFFEE0];
	v40 =	vmul.f32 v9, v31;
	[tilespmem:s13+$0xFFFFFF10] =	vst v32  }
0x2ce: {  	v42 =	vmul.f32 v9, v33;
	v43 =	vld [tilespmem:s13+$0xFFFFFFB0];
	[tilespmem:s13+$0xFFFFFF20] =	vst v34  }
0x2cf: {  	v44 =	vmul.f32 v9, v35;
	v47 =	vld [tilespmem:s13+$0xFFFFFFD0];
	[tilespmem:s13+$0xFFFFFF50] =	vst v40  }
0x2d0: {  	v2 =	vld.idx.msk [tilespmem:v36+s9+$0x0], $0xffff;
	v36 =	vmul.f32 v9, v27;
	[tilespmem:s13+$0xFFFFFF60] =	vst v42  }
0x2d1: {  	v49 =	vld [tilespmem:s13+$0xFFFFFFE0];
	[tilespmem:s13+$0xFFFFFF70] =	vst v44;
	v48 =	vmul.f32 v11, v39  }
0x2d2: {  	v53 =	vld [tilespmem:s13+$0x0];
	[tilespmem:s13+$0xFFFFFF30] =	vst v36;
	v50 =	vmul.f32 v11, v41  }
0x2d3: {  	v57 =	vld [tilespmem:s13+$0x20];
	v26 =	vmul.f32 v37, v17;
	[tilespmem:s13+$0xFFFFFF90] =	vst v48  }
0x2d4: {  	v59 =	vld [tilespmem:s13+$0x30];
	v52 =	vmul.f32 v11, v43;
	[tilespmem:s13+$0xFFFFFFA0] =	vst v50  }
0x2d5: {  	v61 =	vld [tilespmem:s13+$0x40];
	v56 =	vmul.f32 v11, v47;
	[tilespmem:s13+$0xFFFFFEE0] =	vst v26  }
0x2d6: {  	v63 =	vld [tilespmem:s13+$0x50];
	v58 =	vmul.f32 v11, v49;
	[tilespmem:s13+$0xFFFFFFB0] =	vst v52  }
0x2d7: {  	v13 =	vld [tilespmem:s13+$0x60];
	v62 =	vmul.f32 v4, v53;
	[tilespmem:s13+$0xFFFFFFD0] =	vst v56  }
0x2d8: {  	v19 =	vld [tilespmem:s13+$0x90];
	v14 =	vmul.f32 v4, v57;
	[tilespmem:s13+$0xFFFFFFE0] =	vst v58  }
0x2d9: {  	v23 =	vld [tilespmem:s13+$0xB0];
	v16 =	vmul.f32 v4, v59;
	[tilespmem:s13+$0x0] =	vst v62  }
0x2da: {  	v45 =	vld [tilespmem:s13+$0xFFFFFFC0];
	v18 =	vmul.f32 v4, v61;
	[tilespmem:s13+$0x20] =	vst v14  }
0x2db: {  	v38 =	vld [tilespmem:s13+$0x170];
	v20 =	vmul.f32 v4, v63;
	[tilespmem:s13+$0x30] =	vst v16  }
0x2dc: {  	v29 =	vld [tilespmem:s13+$0xFFFFFF40];
	v22 =	vmul.f32 v4, v13;
	[tilespmem:s13+$0x40] =	vst v18  }
0x2dd: {  	v51 =	vld [tilespmem:s13+$0xFFFFFFF0];
	v27 =	vmul.f32 v3, v19;
	[tilespmem:s13+$0x50] =	vst v20  }
0x2de: {  	v21 =	vld [tilespmem:s13+$0xA0];
	v31 =	vmul.f32 v3, v23;
	[tilespmem:s13+$0x60] =	vst v22  }
0x2df: {  	v24 =	vld [tilespmem:s13+$0xC0];
	v54 =	vmul.f32 v11, v45;
	[tilespmem:s13+$0x90] =	vst v27  }
0x2e0: {  	v32 =	vld [tilespmem:s13+$0x100];
	v12 =	vmul.f32 v2, v38;
	[tilespmem:s13+$0xB0] =	vst v31  }
0x2e1: {  	v34 =	vld [tilespmem:s13+$0x110];
	v38 =	vmul.f32 v9, v29;
	[tilespmem:s13+$0xFFFFFFC0] =	vst v54  }
0x2e2: {  	v39 =	vld [tilespmem:s13+$0x140];
	v60 =	vmul.f32 v11, v51;
	[tilespmem:s13+$0x170] =	vst v12  }
0x2e3: {  	v55 =	vld [tilespmem:s13+$0x10];
	v29 =	vmul.f32 v3, v21;
	[tilespmem:s13+$0xFFFFFF40] =	vst v38  }
0x2e4: {  	v15 =	vld [tilespmem:s13+$0x70];
	v33 =	vmul.f32 v3, v24;
	[tilespmem:s13+$0xFFFFFFF0] =	vst v60  }
0x2e5: {  	v36 =	vld [tilespmem:s13+$0x120];
	v40 =	vmul.f32 v2, v32;
	[tilespmem:s13+$0xA0] =	vst v29  }
0x2e6: {  	v41 =	vld [tilespmem:s13+$0x150];
	v42 =	vmul.f32 v2, v34;
	[tilespmem:s13+$0xC0] =	vst v33  }
0x2e7: {  	v37 =	vld [tilespmem:s13+$0xFFFFFF80];
	v48 =	vmul.f32 v2, v39;
	[tilespmem:s13+$0x100] =	vst v40  }
0x2e8: {  	v17 =	vld [tilespmem:s13+$0x80];
	v12 =	vmul.f32 v4, v55;
	[tilespmem:s13+$0x110] =	vst v42  }
0x2e9: {  	v28 =	vld [tilespmem:s13+$0xE0];
	v4 =	vmul.f32 v4, v15;
	[tilespmem:s13+$0x140] =	vst v48  }
0x2ea: {  	v43 =	vld [tilespmem:s13+$0x160];
	v44 =	vmul.f32 v2, v36;
	[tilespmem:s13+$0x10] =	vst v12  }
0x2eb: {  	v47 =	vld [tilespmem:s13+$0x190];
	v50 =	vmul.f32 v2, v41;
	[tilespmem:s13+$0x70] =	vst v4  }
0x2ec: {  	v49 =	vld [tilespmem:s13+$0x1A0];
	v46 =	vmul.f32 v11, v37;
	[tilespmem:s13+$0x120] =	vst v44  }
0x2ed: {  	v57 =	vld [tilespmem:s13+$0x1E0];
	v25 =	vmul.f32 v3, v17;
	[tilespmem:s13+$0x150] =	vst v50  }
0x2ee: {  	v59 =	vld [tilespmem:s13+$0x1F0];
	v37 =	vmul.f32 v3, v28;
	[tilespmem:s13+$0xFFFFFF80] =	vst v46  }
0x2ef: {  	v45 =	vld [tilespmem:s13+$0x180];
	v52 =	vmul.f32 v2, v43;
	[tilespmem:s13+$0x80] =	vst v25  }
0x2f0: {  	v26 =	vld [tilespmem:s13+$0xD0];
	v56 =	vmul.f32 v1, v47;
	[tilespmem:s13+$0xE0] =	vst v37  }
0x2f1: {  	v30 =	vld [tilespmem:s13+$0xF0];
	v58 =	vmul.f32 v1, v49;
	[tilespmem:s13+$0x160] =	vst v52  }
0x2f2: {  	v51 =	vld [tilespmem:s13+$0x1B0];
	v62 =	vmul.f32 v1, v57;
	[tilespmem:s13+$0x190] =	vst v56  }
0x2f3: {  	v38 =	vld [tilespmem:s13+$0x130];
	v63 =	vmul.f32 v1, v59;
	[tilespmem:s13+$0x1A0] =	vst v58  }
0x2f4: {  	v53 =	vld [tilespmem:s13+$0x1C0];
	v54 =	vmul.f32 v1, v45;
	[tilespmem:s13+$0x1E0] =	vst v62  }
0x2f5: {  	v55 =	vld [tilespmem:s13+$0x1D0];
	v35 =	vmul.f32 v3, v26;
	[tilespmem:s13+$0x1F0] =	vst v63  }
0x2f6: {  	v3 =	vmul.f32 v3, v30;
	[tilespmem:s13+$0x180] =	vst v54  }
0x2f7: {  	v60 =	vmul.f32 v1, v51;
	[tilespmem:s13+$0xD0] =	vst v35  }
0x2f8: {  	[tilespmem:s13+$0xF0] =	vst v3;
	v46 =	vmul.f32 v2, v38  }
0x2f9: {  	v2 =	vmul.f32 v1, v53;
	[tilespmem:s13+$0x1B0] =	vst v60  }
0x2fa: {  	v61 =	vmul.f32 v1, v55;
	[tilespmem:s13+$0x130] =	vst v46  }
0x2fb: {  	[tilespmem:s13+$0x1C0] =	vst v2  }
0x2fc: {  	s17 =	sadd.s32 $0x80, s17;
	s8 =	simm.s32 @!p0 $0x8;
	[tilespmem:s13+$0x1D0] =	vst v61  }
0x2fd: {  	[spmem:s3] =	stream.indirect.scatter.add.f32 [tilespmem:s25], [sflag:$0x6], $0x80, s17, s20, $0xb8;
	[tilespmem:$0x1FC00] =	vst v63  }
0x2fe: {  	s7 =	smulhi.u32 @!p0 $0xAAAAAAAB, s15;
	_ =	swait.ge @!p0 [sflag:s8], $0x180  }
0x2ff: {  	[sflag:s8] =	ssyncset.done @!p0 $0x0  }
0x300: {  	s7 =	sshrl.u32 @!p0 s7, $0x2;
	[sflag:s8] =	ssyncadd.s32 @!p0 $0xFFFFFE80;
	s8 =	simm.s32 @!p0 $0x5  }
0x301: {  	s7 =	smul.u32 @!p0 $0x6, s7;
	_ =	swait.ge @!p0 [sflag:s8], $0x3C00  }
0x302: {  	p1 =	sgt.u32 s2, $0x19;
	s10 =	simm.s32 @!p0 $0x4800;
	[sflag:s8] =	ssyncset.done @!p0 $0x0  }
0x303: {  	s7 =	ssub.s32 @!p0 s15, s7;
	[sflag:s8] =	ssyncadd.s32 @!p0 $0xFFFFC400;
	s8 =	sadd.s32 @!p1 $0x6, s16  }
0x304: {  	s9 =	simm.s32 @!p0 $0x78;
	s7 =	sshll.u32 @!p0 s7, $0x9;
	s11 =	smulhi.u32 @!p1 $0xAAAAAAAB, s8  }
0x305: {  	[tilespmem:s10], [sflag:$0x2] =	stream.indirect.gather @!p0 [hbm4b:s1+s9], $0x80, s7, s9, $0xb8;
	[tilespmem:$0x1FC00] =	vst v63  }
0x306: {  	s2 =	sadd.s32 $0x1, s2;
	s7 =	sshrl.u32 @!p1 s11, $0x2  }
0x307: {  	p0 =	sne.s32 s2, $0x1C;
	s7 =	smul.u32 @!p1 $0x6, s7  }
.Ltmp6:
0x308: {  	s9 =	sshll.u32 @!p1 s8, $0x9;
	(pc) =	sbr.rel @p0 .LBB2_2-.Ltmp6, $4  }
0x309: {  	s9 =	sadd.s32 @!p1 s5, s9  }
0x30a: {  	s7 =	ssub.s32 @!p1 s8, s7;
	s8 =	sshrl.u32 @!p1 s9, $0x3  }
0x30b: {  	s9 =	simm.s32 @!p1 $0x0;
	s7 =	sshll.u32 @!p1 s7, $0x9;
	s8 =	sadd.s32 @!p1 s6, s8  }
0x30c: {  	[tilespmem:s7], [sflag:$0x7] =	stream.linear.gather @!p1 [hbm4b:s8+s9], $0x180, $0x38;
	[tilespmem:$0x1FC00] =	vst v63  }
0x30d: {  	_ =	swait.ge [sflag:s29], $0x3C00  }
0x30e: {  	[sflag:s29] =	ssyncset.done $0x0  }
0x30f: {  	[sflag:s29] =	ssyncadd.s32 $0xFFFFC400  }
0x310: {  	_ =	swait.ge [sflag:s30], $0x3C00  }
0x311: {  	[sflag:s30] =	ssyncset.done $0x0  }
0x312: {  	[sflag:s30] =	ssyncadd.s32 $0xFFFFC400  }
0x313: {  	_ =	swait.ge [sflag:s31], $0x3C00  }
0x314: {  	[sflag:s31] =	ssyncset.done $0x0  }
0x315: {  	[sflag:s31] =	ssyncadd.s32 $0xFFFFC400  }
0x316: {  	[bflag:$0x0] =	sbarrier.arrive $0xFFFF  }
0x317: {  	s2 =	rddreg [dreg:$0x9]  }
0x318: {  	[hbm:s2], [sflag:s18] =	dma.local [spmem:s19], $0x2780  }
0x319: {  	_ =	swait.ge [sflag:s14], $0x2780  }
0x31a: {  	s0 =	sadd.s32 $0x1, s0;
	s17 =	rddreg [dreg:$0xa]  }
0x31b: {  	p0 =	sne.s32 s0, s17  }
.Ltmp7:
0x31c: {  	_ = 	snop;
	(pc) =	sbr.rel @p0 .LBB2_1-.Ltmp7, $3  }
0x31d: {  	_ =	sdelay $0x1  }
0x31e: {  	[sflag:s14] =	ssyncset.done $0x0  }
0x31f: {  	[sflag:s14] =	ssyncadd.s32 $0xFFFFD880  }
0x320: {  	_ =	sfence.sel $0x180000  }
0x321: {  	[bflag:$0x0] =	sbarrier.arrive $0xFFFF  }
0x322: {  	_ =	strace $0x9000004A  }
0x323: {  	s0 =	stileid.u32;
	[bflag:$0x2] =	sbarrier.arrive $0xFFFF  }
0x324: {  	p0 =	sne.s32 s0, $0x0;
	s0 =	rddreg [dreg:$0x3]  }
0x325: {  	s0 =	sadd.s32 @!p0 $0x100000, s0  }
0x326: {  	[sflag:s0] =	ssyncadd.tile.s32 @!p0 $0x1;
	_ =	shalt  }
.Lfunc_end2:
_tile_overlayer_lowered:
.L_overlay_start_2:
0x327: {  	(tag) =	ssettag $0x2  }
0x328: {  	s0 =	rddreg [dreg:$0x0];
	s2 =	stileid.u32  }
0x329: {  	s1 =	rddreg [dreg:$0x1];
	p0 =	sne.s32 s2, $0x0  }
0x32a: {  	s3 =	rddreg [dreg:$0x2];
	[bflag:$0x3] =	sbarrier.arrive $0xFFFF;
	s2 =	simm.s32 @!p0 $0x1C0A  }
0x32b: {  	[timem:s3], [sflag:s2] =	dma.local @!p0 [hbm:s0], s1  }
0x32c: {  	s0 =	simm.s32 @!p0 $0xA  }
0x32d: {  	_ =	swait.ge @!p0 [sflag:s0], s1  }
0x32e: {  	s1 =	ssub.s32 @!p0 $0x0, s1;
	[sflag:s0] =	ssyncset.done @!p0 $0x0  }
0x32f: {  	[sflag:s0] =	ssyncadd.s32 @!p0 s1  }
0x330: {  	[bflag:$0x3] =	sbarrier.arrive $0xFFFF  }
0x331: {  	_ =	shalt  }

// kernel: kernel.8.cloned.1.call-start
scs
__scs_entry_jumppad:
0x0: {  	(pc) =	sbr.rel $0x88, $3  }
0x1: {  	(tag) =	ssettag $0x0;
	lr =	simm.s32 $0x1  }
0x2: {  	[smem:$0x3F99] =	sst lr;
	_ =	strace $0xD0000000  }
0x3: {  	_ = 	snop  }
0x4: {  	_ = 	snop  }
0x5: {  	_ = 	snop  }
0x6: {  	_ = 	snop  }
0x7: {  	_ = 	snop  }
__scs_overlays_trampoline_lowered:
0x8: {  	[smem:$0x3FA8] =	sst s0  }
0x9: {  	[smem:$0x3FA9] =	sst s1  }
0xa: {  	[smem:$0x3FAA] =	sst s2  }
0xb: {  	[smem:$0x3FAB] =	sst s3  }
0xc: {  	[smem:$0x3FAC] =	sst s4  }
0xd: {  	[smem:$0x3FAD] =	sst s5  }
0xe: {  	[smem:$0x3FAE] =	sst s6  }
0xf: {  	[smem:$0x3FAF] =	sst s7  }
0x10: {  	[smem:$0x3FB0] =	sst s8  }
0x11: {  	[smem:$0x3FB1] =	sst s9;
	s0 =	simm.s32 @!p0 $0x0  }
0x12: {  	s1 =	sld [smem:$0x3F97];
	s0 =	simm.s32 @p0 $0x1  }
0x13: {  	[smem:$0x3FB2] =	sst s0;
	s0 =	simm.s32 @!p1 $0x0  }
0x14: {  	s2 =	sld [smem:$0x3F96];
	s0 =	simm.s32 @p1 $0x1  }
0x15: {  	[smem:$0x3FB3] =	sst s0;
	s0 =	simm.s32 @!p2 $0x0  }
0x16: {  	s3 =	sld [smem:$0x3FDB];
	s0 =	simm.s32 @p2 $0x1  }
0x17: {  	s4 =	simm.s32 $0x1BF5;
	[smem:$0x3FB5] =	sst s0  }
0x18: {  	s0 =	sld [smem:$0x3F98];
	_ =	swait.ge [sflag:s4], $0x0  }
0x19: {  	s7 =	sld [smem:$0x3F99]  }
0x1a: {  	s8 =	sadd.s32 $0xFFFFE003, lr  }
0x1b: {  	s9 =	sadd.s32 $0xFFFFFEF7, lr;
	s5 =	simm.s32 $0xFFFFFFFF;
	p2 =	slt.u32 s8, $0xFFFFF086  }
0x1c: {  	p1 =	slt.u32 s9, $0xF7A;
	s5 =	simm.s32 @!p2 $0x0  }
0x1d: {  	s5 =	simm.s32 @p1 $0x1;
	p0 =	seq.s32 s7, s2  }
0x1e: {  	s7 =	smul.u32 @!p0 $0xF7A, s2;
	p2 =	seq.s32 @!p0 s5, $0x0  }
0x1f: {  	s9 =	smul.u32 $0xF7A, s1;
	s8 =	simm.s32 @!p0 $0x1BF5;
	p2 =	por !p2, p0  }
0x20: {  	[sflag:s8] =	ssyncset.s32 @!p0 $0xFFFFF086;
	s6 =	sadd.s32 @!p0 s3, s7;
	s7 =	simm.s32 @!p0 $0x108  }
0x21: {  	s3 =	sadd.s32 s3, s9;
	s6 =	sadd.s32 @!p0 $0x88, s6;
	s7 =	simm.s32 @p2 $0x1082  }
0x22: {  	[simem:s7], [sflag:s8] =	dma.local @!p0 [hbm:s6], $0xF7A  }
0x23: {  	s9 =	sor.u32 $0xD0000000, s2;
	s6 =	simm.s32 $0x108;
	_ =	swait.ge @!p0 [sflag:s8], $0x0  }
0x24: {  	s3 =	sadd.s32 $0x88, s3;
	s6 =	simm.s32 @!p1 $0x1082;
	[sflag:s4] =	ssyncset.s32 $0xFFFFF086  }
0x25: {  	[simem:s6], [sflag:s4] =	dma.local [hbm:s3], $0xF7A  }
0x26: {  	[smem:$0x3F99] =	sst s1;
	(tag) =	ssettag s2;
	_ =	strace s9  }
0x27: {  	s1 =	sld [smem:$0x3FA9]  }
0x28: {  	s2 =	sld [smem:$0x3FAA]  }
0x29: {  	s4 =	sld [smem:$0x3FAC]  }
0x2a: {  	p0 =	seq.s32 s5, $0x0;
	s5 =	sld [smem:$0x3FAD]  }
0x2b: {  	s6 =	sld [smem:$0x3FAE]  }
0x2c: {  	s7 =	sld [smem:$0x3FAF]  }
0x2d: {  	s3 =	simm.s32 $0x108;
	s8 =	sld [smem:$0x3FB0]  }
0x2e: {  	s3 =	simm.s32 @!p0 $0x1082;
	s9 =	sld [smem:$0x3FB1]  }
0x2f: {  	lr =	sadd.s32 s0, s3;
	s0 =	sld [smem:$0x3FA8]  }
0x30: {  	s3 =	sld [smem:$0x3FAB]  }
0x31: {  	[smem:$0x3FB4] =	sst s10  }
0x32: {  	s10 =	sld [smem:$0x3FB2];
	_ =	sdelay $0x3  }
0x33: {  	p0 =	seq.s32 s10, $0x1;
	s10 =	sld [smem:$0x3FB4];
	_ =	sdelay $0x3  }
0x34: {  	[smem:$0x3FB4] =	sst s10  }
0x35: {  	s10 =	sld [smem:$0x3FB3];
	_ =	sdelay $0x3  }
0x36: {  	p1 =	seq.s32 s10, $0x1;
	s10 =	sld [smem:$0x3FB4];
	_ =	sdelay $0x3  }
0x37: {  	[smem:$0x3FB4] =	sst s10  }
0x38: {  	s10 =	sld [smem:$0x3FB5]  }
0x39: {  	_ = 	snop;
	(pc) =	sbr.ind lr, $3  }
0x3a: {  	_ = 	snop  }
0x3b: {  	_ = 	snop  }
0x3c: {  	p2 =	seq.s32 s10, $0x1;
	s10 =	sld [smem:$0x3FB4]  }
0x3d: {  	_ =	shalt  }
0x3e: {  	_ =	shalt  }
0x3f: {  	_ =	shalt  }
0x40: {  	_ =	shalt  }
0x41: {  	_ =	shalt  }
0x42: {  	_ =	shalt  }
0x43: {  	_ =	shalt  }
0x44: {  	_ =	shalt  }
0x45: {  	_ =	shalt  }
0x46: {  	_ =	shalt  }
0x47: {  	_ =	shalt  }
0x48: {  	_ =	shalt  }
0x49: {  	_ =	shalt  }
0x4a: {  	_ =	shalt  }
0x4b: {  	_ =	shalt  }
0x4c: {  	_ =	shalt  }
0x4d: {  	_ =	shalt  }
0x4e: {  	_ =	shalt  }
0x4f: {  	_ =	shalt  }
0x50: {  	_ =	shalt  }
0x51: {  	_ =	shalt  }
0x52: {  	_ =	shalt  }
0x53: {  	_ =	shalt  }
0x54: {  	_ =	shalt  }
0x55: {  	_ =	shalt  }
0x56: {  	_ =	shalt  }
0x57: {  	_ =	shalt  }
0x58: {  	_ =	shalt  }
0x59: {  	_ =	shalt  }
0x5a: {  	_ =	shalt  }
0x5b: {  	_ =	shalt  }
0x5c: {  	_ =	shalt  }
0x5d: {  	_ =	shalt  }
0x5e: {  	_ =	shalt  }
0x5f: {  	_ =	shalt  }
0x60: {  	_ =	shalt  }
0x61: {  	_ =	shalt  }
0x62: {  	_ =	shalt  }
0x63: {  	_ =	shalt  }
0x64: {  	_ =	shalt  }
0x65: {  	_ =	shalt  }
0x66: {  	_ =	shalt  }
0x67: {  	_ =	shalt  }
0x68: {  	_ =	shalt  }
0x69: {  	_ =	shalt  }
0x6a: {  	_ =	shalt  }
0x6b: {  	_ =	shalt  }
0x6c: {  	_ =	shalt  }
0x6d: {  	_ =	shalt  }
0x6e: {  	_ =	shalt  }
0x6f: {  	_ =	shalt  }
0x70: {  	_ =	shalt  }
0x71: {  	_ =	shalt  }
0x72: {  	_ =	shalt  }
0x73: {  	_ =	shalt  }
0x74: {  	_ =	shalt  }
0x75: {  	_ =	shalt  }
0x76: {  	_ =	shalt  }
0x77: {  	_ =	shalt  }
0x78: {  	_ =	shalt  }
0x79: {  	_ =	shalt  }
0x7a: {  	_ =	shalt  }
0x7b: {  	_ =	shalt  }
0x7c: {  	_ =	shalt  }
0x7d: {  	_ =	shalt  }
0x7e: {  	_ =	shalt  }
0x7f: {  	_ =	shalt  }
0x80: {  	_ =	shalt  }
0x81: {  	_ =	shalt  }
0x82: {  	_ =	shalt  }
0x83: {  	_ =	shalt  }
0x84: {  	_ =	shalt  }
0x85: {  	_ =	shalt  }
0x86: {  	_ =	shalt  }
0x87: {  	_ =	shalt  }
.Lfunc_end0:
.L_simem_size_0:
called_computation_lowered:
.L_overlay_start_0:
0x88: {  	s2 =	sld [smem:$0x3FD9]  }
0x89: {  	s3 =	sld [smem:$0x3FFE];
	_ =	sdelay $0x1  }
0x8a: {  	s1 =	srdreg.scid  }
0x8b: {  	s0 =	sand.u32 $0x1, s1  }
0x8c: {  	s17 =	sshll.u32 s0, $0xA;
	s2 =	sadd.s32 s3, s2  }
0x8d: {  	s2 =	sadd.s32 s2, s17  }
0x8e: {  	[smem:$0x3FC0] =	sst s2  }
0x8f: {  	_ = 	snop  }
0x90: {  	s2 =	sld [smem:$0x3FD0];
	(tm) =	ssettm $0x1  }
0x91: {  	s18 =	sld [smem:$0x3FFB];
	_ =	sdelay $0x3  }
0x92: {  	_ =	strace s18  }
0x93: {  	s3 =	sld [smem:$0x3FFC];
	_ =	sdelay $0x3  }
0x94: {  	_ =	strace s3  }
0x95: {  	s3 =	sld [smem:$0x3FFD];
	_ =	sdelay $0x3  }
0x96: {  	_ =	strace s3  }
0x97: {  	_ =	strace $0x8FFFFFFF  }
0x98: {  	s19 =	sld [smem:$0x3FDB];
	_ =	sdelay $0x1  }
0x99: {  	s4 =	simm.s32 $_scs_section_size  }
0x9a: {  	s5 =	simm.s32 $_size__tile_overlayer_lowered;
	s6 =	simm.s32 $_tile_overlayer_lowered  }
0x9b: {  	s22 =	simm.s32 $0x1BFF;
	s21 =	sshll.u32 s6, $0x1;
	s3 =	sadd.s32 s4, s19  }
0x9c: {  	s7 =	simm.s32 $0x0;
	s20 =	sshll.u32 s5, $0x1;
	s5 =	sadd.s32 s21, s3  }
0x9d: {  	[timem:s7], [sflag:s22] =	dma.local [hbm:s5], s20  }
0x9e: {  	_ =	swait.ge [sflag:s22], s20  }
0x9f: {  	s4 =	ssub.s32 $0x0, s20;
	[sflag:s22] =	ssyncset.done $0x0  }
0xa0: {  	[sflag:s22] =	ssyncadd.s32 s4;
	_ =	sdelay $0x1  }
0xa1: {  	s23 =	simm.s32 $0x1B8B  }
0xa2: {  	_ =	swait.ge [sflag:s23], $0x1  }
0xa3: {  	[sflag:s23] =	ssyncset.done $0x0  }
0xa4: {  	s25 =	simm.s32 $0x1B8E;
	s24 =	sld [smem:$0x3FFE];
	[sflag:s23] =	ssyncadd.s32 $0xFFFFFFFF  }
0xa5: {  	s26 =	simm.s32 $execute0_lowered;
	[smem:$0x3FD2] =	sst s25  }
0xa6: {  	s5 =	sshll.u32 s26, $0x1;
	_ =	strace $0x80000046;
	[dreg:$0x1] =	wrdreg $0xFFFFFFFF  }
0xa7: {  	s28 =	simm.s32 $_size_execute0_lowered;
	s3 =	sadd.s32 s3, s5;
	[dreg:$0x0] =	wrdreg $0x0  }
0xa8: {  	s5 =	sshll.u32 s28, $0x1;
	[dreg:$0x2] =	wrdreg s3  }
0xa9: {  	[dreg:$0x3] =	wrdreg s5  }
0xaa: {  	[dreg:$0x4] =	wrdreg $0xC0  }
0xab: {  	_ =	task [dreg:s7], $0x5FFFF  }
0xac: {  	[dreg:$0x1] =	wrdreg $0xFFFFFFFF  }
0xad: {  	[dreg:$0x0] =	wrdreg $0x60  }
0xae: {  	[dreg:$0x2] =	wrdreg s2  }
0xaf: {  	[dreg:$0x3] =	wrdreg s24  }
0xb0: {  	[dreg:$0x4] =	wrdreg $0xC0000  }
0xb1: {  	[dreg:$0x5] =	wrdreg $0x9  }
0xb2: {  	_ =	task.clear_ibuf [dreg:s7], $0x6FFFF;
	_ =	strace $0x90000046  }
0xb3: {  	s29 =	simm.s32 $0x9;
	_ =	strace $0x80000048  }
0xb4: {  	_ =	swait.ge [sflag:s29], $0x1  }
0xb5: {  	[sflag:s29] =	ssyncadd.s32 $0xFFFFFFFF  }
0xb6: {  	_ =	strace $0x90000048  }
0xb7: {  	_ =	sfence  }
0xb8: {  	s30 =	sld [smem:$0x0];
	_ =	sdelay $0x2  }
0xb9: {  	s31 =	sshll.u32 s1, $0xD;
	s1 =	sshrl.u32 s1, $0x2  }
0xba: {  	s3 =	sand.u32 $0x4000, s31;
	s1 =	sadd.s32 s1, s30  }
0xbb: {  	s0 =	sor.u32 s3, s0;
	s1 =	sshll.u32 s1, $0x11  }
0xbc: {  	s0 =	sor.u32 s1, s0  }
0xbd: {  	s0 =	sadd.s32 $0x8F2B, s0  }
0xbe: {  	[sflag:s0] =	ssyncadd.remote.s32 $0x1  }
0xbf: {  	_ =	sfence.sel $0xFFFF  }
0xc0: {  	[dreg:$0x0] =	wrdreg $0xFFFFFFFF;
	(pc) =	sbr.abs _section_cstart, $3  }
0xc1: {  	[dreg:$0x1] =	wrdreg $0xFFFFFFFF  }
0xc2: {  	_ =	task.clear_ibuf [dreg:s7], $0x2FFFF;
	_ =	strace $0x9FFFFFFF  }
0xc3: {  	(tm) =	ssettm $0x7FFFFFFF  }
tec
execute0_lowered:
.L_overlay_start_1:
0x0: {  	(tag) =	ssettag $0x1  }
0x1: {  	s1 =	rddreg [dreg:$0x0]  }
0x2: {  	s0 =	rddreg [dreg:$0x1]  }
0x3: {  	s3 =	rddreg [dreg:$0x2];
	s2 =	srdreg.scid  }
0x4: {  	s10 =	stileid.u32;
	s4 =	simm.s32 $0x0;
	s14 =	simm.s32 $0xA  }
0x5: {  	s28 =	simm.s32 $0x3;
	s29 =	simm.s32 $0x4;
	s30 =	simm.s32 $0x5  }
0x6: {  	s31 =	simm.s32 $0x6;
	s2 =	sand.u32 $0x1, s2;
	s6 =	smul.u32 $0x13C00, s10  }
0x7: {  	[smem:$0x7FF] =	sst s4;
	s18 =	sadd.s32 $0x2BC00, s0;
	s9 =	smul.u32 $0x4F000, s10  }
0x8: {  	s26 =	sshll.u32 s10, $0x6;
	s5 =	smul.u32 $0x13C000, s2;
	s7 =	sshll.u32 s2, $0x4  }
0x9: {  	_ =	strace $0x80000047;
	[dreg:$0x4] =	wrdreg s18;
	s2 =	ssub.s32 $0x2, s2  }
0xa: {  	s18 =	sor.u32 $0x1C0A, s26;
	s26 =	simm.s32 $0x2;
	s7 =	sor.u32 s10, s7  }
0xb: {  	s21 =	sshrl.u32 s2, $0x1;
	s23 =	sshrl.u32 s9, $0x2;
	s8 =	sadd.s32 s6, s5  }
0xc: {  	s5 =	smul.u32 $0xA800, s7;
	s6 =	sadd.s32 $0x1C00, s0;
	s2 =	ssub.s32 s2, s21  }
0xd: {  	s7 =	sadd.s32 s23, s3;
	s21 =	simm.s32 $0xC00;
	s23 =	simm.s32 $0x1  }
0xe: {  	s19 =	sshrl.u32 s8, $0x3;
	s25 =	smax.u32 s2, $0x1;
	s20 =	sshrl.u32 s5, $0x3  }
0xf: {  	s0 =	sadd.s32 s19, s0;
	[dreg:$0xa] =	wrdreg s25;
	s8 =	sadd.s32 s6, s20  }
0x10: {  	s19 =	sshrl.u32 s7, $0x3;
	s0 =	sadd.s32 $0x2E400, s0;
	[dreg:$0x5] =	wrdreg s8  }
0x11: {  	s25 =	simm.s32 $0x8400;
	s22 =	sadd.s32 $0x40, s8;
	[dreg:$0x9] =	wrdreg s0  }
0x12: {  	s20 =	simm.s32 $0x78;
	s24 =	sadd.s32 $0x80, s8;
	[dreg:$0x6] =	wrdreg s22  }
0x13: {  	s8 =	sadd.s32 $0xC0, s8;
	s0 =	simm.s32 $0x0;
	[dreg:$0x7] =	wrdreg s24  }
0x14: {  	[dreg:$0x8] =	wrdreg s8;
	s22 =	simm.s32 $0x4800;
	s24 =	simm.s32 $0x9  }
.LBB2_1:
0x15: {  	s2 =	rddreg [dreg:$0x5]  }
0x16: {  	[tilespmem:s4], [sflag:$0xA] =	stream.linear.gather [hbm4b:s2+s4], $0x180, $0x38;
	[tilespmem:$0x1FC00] =	vst v63  }
0x17: {  	_ =	swait.ge [sflag:s14], $0x180  }
0x18: {  	[sflag:s14] =	ssyncset.done $0x0  }
0x19: {  	s7 =	simm.s32 $0x200;
	s12 =	rddreg [dreg:$0x6];
	[sflag:s14] =	ssyncadd.s32 $0xFFFFFE80  }
0x1a: {  	[tilespmem:s7], [sflag:$0xA] =	stream.linear.gather [hbm4b:s12+s4], $0x180, $0x38;
	[tilespmem:$0x1FC00] =	vst v63  }
0x1b: {  	_ =	swait.ge [sflag:s14], $0x180  }
0x1c: {  	[sflag:s14] =	ssyncset.done $0x0;
	s13 =	rddreg [dreg:$0x7]  }
0x1d: {  	s8 =	simm.s32 $0x400;
	s15 =	rddreg [dreg:$0x8];
	[sflag:s14] =	ssyncadd.s32 $0xFFFFFE80  }
0x1e: {  	[tilespmem:s8], [sflag:$0x9] =	stream.linear.gather [hbm4b:s13+s4], $0x180, $0x38;
	[tilespmem:$0x1FC00] =	vst v63  }
0x1f: {  	s16 =	simm.s32 $0x600;
	s17 =	rddreg [dreg:$0x4]  }
0x20: {  	[tilespmem:s16], [sflag:$0x7] =	stream.linear.gather [hbm4b:s15+s4], $0x180, $0x38;
	[tilespmem:$0x1FC00] =	vst v63  }
0x21: {  	[spmem:s19], [sflag:s18] =	dma.local [hbm:s17], $0x2780  }
0x22: {  	_ =	swait.ge [sflag:s14], $0x2780  }
0x23: {  	[sflag:s14] =	ssyncset.done $0x0  }
0x24: {  	[sflag:s14] =	ssyncadd.s32 $0xFFFFD880  }
0x25: {  	[bflag:$0x0] =	sbarrier.arrive $0xFFFF  }
0x26: {  	[tilespmem:s21], [sflag:$0x1] =	stream.indirect.gather [hbm4b:s1+s20], $0x80, s4, s20, $0xb8;
	[tilespmem:$0x1FC00] =	vst v63  }
0x27: {  	s2 =	simm.s32 $0x0  }
0x28: {  	[tilespmem:s22], [sflag:$0x2] =	stream.indirect.gather [hbm4b:s1+s20], $0x80, s7, s20, $0xb8;
	[tilespmem:$0x1FC00] =	vst v63  }
.LBB2_2:
0x29: {  	s7 =	smul.u32 $0x201, s2;
	_ =	sdelay $0x1  }
0x2a: {  	s7 =	sshrl.u32 s7, $0xA  }
0x2b: {  	s16 =	smul.u32 $0x3, s2;
	s7 =	sand.u32 $0x3F, s7  }
0x2c: {  	s7 =	smul.u32 $0x6, s7;
	_ =	sdelay $0x1  }
0x2d: {  	s9 =	simm.s32 $0x0;
	_ =	swait.ge [sflag:s23], $0x3C00;
	s7 =	ssub.s32 s16, s7  }
0x2e: {  	s15 =	simm.s32 $0x6;
	[sflag:s23] =	ssyncset.done $0x0;
	s7 =	sand.u32 $0xFF, s7  }
0x2f: {  	v0 =	vmov s9;
	v1 =	vmov s15;
	[sflag:s23] =	ssyncadd.s32 $0xFFFFC400;
	s15 =	sshll.u32 s7, $0x9;
	s7 =	simm.s32 $0xE00  }
0x30: {  	v0 =	vand.u32 $0xFFFFFFF8, v0;
	v3 =	vld [tilespmem:s7+$0x170]  }
0x31: {  	v1 =	vand.u32 $0xFFFFFFFE, v1;
	v0 =	vbroadcast v0, $0x0;
	v4 =	vld [tilespmem:s7+$0xFFFFFE00]  }
0x32: {  	v1 =	vbroadcast v1, $0x0;
	v5 =	vld [tilespmem:s7+$0xFFFFFE10]  }
0x33: {  	s10 =	simm.s32 $0x1;
	v6 =	vld [tilespmem:s7+$0xFFFFFE20]  }
0x34: {  	v2 =	vmov s10;
	v7 =	vld [tilespmem:s7+$0xFFFFFE30]  }
0x35: {  	v2 =	vand.u32 $0xFFFFFFF9, v2;
	v8 =	vld [tilespmem:s7+$0xFFFFFE40]  }
0x36: {  	v2 =	vbroadcast v2, $0x0;
	s9 =	sor.u32 $0x100, s15;
	v9 =	vld [tilespmem:s7+$0xFFFFFE50]  }
0x37: {  	v0 =	vld.idx.msk [tilespmem:v0+s9+$0x0], $0xffff  }
0x38: {  	v1 =	vld.idx.msk [tilespmem:v1+s9+$0x0], $0xffff  }
0x39: {  	v10 =	vld [tilespmem:s7+$0xFFFFFE60]  }
0x3a: {  	v11 =	vld [tilespmem:s7+$0xFFFFFE70]  }
0x3b: {  	v12 =	vld [tilespmem:s7+$0xFFFFFE80]  }
0x3c: {  	v2 =	vld.idx.msk [tilespmem:v2+s9+$0x0], $0xffff;
	v4 =	vmul.f32 v0, v4  }
0x3d: {  	v13 =	vld [tilespmem:s7+$0xFFFFFE90];
	v3 =	vmul.f32 v1, v3  }
0x3e: {  	v14 =	vld [tilespmem:s7+$0xFFFFFEA0];
	v5 =	vmul.f32 v0, v5;
	[tilespmem:s7+$0xFFFFFE00] =	vst v4  }
0x3f: {  	s17 =	simm.s32 $0x2;
	v15 =	vld [tilespmem:s7+$0xFFFFFEB0];
	v7 =	vmul.f32 v0, v7;
	[tilespmem:s7+$0x170] =	vst v3  }
0x40: {  	v8 =	vmul.f32 v0, v8;
	v4 =	vmov s17;
	v3 =	vmul.f32 v0, v6;
	v6 =	vld [tilespmem:s7+$0xFFFFFEC0];
	[tilespmem:s7+$0xFFFFFE10] =	vst v5  }
0x41: {  	v5 =	vmul.f32 v2, v12;
	v12 =	vld [tilespmem:s7+$0xFFFFFED0];
	[tilespmem:s7+$0xFFFFFE30] =	vst v7;
	v4 =	vand.u32 $0xFFFFFFFA, v4  }
0x42: {  	v7 =	vmul.f32 v0, v9;
	v9 =	vld [tilespmem:s7+$0xFFFFFEF0];
	[tilespmem:s7+$0xFFFFFE40] =	vst v8;
	v4 =	vbroadcast v4, $0x0  }
0x43: {  	v8 =	vmul.f32 v0, v10;
	v10 =	vld [tilespmem:s7+$0xFFFFFF00];
	[tilespmem:s7+$0xFFFFFE20] =	vst v3  }
0x44: {  	v0 =	vmul.f32 v0, v11;
	v11 =	vld [tilespmem:s7+$0xFFFFFF20];
	[tilespmem:s7+$0xFFFFFE80] =	vst v5  }
0x45: {  	s8 =	simm.s32 $0x3;
	v3 =	vld [tilespmem:s7+$0xFFFFFEE0];
	[tilespmem:s7+$0xFFFFFE50] =	vst v7  }
0x46: {  	v5 =	vmov s8;
	v7 =	vld [tilespmem:s7+$0xFFFFFF10];
	[tilespmem:s7+$0xFFFFFE60] =	vst v8;
	v8 =	vmul.f32 v2, v13  }
0x47: {  	[tilespmem:s7+$0xFFFFFE70] =	vst v0;
	v0 =	vmul.f32 v2, v14;
	v13 =	vld [tilespmem:s7+$0xFFFFFF30];
	v5 =	vand.u32 $0xFFFFFFFB, v5  }
0x48: {  	v5 =	vbroadcast v5, $0x0;
	[tilespmem:s7+$0xFFFFFE90] =	vst v8;
	v8 =	vmul.f32 v2, v15;
	v4 =	vld.idx.msk [tilespmem:v4+s9+$0x0], $0xffff  }
0x49: {  	v14 =	vld [tilespmem:s7+$0xFFFFFF40];
	[tilespmem:s7+$0xFFFFFEA0] =	vst v0;
	v6 =	vmul.f32 v2, v6  }
0x4a: {  	v12 =	vmul.f32 v2, v12;
	[tilespmem:s7+$0xFFFFFEB0] =	vst v8;
	v8 =	vld [tilespmem:s7+$0xFFFFFF60]  }
0x4b: {  	[tilespmem:s7+$0xFFFFFEC0] =	vst v6;
	v3 =	vmul.f32 v2, v3;
	v6 =	vld [tilespmem:s7+$0xFFFFFF70]  }
0x4c: {  	[tilespmem:s7+$0xFFFFFED0] =	vst v12;
	v2 =	vmul.f32 v2, v9;
	v9 =	vld [tilespmem:s7+$0xFFFFFF80]  }
0x4d: {  	v12 =	vld [tilespmem:s7+$0xFFFFFFB0];
	[tilespmem:s7+$0xFFFFFEE0] =	vst v3;
	v0 =	vmul.f32 v4, v10  }
0x4e: {  	[tilespmem:s7+$0xFFFFFEF0] =	vst v2;
	v5 =	vld.idx.msk [tilespmem:v5+s9+$0x0], $0xffff;
	v3 =	vmul.f32 v4, v7  }
0x4f: {  	s11 =	simm.s32 $0x4;
	v10 =	vld [tilespmem:s7+$0xFFFFFF50];
	v2 =	vmul.f32 v4, v11;
	[tilespmem:s7+$0xFFFFFF00] =	vst v0  }
0x50: {  	v7 =	vld [tilespmem:s7+$0xFFFFFF90];
	v8 =	vmul.f32 v4, v8;
	v0 =	vmov s11;
	[tilespmem:s7+$0xFFFFFF10] =	vst v3  }
0x51: {  	v11 =	vld [tilespmem:s7+$0xFFFFFFA0];
	v3 =	vmul.f32 v4, v13;
	[tilespmem:s7+$0xFFFFFF20] =	vst v2;
	v0 =	vand.u32 $0xFFFFFFFC, v0  }
0x52: {  	v2 =	vmul.f32 v4, v14;
	v13 =	vld [tilespmem:s7+$0xFFFFFFC0];
	[tilespmem:s7+$0xFFFFFF60] =	vst v8;
	v0 =	vbroadcast v0, $0x0  }
0x53: {  	v8 =	vld [tilespmem:s7+$0x0];
	[tilespmem:s7+$0xFFFFFF30] =	vst v3;
	v3 =	vmul.f32 v5, v9  }
0x54: {  	s12 =	simm.s32 $0x5;
	v9 =	vld [tilespmem:s7+$0xFFFFFFD0];
	[tilespmem:s7+$0xFFFFFF40] =	vst v2;
	v10 =	vmul.f32 v4, v10  }
0x55: {  	v2 =	vld [tilespmem:s7+$0xFFFFFFE0];
	v4 =	vmul.f32 v4, v6;
	[tilespmem:s7+$0xFFFFFF80] =	vst v3;
	v3 =	vmov s12  }
0x56: {  	v6 =	vld [tilespmem:s7+$0xFFFFFFF0];
	v7 =	vmul.f32 v5, v7;
	[tilespmem:s7+$0xFFFFFF50] =	vst v10;
	v3 =	vand.u32 $0xFFFFFFFD, v3  }
0x57: {  	[tilespmem:s7+$0xFFFFFF70] =	vst v4;
	v4 =	vmul.f32 v5, v11;
	v10 =	vld [tilespmem:s7+$0x10];
	v3 =	vbroadcast v3, $0x0  }
0x58: {  	[tilespmem:s7+$0xFFFFFF90] =	vst v7;
	v7 =	vmul.f32 v5, v12;
	v0 =	vld.idx.msk [tilespmem:v0+s9+$0x0], $0xffff  }
0x59: {  	v11 =	vld [tilespmem:s7+$0x20];
	[tilespmem:s7+$0xFFFFFFA0] =	vst v4;
	v4 =	vmul.f32 v5, v13  }
0x5a: {  	v12 =	vld [tilespmem:s7+$0x30];
	[tilespmem:s7+$0xFFFFFFB0] =	vst v7;
	v7 =	vmul.f32 v5, v9  }
0x5b: {  	v9 =	vld [tilespmem:s7+$0x40];
	v2 =	vmul.f32 v5, v2;
	[tilespmem:s7+$0xFFFFFFC0] =	vst v4  }
0x5c: {  	v5 =	vmul.f32 v5, v6;
	[tilespmem:s7+$0xFFFFFFD0] =	vst v7;
	v7 =	vld [tilespmem:s7+$0x60]  }
0x5d: {  	[tilespmem:s7+$0xFFFFFFE0] =	vst v2;
	v3 =	vld.idx.msk [tilespmem:v3+s9+$0x0], $0xffff;
	v4 =	vmul.f32 v0, v8  }
0x5e: {  	[tilespmem:s7+$0xFFFFFFF0] =	vst v5;
	v8 =	vld [tilespmem:s7+$0x50];
	v5 =	vmul.f32 v0, v11  }
0x5f: {  	v2 =	vmul.f32 v0, v10;
	v10 =	vld [tilespmem:s7+$0x90];
	[tilespmem:s7+$0x0] =	vst v4  }
0x60: {  	v6 =	vld [tilespmem:s7+$0x80];
	[tilespmem:s7+$0x20] =	vst v5;
	v5 =	vmul.f32 v0, v9  }
0x61: {  	v4 =	vld [tilespmem:s7+$0x70];
	[tilespmem:s7+$0x10] =	vst v2;
	v2 =	vmul.f32 v0, v12  }
0x62: {  	v9 =	vld [tilespmem:s7+$0xA0];
	[tilespmem:s7+$0x40] =	vst v5;
	v5 =	vmul.f32 v0, v7  }
0x63: {  	[tilespmem:s7+$0x30] =	vst v2;
	v7 =	vld [tilespmem:s7+$0xC0];
	v2 =	vmul.f32 v0, v8  }
0x64: {  	v8 =	vld [tilespmem:s7+$0xB0];
	v10 =	vmul.f32 v3, v10;
	[tilespmem:s7+$0x60] =	vst v5  }
0x65: {  	v5 =	vld [tilespmem:s7+$0xE0];
	[tilespmem:s7+$0x50] =	vst v2;
	v2 =	vmul.f32 v3, v6  }
0x66: {  	v6 =	vld [tilespmem:s7+$0xD0];
	v4 =	vmul.f32 v0, v4;
	[tilespmem:s7+$0x90] =	vst v10  }
0x67: {  	v10 =	vld [tilespmem:s7+$0x150];
	[tilespmem:s7+$0x80] =	vst v2  }
0x68: {  	[tilespmem:s7+$0x70] =	vst v4;
	v2 =	vmul.f32 v3, v9;
	v4 =	vld [tilespmem:s7+$0xF0]  }
0x69: {  	v9 =	vld [tilespmem:s7+$0x100];
	v8 =	vmul.f32 v3, v8  }
0x6a: {  	s13 =	simm.s32 $0x7;
	[tilespmem:s7+$0xA0] =	vst v2;
	v2 =	vmul.f32 v3, v7;
	v7 =	vld [tilespmem:s7+$0x110]  }
0x6b: {  	v13 =	vld [tilespmem:s7+$0x180];
	v11 =	vmov s13;
	[tilespmem:s7+$0xB0] =	vst v8;
	v6 =	vmul.f32 v3, v6  }
0x6c: {  	v8 =	vld [tilespmem:s7+$0x120];
	v10 =	vmul.f32 v1, v10;
	[tilespmem:s7+$0xC0] =	vst v2  }
0x6d: {  	s13 =	simm.s32 $0xC;
	v2 =	vmul.f32 v3, v5;
	v5 =	vld [tilespmem:s7+$0x130];
	[tilespmem:s7+$0xD0] =	vst v6;
	v3 =	vmul.f32 v3, v4  }
0x6e: {  	s17 =	simm.s32 $0x8;
	v14 =	vmov s13;
	v4 =	vld [tilespmem:s7+$0x140];
	[tilespmem:s7+$0x150] =	vst v10  }
0x6f: {  	s11 =	simm.s32 $0x9;
	s12 =	simm.s32 $0xA;
	v6 =	vmov s17;
	v9 =	vmul.f32 v1, v9;
	[tilespmem:s7+$0xF0] =	vst v3;
	v3 =	vmul.f32 v1, v7;
	v7 =	vld [tilespmem:s7+$0x160]  }
0x70: {  	s8 =	simm.s32 $0xF;
	v12 =	vmov s12;
	v0 =	vld.idx.msk [tilespmem:v11+s9+$0x0], $0xffff;
	v11 =	vmov s11;
	s17 =	simm.s32 $0xD;
	[tilespmem:s7+$0xE0] =	vst v2;
	v6 =	vand.u32 $0xFFFFFFF8, v6  }
0x71: {  	v16 =	vld [tilespmem:s7+$0x190];
	s12 =	simm.s32 $0xB;
	v2 =	vmov s8;
	v17 =	vmov s17;
	[tilespmem:s7+$0x100] =	vst v9;
	v8 =	vmul.f32 v1, v8  }
0x72: {  	v9 =	vmov s12;
	[tilespmem:s7+$0x110] =	vst v3;
	v15 =	vmul.f32 v1, v5;
	v3 =	vbroadcast v6, $0x0;
	v5 =	vld [tilespmem:s7+$0x1A0]  }
0x73: {  	v6 =	vld [tilespmem:s7+$0x1B0];
	[tilespmem:s7+$0x120] =	vst v8;
	v8 =	vmul.f32 v1, v4;
	v4 =	vand.u32 $0xFFFFFFF9, v11;
	v11 =	vand.u32 $0xFFFFFFFA, v12  }
0x74: {  	v12 =	vand.u32 $0xFFFFFFFB, v9;
	[tilespmem:s7+$0x130] =	vst v15;
	v4 =	vbroadcast v4, $0x0;
	v15 =	vmul.f32 v1, v7;
	v7 =	vld [tilespmem:s7+$0x1C0]  }
0x75: {  	v9 =	vbroadcast v11, $0x0;
	[tilespmem:s7+$0x140] =	vst v8;
	v1 =	vand.u32 $0xFFFFFFFC, v14;
	v14 =	vmul.f32 v0, v13;
	v8 =	vld [tilespmem:s7+$0x1D0]  }
0x76: {  	s10 =	simm.s32 $0x10;
	s11 =	simm.s32 $0xE;
	v10 =	vld [tilespmem:s7+$0x1E0];
	v11 =	vbroadcast v12, $0x0;
	v12 =	vmul.f32 v0, v16;
	v13 =	vand.u32 $0xFFFFFFFD, v17;
	[tilespmem:s7+$0x160] =	vst v15  }
.LBB2_3:
0x77: {  	p0 =	slt.u32 s10, $0x70;
	v1 =	vbroadcast v1, $0x0;
	v15 =	vmov s11;
	[tilespmem:s7+$0x180] =	vst v14;
	v5 =	vmul.f32 v0, v5;
	v14 =	vld [tilespmem:s7+$0x1F0]  }
0x78: {  	v13 =	vbroadcast v13, $0x0;
	v15 =	vand.u32 $0xFFFFFFFE, v15;
	v16 =	vld.idx.msk [tilespmem:v2+s9+$0x0], $0xffff;
	[tilespmem:s7+$0x190] =	vst v12;
	v2 =	vmul.f32 v0, v6  }
0x79: {  	v6 =	vld.idx.msk [tilespmem:v3+s9+$0x0], $0xffff;
	v12 =	vbroadcast v15, $0x0;
	[tilespmem:s7+$0x1A0] =	vst v5;
	v3 =	vmul.f32 v0, v7  }
0x7a: {  	v5 =	vld.idx.msk [tilespmem:v4+s9+$0x0], $0xffff;
	[tilespmem:s7+$0x1B0] =	vst v2;
	v2 =	vmul.f32 v0, v8  }
0x7b: {  	v7 =	vld.idx.msk [tilespmem:v9+s9+$0x0], $0xffff;
	[tilespmem:s7+$0x1C0] =	vst v3;
	v8 =	vmul.f32 v0, v10  }
0x7c: {  	v4 =	vld.idx.msk [tilespmem:v11+s9+$0x0], $0xffff;
	[tilespmem:s7+$0x1D0] =	vst v2;
	v9 =	vmul.f32 v0, v14  }
0x7d: {  	v3 =	vld.idx.msk [tilespmem:v1+s9+$0x0], $0xffff;
	[tilespmem:s7+$0x1E0] =	vst v8  }
0x7e: {  	v0 =	vmov v16;
	v2 =	vld.idx.msk [tilespmem:v13+s9+$0x0], $0xffff;
	[tilespmem:s7+$0x1F0] =	vst v9  }
0x7f: {  	s7 =	sadd.s32 $0x400, s7;
	v1 =	vld.idx.msk [tilespmem:v12+s9+$0x0], $0xffff  }
0x80: {  	v8 =	vld [tilespmem:s7+$0x170]  }
0x81: {  	v9 =	vld [tilespmem:s7+$0xFFFFFE00]  }
0x82: {  	v10 =	vld [tilespmem:s7+$0xFFFFFE10]  }
0x83: {  	v11 =	vld [tilespmem:s7+$0xFFFFFE20]  }
0x84: {  	v12 =	vld [tilespmem:s7+$0xFFFFFE30]  }
0x85: {  	v13 =	vld [tilespmem:s7+$0xFFFFFE40];
	v8 =	vmul.f32 v1, v8  }
0x86: {  	v9 =	vmul.f32 v6, v9;
	v14 =	vld [tilespmem:s7+$0xFFFFFE50]  }
0x87: {  	v10 =	vmul.f32 v6, v10;
	v15 =	vld [tilespmem:s7+$0xFFFFFE60];
	[tilespmem:s7+$0x170] =	vst v8  }
0x88: {  	[tilespmem:s7+$0xFFFFFE00] =	vst v9;
	v8 =	vmul.f32 v6, v11;
	v9 =	vld [tilespmem:s7+$0xFFFFFE70]  }
0x89: {  	[tilespmem:s7+$0xFFFFFE10] =	vst v10;
	v10 =	vmul.f32 v6, v12;
	v11 =	vld [tilespmem:s7+$0xFFFFFE80]  }
0x8a: {  	[tilespmem:s7+$0xFFFFFE20] =	vst v8;
	v8 =	vmul.f32 v6, v13;
	v12 =	vld [tilespmem:s7+$0xFFFFFE90]  }
0x8b: {  	[tilespmem:s7+$0xFFFFFE30] =	vst v10;
	v10 =	vmul.f32 v6, v14;
	v13 =	vld [tilespmem:s7+$0xFFFFFEA0]  }
0x8c: {  	[tilespmem:s7+$0xFFFFFE40] =	vst v8;
	v8 =	vmul.f32 v6, v15;
	v14 =	vld [tilespmem:s7+$0xFFFFFEB0]  }
0x8d: {  	[tilespmem:s7+$0xFFFFFE50] =	vst v10;
	v6 =	vmul.f32 v6, v9;
	v9 =	vld [tilespmem:s7+$0xFFFFFEC0]  }
0x8e: {  	[tilespmem:s7+$0xFFFFFE60] =	vst v8;
	v8 =	vmul.f32 v5, v11;
	v10 =	vld [tilespmem:s7+$0xFFFFFED0]  }
0x8f: {  	[tilespmem:s7+$0xFFFFFE70] =	vst v6;
	v6 =	vmul.f32 v5, v12;
	v11 =	vld [tilespmem:s7+$0xFFFFFEE0]  }
0x90: {  	[tilespmem:s7+$0xFFFFFE80] =	vst v8;
	v8 =	vmul.f32 v5, v13;
	v12 =	vld [tilespmem:s7+$0xFFFFFEF0]  }
0x91: {  	[tilespmem:s7+$0xFFFFFE90] =	vst v6;
	v6 =	vmul.f32 v5, v14;
	v13 =	vld [tilespmem:s7+$0xFFFFFF00]  }
0x92: {  	[tilespmem:s7+$0xFFFFFEA0] =	vst v8;
	v8 =	vmul.f32 v5, v9;
	v9 =	vld [tilespmem:s7+$0xFFFFFF10]  }
0x93: {  	[tilespmem:s7+$0xFFFFFEB0] =	vst v6;
	v6 =	vmul.f32 v5, v10;
	v10 =	vld [tilespmem:s7+$0xFFFFFF20]  }
0x94: {  	[tilespmem:s7+$0xFFFFFEC0] =	vst v8;
	v8 =	vmul.f32 v5, v11;
	v11 =	vld [tilespmem:s7+$0xFFFFFF30]  }
0x95: {  	[tilespmem:s7+$0xFFFFFED0] =	vst v6;
	v5 =	vmul.f32 v5, v12;
	v6 =	vld [tilespmem:s7+$0xFFFFFF40]  }
0x96: {  	[tilespmem:s7+$0xFFFFFEE0] =	vst v8;
	v8 =	vmul.f32 v7, v13;
	v12 =	vld [tilespmem:s7+$0xFFFFFF50]  }
0x97: {  	[tilespmem:s7+$0xFFFFFEF0] =	vst v5;
	v5 =	vmul.f32 v7, v9;
	v9 =	vld [tilespmem:s7+$0xFFFFFF60]  }
0x98: {  	[tilespmem:s7+$0xFFFFFF00] =	vst v8;
	v8 =	vmul.f32 v7, v10;
	v10 =	vld [tilespmem:s7+$0xFFFFFF70]  }
0x99: {  	[tilespmem:s7+$0xFFFFFF10] =	vst v5;
	v5 =	vmul.f32 v7, v11;
	v11 =	vld [tilespmem:s7+$0xFFFFFF80]  }
0x9a: {  	[tilespmem:s7+$0xFFFFFF20] =	vst v8;
	v6 =	vmul.f32 v7, v6;
	v8 =	vld [tilespmem:s7+$0xFFFFFF90]  }
0x9b: {  	[tilespmem:s7+$0xFFFFFF30] =	vst v5;
	v5 =	vmul.f32 v7, v12;
	v12 =	vld [tilespmem:s7+$0xFFFFFFA0]  }
0x9c: {  	[tilespmem:s7+$0xFFFFFF40] =	vst v6;
	v6 =	vmul.f32 v7, v9;
	v9 =	vld [tilespmem:s7+$0xFFFFFFB0]  }
0x9d: {  	[tilespmem:s7+$0xFFFFFF50] =	vst v5;
	v5 =	vmul.f32 v7, v10;
	v7 =	vld [tilespmem:s7+$0xFFFFFFC0]  }
0x9e: {  	[tilespmem:s7+$0xFFFFFF60] =	vst v6;
	v6 =	vmul.f32 v4, v11;
	v10 =	vld [tilespmem:s7+$0xFFFFFFD0]  }
0x9f: {  	[tilespmem:s7+$0xFFFFFF70] =	vst v5;
	v5 =	vmul.f32 v4, v8;
	v8 =	vld [tilespmem:s7+$0xFFFFFFE0]  }
0xa0: {  	[tilespmem:s7+$0xFFFFFF80] =	vst v6;
	v6 =	vmul.f32 v4, v12;
	v11 =	vld [tilespmem:s7+$0xFFFFFFF0]  }
0xa1: {  	[tilespmem:s7+$0xFFFFFF90] =	vst v5;
	v5 =	vmul.f32 v4, v9;
	v9 =	vld [tilespmem:s7+$0x0]  }
0xa2: {  	[tilespmem:s7+$0xFFFFFFA0] =	vst v6;
	v6 =	vmul.f32 v4, v7;
	v7 =	vld [tilespmem:s7+$0x10]  }
0xa3: {  	[tilespmem:s7+$0xFFFFFFB0] =	vst v5;
	v5 =	vmul.f32 v4, v10;
	v10 =	vld [tilespmem:s7+$0x20]  }
0xa4: {  	[tilespmem:s7+$0xFFFFFFC0] =	vst v6;
	v6 =	vmul.f32 v4, v8;
	v8 =	vld [tilespmem:s7+$0x30]  }
0xa5: {  	[tilespmem:s7+$0xFFFFFFD0] =	vst v5;
	v4 =	vmul.f32 v4, v11;
	v5 =	vld [tilespmem:s7+$0x40]  }
0xa6: {  	[tilespmem:s7+$0xFFFFFFE0] =	vst v6;
	v6 =	vmul.f32 v3, v9;
	v9 =	vld [tilespmem:s7+$0x50]  }
0xa7: {  	[tilespmem:s7+$0xFFFFFFF0] =	vst v4;
	v4 =	vmul.f32 v3, v7;
	v7 =	vld [tilespmem:s7+$0x60]  }
0xa8: {  	[tilespmem:s7+$0x0] =	vst v6;
	v6 =	vmul.f32 v3, v10;
	v10 =	vld [tilespmem:s7+$0x70]  }
0xa9: {  	[tilespmem:s7+$0x10] =	vst v4;
	v4 =	vmul.f32 v3, v8;
	v8 =	vld [tilespmem:s7+$0x80]  }
0xaa: {  	[tilespmem:s7+$0x20] =	vst v6;
	v5 =	vmul.f32 v3, v5;
	v6 =	vld [tilespmem:s7+$0x90]  }
0xab: {  	[tilespmem:s7+$0x30] =	vst v4;
	v4 =	vmul.f32 v3, v9;
	v9 =	vld [tilespmem:s7+$0xA0]  }
0xac: {  	[tilespmem:s7+$0x40] =	vst v5;
	v5 =	vmul.f32 v3, v7;
	v7 =	vld [tilespmem:s7+$0xB0]  }
0xad: {  	[tilespmem:s7+$0x50] =	vst v4;
	v3 =	vmul.f32 v3, v10;
	v4 =	vld [tilespmem:s7+$0xC0]  }
0xae: {  	[tilespmem:s7+$0x60] =	vst v5;
	v5 =	vmul.f32 v2, v8;
	v8 =	vld [tilespmem:s7+$0xD0]  }
0xaf: {  	[tilespmem:s7+$0x70] =	vst v3;
	v3 =	vmul.f32 v2, v6;
	v6 =	vld [tilespmem:s7+$0xE0]  }
0xb0: {  	[tilespmem:s7+$0x80] =	vst v5;
	v5 =	vmul.f32 v2, v9;
	v9 =	vld [tilespmem:s7+$0xF0]  }
0xb1: {  	[tilespmem:s7+$0x90] =	vst v3;
	v3 =	vmul.f32 v2, v7;
	v7 =	vld [tilespmem:s7+$0x100]  }
0xb2: {  	[tilespmem:s7+$0xA0] =	vst v5;
	v4 =	vmul.f32 v2, v4;
	v5 =	vld [tilespmem:s7+$0x110]  }
0xb3: {  	[tilespmem:s7+$0xB0] =	vst v3;
	v3 =	vmul.f32 v2, v8;
	v8 =	vld [tilespmem:s7+$0x120]  }
0xb4: {  	[tilespmem:s7+$0xC0] =	vst v4;
	v4 =	vmul.f32 v2, v6;
	v6 =	vld [tilespmem:s7+$0x130]  }
0xb5: {  	[tilespmem:s7+$0xD0] =	vst v3;
	v3 =	vmul.f32 v2, v9;
	v9 =	vld [tilespmem:s7+$0x140]  }
0xb6: {  	s11 =	sadd.s32 $0x7, s10;
	v2 =	vmov s10;
	[tilespmem:s7+$0xE0] =	vst v4;
	v4 =	vmul.f32 v1, v7;
	v7 =	vld [tilespmem:s7+$0x150]  }
0xb7: {  	s12 =	sadd.s32 $0x1, s10;
	s17 =	sadd.s32 $0x2, s10;
	v10 =	vand.u32 $0xFFFFFFF8, v2;
	v2 =	vmov s11;
	[tilespmem:s7+$0xF0] =	vst v3;
	v3 =	vmul.f32 v1, v5;
	v11 =	vld [tilespmem:s7+$0x160]  }
0xb8: {  	v13 =	vmov s17;
	v12 =	vmov s12;
	s12 =	sadd.s32 $0x4, s10;
	s11 =	sadd.s32 $0x3, s10;
	[tilespmem:s7+$0x100] =	vst v4;
	v4 =	vmul.f32 v1, v8;
	v8 =	vld [tilespmem:s7+$0x180]  }
0xb9: {  	v15 =	vmov s12;
	v14 =	vmov s11;
	s11 =	sadd.s32 $0x5, s10;
	[tilespmem:s7+$0x110] =	vst v3;
	v6 =	vmul.f32 v1, v6;
	v16 =	vld [tilespmem:s7+$0x190]  }
.Ltmp0:
0xba: {  	v3 =	vbroadcast v10, $0x0;
	v10 =	vmov s11;
	[tilespmem:s7+$0x120] =	vst v4;
	v9 =	vmul.f32 v1, v9;
	v5 =	vld [tilespmem:s7+$0x1A0];
	(pc) =	sbr.rel @p0 .LBB2_3-.Ltmp0, $4  }
0xbb: {  	v4 =	vand.u32 $0xFFFFFFF9, v12;
	v12 =	vand.u32 $0xFFFFFFFA, v13;
	[tilespmem:s7+$0x130] =	vst v6;
	v13 =	vmul.f32 v1, v7;
	v6 =	vld [tilespmem:s7+$0x1B0]  }
0xbc: {  	v17 =	vand.u32 $0xFFFFFFFB, v14;
	v4 =	vbroadcast v4, $0x0;
	[tilespmem:s7+$0x140] =	vst v9;
	v18 =	vmul.f32 v1, v11;
	v7 =	vld [tilespmem:s7+$0x1C0]  }
0xbd: {  	v9 =	vbroadcast v12, $0x0;
	v1 =	vand.u32 $0xFFFFFFFC, v15;
	[tilespmem:s7+$0x150] =	vst v13;
	v14 =	vmul.f32 v0, v8;
	v8 =	vld [tilespmem:s7+$0x1D0]  }
0xbe: {  	s11 =	sadd.s32 $0x6, s10;
	s10 =	sadd.s32 $0x8, s10;
	v11 =	vbroadcast v17, $0x0;
	v13 =	vand.u32 $0xFFFFFFFD, v10;
	[tilespmem:s7+$0x160] =	vst v18;
	v12 =	vmul.f32 v0, v16;
	v10 =	vld [tilespmem:s7+$0x1E0]  }
0xbf: {  	_ =	sdelay $0x2  }
0xc0: {  	v15 =	vld [tilespmem:s7+$0x1F0]  }
0xc1: {  	v34 =	vbroadcast v1, $0x0;
	v1 =	vld.idx.msk [tilespmem:v2+s9+$0x0], $0xffff  }
0xc2: {  	v17 =	vld.idx.msk [tilespmem:v3+s9+$0x0], $0xffff  }
0xc3: {  	v37 =	vld.idx.msk [tilespmem:v4+s9+$0x0], $0xffff  }
0xc4: {  	v9 =	vld.idx.msk [tilespmem:v9+s9+$0x0], $0xffff  }
0xc5: {  	s12 =	sadd.s32 $0x400, s7;
	v11 =	vld.idx.msk [tilespmem:v11+s9+$0x0], $0xffff  }
0xc6: {  	v40 =	vld [tilespmem:s12+$0xFFFFFE00]  }
0xc7: {  	v42 =	vld [tilespmem:s12+$0xFFFFFE10]  }
0xc8: {  	[tilespmem:s7+$0x180] =	vst v14;
	v5 =	vmul.f32 v0, v5;
	v44 =	vld [tilespmem:s12+$0xFFFFFE20]  }
0xc9: {  	[tilespmem:s7+$0x190] =	vst v12;
	v6 =	vmul.f32 v0, v6;
	v46 =	vld [tilespmem:s12+$0xFFFFFE30]  }
0xca: {  	v47 =	vld [tilespmem:s12+$0xFFFFFE40];
	[tilespmem:s7+$0x1A0] =	vst v5;
	v39 =	vmul.f32 v0, v7  }
0xcb: {  	v49 =	vld [tilespmem:s12+$0xFFFFFE50];
	[tilespmem:s7+$0x1B0] =	vst v6;
	v41 =	vmul.f32 v0, v8  }
0xcc: {  	v50 =	vld [tilespmem:s12+$0xFFFFFE60];
	[tilespmem:s7+$0x1C0] =	vst v39;
	v43 =	vmul.f32 v0, v10  }
0xcd: {  	v52 =	vld [tilespmem:s12+$0xFFFFFE70];
	[tilespmem:s7+$0x1D0] =	vst v41;
	v45 =	vmul.f32 v0, v15  }
0xce: {  	v53 =	vld [tilespmem:s12+$0xFFFFFE80];
	[tilespmem:s7+$0x1E0] =	vst v43;
	v48 =	vmul.f32 v17, v40  }
0xcf: {  	v55 =	vld [tilespmem:s12+$0xFFFFFE90];
	v8 =	vmul.f32 v17, v42;
	[tilespmem:s7+$0x1F0] =	vst v45  }
0xd0: {  	v57 =	vld [tilespmem:s12+$0xFFFFFEA0];
	v51 =	vmul.f32 v17, v44;
	[tilespmem:s12+$0xFFFFFE00] =	vst v48  }
0xd1: {  	v59 =	vld [tilespmem:s12+$0xFFFFFEB0];
	v6 =	vmul.f32 v17, v46;
	[tilespmem:s12+$0xFFFFFE10] =	vst v8  }
0xd2: {  	v61 =	vld [tilespmem:s12+$0xFFFFFEC0];
	v54 =	vmul.f32 v17, v47;
	[tilespmem:s12+$0xFFFFFE20] =	vst v51  }
0xd3: {  	v63 =	vld [tilespmem:s12+$0xFFFFFED0];
	v56 =	vmul.f32 v17, v49;
	[tilespmem:s12+$0xFFFFFE30] =	vst v6  }
0xd4: {  	v19 =	vld [tilespmem:s12+$0xFFFFFEF0];
	v58 =	vmul.f32 v17, v50;
	[tilespmem:s12+$0xFFFFFE40] =	vst v54  }
0xd5: {  	v21 =	vld [tilespmem:s12+$0xFFFFFF00];
	v60 =	vmul.f32 v17, v52;
	[tilespmem:s12+$0xFFFFFE50] =	vst v56  }
0xd6: {  	v23 =	vld [tilespmem:s12+$0xFFFFFF10];
	v62 =	vmul.f32 v37, v53;
	[tilespmem:s12+$0xFFFFFE60] =	vst v58  }
0xd7: {  	v25 =	vld [tilespmem:s12+$0xFFFFFF20];
	v5 =	vmul.f32 v37, v55;
	[tilespmem:s12+$0xFFFFFE70] =	vst v60  }
0xd8: {  	v27 =	vld [tilespmem:s12+$0xFFFFFF30];
	v18 =	vmul.f32 v37, v57;
	[tilespmem:s12+$0xFFFFFE80] =	vst v62  }
0xd9: {  	v13 =	vbroadcast v13, $0x0;
	v31 =	vld [tilespmem:s12+$0xFFFFFF50];
	v20 =	vmul.f32 v37, v59;
	[tilespmem:s12+$0xFFFFFE90] =	vst v5  }
0xda: {  	v35 =	vmov s11;
	v33 =	vld [tilespmem:s12+$0xFFFFFF60];
	v22 =	vmul.f32 v37, v61;
	[tilespmem:s12+$0xFFFFFEA0] =	vst v18  }
0xdb: {  	v16 =	vand.u32 $0xFFFFFFFE, v35;
	v35 =	vld [tilespmem:s12+$0xFFFFFF70];
	v24 =	vmul.f32 v37, v63;
	[tilespmem:s12+$0xFFFFFEB0] =	vst v20  }
0xdc: {  	v39 =	vld [tilespmem:s12+$0xFFFFFF90];
	v28 =	vmul.f32 v37, v19;
	[tilespmem:s12+$0xFFFFFEC0] =	vst v22  }
0xdd: {  	v36 =	vbroadcast v16, $0x0;
	v41 =	vld [tilespmem:s12+$0xFFFFFFA0];
	v30 =	vmul.f32 v9, v21;
	[tilespmem:s12+$0xFFFFFED0] =	vst v24  }
0xde: {  	v4 =	vld.idx.msk [tilespmem:v34+s9+$0x0], $0xffff;
	v32 =	vmul.f32 v9, v23;
	[tilespmem:s12+$0xFFFFFEF0] =	vst v28  }
0xdf: {  	v3 =	vld.idx.msk [tilespmem:v13+s9+$0x0], $0xffff;
	v34 =	vmul.f32 v9, v25;
	[tilespmem:s12+$0xFFFFFF00] =	vst v30  }
0xe0: {  	v17 =	vld [tilespmem:s12+$0xFFFFFEE0];
	v40 =	vmul.f32 v9, v31;
	[tilespmem:s12+$0xFFFFFF10] =	vst v32  }
0xe1: {  	v42 =	vmul.f32 v9, v33;
	v43 =	vld [tilespmem:s12+$0xFFFFFFB0];
	[tilespmem:s12+$0xFFFFFF20] =	vst v34  }
0xe2: {  	v44 =	vmul.f32 v9, v35;
	v47 =	vld [tilespmem:s12+$0xFFFFFFD0];
	[tilespmem:s12+$0xFFFFFF50] =	vst v40  }
0xe3: {  	v2 =	vld.idx.msk [tilespmem:v36+s9+$0x0], $0xffff;
	v36 =	vmul.f32 v9, v27;
	[tilespmem:s12+$0xFFFFFF60] =	vst v42  }
0xe4: {  	v49 =	vld [tilespmem:s12+$0xFFFFFFE0];
	[tilespmem:s12+$0xFFFFFF70] =	vst v44;
	v48 =	vmul.f32 v11, v39  }
0xe5: {  	v53 =	vld [tilespmem:s12+$0x0];
	[tilespmem:s12+$0xFFFFFF30] =	vst v36;
	v50 =	vmul.f32 v11, v41  }
0xe6: {  	v57 =	vld [tilespmem:s12+$0x20];
	v26 =	vmul.f32 v37, v17;
	[tilespmem:s12+$0xFFFFFF90] =	vst v48  }
0xe7: {  	v59 =	vld [tilespmem:s12+$0x30];
	v52 =	vmul.f32 v11, v43;
	[tilespmem:s12+$0xFFFFFFA0] =	vst v50  }
0xe8: {  	v61 =	vld [tilespmem:s12+$0x40];
	v56 =	vmul.f32 v11, v47;
	[tilespmem:s12+$0xFFFFFEE0] =	vst v26  }
0xe9: {  	v63 =	vld [tilespmem:s12+$0x50];
	v58 =	vmul.f32 v11, v49;
	[tilespmem:s12+$0xFFFFFFB0] =	vst v52  }
0xea: {  	v13 =	vld [tilespmem:s12+$0x60];
	v62 =	vmul.f32 v4, v53;
	[tilespmem:s12+$0xFFFFFFD0] =	vst v56  }
0xeb: {  	v19 =	vld [tilespmem:s12+$0x90];
	v14 =	vmul.f32 v4, v57;
	[tilespmem:s12+$0xFFFFFFE0] =	vst v58  }
0xec: {  	v23 =	vld [tilespmem:s12+$0xB0];
	v16 =	vmul.f32 v4, v59;
	[tilespmem:s12+$0x0] =	vst v62  }
0xed: {  	v45 =	vld [tilespmem:s12+$0xFFFFFFC0];
	v18 =	vmul.f32 v4, v61;
	[tilespmem:s12+$0x20] =	vst v14  }
0xee: {  	v38 =	vld [tilespmem:s12+$0x170];
	v20 =	vmul.f32 v4, v63;
	[tilespmem:s12+$0x30] =	vst v16  }
0xef: {  	v29 =	vld [tilespmem:s12+$0xFFFFFF40];
	v22 =	vmul.f32 v4, v13;
	[tilespmem:s12+$0x40] =	vst v18  }
0xf0: {  	v51 =	vld [tilespmem:s12+$0xFFFFFFF0];
	v27 =	vmul.f32 v3, v19;
	[tilespmem:s12+$0x50] =	vst v20  }
0xf1: {  	v21 =	vld [tilespmem:s12+$0xA0];
	v31 =	vmul.f32 v3, v23;
	[tilespmem:s12+$0x60] =	vst v22  }
0xf2: {  	v24 =	vld [tilespmem:s12+$0xC0];
	v54 =	vmul.f32 v11, v45;
	[tilespmem:s12+$0x90] =	vst v27  }
0xf3: {  	v32 =	vld [tilespmem:s12+$0x100];
	v12 =	vmul.f32 v2, v38;
	[tilespmem:s12+$0xB0] =	vst v31  }
0xf4: {  	v34 =	vld [tilespmem:s12+$0x110];
	v38 =	vmul.f32 v9, v29;
	[tilespmem:s12+$0xFFFFFFC0] =	vst v54  }
0xf5: {  	v39 =	vld [tilespmem:s12+$0x140];
	v60 =	vmul.f32 v11, v51;
	[tilespmem:s12+$0x170] =	vst v12  }
0xf6: {  	v55 =	vld [tilespmem:s12+$0x10];
	v29 =	vmul.f32 v3, v21;
	[tilespmem:s12+$0xFFFFFF40] =	vst v38  }
0xf7: {  	v15 =	vld [tilespmem:s12+$0x70];
	v33 =	vmul.f32 v3, v24;
	[tilespmem:s12+$0xFFFFFFF0] =	vst v60  }
0xf8: {  	v36 =	vld [tilespmem:s12+$0x120];
	v40 =	vmul.f32 v2, v32;
	[tilespmem:s12+$0xA0] =	vst v29  }
0xf9: {  	v41 =	vld [tilespmem:s12+$0x150];
	v42 =	vmul.f32 v2, v34;
	[tilespmem:s12+$0xC0] =	vst v33  }
0xfa: {  	v37 =	vld [tilespmem:s12+$0xFFFFFF80];
	v48 =	vmul.f32 v2, v39;
	[tilespmem:s12+$0x100] =	vst v40  }
0xfb: {  	v17 =	vld [tilespmem:s12+$0x80];
	v12 =	vmul.f32 v4, v55;
	[tilespmem:s12+$0x110] =	vst v42  }
0xfc: {  	v28 =	vld [tilespmem:s12+$0xE0];
	v4 =	vmul.f32 v4, v15;
	[tilespmem:s12+$0x140] =	vst v48  }
0xfd: {  	v43 =	vld [tilespmem:s12+$0x160];
	v44 =	vmul.f32 v2, v36;
	[tilespmem:s12+$0x10] =	vst v12  }
0xfe: {  	v47 =	vld [tilespmem:s12+$0x190];
	v50 =	vmul.f32 v2, v41;
	[tilespmem:s12+$0x70] =	vst v4  }
0xff: {  	v49 =	vld [tilespmem:s12+$0x1A0];
	v46 =	vmul.f32 v11, v37;
	[tilespmem:s12+$0x120] =	vst v44  }
0x100: {  	v57 =	vld [tilespmem:s12+$0x1E0];
	v25 =	vmul.f32 v3, v17;
	[tilespmem:s12+$0x150] =	vst v50  }
0x101: {  	v59 =	vld [tilespmem:s12+$0x1F0];
	v37 =	vmul.f32 v3, v28;
	[tilespmem:s12+$0xFFFFFF80] =	vst v46  }
0x102: {  	v45 =	vld [tilespmem:s12+$0x180];
	v52 =	vmul.f32 v2, v43;
	[tilespmem:s12+$0x80] =	vst v25  }
0x103: {  	v26 =	vld [tilespmem:s12+$0xD0];
	v56 =	vmul.f32 v1, v47;
	[tilespmem:s12+$0xE0] =	vst v37  }
0x104: {  	v30 =	vld [tilespmem:s12+$0xF0];
	v58 =	vmul.f32 v1, v49;
	[tilespmem:s12+$0x160] =	vst v52  }
0x105: {  	v51 =	vld [tilespmem:s12+$0x1B0];
	v62 =	vmul.f32 v1, v57;
	[tilespmem:s12+$0x190] =	vst v56  }
0x106: {  	v38 =	vld [tilespmem:s12+$0x130];
	v63 =	vmul.f32 v1, v59;
	[tilespmem:s12+$0x1A0] =	vst v58  }
0x107: {  	v53 =	vld [tilespmem:s12+$0x1C0];
	v54 =	vmul.f32 v1, v45;
	[tilespmem:s12+$0x1E0] =	vst v62  }
0x108: {  	v55 =	vld [tilespmem:s12+$0x1D0];
	v35 =	vmul.f32 v3, v26;
	[tilespmem:s12+$0x1F0] =	vst v63  }
0x109: {  	v3 =	vmul.f32 v3, v30;
	[tilespmem:s12+$0x180] =	vst v54  }
0x10a: {  	s13 =	sadd.s32 $0x2, s16;
	v60 =	vmul.f32 v1, v51;
	[tilespmem:s12+$0xD0] =	vst v35  }
0x10b: {  	s10 =	smulhi.u32 $0xAAAAAAAB, s13;
	[tilespmem:s12+$0xF0] =	vst v3;
	v46 =	vmul.f32 v2, v38  }
0x10c: {  	v2 =	vmul.f32 v1, v53;
	[tilespmem:s12+$0x1B0] =	vst v60  }
0x10d: {  	s10 =	sshrl.u32 s10, $0x2;
	v61 =	vmul.f32 v1, v55;
	[tilespmem:s12+$0x130] =	vst v46  }
0x10e: {  	p0 =	sne.s32 s2, $0x0;
	s10 =	smul.u32 $0x6, s10;
	[tilespmem:s12+$0x1C0] =	vst v2  }
.Ltmp1:
0x10f: {  	s17 =	sadd.s32 $0x80, s15;
	[tilespmem:s12+$0x1D0] =	vst v61;
	(pc) =	sbr.rel @!p0 .LBB2_5-.Ltmp1, $4  }
0x110: {  	[spmem:s3] =	stream.indirect.scatter.add.f32 [tilespmem:s21], [sflag:$0x4], $0x80, s17, s20, $0xb8;
	[tilespmem:$0x1FC00] =	vst v63  }
0x111: {  	s7 =	ssub.s32 s13, s10;
	_ =	swait.ge [sflag:s24], $0x180  }
0x112: {  	s7 =	sshll.u32 s7, $0x9;
	[sflag:s24] =	ssyncset.done $0x0  }
0x113: {  	s17 =	sand.u32 $0x3FFFFE00, s7;
	[sflag:s24] =	ssyncadd.s32 $0xFFFFFE80  }
0x114: {  	p1 =	seq.s32 s2, $0x1B  }
.Ltmp2:
0x115: {  	_ = 	snop;
	(pc) =	sbr.rel @p1 .LBB2_8-.Ltmp2, $4  }
.Ltmp3:
0x116: {  	_ =	swait.ge [sflag:s31], $0x3C00;
	(pc) =	sbr.rel @!p1 .LBB2_7-.Ltmp3, $4  }
0x117: {  	[sflag:s31] =	ssyncset.done $0x0  }
0x118: {  	s15 =	sadd.s32 $0x4, s16;
	p0 =	por $0x1, $0x1;
	[sflag:s31] =	ssyncadd.s32 $0xFFFFC400  }
0x119: {  	[tilespmem:s25], [sflag:$0x3] =	stream.indirect.gather [hbm4b:s1+s20], $0x80, s17, s20, $0xb8;
	[tilespmem:$0x1FC00] =	vst v63  }
0x11a: {  	_ = 	snop  }
.LBB2_5:
0x11b: {  	s17 =	sand.u32 $0x3FFFFE00, s7;
	s15 =	simm.s32 $0x4  }
0x11c: {  	[tilespmem:s25], [sflag:$0x3] =	stream.indirect.gather [hbm4b:s1+s20], $0x80, s17, s20, $0xb8;
	[tilespmem:$0x1FC00] =	vst v63  }
.LBB2_7:
0x11d: {  	s7 =	smulhi.u32 $0xAAAAAAAB, s15;
	_ =	sdelay $0x1  }
0x11e: {  	s7 =	sshrl.u32 s7, $0x2  }
0x11f: {  	s9 =	sshll.u32 s15, $0x9;
	s7 =	smul.u32 $0x6, s7  }
0x120: {  	s9 =	sadd.s32 s5, s9  }
0x121: {  	s9 =	sshrl.u32 s9, $0x3;
	s7 =	ssub.s32 s15, s7  }
0x122: {  	p0 =	por $0x0, $0x0;
	s9 =	sadd.s32 s6, s9;
	s7 =	sshll.u32 s7, $0x9  }
0x123: {  	[tilespmem:s7], [sflag:$0x8] =	stream.linear.gather [hbm4b:s9+s4], $0x180, $0x38;
	[tilespmem:$0x1FC00] =	vst v63  }
.LBB2_8:
0x124: {  	s7 =	sadd.s32 $0x1, s16  }
0x125: {  	s10 =	smulhi.u32 $0xAAAAAAAB, s7;
	_ =	sdelay $0x1  }
0x126: {  	s9 =	simm.s32 $0x0;
	s13 =	sshrl.u32 s10, $0x2  }
0x127: {  	_ =	swait.ge [sflag:s26], $0x3C00;
	v0 =	vmov s9;
	s9 =	smul.u32 $0x6, s13  }
0x128: {  	s12 =	simm.s32 $0x6;
	[sflag:s26] =	ssyncset.done $0x0  }
0x129: {  	[sflag:s26] =	ssyncadd.s32 $0xFFFFC400;
	s7 =	ssub.s32 s7, s9;
	s9 =	simm.s32 $0x4A00  }
0x12a: {  	v1 =	vmov s12;
	v0 =	vand.u32 $0xFFFFFFF8, v0;
	v3 =	vld [tilespmem:s9+$0x170]  }
0x12b: {  	v1 =	vand.u32 $0xFFFFFFFE, v1;
	v0 =	vbroadcast v0, $0x0;
	v4 =	vld [tilespmem:s9+$0xFFFFFE00]  }
0x12c: {  	v1 =	vbroadcast v1, $0x0;
	v5 =	vld [tilespmem:s9+$0xFFFFFE10]  }
0x12d: {  	s11 =	simm.s32 $0x1;
	v6 =	vld [tilespmem:s9+$0xFFFFFE20]  }
0x12e: {  	v2 =	vmov s11;
	v7 =	vld [tilespmem:s9+$0xFFFFFE30]  }
0x12f: {  	v2 =	vand.u32 $0xFFFFFFF9, v2;
	s7 =	sshll.u32 s7, $0x9;
	v8 =	vld [tilespmem:s9+$0xFFFFFE40]  }
0x130: {  	v2 =	vbroadcast v2, $0x0;
	v9 =	vld [tilespmem:s9+$0xFFFFFE50];
	s10 =	sor.u32 $0x100, s7  }
0x131: {  	v0 =	vld.idx.msk [tilespmem:v0+s10+$0x0], $0xffff  }
0x132: {  	v1 =	vld.idx.msk [tilespmem:v1+s10+$0x0], $0xffff  }
0x133: {  	v10 =	vld [tilespmem:s9+$0xFFFFFE60]  }
0x134: {  	v11 =	vld [tilespmem:s9+$0xFFFFFE70]  }
0x135: {  	v12 =	vld [tilespmem:s9+$0xFFFFFE80]  }
0x136: {  	v2 =	vld.idx.msk [tilespmem:v2+s10+$0x0], $0xffff;
	v4 =	vmul.f32 v0, v4  }
0x137: {  	v13 =	vld [tilespmem:s9+$0xFFFFFE90];
	v3 =	vmul.f32 v1, v3  }
0x138: {  	v14 =	vld [tilespmem:s9+$0xFFFFFEA0];
	v5 =	vmul.f32 v0, v5;
	[tilespmem:s9+$0xFFFFFE00] =	vst v4  }
0x139: {  	s8 =	simm.s32 $0x2;
	v15 =	vld [tilespmem:s9+$0xFFFFFEB0];
	v7 =	vmul.f32 v0, v7;
	[tilespmem:s9+$0x170] =	vst v3  }
0x13a: {  	v8 =	vmul.f32 v0, v8;
	v4 =	vmov s8;
	v3 =	vmul.f32 v0, v6;
	v6 =	vld [tilespmem:s9+$0xFFFFFEC0];
	[tilespmem:s9+$0xFFFFFE10] =	vst v5  }
0x13b: {  	v5 =	vmul.f32 v2, v12;
	v12 =	vld [tilespmem:s9+$0xFFFFFED0];
	[tilespmem:s9+$0xFFFFFE30] =	vst v7;
	v4 =	vand.u32 $0xFFFFFFFA, v4  }
0x13c: {  	v7 =	vmul.f32 v0, v9;
	v9 =	vld [tilespmem:s9+$0xFFFFFEF0];
	[tilespmem:s9+$0xFFFFFE40] =	vst v8;
	v4 =	vbroadcast v4, $0x0  }
0x13d: {  	v8 =	vmul.f32 v0, v10;
	v10 =	vld [tilespmem:s9+$0xFFFFFF00];
	[tilespmem:s9+$0xFFFFFE20] =	vst v3  }
0x13e: {  	v0 =	vmul.f32 v0, v11;
	v11 =	vld [tilespmem:s9+$0xFFFFFF20];
	[tilespmem:s9+$0xFFFFFE80] =	vst v5  }
0x13f: {  	s12 =	simm.s32 $0x3;
	v3 =	vld [tilespmem:s9+$0xFFFFFEE0];
	[tilespmem:s9+$0xFFFFFE50] =	vst v7  }
0x140: {  	v5 =	vmov s12;
	v7 =	vld [tilespmem:s9+$0xFFFFFF10];
	[tilespmem:s9+$0xFFFFFE60] =	vst v8;
	v8 =	vmul.f32 v2, v13  }
0x141: {  	[tilespmem:s9+$0xFFFFFE70] =	vst v0;
	v0 =	vmul.f32 v2, v14;
	v13 =	vld [tilespmem:s9+$0xFFFFFF30];
	v5 =	vand.u32 $0xFFFFFFFB, v5  }
0x142: {  	v5 =	vbroadcast v5, $0x0;
	[tilespmem:s9+$0xFFFFFE90] =	vst v8;
	v8 =	vmul.f32 v2, v15;
	v4 =	vld.idx.msk [tilespmem:v4+s10+$0x0], $0xffff  }
0x143: {  	v14 =	vld [tilespmem:s9+$0xFFFFFF40];
	[tilespmem:s9+$0xFFFFFEA0] =	vst v0;
	v6 =	vmul.f32 v2, v6  }
0x144: {  	v12 =	vmul.f32 v2, v12;
	[tilespmem:s9+$0xFFFFFEB0] =	vst v8;
	v8 =	vld [tilespmem:s9+$0xFFFFFF60]  }
0x145: {  	[tilespmem:s9+$0xFFFFFEC0] =	vst v6;
	v3 =	vmul.f32 v2, v3;
	v6 =	vld [tilespmem:s9+$0xFFFFFF70]  }
0x146: {  	[tilespmem:s9+$0xFFFFFED0] =	vst v12;
	v2 =	vmul.f32 v2, v9;
	v9 =	vld [tilespmem:s9+$0xFFFFFF80]  }
0x147: {  	v12 =	vld [tilespmem:s9+$0xFFFFFFB0];
	[tilespmem:s9+$0xFFFFFEE0] =	vst v3;
	v0 =	vmul.f32 v4, v10  }
0x148: {  	[tilespmem:s9+$0xFFFFFEF0] =	vst v2;
	v5 =	vld.idx.msk [tilespmem:v5+s10+$0x0], $0xffff;
	v3 =	vmul.f32 v4, v7  }
0x149: {  	s13 =	simm.s32 $0x4;
	v10 =	vld [tilespmem:s9+$0xFFFFFF50];
	v2 =	vmul.f32 v4, v11;
	[tilespmem:s9+$0xFFFFFF00] =	vst v0  }
0x14a: {  	v7 =	vld [tilespmem:s9+$0xFFFFFF90];
	v8 =	vmul.f32 v4, v8;
	v0 =	vmov s13;
	[tilespmem:s9+$0xFFFFFF10] =	vst v3  }
0x14b: {  	v11 =	vld [tilespmem:s9+$0xFFFFFFA0];
	v3 =	vmul.f32 v4, v13;
	[tilespmem:s9+$0xFFFFFF20] =	vst v2;
	v0 =	vand.u32 $0xFFFFFFFC, v0  }
0x14c: {  	v2 =	vmul.f32 v4, v14;
	v13 =	vld [tilespmem:s9+$0xFFFFFFC0];
	[tilespmem:s9+$0xFFFFFF60] =	vst v8;
	v0 =	vbroadcast v0, $0x0  }
0x14d: {  	v8 =	vld [tilespmem:s9+$0x0];
	[tilespmem:s9+$0xFFFFFF30] =	vst v3;
	v3 =	vmul.f32 v5, v9  }
0x14e: {  	s8 =	simm.s32 $0x5;
	v9 =	vld [tilespmem:s9+$0xFFFFFFD0];
	[tilespmem:s9+$0xFFFFFF40] =	vst v2;
	v10 =	vmul.f32 v4, v10  }
0x14f: {  	v2 =	vld [tilespmem:s9+$0xFFFFFFE0];
	v4 =	vmul.f32 v4, v6;
	[tilespmem:s9+$0xFFFFFF80] =	vst v3;
	v3 =	vmov s8  }
0x150: {  	v6 =	vld [tilespmem:s9+$0xFFFFFFF0];
	v7 =	vmul.f32 v5, v7;
	[tilespmem:s9+$0xFFFFFF50] =	vst v10;
	v3 =	vand.u32 $0xFFFFFFFD, v3  }
0x151: {  	[tilespmem:s9+$0xFFFFFF70] =	vst v4;
	v4 =	vmul.f32 v5, v11;
	v10 =	vld [tilespmem:s9+$0x10];
	v3 =	vbroadcast v3, $0x0  }
0x152: {  	[tilespmem:s9+$0xFFFFFF90] =	vst v7;
	v7 =	vmul.f32 v5, v12;
	v0 =	vld.idx.msk [tilespmem:v0+s10+$0x0], $0xffff  }
0x153: {  	v11 =	vld [tilespmem:s9+$0x20];
	[tilespmem:s9+$0xFFFFFFA0] =	vst v4;
	v4 =	vmul.f32 v5, v13  }
0x154: {  	v12 =	vld [tilespmem:s9+$0x30];
	[tilespmem:s9+$0xFFFFFFB0] =	vst v7;
	v7 =	vmul.f32 v5, v9  }
0x155: {  	v9 =	vld [tilespmem:s9+$0x40];
	v2 =	vmul.f32 v5, v2;
	[tilespmem:s9+$0xFFFFFFC0] =	vst v4  }
0x156: {  	v5 =	vmul.f32 v5, v6;
	[tilespmem:s9+$0xFFFFFFD0] =	vst v7;
	v7 =	vld [tilespmem:s9+$0x60]  }
0x157: {  	[tilespmem:s9+$0xFFFFFFE0] =	vst v2;
	v3 =	vld.idx.msk [tilespmem:v3+s10+$0x0], $0xffff;
	v4 =	vmul.f32 v0, v8  }
0x158: {  	[tilespmem:s9+$0xFFFFFFF0] =	vst v5;
	v8 =	vld [tilespmem:s9+$0x50];
	v5 =	vmul.f32 v0, v11  }
0x159: {  	v2 =	vmul.f32 v0, v10;
	v10 =	vld [tilespmem:s9+$0x90];
	[tilespmem:s9+$0x0] =	vst v4  }
0x15a: {  	v6 =	vld [tilespmem:s9+$0x80];
	[tilespmem:s9+$0x20] =	vst v5;
	v5 =	vmul.f32 v0, v9  }
0x15b: {  	v4 =	vld [tilespmem:s9+$0x70];
	[tilespmem:s9+$0x10] =	vst v2;
	v2 =	vmul.f32 v0, v12  }
0x15c: {  	v9 =	vld [tilespmem:s9+$0xA0];
	[tilespmem:s9+$0x40] =	vst v5;
	v5 =	vmul.f32 v0, v7  }
0x15d: {  	[tilespmem:s9+$0x30] =	vst v2;
	v7 =	vld [tilespmem:s9+$0xC0];
	v2 =	vmul.f32 v0, v8  }
0x15e: {  	v8 =	vld [tilespmem:s9+$0xB0];
	v10 =	vmul.f32 v3, v10;
	[tilespmem:s9+$0x60] =	vst v5  }
0x15f: {  	s12 =	simm.s32 $0x7;
	v5 =	vld [tilespmem:s9+$0xE0];
	[tilespmem:s9+$0x50] =	vst v2;
	v2 =	vmul.f32 v3, v6  }
0x160: {  	v11 =	vmov s12;
	v6 =	vld [tilespmem:s9+$0xD0];
	v4 =	vmul.f32 v0, v4;
	[tilespmem:s9+$0x90] =	vst v10  }
0x161: {  	v10 =	vld [tilespmem:s9+$0x150];
	[tilespmem:s9+$0x80] =	vst v2  }
0x162: {  	[tilespmem:s9+$0x70] =	vst v4;
	v2 =	vmul.f32 v3, v9;
	v4 =	vld [tilespmem:s9+$0xF0]  }
0x163: {  	v9 =	vld [tilespmem:s9+$0x100];
	v8 =	vmul.f32 v3, v8  }
0x164: {  	[tilespmem:s9+$0xA0] =	vst v2;
	v2 =	vmul.f32 v3, v7;
	v7 =	vld [tilespmem:s9+$0x110]  }
0x165: {  	v0 =	vld.idx.msk [tilespmem:v11+s10+$0x0], $0xffff;
	[tilespmem:s9+$0xB0] =	vst v8;
	v6 =	vmul.f32 v3, v6  }
0x166: {  	v8 =	vld [tilespmem:s9+$0x120];
	v10 =	vmul.f32 v1, v10;
	[tilespmem:s9+$0xC0] =	vst v2  }
0x167: {  	s12 =	simm.s32 $0x9;
	v2 =	vmul.f32 v3, v5;
	v5 =	vld [tilespmem:s9+$0x130];
	[tilespmem:s9+$0xD0] =	vst v6;
	v3 =	vmul.f32 v3, v4  }
0x168: {  	s13 =	simm.s32 $0x8;
	v11 =	vmov s12;
	v4 =	vld [tilespmem:s9+$0x140];
	[tilespmem:s9+$0x150] =	vst v10  }
0x169: {  	s8 =	simm.s32 $0xF;
	v6 =	vmov s13;
	v9 =	vmul.f32 v1, v9;
	s13 =	simm.s32 $0xA;
	[tilespmem:s9+$0xF0] =	vst v3;
	v3 =	vmul.f32 v1, v7;
	v7 =	vld [tilespmem:s9+$0x160]  }
0x16a: {  	v13 =	vld [tilespmem:s9+$0x180];
	[tilespmem:s9+$0xE0] =	vst v2;
	v6 =	vand.u32 $0xFFFFFFF8, v6;
	v2 =	vmov s8;
	v12 =	vmov s13;
	s13 =	simm.s32 $0xB;
	s8 =	simm.s32 $0xC  }
0x16b: {  	v16 =	vld [tilespmem:s9+$0x190];
	[tilespmem:s9+$0x100] =	vst v9;
	v9 =	vmov s13;
	v14 =	vmov s8;
	s13 =	simm.s32 $0xD;
	v8 =	vmul.f32 v1, v8  }
0x16c: {  	v17 =	vmov s13;
	[tilespmem:s9+$0x110] =	vst v3;
	v15 =	vmul.f32 v1, v5;
	v3 =	vbroadcast v6, $0x0;
	v5 =	vld [tilespmem:s9+$0x1A0]  }
0x16d: {  	v6 =	vld [tilespmem:s9+$0x1B0];
	[tilespmem:s9+$0x120] =	vst v8;
	v8 =	vmul.f32 v1, v4;
	v4 =	vand.u32 $0xFFFFFFF9, v11;
	v11 =	vand.u32 $0xFFFFFFFA, v12  }
0x16e: {  	v12 =	vand.u32 $0xFFFFFFFB, v9;
	[tilespmem:s9+$0x130] =	vst v15;
	v4 =	vbroadcast v4, $0x0;
	v15 =	vmul.f32 v1, v7;
	v7 =	vld [tilespmem:s9+$0x1C0]  }
0x16f: {  	v9 =	vbroadcast v11, $0x0;
	[tilespmem:s9+$0x140] =	vst v8;
	v1 =	vand.u32 $0xFFFFFFFC, v14;
	v14 =	vmul.f32 v0, v13;
	v8 =	vld [tilespmem:s9+$0x1D0]  }
0x170: {  	s11 =	simm.s32 $0x10;
	s12 =	simm.s32 $0xE;
	v10 =	vld [tilespmem:s9+$0x1E0];
	v11 =	vbroadcast v12, $0x0;
	v12 =	vmul.f32 v0, v16;
	v13 =	vand.u32 $0xFFFFFFFD, v17;
	[tilespmem:s9+$0x160] =	vst v15  }
.LBB2_9:
0x171: {  	p1 =	slt.u32 s11, $0x70;
	v1 =	vbroadcast v1, $0x0;
	v15 =	vmov s12;
	[tilespmem:s9+$0x180] =	vst v14;
	v5 =	vmul.f32 v0, v5;
	v14 =	vld [tilespmem:s9+$0x1F0]  }
0x172: {  	v13 =	vbroadcast v13, $0x0;
	v15 =	vand.u32 $0xFFFFFFFE, v15;
	v16 =	vld.idx.msk [tilespmem:v2+s10+$0x0], $0xffff;
	[tilespmem:s9+$0x190] =	vst v12;
	v2 =	vmul.f32 v0, v6  }
0x173: {  	v6 =	vld.idx.msk [tilespmem:v3+s10+$0x0], $0xffff;
	v12 =	vbroadcast v15, $0x0;
	[tilespmem:s9+$0x1A0] =	vst v5;
	v3 =	vmul.f32 v0, v7  }
0x174: {  	v5 =	vld.idx.msk [tilespmem:v4+s10+$0x0], $0xffff;
	[tilespmem:s9+$0x1B0] =	vst v2;
	v2 =	vmul.f32 v0, v8  }
0x175: {  	v7 =	vld.idx.msk [tilespmem:v9+s10+$0x0], $0xffff;
	[tilespmem:s9+$0x1C0] =	vst v3;
	v8 =	vmul.f32 v0, v10  }
0x176: {  	v4 =	vld.idx.msk [tilespmem:v11+s10+$0x0], $0xffff;
	[tilespmem:s9+$0x1D0] =	vst v2;
	v9 =	vmul.f32 v0, v14  }
0x177: {  	v3 =	vld.idx.msk [tilespmem:v1+s10+$0x0], $0xffff;
	[tilespmem:s9+$0x1E0] =	vst v8  }
0x178: {  	v0 =	vmov v16;
	v2 =	vld.idx.msk [tilespmem:v13+s10+$0x0], $0xffff;
	[tilespmem:s9+$0x1F0] =	vst v9  }
0x179: {  	s9 =	sadd.s32 $0x400, s9;
	v1 =	vld.idx.msk [tilespmem:v12+s10+$0x0], $0xffff  }
0x17a: {  	v8 =	vld [tilespmem:s9+$0x170]  }
0x17b: {  	v9 =	vld [tilespmem:s9+$0xFFFFFE00]  }
0x17c: {  	v10 =	vld [tilespmem:s9+$0xFFFFFE10]  }
0x17d: {  	v11 =	vld [tilespmem:s9+$0xFFFFFE20]  }
0x17e: {  	v12 =	vld [tilespmem:s9+$0xFFFFFE30]  }
0x17f: {  	v13 =	vld [tilespmem:s9+$0xFFFFFE40];
	v8 =	vmul.f32 v1, v8  }
0x180: {  	v9 =	vmul.f32 v6, v9;
	v14 =	vld [tilespmem:s9+$0xFFFFFE50]  }
0x181: {  	v10 =	vmul.f32 v6, v10;
	v15 =	vld [tilespmem:s9+$0xFFFFFE60];
	[tilespmem:s9+$0x170] =	vst v8  }
0x182: {  	[tilespmem:s9+$0xFFFFFE00] =	vst v9;
	v8 =	vmul.f32 v6, v11;
	v9 =	vld [tilespmem:s9+$0xFFFFFE70]  }
0x183: {  	[tilespmem:s9+$0xFFFFFE10] =	vst v10;
	v10 =	vmul.f32 v6, v12;
	v11 =	vld [tilespmem:s9+$0xFFFFFE80]  }
0x184: {  	[tilespmem:s9+$0xFFFFFE20] =	vst v8;
	v8 =	vmul.f32 v6, v13;
	v12 =	vld [tilespmem:s9+$0xFFFFFE90]  }
0x185: {  	[tilespmem:s9+$0xFFFFFE30] =	vst v10;
	v10 =	vmul.f32 v6, v14;
	v13 =	vld [tilespmem:s9+$0xFFFFFEA0]  }
0x186: {  	[tilespmem:s9+$0xFFFFFE40] =	vst v8;
	v8 =	vmul.f32 v6, v15;
	v14 =	vld [tilespmem:s9+$0xFFFFFEB0]  }
0x187: {  	[tilespmem:s9+$0xFFFFFE50] =	vst v10;
	v6 =	vmul.f32 v6, v9;
	v9 =	vld [tilespmem:s9+$0xFFFFFEC0]  }
0x188: {  	[tilespmem:s9+$0xFFFFFE60] =	vst v8;
	v8 =	vmul.f32 v5, v11;
	v10 =	vld [tilespmem:s9+$0xFFFFFED0]  }
0x189: {  	[tilespmem:s9+$0xFFFFFE70] =	vst v6;
	v6 =	vmul.f32 v5, v12;
	v11 =	vld [tilespmem:s9+$0xFFFFFEE0]  }
0x18a: {  	[tilespmem:s9+$0xFFFFFE80] =	vst v8;
	v8 =	vmul.f32 v5, v13;
	v12 =	vld [tilespmem:s9+$0xFFFFFEF0]  }
0x18b: {  	[tilespmem:s9+$0xFFFFFE90] =	vst v6;
	v6 =	vmul.f32 v5, v14;
	v13 =	vld [tilespmem:s9+$0xFFFFFF00]  }
0x18c: {  	[tilespmem:s9+$0xFFFFFEA0] =	vst v8;
	v8 =	vmul.f32 v5, v9;
	v9 =	vld [tilespmem:s9+$0xFFFFFF10]  }
0x18d: {  	[tilespmem:s9+$0xFFFFFEB0] =	vst v6;
	v6 =	vmul.f32 v5, v10;
	v10 =	vld [tilespmem:s9+$0xFFFFFF20]  }
0x18e: {  	[tilespmem:s9+$0xFFFFFEC0] =	vst v8;
	v8 =	vmul.f32 v5, v11;
	v11 =	vld [tilespmem:s9+$0xFFFFFF30]  }
0x18f: {  	[tilespmem:s9+$0xFFFFFED0] =	vst v6;
	v5 =	vmul.f32 v5, v12;
	v6 =	vld [tilespmem:s9+$0xFFFFFF40]  }
0x190: {  	[tilespmem:s9+$0xFFFFFEE0] =	vst v8;
	v8 =	vmul.f32 v7, v13;
	v12 =	vld [tilespmem:s9+$0xFFFFFF50]  }
0x191: {  	[tilespmem:s9+$0xFFFFFEF0] =	vst v5;
	v5 =	vmul.f32 v7, v9;
	v9 =	vld [tilespmem:s9+$0xFFFFFF60]  }
0x192: {  	[tilespmem:s9+$0xFFFFFF00] =	vst v8;
	v8 =	vmul.f32 v7, v10;
	v10 =	vld [tilespmem:s9+$0xFFFFFF70]  }
0x193: {  	[tilespmem:s9+$0xFFFFFF10] =	vst v5;
	v5 =	vmul.f32 v7, v11;
	v11 =	vld [tilespmem:s9+$0xFFFFFF80]  }
0x194: {  	[tilespmem:s9+$0xFFFFFF20] =	vst v8;
	v6 =	vmul.f32 v7, v6;
	v8 =	vld [tilespmem:s9+$0xFFFFFF90]  }
0x195: {  	[tilespmem:s9+$0xFFFFFF30] =	vst v5;
	v5 =	vmul.f32 v7, v12;
	v12 =	vld [tilespmem:s9+$0xFFFFFFA0]  }
0x196: {  	[tilespmem:s9+$0xFFFFFF40] =	vst v6;
	v6 =	vmul.f32 v7, v9;
	v9 =	vld [tilespmem:s9+$0xFFFFFFB0]  }
0x197: {  	[tilespmem:s9+$0xFFFFFF50] =	vst v5;
	v5 =	vmul.f32 v7, v10;
	v7 =	vld [tilespmem:s9+$0xFFFFFFC0]  }
0x198: {  	[tilespmem:s9+$0xFFFFFF60] =	vst v6;
	v6 =	vmul.f32 v4, v11;
	v10 =	vld [tilespmem:s9+$0xFFFFFFD0]  }
0x199: {  	[tilespmem:s9+$0xFFFFFF70] =	vst v5;
	v5 =	vmul.f32 v4, v8;
	v8 =	vld [tilespmem:s9+$0xFFFFFFE0]  }
0x19a: {  	[tilespmem:s9+$0xFFFFFF80] =	vst v6;
	v6 =	vmul.f32 v4, v12;
	v11 =	vld [tilespmem:s9+$0xFFFFFFF0]  }
0x19b: {  	[tilespmem:s9+$0xFFFFFF90] =	vst v5;
	v5 =	vmul.f32 v4, v9;
	v9 =	vld [tilespmem:s9+$0x0]  }
0x19c: {  	[tilespmem:s9+$0xFFFFFFA0] =	vst v6;
	v6 =	vmul.f32 v4, v7;
	v7 =	vld [tilespmem:s9+$0x10]  }
0x19d: {  	[tilespmem:s9+$0xFFFFFFB0] =	vst v5;
	v5 =	vmul.f32 v4, v10;
	v10 =	vld [tilespmem:s9+$0x20]  }
0x19e: {  	[tilespmem:s9+$0xFFFFFFC0] =	vst v6;
	v6 =	vmul.f32 v4, v8;
	v8 =	vld [tilespmem:s9+$0x30]  }
0x19f: {  	[tilespmem:s9+$0xFFFFFFD0] =	vst v5;
	v4 =	vmul.f32 v4, v11;
	v5 =	vld [tilespmem:s9+$0x40]  }
0x1a0: {  	[tilespmem:s9+$0xFFFFFFE0] =	vst v6;
	v6 =	vmul.f32 v3, v9;
	v9 =	vld [tilespmem:s9+$0x50]  }
0x1a1: {  	[tilespmem:s9+$0xFFFFFFF0] =	vst v4;
	v4 =	vmul.f32 v3, v7;
	v7 =	vld [tilespmem:s9+$0x60]  }
0x1a2: {  	[tilespmem:s9+$0x0] =	vst v6;
	v6 =	vmul.f32 v3, v10;
	v10 =	vld [tilespmem:s9+$0x70]  }
0x1a3: {  	[tilespmem:s9+$0x10] =	vst v4;
	v4 =	vmul.f32 v3, v8;
	v8 =	vld [tilespmem:s9+$0x80]  }
0x1a4: {  	[tilespmem:s9+$0x20] =	vst v6;
	v5 =	vmul.f32 v3, v5;
	v6 =	vld [tilespmem:s9+$0x90]  }
0x1a5: {  	[tilespmem:s9+$0x30] =	vst v4;
	v4 =	vmul.f32 v3, v9;
	v9 =	vld [tilespmem:s9+$0xA0]  }
0x1a6: {  	[tilespmem:s9+$0x40] =	vst v5;
	v5 =	vmul.f32 v3, v7;
	v7 =	vld [tilespmem:s9+$0xB0]  }
0x1a7: {  	[tilespmem:s9+$0x50] =	vst v4;
	v3 =	vmul.f32 v3, v10;
	v4 =	vld [tilespmem:s9+$0xC0]  }
0x1a8: {  	[tilespmem:s9+$0x60] =	vst v5;
	v5 =	vmul.f32 v2, v8;
	v8 =	vld [tilespmem:s9+$0xD0]  }
0x1a9: {  	[tilespmem:s9+$0x70] =	vst v3;
	v3 =	vmul.f32 v2, v6;
	v6 =	vld [tilespmem:s9+$0xE0]  }
0x1aa: {  	[tilespmem:s9+$0x80] =	vst v5;
	v5 =	vmul.f32 v2, v9;
	v9 =	vld [tilespmem:s9+$0xF0]  }
0x1ab: {  	[tilespmem:s9+$0x90] =	vst v3;
	v3 =	vmul.f32 v2, v7;
	v7 =	vld [tilespmem:s9+$0x100]  }
0x1ac: {  	[tilespmem:s9+$0xA0] =	vst v5;
	v4 =	vmul.f32 v2, v4;
	v5 =	vld [tilespmem:s9+$0x110]  }
0x1ad: {  	[tilespmem:s9+$0xB0] =	vst v3;
	v3 =	vmul.f32 v2, v8;
	v8 =	vld [tilespmem:s9+$0x120]  }
0x1ae: {  	[tilespmem:s9+$0xC0] =	vst v4;
	v4 =	vmul.f32 v2, v6;
	v6 =	vld [tilespmem:s9+$0x130]  }
0x1af: {  	[tilespmem:s9+$0xD0] =	vst v3;
	v3 =	vmul.f32 v2, v9;
	v9 =	vld [tilespmem:s9+$0x140]  }
0x1b0: {  	s12 =	sadd.s32 $0x7, s11;
	v2 =	vmov s11;
	[tilespmem:s9+$0xE0] =	vst v4;
	v4 =	vmul.f32 v1, v7;
	v7 =	vld [tilespmem:s9+$0x150]  }
0x1b1: {  	s13 =	sadd.s32 $0x1, s11;
	s8 =	sadd.s32 $0x2, s11;
	v10 =	vand.u32 $0xFFFFFFF8, v2;
	v2 =	vmov s12;
	[tilespmem:s9+$0xF0] =	vst v3;
	v3 =	vmul.f32 v1, v5;
	v11 =	vld [tilespmem:s9+$0x160]  }
0x1b2: {  	v13 =	vmov s8;
	s8 =	sadd.s32 $0x3, s11;
	v12 =	vmov s13;
	s12 =	sadd.s32 $0x4, s11;
	[tilespmem:s9+$0x100] =	vst v4;
	v4 =	vmul.f32 v1, v8;
	v8 =	vld [tilespmem:s9+$0x180]  }
0x1b3: {  	v14 =	vmov s8;
	s8 =	sadd.s32 $0x5, s11;
	v15 =	vmov s12;
	[tilespmem:s9+$0x110] =	vst v3;
	v6 =	vmul.f32 v1, v6;
	v16 =	vld [tilespmem:s9+$0x190]  }
.Ltmp4:
0x1b4: {  	v3 =	vbroadcast v10, $0x0;
	v10 =	vmov s8;
	[tilespmem:s9+$0x120] =	vst v4;
	v9 =	vmul.f32 v1, v9;
	v5 =	vld [tilespmem:s9+$0x1A0];
	(pc) =	sbr.rel @p1 .LBB2_9-.Ltmp4, $4  }
0x1b5: {  	v4 =	vand.u32 $0xFFFFFFF9, v12;
	v12 =	vand.u32 $0xFFFFFFFA, v13;
	[tilespmem:s9+$0x130] =	vst v6;
	v13 =	vmul.f32 v1, v7;
	v6 =	vld [tilespmem:s9+$0x1B0]  }
0x1b6: {  	v17 =	vand.u32 $0xFFFFFFFB, v14;
	v4 =	vbroadcast v4, $0x0;
	[tilespmem:s9+$0x140] =	vst v9;
	v18 =	vmul.f32 v1, v11;
	v7 =	vld [tilespmem:s9+$0x1C0]  }
0x1b7: {  	v9 =	vbroadcast v12, $0x0;
	v1 =	vand.u32 $0xFFFFFFFC, v15;
	[tilespmem:s9+$0x150] =	vst v13;
	v14 =	vmul.f32 v0, v8;
	v8 =	vld [tilespmem:s9+$0x1D0]  }
0x1b8: {  	s12 =	sadd.s32 $0x6, s11;
	s11 =	sadd.s32 $0x8, s11;
	v11 =	vbroadcast v17, $0x0;
	v13 =	vand.u32 $0xFFFFFFFD, v10;
	[tilespmem:s9+$0x160] =	vst v18;
	v12 =	vmul.f32 v0, v16;
	v10 =	vld [tilespmem:s9+$0x1E0]  }
0x1b9: {  	_ =	sdelay $0x2  }
0x1ba: {  	v15 =	vld [tilespmem:s9+$0x1F0]  }
0x1bb: {  	v17 =	vld.idx.msk [tilespmem:v3+s10+$0x0], $0xffff  }
0x1bc: {  	v61 =	vld.idx.msk [tilespmem:v4+s10+$0x0], $0xffff  }
0x1bd: {  	[tilespmem:s9+$0x180] =	vst v14;
	v14 =	vbroadcast v1, $0x0;
	v1 =	vmov s12;
	v9 =	vld.idx.msk [tilespmem:v9+s10+$0x0], $0xffff  }
0x1be: {  	v16 =	vand.u32 $0xFFFFFFFE, v1;
	v1 =	vld.idx.msk [tilespmem:v2+s10+$0x0], $0xffff  }
0x1bf: {  	v5 =	vmul.f32 v0, v5;
	s12 =	sadd.s32 $0x400, s9;
	v11 =	vld.idx.msk [tilespmem:v11+s10+$0x0], $0xffff  }
0x1c0: {  	v13 =	vbroadcast v13, $0x0;
	[tilespmem:s9+$0x190] =	vst v12;
	v6 =	vmul.f32 v0, v6;
	v12 =	vld [tilespmem:s12+$0x170]  }
0x1c1: {  	[tilespmem:s9+$0x1A0] =	vst v5;
	v5 =	vmul.f32 v0, v7;
	v7 =	vld [tilespmem:s12+$0xFFFFFE00]  }
0x1c2: {  	v2 =	vbroadcast v16, $0x0;
	[tilespmem:s9+$0x1B0] =	vst v6;
	v6 =	vmul.f32 v0, v8;
	v8 =	vld [tilespmem:s12+$0xFFFFFE10]  }
0x1c3: {  	[tilespmem:s9+$0x1C0] =	vst v5;
	v5 =	vmul.f32 v0, v10;
	v10 =	vld [tilespmem:s12+$0xFFFFFE20]  }
0x1c4: {  	[tilespmem:s9+$0x1D0] =	vst v6;
	v6 =	vld [tilespmem:s12+$0xFFFFFE30]  }
0x1c5: {  	v4 =	vld.idx.msk [tilespmem:v14+s10+$0x0], $0xffff  }
0x1c6: {  	v0 =	vmul.f32 v0, v15;
	v3 =	vld.idx.msk [tilespmem:v13+s10+$0x0], $0xffff  }
0x1c7: {  	[tilespmem:s9+$0x1E0] =	vst v5;
	v5 =	vld [tilespmem:s12+$0xFFFFFE40]  }
0x1c8: {  	[tilespmem:s9+$0x1F0] =	vst v0;
	v0 =	vmul.f32 v17, v7;
	v2 =	vld.idx.msk [tilespmem:v2+s10+$0x0], $0xffff  }
0x1c9: {  	v7 =	vld [tilespmem:s12+$0xFFFFFE50];
	v8 =	vmul.f32 v17, v8  }
0x1ca: {  	v13 =	vld [tilespmem:s12+$0xFFFFFE60];
	[tilespmem:s12+$0xFFFFFE00] =	vst v0;
	v0 =	vmul.f32 v17, v10  }
0x1cb: {  	v10 =	vld [tilespmem:s12+$0xFFFFFE70];
	[tilespmem:s12+$0xFFFFFE10] =	vst v8;
	v6 =	vmul.f32 v17, v6  }
0x1cc: {  	v8 =	vld [tilespmem:s12+$0xFFFFFE80];
	[tilespmem:s12+$0xFFFFFE20] =	vst v0;
	v0 =	vmul.f32 v17, v5  }
0x1cd: {  	v5 =	vld [tilespmem:s12+$0xFFFFFE90];
	[tilespmem:s12+$0xFFFFFE30] =	vst v6;
	v12 =	vmul.f32 v2, v12  }
0x1ce: {  	v6 =	vmul.f32 v17, v7;
	v7 =	vld [tilespmem:s12+$0xFFFFFEA0];
	[tilespmem:s12+$0xFFFFFE40] =	vst v0  }
0x1cf: {  	v0 =	vmul.f32 v17, v13;
	[tilespmem:s12+$0x170] =	vst v12;
	v12 =	vld [tilespmem:s12+$0xFFFFFEB0]  }
0x1d0: {  	[tilespmem:s12+$0xFFFFFE50] =	vst v6;
	v6 =	vmul.f32 v17, v10;
	v10 =	vld [tilespmem:s12+$0xFFFFFEC0]  }
0x1d1: {  	[tilespmem:s12+$0xFFFFFE60] =	vst v0;
	v0 =	vmul.f32 v61, v8;
	v8 =	vld [tilespmem:s12+$0xFFFFFED0]  }
0x1d2: {  	[tilespmem:s12+$0xFFFFFE70] =	vst v6;
	v5 =	vmul.f32 v61, v5;
	v6 =	vld [tilespmem:s12+$0xFFFFFEE0]  }
0x1d3: {  	[tilespmem:s12+$0xFFFFFE80] =	vst v0;
	v0 =	vmul.f32 v61, v7;
	v7 =	vld [tilespmem:s12+$0xFFFFFEF0]  }
0x1d4: {  	[tilespmem:s12+$0xFFFFFE90] =	vst v5;
	v5 =	vmul.f32 v61, v12;
	v12 =	vld [tilespmem:s12+$0xFFFFFF00]  }
0x1d5: {  	[tilespmem:s12+$0xFFFFFEA0] =	vst v0;
	v0 =	vmul.f32 v61, v10;
	v10 =	vld [tilespmem:s12+$0xFFFFFF10]  }
0x1d6: {  	[tilespmem:s12+$0xFFFFFEB0] =	vst v5;
	v5 =	vmul.f32 v61, v8;
	v8 =	vld [tilespmem:s12+$0xFFFFFF20]  }
0x1d7: {  	[tilespmem:s12+$0xFFFFFEC0] =	vst v0;
	v0 =	vmul.f32 v61, v6;
	v6 =	vld [tilespmem:s12+$0xFFFFFF30]  }
0x1d8: {  	[tilespmem:s12+$0xFFFFFED0] =	vst v5;
	v5 =	vmul.f32 v61, v7;
	v7 =	vld [tilespmem:s12+$0xFFFFFF40]  }
0x1d9: {  	[tilespmem:s12+$0xFFFFFEE0] =	vst v0;
	v0 =	vmul.f32 v9, v12;
	v12 =	vld [tilespmem:s12+$0xFFFFFF50]  }
0x1da: {  	[tilespmem:s12+$0xFFFFFEF0] =	vst v5;
	v5 =	vmul.f32 v9, v10;
	v10 =	vld [tilespmem:s12+$0xFFFFFF60]  }
0x1db: {  	[tilespmem:s12+$0xFFFFFF00] =	vst v0;
	v0 =	vmul.f32 v9, v8;
	v8 =	vld [tilespmem:s12+$0xFFFFFF70]  }
0x1dc: {  	[tilespmem:s12+$0xFFFFFF10] =	vst v5;
	v5 =	vmul.f32 v9, v6;
	v6 =	vld [tilespmem:s12+$0xFFFFFF80]  }
0x1dd: {  	[tilespmem:s12+$0xFFFFFF20] =	vst v0;
	v0 =	vmul.f32 v9, v7;
	v7 =	vld [tilespmem:s12+$0xFFFFFF90]  }
0x1de: {  	[tilespmem:s12+$0xFFFFFF30] =	vst v5;
	v5 =	vmul.f32 v9, v12;
	v12 =	vld [tilespmem:s12+$0xFFFFFFA0]  }
0x1df: {  	[tilespmem:s12+$0xFFFFFF40] =	vst v0;
	v0 =	vmul.f32 v9, v10;
	v10 =	vld [tilespmem:s12+$0xFFFFFFB0]  }
0x1e0: {  	[tilespmem:s12+$0xFFFFFF50] =	vst v5;
	v5 =	vmul.f32 v9, v8;
	v8 =	vld [tilespmem:s12+$0xFFFFFFC0]  }
0x1e1: {  	[tilespmem:s12+$0xFFFFFF60] =	vst v0;
	v0 =	vmul.f32 v11, v6;
	v6 =	vld [tilespmem:s12+$0xFFFFFFD0]  }
0x1e2: {  	[tilespmem:s12+$0xFFFFFF70] =	vst v5;
	v5 =	vmul.f32 v11, v7;
	v7 =	vld [tilespmem:s12+$0xFFFFFFE0]  }
0x1e3: {  	v9 =	vld [tilespmem:s12+$0xFFFFFFF0];
	[tilespmem:s12+$0xFFFFFF80] =	vst v0;
	v0 =	vmul.f32 v11, v12  }
0x1e4: {  	[tilespmem:s12+$0xFFFFFF90] =	vst v5;
	v5 =	vmul.f32 v11, v10;
	v10 =	vld [tilespmem:s12+$0x0]  }
0x1e5: {  	[tilespmem:s12+$0xFFFFFFA0] =	vst v0;
	v0 =	vmul.f32 v11, v8;
	v8 =	vld [tilespmem:s12+$0x10]  }
0x1e6: {  	[tilespmem:s12+$0xFFFFFFB0] =	vst v5;
	v5 =	vmul.f32 v11, v6;
	v6 =	vld [tilespmem:s12+$0x20]  }
0x1e7: {  	[tilespmem:s12+$0xFFFFFFC0] =	vst v0;
	v0 =	vmul.f32 v11, v7;
	v7 =	vld [tilespmem:s12+$0x30]  }
0x1e8: {  	[tilespmem:s12+$0xFFFFFFD0] =	vst v5;
	v5 =	vmul.f32 v11, v9;
	v9 =	vld [tilespmem:s12+$0x40]  }
0x1e9: {  	[tilespmem:s12+$0xFFFFFFE0] =	vst v0;
	v0 =	vmul.f32 v4, v10;
	v10 =	vld [tilespmem:s12+$0x50]  }
0x1ea: {  	[tilespmem:s12+$0xFFFFFFF0] =	vst v5;
	v5 =	vmul.f32 v4, v8;
	v8 =	vld [tilespmem:s12+$0x60]  }
0x1eb: {  	[tilespmem:s12+$0x0] =	vst v0;
	v0 =	vmul.f32 v4, v6;
	v6 =	vld [tilespmem:s12+$0x70]  }
0x1ec: {  	[tilespmem:s12+$0x10] =	vst v5;
	v5 =	vmul.f32 v4, v7;
	v7 =	vld [tilespmem:s12+$0x80]  }
0x1ed: {  	[tilespmem:s12+$0x20] =	vst v0;
	v0 =	vmul.f32 v4, v9;
	v9 =	vld [tilespmem:s12+$0x90]  }
0x1ee: {  	[tilespmem:s12+$0x30] =	vst v5;
	v5 =	vmul.f32 v4, v10;
	v10 =	vld [tilespmem:s12+$0xA0]  }
0x1ef: {  	[tilespmem:s12+$0x40] =	vst v0;
	v0 =	vmul.f32 v4, v8;
	v8 =	vld [tilespmem:s12+$0xB0]  }
0x1f0: {  	[tilespmem:s12+$0x50] =	vst v5;
	v4 =	vmul.f32 v4, v6;
	v5 =	vld [tilespmem:s12+$0xC0]  }
0x1f1: {  	v6 =	vld [tilespmem:s12+$0xD0];
	[tilespmem:s12+$0x60] =	vst v0;
	v0 =	vmul.f32 v3, v7  }
0x1f2: {  	v7 =	vld [tilespmem:s12+$0xE0];
	[tilespmem:s12+$0x70] =	vst v4;
	v4 =	vmul.f32 v3, v9  }
0x1f3: {  	v9 =	vld [tilespmem:s12+$0xF0];
	[tilespmem:s12+$0x80] =	vst v0;
	v0 =	vmul.f32 v3, v10  }
0x1f4: {  	[tilespmem:s12+$0x90] =	vst v4;
	v4 =	vmul.f32 v3, v8;
	v8 =	vld [tilespmem:s12+$0x100]  }
0x1f5: {  	[tilespmem:s12+$0xA0] =	vst v0;
	v0 =	vmul.f32 v3, v5;
	v5 =	vld [tilespmem:s12+$0x110]  }
0x1f6: {  	[tilespmem:s12+$0xB0] =	vst v4;
	v4 =	vmul.f32 v3, v6;
	v6 =	vld [tilespmem:s12+$0x120]  }
0x1f7: {  	[tilespmem:s12+$0xC0] =	vst v0;
	v0 =	vmul.f32 v3, v7;
	v7 =	vld [tilespmem:s12+$0x130]  }
0x1f8: {  	v3 =	vmul.f32 v3, v9;
	[tilespmem:s12+$0xD0] =	vst v4;
	v4 =	vld [tilespmem:s12+$0x140]  }
0x1f9: {  	[tilespmem:s12+$0xE0] =	vst v0;
	v0 =	vmul.f32 v2, v8;
	v8 =	vld [tilespmem:s12+$0x150]  }
0x1fa: {  	[tilespmem:s12+$0xF0] =	vst v3;
	v3 =	vmul.f32 v2, v5;
	v5 =	vld [tilespmem:s12+$0x160]  }
0x1fb: {  	[tilespmem:s12+$0x100] =	vst v0;
	v0 =	vmul.f32 v2, v6;
	v6 =	vld [tilespmem:s12+$0x180]  }
0x1fc: {  	[tilespmem:s12+$0x110] =	vst v3;
	v3 =	vmul.f32 v2, v7;
	v7 =	vld [tilespmem:s12+$0x190]  }
0x1fd: {  	[tilespmem:s12+$0x120] =	vst v0;
	v0 =	vmul.f32 v2, v4;
	v4 =	vld [tilespmem:s12+$0x1A0]  }
0x1fe: {  	[tilespmem:s12+$0x130] =	vst v3;
	v3 =	vmul.f32 v2, v8;
	v8 =	vld [tilespmem:s12+$0x1B0]  }
0x1ff: {  	[tilespmem:s12+$0x140] =	vst v0;
	v0 =	vmul.f32 v2, v5;
	v2 =	vld [tilespmem:s12+$0x1C0]  }
0x200: {  	v5 =	vld [tilespmem:s12+$0x1D0];
	[tilespmem:s12+$0x150] =	vst v3;
	v3 =	vmul.f32 v1, v6  }
0x201: {  	v6 =	vld [tilespmem:s12+$0x1E0];
	[tilespmem:s12+$0x160] =	vst v0;
	v0 =	vmul.f32 v1, v7  }
0x202: {  	[tilespmem:s12+$0x180] =	vst v3;
	v3 =	vmul.f32 v1, v4;
	v4 =	vld [tilespmem:s12+$0x1F0]  }
0x203: {  	[tilespmem:s12+$0x190] =	vst v0;
	v0 =	vmul.f32 v1, v8  }
0x204: {  	[tilespmem:s12+$0x1A0] =	vst v3;
	v2 =	vmul.f32 v1, v2  }
0x205: {  	[tilespmem:s12+$0x1B0] =	vst v0;
	v0 =	vmul.f32 v1, v5  }
0x206: {  	[tilespmem:s12+$0x1C0] =	vst v2;
	v2 =	vmul.f32 v1, v6  }
0x207: {  	[tilespmem:s12+$0x1D0] =	vst v0;
	v0 =	vmul.f32 v1, v4  }
0x208: {  	[tilespmem:s12+$0x1E0] =	vst v2  }
0x209: {  	s7 =	sadd.s32 $0x80, s7;
	[tilespmem:s12+$0x1F0] =	vst v0  }
0x20a: {  	[spmem:s3] =	stream.indirect.scatter.add.f32 [tilespmem:s22], [sflag:$0x5], $0x80, s7, s20, $0xb8;
	[tilespmem:$0x1FC00] =	vst v63  }
0x20b: {  	s9 =	simm.s32 @!p0 $0x7;
	s7 =	sadd.s32 @!p0 $0x3, s16  }
0x20c: {  	s8 =	smulhi.u32 @!p0 $0xAAAAAAAB, s7;
	_ =	swait.ge @!p0 [sflag:s9], $0x180  }
0x20d: {  	[sflag:s9] =	ssyncset.done @!p0 $0x0  }
0x20e: {  	s8 =	sshrl.u32 @!p0 s8, $0x2;
	[sflag:s9] =	ssyncadd.s32 @!p0 $0xFFFFFE80;
	s9 =	simm.s32 @!p0 $0x4  }
0x20f: {  	s8 =	smul.u32 @!p0 $0x6, s8;
	_ =	swait.ge @!p0 [sflag:s9], $0x3C00  }
0x210: {  	s10 =	simm.s32 @!p0 $0xC00;
	[sflag:s9] =	ssyncset.done @!p0 $0x0  }
0x211: {  	s7 =	ssub.s32 @!p0 s7, s8;
	[sflag:s9] =	ssyncadd.s32 @!p0 $0xFFFFC400;
	s8 =	sadd.s32 @!p0 $0x5, s16  }
0x212: {  	s9 =	simm.s32 @!p0 $0x78;
	s7 =	sshll.u32 @!p0 s7, $0x9;
	s11 =	smulhi.u32 @!p0 $0xAAAAAAAB, s8  }
0x213: {  	[tilespmem:s10], [sflag:$0x1] =	stream.indirect.gather @!p0 [hbm4b:s1+s9], $0x80, s7, s9, $0xb8;
	[tilespmem:$0x1FC00] =	vst v63  }
0x214: {  	s13 =	simm.s32 $0x0;
	s7 =	sshrl.u32 @!p0 s11, $0x2  }
0x215: {  	v0 =	vmov s13;
	s10 =	sshll.u32 @!p0 s8, $0x9;
	s11 =	simm.s32 $0x6;
	s7 =	smul.u32 @!p0 $0x6, s7  }
0x216: {  	v0 =	vand.u32 $0xFFFFFFF8, v0;
	s10 =	sadd.s32 @!p0 s5, s10;
	v1 =	vmov s11  }
0x217: {  	v0 =	vbroadcast v0, $0x0;
	v1 =	vand.u32 $0xFFFFFFFE, v1;
	s7 =	ssub.s32 @!p0 s8, s7;
	s8 =	sshrl.u32 @!p0 s10, $0x3  }
0x218: {  	s9 =	simm.s32 @!p0 $0x0;
	v1 =	vbroadcast v1, $0x0;
	s7 =	sshll.u32 @!p0 s7, $0x9;
	s8 =	sadd.s32 @!p0 s6, s8  }
0x219: {  	[tilespmem:s7], [sflag:$0x9] =	stream.linear.gather @!p0 [hbm4b:s8+s9], $0x180, $0x38;
	[tilespmem:$0x1FC00] =	vst v63  }
0x21a: {  	_ =	swait.ge [sflag:s28], $0x3C00  }
0x21b: {  	[sflag:s28] =	ssyncset.done $0x0  }
0x21c: {  	s9 =	sadd.s32 $0x100, s17;
	[sflag:s28] =	ssyncadd.s32 $0xFFFFC400  }
0x21d: {  	v0 =	vld.idx.msk [tilespmem:v0+s9+$0x0], $0xffff  }
0x21e: {  	s12 =	simm.s32 $0x1;
	s7 =	simm.s32 $0x8600;
	v1 =	vld.idx.msk [tilespmem:v1+s9+$0x0], $0xffff  }
0x21f: {  	v2 =	vmov s12;
	v3 =	vld [tilespmem:s7+$0x170]  }
0x220: {  	v2 =	vand.u32 $0xFFFFFFF9, v2;
	v4 =	vld [tilespmem:s7+$0xFFFFFE00]  }
0x221: {  	v2 =	vbroadcast v2, $0x0;
	v5 =	vld [tilespmem:s7+$0xFFFFFE10]  }
0x222: {  	v6 =	vld [tilespmem:s7+$0xFFFFFE20]  }
0x223: {  	v7 =	vld [tilespmem:s7+$0xFFFFFE30]  }
0x224: {  	v8 =	vld [tilespmem:s7+$0xFFFFFE40]  }
0x225: {  	v9 =	vld [tilespmem:s7+$0xFFFFFE50]  }
0x226: {  	v10 =	vld [tilespmem:s7+$0xFFFFFE60]  }
0x227: {  	v2 =	vld.idx.msk [tilespmem:v2+s9+$0x0], $0xffff  }
0x228: {  	v11 =	vld [tilespmem:s7+$0xFFFFFE70]  }
0x229: {  	v12 =	vld [tilespmem:s7+$0xFFFFFE80];
	v4 =	vmul.f32 v0, v4  }
0x22a: {  	v13 =	vld [tilespmem:s7+$0xFFFFFE90];
	v3 =	vmul.f32 v1, v3  }
0x22b: {  	v14 =	vld [tilespmem:s7+$0xFFFFFEA0];
	v5 =	vmul.f32 v0, v5;
	[tilespmem:s7+$0xFFFFFE00] =	vst v4  }
0x22c: {  	s13 =	simm.s32 $0x2;
	v15 =	vld [tilespmem:s7+$0xFFFFFEB0];
	v7 =	vmul.f32 v0, v7;
	[tilespmem:s7+$0x170] =	vst v3  }
0x22d: {  	v8 =	vmul.f32 v0, v8;
	v4 =	vmov s13;
	v3 =	vmul.f32 v0, v6;
	v6 =	vld [tilespmem:s7+$0xFFFFFEC0];
	[tilespmem:s7+$0xFFFFFE10] =	vst v5  }
0x22e: {  	v5 =	vmul.f32 v2, v12;
	v12 =	vld [tilespmem:s7+$0xFFFFFED0];
	[tilespmem:s7+$0xFFFFFE30] =	vst v7;
	v4 =	vand.u32 $0xFFFFFFFA, v4  }
0x22f: {  	v7 =	vmul.f32 v0, v9;
	v9 =	vld [tilespmem:s7+$0xFFFFFEF0];
	[tilespmem:s7+$0xFFFFFE40] =	vst v8;
	v4 =	vbroadcast v4, $0x0  }
0x230: {  	v8 =	vmul.f32 v0, v10;
	v10 =	vld [tilespmem:s7+$0xFFFFFF00];
	[tilespmem:s7+$0xFFFFFE20] =	vst v3  }
0x231: {  	v0 =	vmul.f32 v0, v11;
	v11 =	vld [tilespmem:s7+$0xFFFFFF20];
	[tilespmem:s7+$0xFFFFFE80] =	vst v5  }
0x232: {  	s10 =	simm.s32 $0x3;
	v3 =	vld [tilespmem:s7+$0xFFFFFEE0];
	[tilespmem:s7+$0xFFFFFE50] =	vst v7  }
0x233: {  	v5 =	vmov s10;
	v7 =	vld [tilespmem:s7+$0xFFFFFF10];
	[tilespmem:s7+$0xFFFFFE60] =	vst v8;
	v8 =	vmul.f32 v2, v13  }
0x234: {  	[tilespmem:s7+$0xFFFFFE70] =	vst v0;
	v0 =	vmul.f32 v2, v14;
	v13 =	vld [tilespmem:s7+$0xFFFFFF30];
	v5 =	vand.u32 $0xFFFFFFFB, v5  }
0x235: {  	v5 =	vbroadcast v5, $0x0;
	[tilespmem:s7+$0xFFFFFE90] =	vst v8;
	v8 =	vmul.f32 v2, v15;
	v4 =	vld.idx.msk [tilespmem:v4+s9+$0x0], $0xffff  }
0x236: {  	v14 =	vld [tilespmem:s7+$0xFFFFFF40];
	[tilespmem:s7+$0xFFFFFEA0] =	vst v0;
	v6 =	vmul.f32 v2, v6  }
0x237: {  	v12 =	vmul.f32 v2, v12;
	[tilespmem:s7+$0xFFFFFEB0] =	vst v8;
	v8 =	vld [tilespmem:s7+$0xFFFFFF60]  }
0x238: {  	[tilespmem:s7+$0xFFFFFEC0] =	vst v6;
	v3 =	vmul.f32 v2, v3;
	v6 =	vld [tilespmem:s7+$0xFFFFFF70]  }
0x239: {  	[tilespmem:s7+$0xFFFFFED0] =	vst v12;
	v2 =	vmul.f32 v2, v9;
	v9 =	vld [tilespmem:s7+$0xFFFFFF80]  }
0x23a: {  	v12 =	vld [tilespmem:s7+$0xFFFFFFB0];
	[tilespmem:s7+$0xFFFFFEE0] =	vst v3;
	v0 =	vmul.f32 v4, v10  }
0x23b: {  	[tilespmem:s7+$0xFFFFFEF0] =	vst v2;
	v5 =	vld.idx.msk [tilespmem:v5+s9+$0x0], $0xffff;
	v3 =	vmul.f32 v4, v7  }
0x23c: {  	s11 =	simm.s32 $0x4;
	v10 =	vld [tilespmem:s7+$0xFFFFFF50];
	v2 =	vmul.f32 v4, v11;
	[tilespmem:s7+$0xFFFFFF00] =	vst v0  }
0x23d: {  	v7 =	vld [tilespmem:s7+$0xFFFFFF90];
	v8 =	vmul.f32 v4, v8;
	v0 =	vmov s11;
	[tilespmem:s7+$0xFFFFFF10] =	vst v3  }
0x23e: {  	v11 =	vld [tilespmem:s7+$0xFFFFFFA0];
	v3 =	vmul.f32 v4, v13;
	[tilespmem:s7+$0xFFFFFF20] =	vst v2;
	v0 =	vand.u32 $0xFFFFFFFC, v0  }
0x23f: {  	v2 =	vmul.f32 v4, v14;
	v13 =	vld [tilespmem:s7+$0xFFFFFFC0];
	[tilespmem:s7+$0xFFFFFF60] =	vst v8;
	v0 =	vbroadcast v0, $0x0  }
0x240: {  	v8 =	vld [tilespmem:s7+$0x0];
	[tilespmem:s7+$0xFFFFFF30] =	vst v3;
	v3 =	vmul.f32 v5, v9  }
0x241: {  	s12 =	simm.s32 $0x5;
	v9 =	vld [tilespmem:s7+$0xFFFFFFD0];
	[tilespmem:s7+$0xFFFFFF40] =	vst v2;
	v10 =	vmul.f32 v4, v10  }
0x242: {  	v2 =	vld [tilespmem:s7+$0xFFFFFFE0];
	v4 =	vmul.f32 v4, v6;
	[tilespmem:s7+$0xFFFFFF80] =	vst v3;
	v3 =	vmov s12  }
0x243: {  	v6 =	vld [tilespmem:s7+$0xFFFFFFF0];
	v7 =	vmul.f32 v5, v7;
	[tilespmem:s7+$0xFFFFFF50] =	vst v10;
	v3 =	vand.u32 $0xFFFFFFFD, v3  }
0x244: {  	[tilespmem:s7+$0xFFFFFF70] =	vst v4;
	v4 =	vmul.f32 v5, v11;
	v10 =	vld [tilespmem:s7+$0x10];
	v3 =	vbroadcast v3, $0x0  }
0x245: {  	[tilespmem:s7+$0xFFFFFF90] =	vst v7;
	v7 =	vmul.f32 v5, v12;
	v0 =	vld.idx.msk [tilespmem:v0+s9+$0x0], $0xffff  }
0x246: {  	v11 =	vld [tilespmem:s7+$0x20];
	[tilespmem:s7+$0xFFFFFFA0] =	vst v4;
	v4 =	vmul.f32 v5, v13  }
0x247: {  	v12 =	vld [tilespmem:s7+$0x30];
	[tilespmem:s7+$0xFFFFFFB0] =	vst v7;
	v7 =	vmul.f32 v5, v9  }
0x248: {  	v9 =	vld [tilespmem:s7+$0x40];
	v2 =	vmul.f32 v5, v2;
	[tilespmem:s7+$0xFFFFFFC0] =	vst v4  }
0x249: {  	v5 =	vmul.f32 v5, v6;
	[tilespmem:s7+$0xFFFFFFD0] =	vst v7;
	v7 =	vld [tilespmem:s7+$0x60]  }
0x24a: {  	[tilespmem:s7+$0xFFFFFFE0] =	vst v2;
	v3 =	vld.idx.msk [tilespmem:v3+s9+$0x0], $0xffff;
	v4 =	vmul.f32 v0, v8  }
0x24b: {  	[tilespmem:s7+$0xFFFFFFF0] =	vst v5;
	v8 =	vld [tilespmem:s7+$0x50];
	v5 =	vmul.f32 v0, v11  }
0x24c: {  	v2 =	vmul.f32 v0, v10;
	v10 =	vld [tilespmem:s7+$0x90];
	[tilespmem:s7+$0x0] =	vst v4  }
0x24d: {  	v6 =	vld [tilespmem:s7+$0x80];
	[tilespmem:s7+$0x20] =	vst v5;
	v5 =	vmul.f32 v0, v9  }
0x24e: {  	v4 =	vld [tilespmem:s7+$0x70];
	[tilespmem:s7+$0x10] =	vst v2;
	v2 =	vmul.f32 v0, v12  }
0x24f: {  	v9 =	vld [tilespmem:s7+$0xA0];
	[tilespmem:s7+$0x40] =	vst v5;
	v5 =	vmul.f32 v0, v7  }
0x250: {  	[tilespmem:s7+$0x30] =	vst v2;
	v7 =	vld [tilespmem:s7+$0xC0];
	v2 =	vmul.f32 v0, v8  }
0x251: {  	v8 =	vld [tilespmem:s7+$0xB0];
	v10 =	vmul.f32 v3, v10;
	[tilespmem:s7+$0x60] =	vst v5  }
0x252: {  	s13 =	simm.s32 $0x7;
	v5 =	vld [tilespmem:s7+$0xE0];
	[tilespmem:s7+$0x50] =	vst v2;
	v2 =	vmul.f32 v3, v6  }
0x253: {  	v11 =	vmov s13;
	v6 =	vld [tilespmem:s7+$0xD0];
	v4 =	vmul.f32 v0, v4;
	[tilespmem:s7+$0x90] =	vst v10  }
0x254: {  	v10 =	vld [tilespmem:s7+$0x150];
	[tilespmem:s7+$0x80] =	vst v2  }
0x255: {  	[tilespmem:s7+$0x70] =	vst v4;
	v2 =	vmul.f32 v3, v9;
	v4 =	vld [tilespmem:s7+$0xF0]  }
0x256: {  	v9 =	vld [tilespmem:s7+$0x100];
	v8 =	vmul.f32 v3, v8  }
0x257: {  	[tilespmem:s7+$0xA0] =	vst v2;
	v2 =	vmul.f32 v3, v7;
	v7 =	vld [tilespmem:s7+$0x110]  }
0x258: {  	v0 =	vld.idx.msk [tilespmem:v11+s9+$0x0], $0xffff;
	[tilespmem:s7+$0xB0] =	vst v8;
	v6 =	vmul.f32 v3, v6  }
0x259: {  	v8 =	vld [tilespmem:s7+$0x120];
	v10 =	vmul.f32 v1, v10;
	[tilespmem:s7+$0xC0] =	vst v2  }
0x25a: {  	s13 =	simm.s32 $0xA;
	v2 =	vmul.f32 v3, v5;
	v5 =	vld [tilespmem:s7+$0x130];
	[tilespmem:s7+$0xD0] =	vst v6;
	v3 =	vmul.f32 v3, v4  }
0x25b: {  	s12 =	simm.s32 $0x9;
	v12 =	vmov s13;
	v4 =	vld [tilespmem:s7+$0x140];
	[tilespmem:s7+$0x150] =	vst v10  }
0x25c: {  	s10 =	simm.s32 $0x8;
	s13 =	simm.s32 $0xD;
	v11 =	vmov s12;
	s12 =	simm.s32 $0xC;
	v9 =	vmul.f32 v1, v9;
	[tilespmem:s7+$0xF0] =	vst v3;
	v3 =	vmul.f32 v1, v7;
	v7 =	vld [tilespmem:s7+$0x160]  }
0x25d: {  	s11 =	simm.s32 $0xF;
	v13 =	vld [tilespmem:s7+$0x180];
	v63 =	vmov s13;
	v14 =	vmov s12;
	v6 =	vmov s10;
	[tilespmem:s7+$0xE0] =	vst v2  }
0x25e: {  	v62 =	vld [tilespmem:s7+$0x190];
	v6 =	vand.u32 $0xFFFFFFF8, v6;
	v2 =	vmov s11;
	s11 =	simm.s32 $0xB;
	[tilespmem:s7+$0x100] =	vst v9;
	v8 =	vmul.f32 v1, v8  }
0x25f: {  	v9 =	vmov s11;
	[tilespmem:s7+$0x110] =	vst v3;
	v15 =	vmul.f32 v1, v5;
	v3 =	vbroadcast v6, $0x0;
	v5 =	vld [tilespmem:s7+$0x1A0]  }
0x260: {  	v6 =	vld [tilespmem:s7+$0x1B0];
	[tilespmem:s7+$0x120] =	vst v8;
	v8 =	vmul.f32 v1, v4;
	v4 =	vand.u32 $0xFFFFFFF9, v11;
	v11 =	vand.u32 $0xFFFFFFFA, v12  }
0x261: {  	v12 =	vand.u32 $0xFFFFFFFB, v9;
	[tilespmem:s7+$0x130] =	vst v15;
	v4 =	vbroadcast v4, $0x0;
	v15 =	vmul.f32 v1, v7;
	v7 =	vld [tilespmem:s7+$0x1C0]  }
0x262: {  	v9 =	vbroadcast v11, $0x0;
	[tilespmem:s7+$0x140] =	vst v8;
	v1 =	vand.u32 $0xFFFFFFFC, v14;
	v14 =	vmul.f32 v0, v13;
	v8 =	vld [tilespmem:s7+$0x1D0]  }
0x263: {  	s10 =	simm.s32 $0x10;
	v10 =	vld [tilespmem:s7+$0x1E0];
	s11 =	simm.s32 $0xE;
	v11 =	vbroadcast v12, $0x0;
	v12 =	vmul.f32 v0, v62;
	v13 =	vand.u32 $0xFFFFFFFD, v63;
	[tilespmem:s7+$0x160] =	vst v15  }
.LBB2_11:
0x264: {  	p1 =	slt.u32 s10, $0x70;
	v1 =	vbroadcast v1, $0x0;
	v15 =	vmov s11;
	[tilespmem:s7+$0x180] =	vst v14;
	v5 =	vmul.f32 v0, v5;
	v14 =	vld [tilespmem:s7+$0x1F0]  }
0x265: {  	v13 =	vbroadcast v13, $0x0;
	v15 =	vand.u32 $0xFFFFFFFE, v15;
	v16 =	vld.idx.msk [tilespmem:v2+s9+$0x0], $0xffff;
	[tilespmem:s7+$0x190] =	vst v12;
	v2 =	vmul.f32 v0, v6  }
0x266: {  	v6 =	vld.idx.msk [tilespmem:v3+s9+$0x0], $0xffff;
	v12 =	vbroadcast v15, $0x0;
	[tilespmem:s7+$0x1A0] =	vst v5;
	v3 =	vmul.f32 v0, v7  }
0x267: {  	v5 =	vld.idx.msk [tilespmem:v4+s9+$0x0], $0xffff;
	[tilespmem:s7+$0x1B0] =	vst v2;
	v2 =	vmul.f32 v0, v8  }
0x268: {  	v7 =	vld.idx.msk [tilespmem:v9+s9+$0x0], $0xffff;
	[tilespmem:s7+$0x1C0] =	vst v3;
	v8 =	vmul.f32 v0, v10  }
0x269: {  	v4 =	vld.idx.msk [tilespmem:v11+s9+$0x0], $0xffff;
	[tilespmem:s7+$0x1D0] =	vst v2;
	v9 =	vmul.f32 v0, v14  }
0x26a: {  	v3 =	vld.idx.msk [tilespmem:v1+s9+$0x0], $0xffff;
	[tilespmem:s7+$0x1E0] =	vst v8  }
0x26b: {  	v0 =	vmov v16;
	v2 =	vld.idx.msk [tilespmem:v13+s9+$0x0], $0xffff;
	[tilespmem:s7+$0x1F0] =	vst v9  }
0x26c: {  	s7 =	sadd.s32 $0x400, s7;
	v1 =	vld.idx.msk [tilespmem:v12+s9+$0x0], $0xffff  }
0x26d: {  	v8 =	vld [tilespmem:s7+$0x170]  }
0x26e: {  	v9 =	vld [tilespmem:s7+$0xFFFFFE00]  }
0x26f: {  	v10 =	vld [tilespmem:s7+$0xFFFFFE10]  }
0x270: {  	v11 =	vld [tilespmem:s7+$0xFFFFFE20]  }
0x271: {  	v12 =	vld [tilespmem:s7+$0xFFFFFE30]  }
0x272: {  	v13 =	vld [tilespmem:s7+$0xFFFFFE40];
	v8 =	vmul.f32 v1, v8  }
0x273: {  	v9 =	vmul.f32 v6, v9;
	v14 =	vld [tilespmem:s7+$0xFFFFFE50]  }
0x274: {  	v10 =	vmul.f32 v6, v10;
	v15 =	vld [tilespmem:s7+$0xFFFFFE60];
	[tilespmem:s7+$0x170] =	vst v8  }
0x275: {  	[tilespmem:s7+$0xFFFFFE00] =	vst v9;
	v8 =	vmul.f32 v6, v11;
	v9 =	vld [tilespmem:s7+$0xFFFFFE70]  }
0x276: {  	[tilespmem:s7+$0xFFFFFE10] =	vst v10;
	v10 =	vmul.f32 v6, v12;
	v11 =	vld [tilespmem:s7+$0xFFFFFE80]  }
0x277: {  	[tilespmem:s7+$0xFFFFFE20] =	vst v8;
	v8 =	vmul.f32 v6, v13;
	v12 =	vld [tilespmem:s7+$0xFFFFFE90]  }
0x278: {  	[tilespmem:s7+$0xFFFFFE30] =	vst v10;
	v10 =	vmul.f32 v6, v14;
	v13 =	vld [tilespmem:s7+$0xFFFFFEA0]  }
0x279: {  	[tilespmem:s7+$0xFFFFFE40] =	vst v8;
	v8 =	vmul.f32 v6, v15;
	v14 =	vld [tilespmem:s7+$0xFFFFFEB0]  }
0x27a: {  	[tilespmem:s7+$0xFFFFFE50] =	vst v10;
	v6 =	vmul.f32 v6, v9;
	v9 =	vld [tilespmem:s7+$0xFFFFFEC0]  }
0x27b: {  	[tilespmem:s7+$0xFFFFFE60] =	vst v8;
	v8 =	vmul.f32 v5, v11;
	v10 =	vld [tilespmem:s7+$0xFFFFFED0]  }
0x27c: {  	[tilespmem:s7+$0xFFFFFE70] =	vst v6;
	v6 =	vmul.f32 v5, v12;
	v11 =	vld [tilespmem:s7+$0xFFFFFEE0]  }
0x27d: {  	[tilespmem:s7+$0xFFFFFE80] =	vst v8;
	v8 =	vmul.f32 v5, v13;
	v12 =	vld [tilespmem:s7+$0xFFFFFEF0]  }
0x27e: {  	[tilespmem:s7+$0xFFFFFE90] =	vst v6;
	v6 =	vmul.f32 v5, v14;
	v13 =	vld [tilespmem:s7+$0xFFFFFF00]  }
0x27f: {  	[tilespmem:s7+$0xFFFFFEA0] =	vst v8;
	v8 =	vmul.f32 v5, v9;
	v9 =	vld [tilespmem:s7+$0xFFFFFF10]  }
0x280: {  	[tilespmem:s7+$0xFFFFFEB0] =	vst v6;
	v6 =	vmul.f32 v5, v10;
	v10 =	vld [tilespmem:s7+$0xFFFFFF20]  }
0x281: {  	[tilespmem:s7+$0xFFFFFEC0] =	vst v8;
	v8 =	vmul.f32 v5, v11;
	v11 =	vld [tilespmem:s7+$0xFFFFFF30]  }
0x282: {  	[tilespmem:s7+$0xFFFFFED0] =	vst v6;
	v5 =	vmul.f32 v5, v12;
	v6 =	vld [tilespmem:s7+$0xFFFFFF40]  }
0x283: {  	[tilespmem:s7+$0xFFFFFEE0] =	vst v8;
	v8 =	vmul.f32 v7, v13;
	v12 =	vld [tilespmem:s7+$0xFFFFFF50]  }
0x284: {  	[tilespmem:s7+$0xFFFFFEF0] =	vst v5;
	v5 =	vmul.f32 v7, v9;
	v9 =	vld [tilespmem:s7+$0xFFFFFF60]  }
0x285: {  	[tilespmem:s7+$0xFFFFFF00] =	vst v8;
	v8 =	vmul.f32 v7, v10;
	v10 =	vld [tilespmem:s7+$0xFFFFFF70]  }
0x286: {  	[tilespmem:s7+$0xFFFFFF10] =	vst v5;
	v5 =	vmul.f32 v7, v11;
	v11 =	vld [tilespmem:s7+$0xFFFFFF80]  }
0x287: {  	[tilespmem:s7+$0xFFFFFF20] =	vst v8;
	v6 =	vmul.f32 v7, v6;
	v8 =	vld [tilespmem:s7+$0xFFFFFF90]  }
0x288: {  	[tilespmem:s7+$0xFFFFFF30] =	vst v5;
	v5 =	vmul.f32 v7, v12;
	v12 =	vld [tilespmem:s7+$0xFFFFFFA0]  }
0x289: {  	[tilespmem:s7+$0xFFFFFF40] =	vst v6;
	v6 =	vmul.f32 v7, v9;
	v9 =	vld [tilespmem:s7+$0xFFFFFFB0]  }
0x28a: {  	[tilespmem:s7+$0xFFFFFF50] =	vst v5;
	v5 =	vmul.f32 v7, v10;
	v7 =	vld [tilespmem:s7+$0xFFFFFFC0]  }
0x28b: {  	[tilespmem:s7+$0xFFFFFF60] =	vst v6;
	v6 =	vmul.f32 v4, v11;
	v10 =	vld [tilespmem:s7+$0xFFFFFFD0]  }
0x28c: {  	[tilespmem:s7+$0xFFFFFF70] =	vst v5;
	v5 =	vmul.f32 v4, v8;
	v8 =	vld [tilespmem:s7+$0xFFFFFFE0]  }
0x28d: {  	[tilespmem:s7+$0xFFFFFF80] =	vst v6;
	v6 =	vmul.f32 v4, v12;
	v11 =	vld [tilespmem:s7+$0xFFFFFFF0]  }
0x28e: {  	[tilespmem:s7+$0xFFFFFF90] =	vst v5;
	v5 =	vmul.f32 v4, v9;
	v9 =	vld [tilespmem:s7+$0x0]  }
0x28f: {  	[tilespmem:s7+$0xFFFFFFA0] =	vst v6;
	v6 =	vmul.f32 v4, v7;
	v7 =	vld [tilespmem:s7+$0x10]  }
0x290: {  	[tilespmem:s7+$0xFFFFFFB0] =	vst v5;
	v5 =	vmul.f32 v4, v10;
	v10 =	vld [tilespmem:s7+$0x20]  }
0x291: {  	[tilespmem:s7+$0xFFFFFFC0] =	vst v6;
	v6 =	vmul.f32 v4, v8;
	v8 =	vld [tilespmem:s7+$0x30]  }
0x292: {  	[tilespmem:s7+$0xFFFFFFD0] =	vst v5;
	v4 =	vmul.f32 v4, v11;
	v5 =	vld [tilespmem:s7+$0x40]  }
0x293: {  	[tilespmem:s7+$0xFFFFFFE0] =	vst v6;
	v6 =	vmul.f32 v3, v9;
	v9 =	vld [tilespmem:s7+$0x50]  }
0x294: {  	[tilespmem:s7+$0xFFFFFFF0] =	vst v4;
	v4 =	vmul.f32 v3, v7;
	v7 =	vld [tilespmem:s7+$0x60]  }
0x295: {  	[tilespmem:s7+$0x0] =	vst v6;
	v6 =	vmul.f32 v3, v10;
	v10 =	vld [tilespmem:s7+$0x70]  }
0x296: {  	[tilespmem:s7+$0x10] =	vst v4;
	v4 =	vmul.f32 v3, v8;
	v8 =	vld [tilespmem:s7+$0x80]  }
0x297: {  	[tilespmem:s7+$0x20] =	vst v6;
	v5 =	vmul.f32 v3, v5;
	v6 =	vld [tilespmem:s7+$0x90]  }
0x298: {  	[tilespmem:s7+$0x30] =	vst v4;
	v4 =	vmul.f32 v3, v9;
	v9 =	vld [tilespmem:s7+$0xA0]  }
0x299: {  	[tilespmem:s7+$0x40] =	vst v5;
	v5 =	vmul.f32 v3, v7;
	v7 =	vld [tilespmem:s7+$0xB0]  }
0x29a: {  	[tilespmem:s7+$0x50] =	vst v4;
	v3 =	vmul.f32 v3, v10;
	v4 =	vld [tilespmem:s7+$0xC0]  }
0x29b: {  	[tilespmem:s7+$0x60] =	vst v5;
	v5 =	vmul.f32 v2, v8;
	v8 =	vld [tilespmem:s7+$0xD0]  }
0x29c: {  	[tilespmem:s7+$0x70] =	vst v3;
	v3 =	vmul.f32 v2, v6;
	v6 =	vld [tilespmem:s7+$0xE0]  }
0x29d: {  	[tilespmem:s7+$0x80] =	vst v5;
	v5 =	vmul.f32 v2, v9;
	v9 =	vld [tilespmem:s7+$0xF0]  }
0x29e: {  	[tilespmem:s7+$0x90] =	vst v3;
	v3 =	vmul.f32 v2, v7;
	v7 =	vld [tilespmem:s7+$0x100]  }
0x29f: {  	[tilespmem:s7+$0xA0] =	vst v5;
	v4 =	vmul.f32 v2, v4;
	v5 =	vld [tilespmem:s7+$0x110]  }
0x2a0: {  	[tilespmem:s7+$0xB0] =	vst v3;
	v3 =	vmul.f32 v2, v8;
	v8 =	vld [tilespmem:s7+$0x120]  }
0x2a1: {  	[tilespmem:s7+$0xC0] =	vst v4;
	v4 =	vmul.f32 v2, v6;
	v6 =	vld [tilespmem:s7+$0x130]  }
0x2a2: {  	[tilespmem:s7+$0xD0] =	vst v3;
	v3 =	vmul.f32 v2, v9;
	v9 =	vld [tilespmem:s7+$0x140]  }
0x2a3: {  	s8 =	sadd.s32 $0x7, s10;
	v2 =	vmov s10;
	[tilespmem:s7+$0xE0] =	vst v4;
	v4 =	vmul.f32 v1, v7;
	v7 =	vld [tilespmem:s7+$0x150]  }
0x2a4: {  	s11 =	sadd.s32 $0x1, s10;
	s12 =	sadd.s32 $0x2, s10;
	v10 =	vand.u32 $0xFFFFFFF8, v2;
	v2 =	vmov s8;
	[tilespmem:s7+$0xF0] =	vst v3;
	v3 =	vmul.f32 v1, v5;
	v11 =	vld [tilespmem:s7+$0x160]  }
0x2a5: {  	v13 =	vmov s12;
	v12 =	vmov s11;
	s11 =	sadd.s32 $0x4, s10;
	s8 =	sadd.s32 $0x3, s10;
	[tilespmem:s7+$0x100] =	vst v4;
	v4 =	vmul.f32 v1, v8;
	v8 =	vld [tilespmem:s7+$0x180]  }
0x2a6: {  	v15 =	vmov s11;
	v14 =	vmov s8;
	s8 =	sadd.s32 $0x5, s10;
	[tilespmem:s7+$0x110] =	vst v3;
	v6 =	vmul.f32 v1, v6;
	v16 =	vld [tilespmem:s7+$0x190]  }
.Ltmp5:
0x2a7: {  	v3 =	vbroadcast v10, $0x0;
	v10 =	vmov s8;
	[tilespmem:s7+$0x120] =	vst v4;
	v9 =	vmul.f32 v1, v9;
	v5 =	vld [tilespmem:s7+$0x1A0];
	(pc) =	sbr.rel @p1 .LBB2_11-.Ltmp5, $4  }
0x2a8: {  	v4 =	vand.u32 $0xFFFFFFF9, v12;
	v12 =	vand.u32 $0xFFFFFFFA, v13;
	[tilespmem:s7+$0x130] =	vst v6;
	v13 =	vmul.f32 v1, v7;
	v6 =	vld [tilespmem:s7+$0x1B0]  }
0x2a9: {  	v17 =	vand.u32 $0xFFFFFFFB, v14;
	v4 =	vbroadcast v4, $0x0;
	[tilespmem:s7+$0x140] =	vst v9;
	v18 =	vmul.f32 v1, v11;
	v7 =	vld [tilespmem:s7+$0x1C0]  }
0x2aa: {  	v9 =	vbroadcast v12, $0x0;
	v1 =	vand.u32 $0xFFFFFFFC, v15;
	[tilespmem:s7+$0x150] =	vst v13;
	v14 =	vmul.f32 v0, v8;
	v8 =	vld [tilespmem:s7+$0x1D0]  }
0x2ab: {  	s11 =	sadd.s32 $0x6, s10;
	s10 =	sadd.s32 $0x8, s10;
	v11 =	vbroadcast v17, $0x0;
	v13 =	vand.u32 $0xFFFFFFFD, v10;
	[tilespmem:s7+$0x160] =	vst v18;
	v12 =	vmul.f32 v0, v16;
	v10 =	vld [tilespmem:s7+$0x1E0]  }
0x2ac: {  	_ =	sdelay $0x2  }
0x2ad: {  	v15 =	vld [tilespmem:s7+$0x1F0]  }
0x2ae: {  	v34 =	vbroadcast v1, $0x0;
	v1 =	vld.idx.msk [tilespmem:v2+s9+$0x0], $0xffff  }
0x2af: {  	v17 =	vld.idx.msk [tilespmem:v3+s9+$0x0], $0xffff  }
0x2b0: {  	v37 =	vld.idx.msk [tilespmem:v4+s9+$0x0], $0xffff  }
0x2b1: {  	v9 =	vld.idx.msk [tilespmem:v9+s9+$0x0], $0xffff  }
0x2b2: {  	s13 =	sadd.s32 $0x400, s7;
	v11 =	vld.idx.msk [tilespmem:v11+s9+$0x0], $0xffff  }
0x2b3: {  	v40 =	vld [tilespmem:s13+$0xFFFFFE00]  }
0x2b4: {  	v42 =	vld [tilespmem:s13+$0xFFFFFE10]  }
0x2b5: {  	[tilespmem:s7+$0x180] =	vst v14;
	v5 =	vmul.f32 v0, v5;
	v44 =	vld [tilespmem:s13+$0xFFFFFE20]  }
0x2b6: {  	[tilespmem:s7+$0x190] =	vst v12;
	v6 =	vmul.f32 v0, v6;
	v46 =	vld [tilespmem:s13+$0xFFFFFE30]  }
0x2b7: {  	v47 =	vld [tilespmem:s13+$0xFFFFFE40];
	[tilespmem:s7+$0x1A0] =	vst v5;
	v39 =	vmul.f32 v0, v7  }
0x2b8: {  	v49 =	vld [tilespmem:s13+$0xFFFFFE50];
	[tilespmem:s7+$0x1B0] =	vst v6;
	v41 =	vmul.f32 v0, v8  }
0x2b9: {  	v50 =	vld [tilespmem:s13+$0xFFFFFE60];
	[tilespmem:s7+$0x1C0] =	vst v39;
	v43 =	vmul.f32 v0, v10  }
0x2ba: {  	v52 =	vld [tilespmem:s13+$0xFFFFFE70];
	[tilespmem:s7+$0x1D0] =	vst v41;
	v45 =	vmul.f32 v0, v15  }
0x2bb: {  	v53 =	vld [tilespmem:s13+$0xFFFFFE80];
	[tilespmem:s7+$0x1E0] =	vst v43;
	v48 =	vmul.f32 v17, v40  }
0x2bc: {  	v55 =	vld [tilespmem:s13+$0xFFFFFE90];
	v8 =	vmul.f32 v17, v42;
	[tilespmem:s7+$0x1F0] =	vst v45  }
0x2bd: {  	v57 =	vld [tilespmem:s13+$0xFFFFFEA0];
	v51 =	vmul.f32 v17, v44;
	[tilespmem:s13+$0xFFFFFE00] =	vst v48  }
0x2be: {  	v59 =	vld [tilespmem:s13+$0xFFFFFEB0];
	v6 =	vmul.f32 v17, v46;
	[tilespmem:s13+$0xFFFFFE10] =	vst v8  }
0x2bf: {  	v61 =	vld [tilespmem:s13+$0xFFFFFEC0];
	v54 =	vmul.f32 v17, v47;
	[tilespmem:s13+$0xFFFFFE20] =	vst v51  }
0x2c0: {  	v63 =	vld [tilespmem:s13+$0xFFFFFED0];
	v56 =	vmul.f32 v17, v49;
	[tilespmem:s13+$0xFFFFFE30] =	vst v6  }
0x2c1: {  	v19 =	vld [tilespmem:s13+$0xFFFFFEF0];
	v58 =	vmul.f32 v17, v50;
	[tilespmem:s13+$0xFFFFFE40] =	vst v54  }
0x2c2: {  	v21 =	vld [tilespmem:s13+$0xFFFFFF00];
	v60 =	vmul.f32 v17, v52;
	[tilespmem:s13+$0xFFFFFE50] =	vst v56  }
0x2c3: {  	v23 =	vld [tilespmem:s13+$0xFFFFFF10];
	v62 =	vmul.f32 v37, v53;
	[tilespmem:s13+$0xFFFFFE60] =	vst v58  }
0x2c4: {  	v25 =	vld [tilespmem:s13+$0xFFFFFF20];
	v5 =	vmul.f32 v37, v55;
	[tilespmem:s13+$0xFFFFFE70] =	vst v60  }
0x2c5: {  	v27 =	vld [tilespmem:s13+$0xFFFFFF30];
	v18 =	vmul.f32 v37, v57;
	[tilespmem:s13+$0xFFFFFE80] =	vst v62  }
0x2c6: {  	v13 =	vbroadcast v13, $0x0;
	v31 =	vld [tilespmem:s13+$0xFFFFFF50];
	v20 =	vmul.f32 v37, v59;
	[tilespmem:s13+$0xFFFFFE90] =	vst v5  }
0x2c7: {  	v35 =	vmov s11;
	v33 =	vld [tilespmem:s13+$0xFFFFFF60];
	v22 =	vmul.f32 v37, v61;
	[tilespmem:s13+$0xFFFFFEA0] =	vst v18  }
0x2c8: {  	v16 =	vand.u32 $0xFFFFFFFE, v35;
	v35 =	vld [tilespmem:s13+$0xFFFFFF70];
	v24 =	vmul.f32 v37, v63;
	[tilespmem:s13+$0xFFFFFEB0] =	vst v20  }
0x2c9: {  	v39 =	vld [tilespmem:s13+$0xFFFFFF90];
	v28 =	vmul.f32 v37, v19;
	[tilespmem:s13+$0xFFFFFEC0] =	vst v22  }
0x2ca: {  	v36 =	vbroadcast v16, $0x0;
	v41 =	vld [tilespmem:s13+$0xFFFFFFA0];
	v30 =	vmul.f32 v9, v21;
	[tilespmem:s13+$0xFFFFFED0] =	vst v24  }
0x2cb: {  	v4 =	vld.idx.msk [tilespmem:v34+s9+$0x0], $0xffff;
	v32 =	vmul.f32 v9, v23;
	[tilespmem:s13+$0xFFFFFEF0] =	vst v28  }
0x2cc: {  	v3 =	vld.idx.msk [tilespmem:v13+s9+$0x0], $0xffff;
	v34 =	vmul.f32 v9, v25;
	[tilespmem:s13+$0xFFFFFF00] =	vst v30  }
0x2cd: {  	v17 =	vld [tilespmem:s13+$0xFFFFFEE0];
	v40 =	vmul.f32 v9, v31;
	[tilespmem:s13+$0xFFFFFF10] =	vst v32  }
0x2ce: {  	v42 =	vmul.f32 v9, v33;
	v43 =	vld [tilespmem:s13+$0xFFFFFFB0];
	[tilespmem:s13+$0xFFFFFF20] =	vst v34  }
0x2cf: {  	v44 =	vmul.f32 v9, v35;
	v47 =	vld [tilespmem:s13+$0xFFFFFFD0];
	[tilespmem:s13+$0xFFFFFF50] =	vst v40  }
0x2d0: {  	v2 =	vld.idx.msk [tilespmem:v36+s9+$0x0], $0xffff;
	v36 =	vmul.f32 v9, v27;
	[tilespmem:s13+$0xFFFFFF60] =	vst v42  }
0x2d1: {  	v49 =	vld [tilespmem:s13+$0xFFFFFFE0];
	[tilespmem:s13+$0xFFFFFF70] =	vst v44;
	v48 =	vmul.f32 v11, v39  }
0x2d2: {  	v53 =	vld [tilespmem:s13+$0x0];
	[tilespmem:s13+$0xFFFFFF30] =	vst v36;
	v50 =	vmul.f32 v11, v41  }
0x2d3: {  	v57 =	vld [tilespmem:s13+$0x20];
	v26 =	vmul.f32 v37, v17;
	[tilespmem:s13+$0xFFFFFF90] =	vst v48  }
0x2d4: {  	v59 =	vld [tilespmem:s13+$0x30];
	v52 =	vmul.f32 v11, v43;
	[tilespmem:s13+$0xFFFFFFA0] =	vst v50  }
0x2d5: {  	v61 =	vld [tilespmem:s13+$0x40];
	v56 =	vmul.f32 v11, v47;
	[tilespmem:s13+$0xFFFFFEE0] =	vst v26  }
0x2d6: {  	v63 =	vld [tilespmem:s13+$0x50];
	v58 =	vmul.f32 v11, v49;
	[tilespmem:s13+$0xFFFFFFB0] =	vst v52  }
0x2d7: {  	v13 =	vld [tilespmem:s13+$0x60];
	v62 =	vmul.f32 v4, v53;
	[tilespmem:s13+$0xFFFFFFD0] =	vst v56  }
0x2d8: {  	v19 =	vld [tilespmem:s13+$0x90];
	v14 =	vmul.f32 v4, v57;
	[tilespmem:s13+$0xFFFFFFE0] =	vst v58  }
0x2d9: {  	v23 =	vld [tilespmem:s13+$0xB0];
	v16 =	vmul.f32 v4, v59;
	[tilespmem:s13+$0x0] =	vst v62  }
0x2da: {  	v45 =	vld [tilespmem:s13+$0xFFFFFFC0];
	v18 =	vmul.f32 v4, v61;
	[tilespmem:s13+$0x20] =	vst v14  }
0x2db: {  	v38 =	vld [tilespmem:s13+$0x170];
	v20 =	vmul.f32 v4, v63;
	[tilespmem:s13+$0x30] =	vst v16  }
0x2dc: {  	v29 =	vld [tilespmem:s13+$0xFFFFFF40];
	v22 =	vmul.f32 v4, v13;
	[tilespmem:s13+$0x40] =	vst v18  }
0x2dd: {  	v51 =	vld [tilespmem:s13+$0xFFFFFFF0];
	v27 =	vmul.f32 v3, v19;
	[tilespmem:s13+$0x50] =	vst v20  }
0x2de: {  	v21 =	vld [tilespmem:s13+$0xA0];
	v31 =	vmul.f32 v3, v23;
	[tilespmem:s13+$0x60] =	vst v22  }
0x2df: {  	v24 =	vld [tilespmem:s13+$0xC0];
	v54 =	vmul.f32 v11, v45;
	[tilespmem:s13+$0x90] =	vst v27  }
0x2e0: {  	v32 =	vld [tilespmem:s13+$0x100];
	v12 =	vmul.f32 v2, v38;
	[tilespmem:s13+$0xB0] =	vst v31  }
0x2e1: {  	v34 =	vld [tilespmem:s13+$0x110];
	v38 =	vmul.f32 v9, v29;
	[tilespmem:s13+$0xFFFFFFC0] =	vst v54  }
0x2e2: {  	v39 =	vld [tilespmem:s13+$0x140];
	v60 =	vmul.f32 v11, v51;
	[tilespmem:s13+$0x170] =	vst v12  }
0x2e3: {  	v55 =	vld [tilespmem:s13+$0x10];
	v29 =	vmul.f32 v3, v21;
	[tilespmem:s13+$0xFFFFFF40] =	vst v38  }
0x2e4: {  	v15 =	vld [tilespmem:s13+$0x70];
	v33 =	vmul.f32 v3, v24;
	[tilespmem:s13+$0xFFFFFFF0] =	vst v60  }
0x2e5: {  	v36 =	vld [tilespmem:s13+$0x120];
	v40 =	vmul.f32 v2, v32;
	[tilespmem:s13+$0xA0] =	vst v29  }
0x2e6: {  	v41 =	vld [tilespmem:s13+$0x150];
	v42 =	vmul.f32 v2, v34;
	[tilespmem:s13+$0xC0] =	vst v33  }
0x2e7: {  	v37 =	vld [tilespmem:s13+$0xFFFFFF80];
	v48 =	vmul.f32 v2, v39;
	[tilespmem:s13+$0x100] =	vst v40  }
0x2e8: {  	v17 =	vld [tilespmem:s13+$0x80];
	v12 =	vmul.f32 v4, v55;
	[tilespmem:s13+$0x110] =	vst v42  }
0x2e9: {  	v28 =	vld [tilespmem:s13+$0xE0];
	v4 =	vmul.f32 v4, v15;
	[tilespmem:s13+$0x140] =	vst v48  }
0x2ea: {  	v43 =	vld [tilespmem:s13+$0x160];
	v44 =	vmul.f32 v2, v36;
	[tilespmem:s13+$0x10] =	vst v12  }
0x2eb: {  	v47 =	vld [tilespmem:s13+$0x190];
	v50 =	vmul.f32 v2, v41;
	[tilespmem:s13+$0x70] =	vst v4  }
0x2ec: {  	v49 =	vld [tilespmem:s13+$0x1A0];
	v46 =	vmul.f32 v11, v37;
	[tilespmem:s13+$0x120] =	vst v44  }
0x2ed: {  	v57 =	vld [tilespmem:s13+$0x1E0];
	v25 =	vmul.f32 v3, v17;
	[tilespmem:s13+$0x150] =	vst v50  }
0x2ee: {  	v59 =	vld [tilespmem:s13+$0x1F0];
	v37 =	vmul.f32 v3, v28;
	[tilespmem:s13+$0xFFFFFF80] =	vst v46  }
0x2ef: {  	v45 =	vld [tilespmem:s13+$0x180];
	v52 =	vmul.f32 v2, v43;
	[tilespmem:s13+$0x80] =	vst v25  }
0x2f0: {  	v26 =	vld [tilespmem:s13+$0xD0];
	v56 =	vmul.f32 v1, v47;
	[tilespmem:s13+$0xE0] =	vst v37  }
0x2f1: {  	v30 =	vld [tilespmem:s13+$0xF0];
	v58 =	vmul.f32 v1, v49;
	[tilespmem:s13+$0x160] =	vst v52  }
0x2f2: {  	v51 =	vld [tilespmem:s13+$0x1B0];
	v62 =	vmul.f32 v1, v57;
	[tilespmem:s13+$0x190] =	vst v56  }
0x2f3: {  	v38 =	vld [tilespmem:s13+$0x130];
	v63 =	vmul.f32 v1, v59;
	[tilespmem:s13+$0x1A0] =	vst v58  }
0x2f4: {  	v53 =	vld [tilespmem:s13+$0x1C0];
	v54 =	vmul.f32 v1, v45;
	[tilespmem:s13+$0x1E0] =	vst v62  }
0x2f5: {  	v55 =	vld [tilespmem:s13+$0x1D0];
	v35 =	vmul.f32 v3, v26;
	[tilespmem:s13+$0x1F0] =	vst v63  }
0x2f6: {  	v3 =	vmul.f32 v3, v30;
	[tilespmem:s13+$0x180] =	vst v54  }
0x2f7: {  	v60 =	vmul.f32 v1, v51;
	[tilespmem:s13+$0xD0] =	vst v35  }
0x2f8: {  	[tilespmem:s13+$0xF0] =	vst v3;
	v46 =	vmul.f32 v2, v38  }
0x2f9: {  	v2 =	vmul.f32 v1, v53;
	[tilespmem:s13+$0x1B0] =	vst v60  }
0x2fa: {  	v61 =	vmul.f32 v1, v55;
	[tilespmem:s13+$0x130] =	vst v46  }
0x2fb: {  	[tilespmem:s13+$0x1C0] =	vst v2  }
0x2fc: {  	s17 =	sadd.s32 $0x80, s17;
	s8 =	simm.s32 @!p0 $0x8;
	[tilespmem:s13+$0x1D0] =	vst v61  }
0x2fd: {  	[spmem:s3] =	stream.indirect.scatter.add.f32 [tilespmem:s25], [sflag:$0x6], $0x80, s17, s20, $0xb8;
	[tilespmem:$0x1FC00] =	vst v63  }
0x2fe: {  	s7 =	smulhi.u32 @!p0 $0xAAAAAAAB, s15;
	_ =	swait.ge @!p0 [sflag:s8], $0x180  }
0x2ff: {  	[sflag:s8] =	ssyncset.done @!p0 $0x0  }
0x300: {  	s7 =	sshrl.u32 @!p0 s7, $0x2;
	[sflag:s8] =	ssyncadd.s32 @!p0 $0xFFFFFE80;
	s8 =	simm.s32 @!p0 $0x5  }
0x301: {  	s7 =	smul.u32 @!p0 $0x6, s7;
	_ =	swait.ge @!p0 [sflag:s8], $0x3C00  }
0x302: {  	p1 =	sgt.u32 s2, $0x19;
	s10 =	simm.s32 @!p0 $0x4800;
	[sflag:s8] =	ssyncset.done @!p0 $0x0  }
0x303: {  	s7 =	ssub.s32 @!p0 s15, s7;
	[sflag:s8] =	ssyncadd.s32 @!p0 $0xFFFFC400;
	s8 =	sadd.s32 @!p1 $0x6, s16  }
0x304: {  	s9 =	simm.s32 @!p0 $0x78;
	s7 =	sshll.u32 @!p0 s7, $0x9;
	s11 =	smulhi.u32 @!p1 $0xAAAAAAAB, s8  }
0x305: {  	[tilespmem:s10], [sflag:$0x2] =	stream.indirect.gather @!p0 [hbm4b:s1+s9], $0x80, s7, s9, $0xb8;
	[tilespmem:$0x1FC00] =	vst v63  }
0x306: {  	s2 =	sadd.s32 $0x1, s2;
	s7 =	sshrl.u32 @!p1 s11, $0x2  }
0x307: {  	p0 =	sne.s32 s2, $0x1C;
	s7 =	smul.u32 @!p1 $0x6, s7  }
.Ltmp6:
0x308: {  	s9 =	sshll.u32 @!p1 s8, $0x9;
	(pc) =	sbr.rel @p0 .LBB2_2-.Ltmp6, $4  }
0x309: {  	s9 =	sadd.s32 @!p1 s5, s9  }
0x30a: {  	s7 =	ssub.s32 @!p1 s8, s7;
	s8 =	sshrl.u32 @!p1 s9, $0x3  }
0x30b: {  	s9 =	simm.s32 @!p1 $0x0;
	s7 =	sshll.u32 @!p1 s7, $0x9;
	s8 =	sadd.s32 @!p1 s6, s8  }
0x30c: {  	[tilespmem:s7], [sflag:$0x7] =	stream.linear.gather @!p1 [hbm4b:s8+s9], $0x180, $0x38;
	[tilespmem:$0x1FC00] =	vst v63  }
0x30d: {  	_ =	swait.ge [sflag:s29], $0x3C00  }
0x30e: {  	[sflag:s29] =	ssyncset.done $0x0  }
0x30f: {  	[sflag:s29] =	ssyncadd.s32 $0xFFFFC400  }
0x310: {  	_ =	swait.ge [sflag:s30], $0x3C00  }
0x311: {  	[sflag:s30] =	ssyncset.done $0x0  }
0x312: {  	[sflag:s30] =	ssyncadd.s32 $0xFFFFC400  }
0x313: {  	_ =	swait.ge [sflag:s31], $0x3C00  }
0x314: {  	[sflag:s31] =	ssyncset.done $0x0  }
0x315: {  	[sflag:s31] =	ssyncadd.s32 $0xFFFFC400  }
0x316: {  	[bflag:$0x0] =	sbarrier.arrive $0xFFFF  }
0x317: {  	s2 =	rddreg [dreg:$0x9]  }
0x318: {  	[hbm:s2], [sflag:s18] =	dma.local [spmem:s19], $0x2780  }
0x319: {  	_ =	swait.ge [sflag:s14], $0x2780  }
0x31a: {  	s0 =	sadd.s32 $0x1, s0;
	s17 =	rddreg [dreg:$0xa]  }
0x31b: {  	p0 =	sne.s32 s0, s17  }
.Ltmp7:
0x31c: {  	_ = 	snop;
	(pc) =	sbr.rel @p0 .LBB2_1-.Ltmp7, $3  }
0x31d: {  	_ =	sdelay $0x1  }
0x31e: {  	[sflag:s14] =	ssyncset.done $0x0  }
0x31f: {  	[sflag:s14] =	ssyncadd.s32 $0xFFFFD880  }
0x320: {  	_ =	sfence.sel $0x180000  }
0x321: {  	[bflag:$0x0] =	sbarrier.arrive $0xFFFF  }
0x322: {  	_ =	strace $0x90000047  }
0x323: {  	s0 =	stileid.u32;
	[bflag:$0x2] =	sbarrier.arrive $0xFFFF  }
0x324: {  	p0 =	sne.s32 s0, $0x0;
	s0 =	rddreg [dreg:$0x3]  }
0x325: {  	s0 =	sadd.s32 @!p0 $0x100000, s0  }
0x326: {  	[sflag:s0] =	ssyncadd.tile.s32 @!p0 $0x1;
	_ =	shalt  }
.Lfunc_end2:
_tile_overlayer_lowered:
.L_overlay_start_2:
0x327: {  	(tag) =	ssettag $0x2  }
0x328: {  	s0 =	rddreg [dreg:$0x0];
	s2 =	stileid.u32  }
0x329: {  	s1 =	rddreg [dreg:$0x1];
	p0 =	sne.s32 s2, $0x0  }
0x32a: {  	s3 =	rddreg [dreg:$0x2];
	[bflag:$0x3] =	sbarrier.arrive $0xFFFF;
	s2 =	simm.s32 @!p0 $0x1C0A  }
0x32b: {  	[timem:s3], [sflag:s2] =	dma.local @!p0 [hbm:s0], s1  }
0x32c: {  	s0 =	simm.s32 @!p0 $0xA  }
0x32d: {  	_ =	swait.ge @!p0 [sflag:s0], s1  }
0x32e: {  	s1 =	ssub.s32 @!p0 $0x0, s1;
	[sflag:s0] =	ssyncset.done @!p0 $0x0  }
0x32f: {  	[sflag:s0] =	ssyncadd.s32 @!p0 s1  }
0x330: {  	[bflag:$0x3] =	sbarrier.arrive $0xFFFF  }
0x331: {  	_ =	shalt  }

</sc_bundles>
